<compile_context>
chip_gen: v7x
topology: tpu7x:2x2x1
jax: 0.10.2.dev20260603
libtpu: 0.0.44.dev20260713+nightly
codegen_flags: <defaults>
</compile_context>

<pallas_src>
import functools

import jax
import jax.numpy as jnp
from jax import lax
from jax.experimental import pallas as pl
from jax.experimental.pallas import tpu as pltpu
from jax.experimental.pallas import tpu_sc as plsc

N = 100000
C = 100
D = 128
BLK = 4096

NC = 2
NS = 16
NW = NC * NS
CHUNK = 128
CA = 128
NBUF = 4

P0_BLOCKS = 12
P1_BLOCKS = 13
P0_ROWS = P0_BLOCKS * BLK


def _argmax_body(part_base, logits_ref, labels_ref, counts_ref):
    i = pl.program_id(0)
    x = logits_ref[...]
    lbl = jnp.argmax(x, axis=0).astype(jnp.int32)[None, :]
    col = part_base + i * BLK + lax.broadcasted_iota(jnp.int32, (1, BLK), 1)
    valid = col < N
    lbl = jnp.where(valid, lbl, 0)
    labels_ref[...] = lbl[None]
    iota = lax.broadcasted_iota(jnp.int32, (C, 1), 0)
    onehot = jnp.where(valid, (lbl == iota).astype(jnp.float32), 0.0)
    pcounts = jnp.sum(onehot, axis=1, keepdims=True)

    @pl.when(i == 0)
    def _():
        counts_ref[...] = pcounts

    @pl.when(i > 0)
    def _():
        counts_ref[...] += pcounts


def _argmax_call(logits_t, part_blk0, nblocks):
    return pl.pallas_call(
        functools.partial(_argmax_body, part_blk0 * BLK),
        grid=(nblocks,),
        in_specs=[pl.BlockSpec((C, BLK), lambda i: (0, part_blk0 + i))],
        out_specs=[
            pl.BlockSpec((1, 1, BLK), lambda i: (i, 0, 0)),
            pl.BlockSpec((C, 1), lambda i: (0, 0)),
        ],
        out_shape=[
            jax.ShapeDtypeStruct((nblocks, 1, BLK), jnp.int32),
            jax.ShapeDtypeStruct((C, 1), jnp.float32),
        ],
        compiler_params=pltpu.CompilerParams(
            dimension_semantics=("arbitrary",)),
    )(logits_t)


def _sc_seg_body(base, base_t, extra_w, tail_rows, tail_chunk,
                 feats_hbm, labels_hbm, zf_hbm, out_hbm,
                 rows_v, idx_v, trows_v, tidx_v, acc_sh, gsem, isem, ssem):
    cid = lax.axis_index("c")
    sid = lax.axis_index("s")
    w = sid * NC + cid

    @pl.when(sid == 0)
    def _():
        pltpu.sync_copy(zf_hbm, acc_sh)

    plsc.subcore_barrier()

    def gather(t):
        b = t % NBUF
        ch = w + NW * t
        gf = pltpu.async_copy(
            feats_hbm.at[pl.ds(base + ch * CHUNK, CHUNK), :],
            rows_v.at[b], gsem.at[b])
        gi = pltpu.async_copy(
            labels_hbm.at[pl.ds(ch * CHUNK, CHUNK)], idx_v.at[b],
            isem.at[b])
        return gf, gi

    def scatter_add(t):
        b = t % NBUF
        return pltpu.async_copy(
            rows_v.at[b], acc_sh.at[idx_v.at[b]], ssem.at[b], add=True)

    g = [None] * base_t
    s = [None] * base_t
    g[0] = gather(0)
    g[1] = gather(1)
    for t in range(base_t):
        nxt = t + 2
        if nxt < base_t:
            if nxt - NBUF >= 0:
                s[nxt - NBUF].wait()
            g[nxt] = gather(nxt)
        g[t][0].wait()
        g[t][1].wait()
        s[t] = scatter_add(t)
    for t in range(max(0, base_t - NBUF), base_t):
        s[t].wait()

    if extra_w:
        @pl.when(w < extra_w)
        def _():
            ch = w + NW * base_t
            pltpu.sync_copy(feats_hbm.at[pl.ds(base + ch * CHUNK, CHUNK), :],
                            rows_v.at[0])
            pltpu.sync_copy(labels_hbm.at[pl.ds(ch * CHUNK, CHUNK)],
                            idx_v.at[0])
            pltpu.sync_copy(rows_v.at[0], acc_sh.at[idx_v.at[0]], add=True)

    if tail_rows:
        @pl.when(w == NW - 1)
        def _():
            pltpu.sync_copy(zf_hbm, trows_v)
            pltpu.sync_copy(
                feats_hbm.at[pl.ds(base + tail_chunk * CHUNK, tail_rows), :],
                trows_v.at[pl.ds(0, tail_rows), :])
            pltpu.sync_copy(labels_hbm.at[pl.ds(tail_chunk * CHUNK, CHUNK)],
                            tidx_v)
            pltpu.sync_copy(trows_v, acc_sh.at[tidx_v], add=True)

    plsc.subcore_barrier()

    @pl.when(sid == 0)
    def _():
        pltpu.sync_copy(acc_sh, out_hbm.at[cid])


def _make_sc(base, base_t, extra_w, tail_rows, tail_chunk):
    return functools.partial(
        pl.kernel,
        functools.partial(_sc_seg_body, base, base_t, extra_w,
                          tail_rows, tail_chunk),
        out_type=jax.ShapeDtypeStruct((NC, CA, D), jnp.float32),
        mesh=plsc.VectorSubcoreMesh(core_axis_name="c", subcore_axis_name="s"),
        scratch_types=[
            pltpu.VMEM((NBUF, CHUNK, D), jnp.float32),
            pltpu.VMEM((NBUF, CHUNK), jnp.int32),
            pltpu.VMEM((CHUNK, D), jnp.float32),
            pltpu.VMEM((CHUNK,), jnp.int32),
            pltpu.VMEM_SHARED((CA, D), jnp.float32),
            pltpu.SemaphoreType.DMA((NBUF,)),
            pltpu.SemaphoreType.DMA((NBUF,)),
            pltpu.SemaphoreType.DMA((NBUF,)),
        ],
    )()


_sc_part0 = _make_sc(0, 12, 0, 0, 0)
_sc_part1 = _make_sc(P0_ROWS, 12, 13, 32, 397)


def _loss_body(sums_a, sums_b, counts_a, counts_b, out_ref):
    cnt = counts_a[...] + counts_b[...]
    sums = (sums_a[0] + sums_a[1] + sums_b[0] + sums_b[1])[0:C, :]
    recip = 1.0 / jnp.maximum(cnt, 1.0)
    means = sums * recip
    sq = jnp.sum(means * means, axis=1, keepdims=True)
    norm = jnp.maximum(jnp.sqrt(sq), 1e-12)
    normed = means / norm
    cos = lax.dot_general(
        normed, normed, (((1,), (1,)), ((), ())),
        preferred_element_type=jnp.float32)
    present = (cnt > 0.0).astype(jnp.float32)
    pm = lax.dot_general(
        present, present, (((1,), (1,)), ((), ())),
        preferred_element_type=jnp.float32)
    ri = lax.broadcasted_iota(jnp.int32, (C, C), 0)
    ci = lax.broadcasted_iota(jnp.int32, (C, C), 1)
    offdiag = (ri != ci).astype(jnp.float32)
    loss = (1.0 - cos) * pm * offdiag
    out_ref[...] = jnp.sum(loss).reshape(1, 1)


def kernel(logits, img_feats):
    lt = logits.T
    labels_a, counts_a = _argmax_call(lt, 0, P0_BLOCKS)
    labels_b, counts_b = _argmax_call(lt, P0_BLOCKS, P1_BLOCKS)
    zf = jnp.zeros((CA, D), jnp.float32)
    sums_a = _sc_part0(img_feats, labels_a.reshape(P0_BLOCKS * BLK), zf)
    sums_b = _sc_part1(img_feats, labels_b.reshape(P1_BLOCKS * BLK), zf)

    out = pl.pallas_call(
        _loss_body,
        out_shape=jax.ShapeDtypeStruct((1, 1), jnp.float32),
    )(sums_a, sums_b, counts_a, counts_b)
    return out[0, 0]

# --- scband reference (transcript-rebuilt; emitter-appended) ---
"""Pipeline reference for scband-inter-mean-loss-27341761806532 (READ-ONLY COPY).

The authoritative reference and input builder live on the scoring server;
editing this copy changes nothing except your own understanding.
"""

import jax, jax.numpy as jnp
import numpy as np

N = 100000
NUM_CLASSES = 100
D = 128

def setup_inputs(seed: int = 0):
    key = jax.random.key(seed)
    k1, k2 = jax.random.split(key)
    logits = jax.random.normal(k1, (N, NUM_CLASSES), dtype=jnp.float32)
    img_feats = jax.random.normal(k2, (N, D), dtype=jnp.float32)
    return {"logits": logits, "img_feats": img_feats}

def reference(logits, img_feats):
    num_classes = logits.shape[1]
    # labels = argmax of softmax (softmax is monotone so same as argmax(logits), kept for faithfulness)
    labels = jnp.argmax(jax.nn.softmax(logits, axis=1), axis=1)
    # per-class mean via segment_sum / bincount (scatter-add)
    sums = jax.ops.segment_sum(img_feats, labels, num_segments=num_classes)
    counts = jnp.bincount(labels, length=num_classes)
    present = counts > 0
    means = sums / jnp.maximum(counts, 1).astype(sums.dtype)[:, None]
    norms = jnp.linalg.norm(means, axis=1, keepdims=True)
    normed = means / jnp.maximum(norms, 1e-12)
    # cosine similarity among class means; restrict to classes actually present
    cos = normed @ normed.T
    pair_mask = (present[:, None] & present[None, :]).astype(cos.dtype)
    loss = (1.0 - cos) * pair_mask
    # fill_diagonal_(0)
    loss = loss * (1.0 - jnp.eye(num_classes, dtype=cos.dtype))
    return loss.sum()

if __name__ == "__main__":
    import jax
    _d = setup_inputs()
    print(jax.jit(kernel)(*tuple(_d.values())))

</pallas_src>

<mosaic_0001>
#map = affine_map<(d0, d1) -> (0, 0)>
#map1 = affine_map<(d0, d1) -> (0)>
#map2 = affine_map<(d0, d1) -> (0, 0, 0)>
module attributes {stable_mosaic.version = 14 : i64} {
  func.func @_sc_seg_body(%arg0: i32, %arg1: i32, %arg2: memref<100000x128xf32, #tpu.memory_space<hbm>>, %arg3: memref<53248xi32, #tpu.memory_space<hbm>>, %arg4: memref<128x128xf32, #tpu.memory_space<hbm>>, %arg5: memref<2x128x128xf32, #tpu.memory_space<hbm>>, %arg6: memref<4x128x128xf32, #tpu.memory_space<vmem>>, %arg7: memref<4x128xi32, #tpu.memory_space<vmem>>, %arg8: memref<128x128xf32, #tpu.memory_space<vmem>>, %arg9: memref<128xi32, #tpu.memory_space<vmem>>, %arg10: memref<128x128xf32, #tpu.memory_space<vmem_shared>>, %arg11: memref<4x!tpu.dma_semaphore, #tpu.memory_space<semaphore_mem>>, %arg12: memref<4x!tpu.dma_semaphore, #tpu.memory_space<semaphore_mem>>, %arg13: memref<4x!tpu.dma_semaphore, #tpu.memory_space<semaphore_mem>>) attributes {dimension_semantics = [#tpu.dimension_semantics<core_parallel>, #tpu.dimension_semantics<subcore_parallel>], iteration_bounds = array<i64: 2, 16>, scalar_prefetch = 0 : i64, scratch_operands = 8 : i64, tpu.core_type = #tpu.core_type<sc_vector_subcore>, window_params = [{transform_indices = #map}, {transform_indices = #map1}, {transform_indices = #map}, {transform_indices = #map2}]} {
    %mul3A = arith.constant 2 : i32
    %mul3A_0 = arith.muli %arg1, %mul3A : i32
    %add3A = arith.addi %mul3A_0, %arg0 : i32
    %eq3A = arith.constant 0 : i32
    %eq3A_1 = arith.cmpi eq, %arg1, %eq3A : i32
    %convert_element_type3A = arith.extui %eq3A_1 : i1 to i32
    %cond3A = arith.constant 0 : i32
    %cond3A_2 = arith.cmpi ne, %convert_element_type3A, %cond3A : i32
    scf.if %cond3A_2 {
      "tpu.region"() ({
        %run_scoped3A = tpu.sem_alloc : memref<!tpu.dma_semaphore, #tpu.memory_space<semaphore_mem>>
        tpu.enqueue_dma source(%arg4 : memref<128x128xf32, #tpu.memory_space<hbm>>) target(%arg10 : memref<128x128xf32, #tpu.memory_space<vmem_shared>>) target_semaphore(%run_scoped3A : memref<!tpu.dma_semaphore, #tpu.memory_space<semaphore_mem>>)
        tpu.wait_dma2 semaphore(%run_scoped3A : memref<!tpu.dma_semaphore, #tpu.memory_space<semaphore_mem>>) src(%arg4 : memref<128x128xf32, #tpu.memory_space<hbm>>) dst(%arg10 : memref<128x128xf32, #tpu.memory_space<vmem_shared>>)
        tpu.yield
      }) : () -> ()
    } else {
    }
    %barrier3A = arith.constant 0 : index
    tpu.barrier barrier_id(%barrier3A)
    %add3A_3 = arith.constant 0 : i32
    %add3A_4 = arith.addi %add3A, %add3A_3 : i32
    %mul3A_5 = arith.constant 128 : i32
    %mul3A_6 = arith.muli %add3A_4, %mul3A_5 : i32
    %add3A_7 = arith.constant 49152 : i32
    %add3A_8 = arith.addi %add3A_7, %mul3A_6 : i32
    %dma_start3A = arith.constant 0 : i32
    %dma_start3A_9 = arith.constant 0 : i32
    %dma_start3A_10 = arith.constant 0 : i32
    %dma_start3A_11 = arith.constant 0 : i32
    %dma_start3A_12 = tpu.memref_slice %arg6[%dma_start3A, %dma_start3A_10, %dma_start3A_11] : memref<4x128x128xf32, #tpu.memory_space<vmem>> -> memref<1x128x128xf32, #tpu.memory_space<vmem>>
    %dma_start3A_13 = tpu.memref_squeeze %dma_start3A_12 : memref<1x128x128xf32, #tpu.memory_space<vmem>> -> memref<128x128xf32, #tpu.memory_space<vmem>>
    %dma_start3A_14 = arith.constant 0 : i32
    %dma_start3A_15 = tpu.memref_slice %arg2[%add3A_8, %dma_start3A_14] : memref<100000x128xf32, #tpu.memory_space<hbm>> -> memref<128x128xf32, #tpu.memory_space<hbm>>
    %dma_start3A_16 = tpu.memref_slice %arg11[%dma_start3A_9] : memref<4x!tpu.dma_semaphore, #tpu.memory_space<semaphore_mem>> -> memref<1x!tpu.dma_semaphore, #tpu.memory_space<semaphore_mem>>
    %dma_start3A_17 = tpu.memref_squeeze %dma_start3A_16 : memref<1x!tpu.dma_semaphore, #tpu.memory_space<semaphore_mem>> -> memref<!tpu.dma_semaphore, #tpu.memory_space<semaphore_mem>>
    %dma_start3A_18 = arith.constant 0 : i32
    %dma_start3A_19 = arith.constant 0 : i32
    %dma_start3A_20 = tpu.memref_slice %arg6[%dma_start3A, %dma_start3A_18, %dma_start3A_19] : memref<4x128x128xf32, #tpu.memory_space<vmem>> -> memref<1x128x128xf32, #tpu.memory_space<vmem>>
    %dma_start3A_21 = tpu.memref_squeeze %dma_start3A_20 : memref<1x128x128xf32, #tpu.memory_space<vmem>> -> memref<128x128xf32, #tpu.memory_space<vmem>>
    %dma_start3A_22 = arith.constant 0 : i32
    %dma_start3A_23 = tpu.memref_slice %arg2[%add3A_8, %dma_start3A_22] : memref<100000x128xf32, #tpu.memory_space<hbm>> -> memref<128x128xf32, #tpu.memory_space<hbm>>
    tpu.enqueue_dma source(%dma_start3A_23 : memref<128x128xf32, #tpu.memory_space<hbm>>) target(%dma_start3A_21 : memref<128x128xf32, #tpu.memory_space<vmem>>) target_semaphore(%dma_start3A_17 : memref<!tpu.dma_semaphore, #tpu.memory_space<semaphore_mem>>)
    %mul3A_24 = arith.constant 128 : i32
    %mul3A_25 = arith.muli %add3A_4, %mul3A_24 : i32
    %dma_start3A_26 = arith.constant 0 : i32
    %dma_start3A_27 = arith.constant 0 : i32
    %dma_start3A_28 = arith.constant 0 : i32
    %dma_start3A_29 = tpu.memref_slice %arg7[%dma_start3A_26, %dma_start3A_28] : memref<4x128xi32, #tpu.memory_space<vmem>> -> memref<1x128xi32, #tpu.memory_space<vmem>>
    %dma_start3A_30 = tpu.memref_squeeze %dma_start3A_29 : memref<1x128xi32, #tpu.memory_space<vmem>> -> memref<128xi32, #tpu.memory_space<vmem>>
    %dma_start3A_31 = tpu.memref_slice %arg3[%mul3A_25] : memref<53248xi32, #tpu.memory_space<hbm>> -> memref<128xi32, #tpu.memory_space<hbm>>
    %dma_start3A_32 = tpu.memref_slice %arg12[%dma_start3A_27] : memref<4x!tpu.dma_semaphore, #tpu.memory_space<semaphore_mem>> -> memref<1x!tpu.dma_semaphore, #tpu.memory_space<semaphore_mem>>
    %dma_start3A_33 = tpu.memref_squeeze %dma_start3A_32 : memref<1x!tpu.dma_semaphore, #tpu.memory_space<semaphore_mem>> -> memref<!tpu.dma_semaphore, #tpu.memory_space<semaphore_mem>>
    %dma_start3A_34 = arith.constant 0 : i32
    %dma_start3A_35 = tpu.memref_slice %arg7[%dma_start3A_26, %dma_start3A_34] : memref<4x128xi32, #tpu.memory_space<vmem>> -> memref<1x128xi32, #tpu.memory_space<vmem>>
    %dma_start3A_36 = tpu.memref_squeeze %dma_start3A_35 : memref<1x128xi32, #tpu.memory_space<vmem>> -> memref<128xi32, #tpu.memory_space<vmem>>
    %dma_start3A_37 = tpu.memref_slice %arg3[%mul3A_25] : memref<53248xi32, #tpu.memory_space<hbm>> -> memref<128xi32, #tpu.memory_space<hbm>>
    tpu.enqueue_dma source(%dma_start3A_37 : memref<128xi32, #tpu.memory_space<hbm>>) target(%dma_start3A_36 : memref<128xi32, #tpu.memory_space<vmem>>) target_semaphore(%dma_start3A_33 : memref<!tpu.dma_semaphore, #tpu.memory_space<semaphore_mem>>)
    %add3A_38 = arith.constant 32 : i32
    %add3A_39 = arith.addi %add3A, %add3A_38 : i32
    %mul3A_40 = arith.constant 128 : i32
    %mul3A_41 = arith.muli %add3A_39, %mul3A_40 : i32
    %add3A_42 = arith.constant 49152 : i32
    %add3A_43 = arith.addi %add3A_42, %mul3A_41 : i32
    %dma_start3A_44 = arith.constant 1 : i32
    %dma_start3A_45 = arith.constant 1 : i32
    %dma_start3A_46 = arith.constant 0 : i32
    %dma_start3A_47 = arith.constant 0 : i32
    %dma_start3A_48 = tpu.memref_slice %arg6[%dma_start3A_44, %dma_start3A_46, %dma_start3A_47] : memref<4x128x128xf32, #tpu.memory_space<vmem>> -> memref<1x128x128xf32, #tpu.memory_space<vmem>>
    %dma_start3A_49 = tpu.memref_squeeze %dma_start3A_48 : memref<1x128x128xf32, #tpu.memory_space<vmem>> -> memref<128x128xf32, #tpu.memory_space<vmem>>
    %dma_start3A_50 = arith.constant 0 : i32
    %dma_start3A_51 = tpu.memref_slice %arg2[%add3A_43, %dma_start3A_50] : memref<100000x128xf32, #tpu.memory_space<hbm>> -> memref<128x128xf32, #tpu.memory_space<hbm>>
    %dma_start3A_52 = tpu.memref_slice %arg11[%dma_start3A_45] : memref<4x!tpu.dma_semaphore, #tpu.memory_space<semaphore_mem>> -> memref<1x!tpu.dma_semaphore, #tpu.memory_space<semaphore_mem>>
    %dma_start3A_53 = tpu.memref_squeeze %dma_start3A_52 : memref<1x!tpu.dma_semaphore, #tpu.memory_space<semaphore_mem>> -> memref<!tpu.dma_semaphore, #tpu.memory_space<semaphore_mem>>
    %dma_start3A_54 = arith.constant 0 : i32
    %dma_start3A_55 = arith.constant 0 : i32
    %dma_start3A_56 = tpu.memref_slice %arg6[%dma_start3A_44, %dma_start3A_54, %dma_start3A_55] : memref<4x128x128xf32, #tpu.memory_space<vmem>> -> memref<1x128x128xf32, #tpu.memory_space<vmem>>
    %dma_start3A_57 = tpu.memref_squeeze %dma_start3A_56 : memref<1x128x128xf32, #tpu.memory_space<vmem>> -> memref<128x128xf32, #tpu.memory_space<vmem>>
    %dma_start3A_58 = arith.constant 0 : i32
    %dma_start3A_59 = tpu.memref_slice %arg2[%add3A_43, %dma_start3A_58] : memref<100000x128xf32, #tpu.memory_space<hbm>> -> memref<128x128xf32, #tpu.memory_space<hbm>>
    tpu.enqueue_dma source(%dma_start3A_59 : memref<128x128xf32, #tpu.memory_space<hbm>>) target(%dma_start3A_57 : memref<128x128xf32, #tpu.memory_space<vmem>>) target_semaphore(%dma_start3A_53 : memref<!tpu.dma_semaphore, #tpu.memory_space<semaphore_mem>>)
    %mul3A_60 = arith.constant 128 : i32
    %mul3A_61 = arith.muli %add3A_39, %mul3A_60 : i32
    %dma_start3A_62 = arith.constant 1 : i32
    %dma_start3A_63 = arith.constant 1 : i32
    %dma_start3A_64 = arith.constant 0 : i32
    %dma_start3A_65 = tpu.memref_slice %arg7[%dma_start3A_62, %dma_start3A_64] : memref<4x128xi32, #tpu.memory_space<vmem>> -> memref<1x128xi32, #tpu.memory_space<vmem>>
    %dma_start3A_66 = tpu.memref_squeeze %dma_start3A_65 : memref<1x128xi32, #tpu.memory_space<vmem>> -> memref<128xi32, #tpu.memory_space<vmem>>
    %dma_start3A_67 = tpu.memref_slice %arg3[%mul3A_61] : memref<53248xi32, #tpu.memory_space<hbm>> -> memref<128xi32, #tpu.memory_space<hbm>>
    %dma_start3A_68 = tpu.memref_slice %arg12[%dma_start3A_63] : memref<4x!tpu.dma_semaphore, #tpu.memory_space<semaphore_mem>> -> memref<1x!tpu.dma_semaphore, #tpu.memory_space<semaphore_mem>>
    %dma_start3A_69 = tpu.memref_squeeze %dma_start3A_68 : memref<1x!tpu.dma_semaphore, #tpu.memory_space<semaphore_mem>> -> memref<!tpu.dma_semaphore, #tpu.memory_space<semaphore_mem>>
    %dma_start3A_70 = arith.constant 0 : i32
    %dma_start3A_71 = tpu.memref_slice %arg7[%dma_start3A_62, %dma_start3A_70] : memref<4x128xi32, #tpu.memory_space<vmem>> -> memref<1x128xi32, #tpu.memory_space<vmem>>
    %dma_start3A_72 = tpu.memref_squeeze %dma_start3A_71 : memref<1x128xi32, #tpu.memory_space<vmem>> -> memref<128xi32, #tpu.memory_space<vmem>>
    %dma_start3A_73 = tpu.memref_slice %arg3[%mul3A_61] : memref<53248xi32, #tpu.memory_space<hbm>> -> memref<128xi32, #tpu.memory_space<hbm>>
    tpu.enqueue_dma source(%dma_start3A_73 : memref<128xi32, #tpu.memory_space<hbm>>) target(%dma_start3A_72 : memref<128xi32, #tpu.memory_space<vmem>>) target_semaphore(%dma_start3A_69 : memref<!tpu.dma_semaphore, #tpu.memory_space<semaphore_mem>>)
    %add3A_74 = arith.constant 64 : i32
    %add3A_75 = arith.addi %add3A, %add3A_74 : i32
    %mul3A_76 = arith.constant 128 : i32
    %mul3A_77 = arith.muli %add3A_75, %mul3A_76 : i32
    %add3A_78 = arith.constant 49152 : i32
    %add3A_79 = arith.addi %add3A_78, %mul3A_77 : i32
    %dma_start3A_80 = arith.constant 2 : i32
    %dma_start3A_81 = arith.constant 2 : i32
    %dma_start3A_82 = arith.constant 0 : i32
    %dma_start3A_83 = arith.constant 0 : i32
    %dma_start3A_84 = tpu.memref_slice %arg6[%dma_start3A_80, %dma_start3A_82, %dma_start3A_83] : memref<4x128x128xf32, #tpu.memory_space<vmem>> -> memref<1x128x128xf32, #tpu.memory_space<vmem>>
    %dma_start3A_85 = tpu.memref_squeeze %dma_start3A_84 : memref<1x128x128xf32, #tpu.memory_space<vmem>> -> memref<128x128xf32, #tpu.memory_space<vmem>>
    %dma_start3A_86 = arith.constant 0 : i32
    %dma_start3A_87 = tpu.memref_slice %arg2[%add3A_79, %dma_start3A_86] : memref<100000x128xf32, #tpu.memory_space<hbm>> -> memref<128x128xf32, #tpu.memory_space<hbm>>
    %dma_start3A_88 = tpu.memref_slice %arg11[%dma_start3A_81] : memref<4x!tpu.dma_semaphore, #tpu.memory_space<semaphore_mem>> -> memref<1x!tpu.dma_semaphore, #tpu.memory_space<semaphore_mem>>
    %dma_start3A_89 = tpu.memref_squeeze %dma_start3A_88 : memref<1x!tpu.dma_semaphore, #tpu.memory_space<semaphore_mem>> -> memref<!tpu.dma_semaphore, #tpu.memory_space<semaphore_mem>>
    %dma_start3A_90 = arith.constant 0 : i32
    %dma_start3A_91 = arith.constant 0 : i32
    %dma_start3A_92 = tpu.memref_slice %arg6[%dma_start3A_80, %dma_start3A_90, %dma_start3A_91] : memref<4x128x128xf32, #tpu.memory_space<vmem>> -> memref<1x128x128xf32, #tpu.memory_space<vmem>>
    %dma_start3A_93 = tpu.memref_squeeze %dma_start3A_92 : memref<1x128x128xf32, #tpu.memory_space<vmem>> -> memref<128x128xf32, #tpu.memory_space<vmem>>
    %dma_start3A_94 = arith.constant 0 : i32
    %dma_start3A_95 = tpu.memref_slice %arg2[%add3A_79, %dma_start3A_94] : memref<100000x128xf32, #tpu.memory_space<hbm>> -> memref<128x128xf32, #tpu.memory_space<hbm>>
    tpu.enqueue_dma source(%dma_start3A_95 : memref<128x128xf32, #tpu.memory_space<hbm>>) target(%dma_start3A_93 : memref<128x128xf32, #tpu.memory_space<vmem>>) target_semaphore(%dma_start3A_89 : memref<!tpu.dma_semaphore, #tpu.memory_space<semaphore_mem>>)
    %mul3A_96 = arith.constant 128 : i32
    %mul3A_97 = arith.muli %add3A_75, %mul3A_96 : i32
    %dma_start3A_98 = arith.constant 2 : i32
    %dma_start3A_99 = arith.constant 2 : i32
    %dma_start3A_100 = arith.constant 0 : i32
    %dma_start3A_101 = tpu.memref_slice %arg7[%dma_start3A_98, %dma_start3A_100] : memref<4x128xi32, #tpu.memory_space<vmem>> -> memref<1x128xi32, #tpu.memory_space<vmem>>
    %dma_start3A_102 = tpu.memref_squeeze %dma_start3A_101 : memref<1x128xi32, #tpu.memory_space<vmem>> -> memref<128xi32, #tpu.memory_space<vmem>>
    %dma_start3A_103 = tpu.memref_slice %arg3[%mul3A_97] : memref<53248xi32, #tpu.memory_space<hbm>> -> memref<128xi32, #tpu.memory_space<hbm>>
    %dma_start3A_104 = tpu.memref_slice %arg12[%dma_start3A_99] : memref<4x!tpu.dma_semaphore, #tpu.memory_space<semaphore_mem>> -> memref<1x!tpu.dma_semaphore, #tpu.memory_space<semaphore_mem>>
    %dma_start3A_105 = tpu.memref_squeeze %dma_start3A_104 : memref<1x!tpu.dma_semaphore, #tpu.memory_space<semaphore_mem>> -> memref<!tpu.dma_semaphore, #tpu.memory_space<semaphore_mem>>
    %dma_start3A_106 = arith.constant 0 : i32
    %dma_start3A_107 = tpu.memref_slice %arg7[%dma_start3A_98, %dma_start3A_106] : memref<4x128xi32, #tpu.memory_space<vmem>> -> memref<1x128xi32, #tpu.memory_space<vmem>>
    %dma_start3A_108 = tpu.memref_squeeze %dma_start3A_107 : memref<1x128xi32, #tpu.memory_space<vmem>> -> memref<128xi32, #tpu.memory_space<vmem>>
    %dma_start3A_109 = tpu.memref_slice %arg3[%mul3A_97] : memref<53248xi32, #tpu.memory_space<hbm>> -> memref<128xi32, #tpu.memory_space<hbm>>
    tpu.enqueue_dma source(%dma_start3A_109 : memref<128xi32, #tpu.memory_space<hbm>>) target(%dma_start3A_108 : memref<128xi32, #tpu.memory_space<vmem>>) target_semaphore(%dma_start3A_105 : memref<!tpu.dma_semaphore, #tpu.memory_space<semaphore_mem>>)
    %dma_wait3A = arith.constant 0 : i32
    %dma_wait3A_110 = arith.constant 0 : i32
    %dma_wait3A_111 = arith.constant 0 : i32
    %dma_wait3A_112 = arith.constant 0 : i32
    %dma_wait3A_113 = tpu.memref_slice %arg6[%dma_wait3A, %dma_wait3A_111, %dma_wait3A_112] : memref<4x128x128xf32, #tpu.memory_space<vmem>> -> memref<1x128x128xf32, #tpu.memory_space<vmem>>
    %dma_wait3A_114 = tpu.memref_squeeze %dma_wait3A_113 : memref<1x128x128xf32, #tpu.memory_space<vmem>> -> memref<128x128xf32, #tpu.memory_space<vmem>>
    %dma_wait3A_115 = arith.constant 0 : i32
    %dma_wait3A_116 = tpu.memref_slice %arg2[%add3A_8, %dma_wait3A_115] : memref<100000x128xf32, #tpu.memory_space<hbm>> -> memref<128x128xf32, #tpu.memory_space<hbm>>
    %dma_wait3A_117 = tpu.memref_slice %arg11[%dma_wait3A_110] : memref<4x!tpu.dma_semaphore, #tpu.memory_space<semaphore_mem>> -> memref<1x!tpu.dma_semaphore, #tpu.memory_space<semaphore_mem>>
    %dma_wait3A_118 = tpu.memref_squeeze %dma_wait3A_117 : memref<1x!tpu.dma_semaphore, #tpu.memory_space<semaphore_mem>> -> memref<!tpu.dma_semaphore, #tpu.memory_space<semaphore_mem>>
    %dma_wait3A_119 = arith.constant 0 : i32
    %dma_wait3A_120 = arith.constant 0 : i32
    %dma_wait3A_121 = tpu.memref_slice %arg6[%dma_wait3A, %dma_wait3A_119, %dma_wait3A_120] : memref<4x128x128xf32, #tpu.memory_space<vmem>> -> memref<1x128x128xf32, #tpu.memory_space<vmem>>
    %dma_wait3A_122 = tpu.memref_squeeze %dma_wait3A_121 : memref<1x128x128xf32, #tpu.memory_space<vmem>> -> memref<128x128xf32, #tpu.memory_space<vmem>>
    %dma_wait3A_123 = arith.constant 0 : i32
    %dma_wait3A_124 = tpu.memref_slice %arg2[%add3A_8, %dma_wait3A_123] : memref<100000x128xf32, #tpu.memory_space<hbm>> -> memref<128x128xf32, #tpu.memory_space<hbm>>
    tpu.wait_dma2 semaphore(%dma_wait3A_118 : memref<!tpu.dma_semaphore, #tpu.memory_space<semaphore_mem>>) src(%dma_wait3A_124 : memref<128x128xf32, #tpu.memory_space<hbm>>) dst(%dma_wait3A_122 : memref<128x128xf32, #tpu.memory_space<vmem>>)
    %dma_wait3A_125 = arith.constant 0 : i32
    %dma_wait3A_126 = arith.constant 0 : i32
    %dma_wait3A_127 = arith.constant 0 : i32
    %dma_wait3A_128 = tpu.memref_slice %arg7[%dma_wait3A_125, %dma_wait3A_127] : memref<4x128xi32, #tpu.memory_space<vmem>> -> memref<1x128xi32, #tpu.memory_space<vmem>>
    %dma_wait3A_129 = tpu.memref_squeeze %dma_wait3A_128 : memref<1x128xi32, #tpu.memory_space<vmem>> -> memref<128xi32, #tpu.memory_space<vmem>>
    %dma_wait3A_130 = tpu.memref_slice %arg3[%mul3A_25] : memref<53248xi32, #tpu.memory_space<hbm>> -> memref<128xi32, #tpu.memory_space<hbm>>
    %dma_wait3A_131 = tpu.memref_slice %arg12[%dma_wait3A_126] : memref<4x!tpu.dma_semaphore, #tpu.memory_space<semaphore_mem>> -> memref<1x!tpu.dma_semaphore, #tpu.memory_space<semaphore_mem>>
    %dma_wait3A_132 = tpu.memref_squeeze %dma_wait3A_131 : memref<1x!tpu.dma_semaphore, #tpu.memory_space<semaphore_mem>> -> memref<!tpu.dma_semaphore, #tpu.memory_space<semaphore_mem>>
    %dma_wait3A_133 = arith.constant 0 : i32
    %dma_wait3A_134 = tpu.memref_slice %arg7[%dma_wait3A_125, %dma_wait3A_133] : memref<4x128xi32, #tpu.memory_space<vmem>> -> memref<1x128xi32, #tpu.memory_space<vmem>>
    %dma_wait3A_135 = tpu.memref_squeeze %dma_wait3A_134 : memref<1x128xi32, #tpu.memory_space<vmem>> -> memref<128xi32, #tpu.memory_space<vmem>>
    %dma_wait3A_136 = tpu.memref_slice %arg3[%mul3A_25] : memref<53248xi32, #tpu.memory_space<hbm>> -> memref<128xi32, #tpu.memory_space<hbm>>
    tpu.wait_dma2 semaphore(%dma_wait3A_132 : memref<!tpu.dma_semaphore, #tpu.memory_space<semaphore_mem>>) src(%dma_wait3A_136 : memref<128xi32, #tpu.memory_space<hbm>>) dst(%dma_wait3A_135 : memref<128xi32, #tpu.memory_space<vmem>>)
    %dma_start3A_137 = arith.constant 0 : i32
    %dma_start3A_138 = arith.constant 0 : i32
    %dma_start3A_139 = arith.constant 0 : i32
    %dma_start3A_140 = arith.constant 0 : i32
    %dma_start3A_141 = arith.constant 0 : i32
    %dma_start3A_142 = tpu.memref_slice %arg6[%dma_start3A_137, %dma_start3A_140, %dma_start3A_141] : memref<4x128x128xf32, #tpu.memory_space<vmem>> -> memref<1x128x128xf32, #tpu.memory_space<vmem>>
    %dma_start3A_143 = tpu.memref_squeeze %dma_start3A_142 : memref<1x128x128xf32, #tpu.memory_space<vmem>> -> memref<128x128xf32, #tpu.memory_space<vmem>>
    %dma_start3A_144 = arith.constant 0 : i32
    %dma_start3A_145 = tpu.memref_slice %arg7[%dma_start3A_138, %dma_start3A_144] : memref<4x128xi32, #tpu.memory_space<vmem>> -> memref<1x128xi32, #tpu.memory_space<vmem>>
    %dma_start3A_146 = tpu.memref_squeeze %dma_start3A_145 : memref<1x128xi32, #tpu.memory_space<vmem>> -> memref<128xi32, #tpu.memory_space<vmem>>
    %dma_start3A_147 = arith.constant 0 : i32
    %dma_start3A_148 = arith.constant 0 : i32
    %dma_start3A_149 = tpu.memref_slice %arg10[%dma_start3A_147, %dma_start3A_148] : memref<128x128xf32, #tpu.memory_space<vmem_shared>> -> memref<128x128xf32, #tpu.memory_space<vmem_shared>>
    %dma_start3A_150 = tpu.memref_slice %arg13[%dma_start3A_139] : memref<4x!tpu.dma_semaphore, #tpu.memory_space<semaphore_mem>> -> memref<1x!tpu.dma_semaphore, #tpu.memory_space<semaphore_mem>>
    %dma_start3A_151 = tpu.memref_squeeze %dma_start3A_150 : memref<1x!tpu.dma_semaphore, #tpu.memory_space<semaphore_mem>> -> memref<!tpu.dma_semaphore, #tpu.memory_space<semaphore_mem>>
    tpu.enqueue_indirect_dma source(%dma_start3A_143 : memref<128x128xf32, #tpu.memory_space<vmem>>) target(%dma_start3A_149 : memref<128x128xf32, #tpu.memory_space<vmem_shared>>) offsets(%dma_start3A_146 : memref<128xi32, #tpu.memory_space<vmem>>) semaphore(%dma_start3A_151 : memref<!tpu.dma_semaphore, #tpu.memory_space<semaphore_mem>>) {add = true}
    %add3A_152 = arith.constant 96 : i32
    %add3A_153 = arith.addi %add3A, %add3A_152 : i32
    %mul3A_154 = arith.constant 128 : i32
    %mul3A_155 = arith.muli %add3A_153, %mul3A_154 : i32
    %add3A_156 = arith.constant 49152 : i32
    %add3A_157 = arith.addi %add3A_156, %mul3A_155 : i32
    %dma_start3A_158 = arith.constant 3 : i32
    %dma_start3A_159 = arith.constant 3 : i32
    %dma_start3A_160 = arith.constant 0 : i32
    %dma_start3A_161 = arith.constant 0 : i32
    %dma_start3A_162 = tpu.memref_slice %arg6[%dma_start3A_158, %dma_start3A_160, %dma_start3A_161] : memref<4x128x128xf32, #tpu.memory_space<vmem>> -> memref<1x128x128xf32, #tpu.memory_space<vmem>>
    %dma_start3A_163 = tpu.memref_squeeze %dma_start3A_162 : memref<1x128x128xf32, #tpu.memory_space<vmem>> -> memref<128x128xf32, #tpu.memory_space<vmem>>
    %dma_start3A_164 = arith.constant 0 : i32
    %dma_start3A_165 = tpu.memref_slice %arg2[%add3A_157, %dma_start3A_164] : memref<100000x128xf32, #tpu.memory_space<hbm>> -> memref<128x128xf32, #tpu.memory_space<hbm>>
    %dma_start3A_166 = tpu.memref_slice %arg11[%dma_start3A_159] : memref<4x!tpu.dma_semaphore, #tpu.memory_space<semaphore_mem>> -> memref<1x!tpu.dma_semaphore, #tpu.memory_space<semaphore_mem>>
    %dma_start3A_167 = tpu.memref_squeeze %dma_start3A_166 : memref<1x!tpu.dma_semaphore, #tpu.memory_space<semaphore_mem>> -> memref<!tpu.dma_semaphore, #tpu.memory_space<semaphore_mem>>
    %dma_start3A_168 = arith.constant 0 : i32
    %dma_start3A_169 = arith.constant 0 : i32
    %dma_start3A_170 = tpu.memref_slice %arg6[%dma_start3A_158, %dma_start3A_168, %dma_start3A_169] : memref<4x128x128xf32, #tpu.memory_space<vmem>> -> memref<1x128x128xf32, #tpu.memory_space<vmem>>
    %dma_start3A_171 = tpu.memref_squeeze %dma_start3A_170 : memref<1x128x128xf32, #tpu.memory_space<vmem>> -> memref<128x128xf32, #tpu.memory_space<vmem>>
    %dma_start3A_172 = arith.constant 0 : i32
    %dma_start3A_173 = tpu.memref_slice %arg2[%add3A_157, %dma_start3A_172] : memref<100000x128xf32, #tpu.memory_space<hbm>> -> memref<128x128xf32, #tpu.memory_space<hbm>>
    tpu.enqueue_dma source(%dma_start3A_173 : memref<128x128xf32, #tpu.memory_space<hbm>>) target(%dma_start3A_171 : memref<128x128xf32, #tpu.memory_space<vmem>>) target_semaphore(%dma_start3A_167 : memref<!tpu.dma_semaphore, #tpu.memory_space<semaphore_mem>>)
    %mul3A_174 = arith.constant 128 : i32
    %mul3A_175 = arith.muli %add3A_153, %mul3A_174 : i32
    %dma_start3A_176 = arith.constant 3 : i32
    %dma_start3A_177 = arith.constant 3 : i32
    %dma_start3A_178 = arith.constant 0 : i32
    %dma_start3A_179 = tpu.memref_slice %arg7[%dma_start3A_176, %dma_start3A_178] : memref<4x128xi32, #tpu.memory_space<vmem>> -> memref<1x128xi32, #tpu.memory_space<vmem>>
    %dma_start3A_180 = tpu.memref_squeeze %dma_start3A_179 : memref<1x128xi32, #tpu.memory_space<vmem>> -> memref<128xi32, #tpu.memory_space<vmem>>
    %dma_start3A_181 = tpu.memref_slice %arg3[%mul3A_175] : memref<53248xi32, #tpu.memory_space<hbm>> -> memref<128xi32, #tpu.memory_space<hbm>>
    %dma_start3A_182 = tpu.memref_slice %arg12[%dma_start3A_177] : memref<4x!tpu.dma_semaphore, #tpu.memory_space<semaphore_mem>> -> memref<1x!tpu.dma_semaphore, #tpu.memory_space<semaphore_mem>>
    %dma_start3A_183 = tpu.memref_squeeze %dma_start3A_182 : memref<1x!tpu.dma_semaphore, #tpu.memory_space<semaphore_mem>> -> memref<!tpu.dma_semaphore, #tpu.memory_space<semaphore_mem>>
    %dma_start3A_184 = arith.constant 0 : i32
    %dma_start3A_185 = tpu.memref_slice %arg7[%dma_start3A_176, %dma_start3A_184] : memref<4x128xi32, #tpu.memory_space<vmem>> -> memref<1x128xi32, #tpu.memory_space<vmem>>
    %dma_start3A_186 = tpu.memref_squeeze %dma_start3A_185 : memref<1x128xi32, #tpu.memory_space<vmem>> -> memref<128xi32, #tpu.memory_space<vmem>>
    %dma_start3A_187 = tpu.memref_slice %arg3[%mul3A_175] : memref<53248xi32, #tpu.memory_space<hbm>> -> memref<128xi32, #tpu.memory_space<hbm>>
    tpu.enqueue_dma source(%dma_start3A_187 : memref<128xi32, #tpu.memory_space<hbm>>) target(%dma_start3A_186 : memref<128xi32, #tpu.memory_space<vmem>>) target_semaphore(%dma_start3A_183 : memref<!tpu.dma_semaphore, #tpu.memory_space<semaphore_mem>>)
    %dma_wait3A_188 = arith.constant 1 : i32
    %dma_wait3A_189 = arith.constant 1 : i32
    %dma_wait3A_190 = arith.constant 0 : i32
    %dma_wait3A_191 = arith.constant 0 : i32
    %dma_wait3A_192 = tpu.memref_slice %arg6[%dma_wait3A_188, %dma_wait3A_190, %dma_wait3A_191] : memref<4x128x128xf32, #tpu.memory_space<vmem>> -> memref<1x128x128xf32, #tpu.memory_space<vmem>>
    %dma_wait3A_193 = tpu.memref_squeeze %dma_wait3A_192 : memref<1x128x128xf32, #tpu.memory_space<vmem>> -> memref<128x128xf32, #tpu.memory_space<vmem>>
    %dma_wait3A_194 = arith.constant 0 : i32
    %dma_wait3A_195 = tpu.memref_slice %arg2[%add3A_43, %dma_wait3A_194] : memref<100000x128xf32, #tpu.memory_space<hbm>> -> memref<128x128xf32, #tpu.memory_space<hbm>>
    %dma_wait3A_196 = tpu.memref_slice %arg11[%dma_wait3A_189] : memref<4x!tpu.dma_semaphore, #tpu.memory_space<semaphore_mem>> -> memref<1x!tpu.dma_semaphore, #tpu.memory_space<semaphore_mem>>
    %dma_wait3A_197 = tpu.memref_squeeze %dma_wait3A_196 : memref<1x!tpu.dma_semaphore, #tpu.memory_space<semaphore_mem>> -> memref<!tpu.dma_semaphore, #tpu.memory_space<semaphore_mem>>
    %dma_wait3A_198 = arith.constant 0 : i32
    %dma_wait3A_199 = arith.constant 0 : i32
    %dma_wait3A_200 = tpu.memref_slice %arg6[%dma_wait3A_188, %dma_wait3A_198, %dma_wait3A_199] : memref<4x128x128xf32, #tpu.memory_space<vmem>> -> memref<1x128x128xf32, #tpu.memory_space<vmem>>
    %dma_wait3A_201 = tpu.memref_squeeze %dma_wait3A_200 : memref<1x128x128xf32, #tpu.memory_space<vmem>> -> memref<128x128xf32, #tpu.memory_space<vmem>>
    %dma_wait3A_202 = arith.constant 0 : i32
    %dma_wait3A_203 = tpu.memref_slice %arg2[%add3A_43, %dma_wait3A_202] : memref<100000x128xf32, #tpu.memory_space<hbm>> -> memref<128x128xf32, #tpu.memory_space<hbm>>
    tpu.wait_dma2 semaphore(%dma_wait3A_197 : memref<!tpu.dma_semaphore, #tpu.memory_space<semaphore_mem>>) src(%dma_wait3A_203 : memref<128x128xf32, #tpu.memory_space<hbm>>) dst(%dma_wait3A_201 : memref<128x128xf32, #tpu.memory_space<vmem>>)
    %dma_wait3A_204 = arith.constant 1 : i32
    %dma_wait3A_205 = arith.constant 1 : i32
    %dma_wait3A_206 = arith.constant 0 : i32
    %dma_wait3A_207 = tpu.memref_slice %arg7[%dma_wait3A_204, %dma_wait3A_206] : memref<4x128xi32, #tpu.memory_space<vmem>> -> memref<1x128xi32, #tpu.memory_space<vmem>>
    %dma_wait3A_208 = tpu.memref_squeeze %dma_wait3A_207 : memref<1x128xi32, #tpu.memory_space<vmem>> -> memref<128xi32, #tpu.memory_space<vmem>>
    %dma_wait3A_209 = tpu.memref_slice %arg3[%mul3A_61] : memref<53248xi32, #tpu.memory_space<hbm>> -> memref<128xi32, #tpu.memory_space<hbm>>
    %dma_wait3A_210 = tpu.memref_slice %arg12[%dma_wait3A_205] : memref<4x!tpu.dma_semaphore, #tpu.memory_space<semaphore_mem>> -> memref<1x!tpu.dma_semaphore, #tpu.memory_space<semaphore_mem>>
    %dma_wait3A_211 = tpu.memref_squeeze %dma_wait3A_210 : memref<1x!tpu.dma_semaphore, #tpu.memory_space<semaphore_mem>> -> memref<!tpu.dma_semaphore, #tpu.memory_space<semaphore_mem>>
    %dma_wait3A_212 = arith.constant 0 : i32
    %dma_wait3A_213 = tpu.memref_slice %arg7[%dma_wait3A_204, %dma_wait3A_212] : memref<4x128xi32, #tpu.memory_space<vmem>> -> memref<1x128xi32, #tpu.memory_space<vmem>>
    %dma_wait3A_214 = tpu.memref_squeeze %dma_wait3A_213 : memref<1x128xi32, #tpu.memory_space<vmem>> -> memref<128xi32, #tpu.memory_space<vmem>>
    %dma_wait3A_215 = tpu.memref_slice %arg3[%mul3A_61] : memref<53248xi32, #tpu.memory_space<hbm>> -> memref<128xi32, #tpu.memory_space<hbm>>
    tpu.wait_dma2 semaphore(%dma_wait3A_211 : memref<!tpu.dma_semaphore, #tpu.memory_space<semaphore_mem>>) src(%dma_wait3A_215 : memref<128xi32, #tpu.memory_space<hbm>>) dst(%dma_wait3A_214 : memref<128xi32, #tpu.memory_space<vmem>>)
    %dma_start3A_216 = arith.constant 1 : i32
    %dma_start3A_217 = arith.constant 1 : i32
    %dma_start3A_218 = arith.constant 1 : i32
    %dma_start3A_219 = arith.constant 0 : i32
    %dma_start3A_220 = arith.constant 0 : i32
    %dma_start3A_221 = tpu.memref_slice %arg6[%dma_start3A_216, %dma_start3A_219, %dma_start3A_220] : memref<4x128x128xf32, #tpu.memory_space<vmem>> -> memref<1x128x128xf32, #tpu.memory_space<vmem>>
    %dma_start3A_222 = tpu.memref_squeeze %dma_start3A_221 : memref<1x128x128xf32, #tpu.memory_space<vmem>> -> memref<128x128xf32, #tpu.memory_space<vmem>>
    %dma_start3A_223 = arith.constant 0 : i32
    %dma_start3A_224 = tpu.memref_slice %arg7[%dma_start3A_217, %dma_start3A_223] : memref<4x128xi32, #tpu.memory_space<vmem>> -> memref<1x128xi32, #tpu.memory_space<vmem>>
    %dma_start3A_225 = tpu.memref_squeeze %dma_start3A_224 : memref<1x128xi32, #tpu.memory_space<vmem>> -> memref<128xi32, #tpu.memory_space<vmem>>
    %dma_start3A_226 = arith.constant 0 : i32
    %dma_start3A_227 = arith.constant 0 : i32
    %dma_start3A_228 = tpu.memref_slice %arg10[%dma_start3A_226, %dma_start3A_227] : memref<128x128xf32, #tpu.memory_space<vmem_shared>> -> memref<128x128xf32, #tpu.memory_space<vmem_shared>>
    %dma_start3A_229 = tpu.memref_slice %arg13[%dma_start3A_218] : memref<4x!tpu.dma_semaphore, #tpu.memory_space<semaphore_mem>> -> memref<1x!tpu.dma_semaphore, #tpu.memory_space<semaphore_mem>>
    %dma_start3A_230 = tpu.memref_squeeze %dma_start3A_229 : memref<1x!tpu.dma_semaphore, #tpu.memory_space<semaphore_mem>> -> memref<!tpu.dma_semaphore, #tpu.memory_space<semaphore_mem>>
    tpu.enqueue_indirect_dma source(%dma_start3A_222 : memref<128x128xf32, #tpu.memory_space<vmem>>) target(%dma_start3A_228 : memref<128x128xf32, #tpu.memory_space<vmem_shared>>) offsets(%dma_start3A_225 : memref<128xi32, #tpu.memory_space<vmem>>) semaphore(%dma_start3A_230 : memref<!tpu.dma_semaphore, #tpu.memory_space<semaphore_mem>>) {add = true}
    %dma_wait3A_231 = arith.constant 0 : i32
    %dma_wait3A_232 = arith.constant 0 : i32
    %dma_wait3A_233 = arith.constant 0 : i32
    %dma_wait3A_234 = arith.constant 0 : i32
    %dma_wait3A_235 = arith.constant 0 : i32
    %dma_wait3A_236 = tpu.memref_slice %arg6[%dma_wait3A_231, %dma_wait3A_234, %dma_wait3A_235] : memref<4x128x128xf32, #tpu.memory_space<vmem>> -> memref<1x128x128xf32, #tpu.memory_space<vmem>>
    %dma_wait3A_237 = tpu.memref_squeeze %dma_wait3A_236 : memref<1x128x128xf32, #tpu.memory_space<vmem>> -> memref<128x128xf32, #tpu.memory_space<vmem>>
    %dma_wait3A_238 = arith.constant 0 : i32
    %dma_wait3A_239 = tpu.memref_slice %arg7[%dma_wait3A_232, %dma_wait3A_238] : memref<4x128xi32, #tpu.memory_space<vmem>> -> memref<1x128xi32, #tpu.memory_space<vmem>>
    %dma_wait3A_240 = tpu.memref_squeeze %dma_wait3A_239 : memref<1x128xi32, #tpu.memory_space<vmem>> -> memref<128xi32, #tpu.memory_space<vmem>>
    %dma_wait3A_241 = arith.constant 0 : i32
    %dma_wait3A_242 = arith.constant 0 : i32
    %dma_wait3A_243 = tpu.memref_slice %arg10[%dma_wait3A_241, %dma_wait3A_242] : memref<128x128xf32, #tpu.memory_space<vmem_shared>> -> memref<128x128xf32, #tpu.memory_space<vmem_shared>>
    %dma_wait3A_244 = tpu.memref_slice %arg13[%dma_wait3A_233] : memref<4x!tpu.dma_semaphore, #tpu.memory_space<semaphore_mem>> -> memref<1x!tpu.dma_semaphore, #tpu.memory_space<semaphore_mem>>
    %dma_wait3A_245 = tpu.memref_squeeze %dma_wait3A_244 : memref<1x!tpu.dma_semaphore, #tpu.memory_space<semaphore_mem>> -> memref<!tpu.dma_semaphore, #tpu.memory_space<semaphore_mem>>
    tpu.wait_indirect_dma semaphore(%dma_wait3A_245 : memref<!tpu.dma_semaphore, #tpu.memory_space<semaphore_mem>>) src(%dma_wait3A_237 : memref<128x128xf32, #tpu.memory_space<vmem>>) dst(%dma_wait3A_243 : memref<128x128xf32, #tpu.memory_space<vmem_shared>>)
    %add3A_246 = arith.constant 128 : i32
    %add3A_247 = arith.addi %add3A, %add3A_246 : i32
    %mul3A_248 = arith.constant 128 : i32
    %mul3A_249 = arith.muli %add3A_247, %mul3A_248 : i32
    %add3A_250 = arith.constant 49152 : i32
    %add3A_251 = arith.addi %add3A_250, %mul3A_249 : i32
    %dma_start3A_252 = arith.constant 0 : i32
    %dma_start3A_253 = arith.constant 0 : i32
    %dma_start3A_254 = arith.constant 0 : i32
    %dma_start3A_255 = arith.constant 0 : i32
    %dma_start3A_256 = tpu.memref_slice %arg6[%dma_start3A_252, %dma_start3A_254, %dma_start3A_255] : memref<4x128x128xf32, #tpu.memory_space<vmem>> -> memref<1x128x128xf32, #tpu.memory_space<vmem>>
    %dma_start3A_257 = tpu.memref_squeeze %dma_start3A_256 : memref<1x128x128xf32, #tpu.memory_space<vmem>> -> memref<128x128xf32, #tpu.memory_space<vmem>>
    %dma_start3A_258 = arith.constant 0 : i32
    %dma_start3A_259 = tpu.memref_slice %arg2[%add3A_251, %dma_start3A_258] : memref<100000x128xf32, #tpu.memory_space<hbm>> -> memref<128x128xf32, #tpu.memory_space<hbm>>
    %dma_start3A_260 = tpu.memref_slice %arg11[%dma_start3A_253] : memref<4x!tpu.dma_semaphore, #tpu.memory_space<semaphore_mem>> -> memref<1x!tpu.dma_semaphore, #tpu.memory_space<semaphore_mem>>
    %dma_start3A_261 = tpu.memref_squeeze %dma_start3A_260 : memref<1x!tpu.dma_semaphore, #tpu.memory_space<semaphore_mem>> -> memref<!tpu.dma_semaphore, #tpu.memory_space<semaphore_mem>>
    %dma_start3A_262 = arith.constant 0 : i32
    %dma_start3A_263 = arith.constant 0 : i32
    %dma_start3A_264 = tpu.memref_slice %arg6[%dma_start3A_252, %dma_start3A_262, %dma_start3A_263] : memref<4x128x128xf32, #tpu.memory_space<vmem>> -> memref<1x128x128xf32, #tpu.memory_space<vmem>>
    %dma_start3A_265 = tpu.memref_squeeze %dma_start3A_264 : memref<1x128x128xf32, #tpu.memory_space<vmem>> -> memref<128x128xf32, #tpu.memory_space<vmem>>
    %dma_start3A_266 = arith.constant 0 : i32
    %dma_start3A_267 = tpu.memref_slice %arg2[%add3A_251, %dma_start3A_266] : memref<100000x128xf32, #tpu.memory_space<hbm>> -> memref<128x128xf32, #tpu.memory_space<hbm>>
    tpu.enqueue_dma source(%dma_start3A_267 : memref<128x128xf32, #tpu.memory_space<hbm>>) target(%dma_start3A_265 : memref<128x128xf32, #tpu.memory_space<vmem>>) target_semaphore(%dma_start3A_261 : memref<!tpu.dma_semaphore, #tpu.memory_space<semaphore_mem>>)
    %mul3A_268 = arith.constant 128 : i32
    %mul3A_269 = arith.muli %add3A_247, %mul3A_268 : i32
    %dma_start3A_270 = arith.constant 0 : i32
    %dma_start3A_271 = arith.constant 0 : i32
    %dma_start3A_272 = arith.constant 0 : i32
    %dma_start3A_273 = tpu.memref_slice %arg7[%dma_start3A_270, %dma_start3A_272] : memref<4x128xi32, #tpu.memory_space<vmem>> -> memref<1x128xi32, #tpu.memory_space<vmem>>
    %dma_start3A_274 = tpu.memref_squeeze %dma_start3A_273 : memref<1x128xi32, #tpu.memory_space<vmem>> -> memref<128xi32, #tpu.memory_space<vmem>>
    %dma_start3A_275 = tpu.memref_slice %arg3[%mul3A_269] : memref<53248xi32, #tpu.memory_space<hbm>> -> memref<128xi32, #tpu.memory_space<hbm>>
    %dma_start3A_276 = tpu.memref_slice %arg12[%dma_start3A_271] : memref<4x!tpu.dma_semaphore, #tpu.memory_space<semaphore_mem>> -> memref<1x!tpu.dma_semaphore, #tpu.memory_space<semaphore_mem>>
    %dma_start3A_277 = tpu.memref_squeeze %dma_start3A_276 : memref<1x!tpu.dma_semaphore, #tpu.memory_space<semaphore_mem>> -> memref<!tpu.dma_semaphore, #tpu.memory_space<semaphore_mem>>
    %dma_start3A_278 = arith.constant 0 : i32
    %dma_start3A_279 = tpu.memref_slice %arg7[%dma_start3A_270, %dma_start3A_278] : memref<4x128xi32, #tpu.memory_space<vmem>> -> memref<1x128xi32, #tpu.memory_space<vmem>>
    %dma_start3A_280 = tpu.memref_squeeze %dma_start3A_279 : memref<1x128xi32, #tpu.memory_space<vmem>> -> memref<128xi32, #tpu.memory_space<vmem>>
    %dma_start3A_281 = tpu.memref_slice %arg3[%mul3A_269] : memref<53248xi32, #tpu.memory_space<hbm>> -> memref<128xi32, #tpu.memory_space<hbm>>
    tpu.enqueue_dma source(%dma_start3A_281 : memref<128xi32, #tpu.memory_space<hbm>>) target(%dma_start3A_280 : memref<128xi32, #tpu.memory_space<vmem>>) target_semaphore(%dma_start3A_277 : memref<!tpu.dma_semaphore, #tpu.memory_space<semaphore_mem>>)
    %dma_wait3A_282 = arith.constant 2 : i32
    %dma_wait3A_283 = arith.constant 2 : i32
    %dma_wait3A_284 = arith.constant 0 : i32
    %dma_wait3A_285 = arith.constant 0 : i32
    %dma_wait3A_286 = tpu.memref_slice %arg6[%dma_wait3A_282, %dma_wait3A_284, %dma_wait3A_285] : memref<4x128x128xf32, #tpu.memory_space<vmem>> -> memref<1x128x128xf32, #tpu.memory_space<vmem>>
    %dma_wait3A_287 = tpu.memref_squeeze %dma_wait3A_286 : memref<1x128x128xf32, #tpu.memory_space<vmem>> -> memref<128x128xf32, #tpu.memory_space<vmem>>
    %dma_wait3A_288 = arith.constant 0 : i32
    %dma_wait3A_289 = tpu.memref_slice %arg2[%add3A_79, %dma_wait3A_288] : memref<100000x128xf32, #tpu.memory_space<hbm>> -> memref<128x128xf32, #tpu.memory_space<hbm>>
    %dma_wait3A_290 = tpu.memref_slice %arg11[%dma_wait3A_283] : memref<4x!tpu.dma_semaphore, #tpu.memory_space<semaphore_mem>> -> memref<1x!tpu.dma_semaphore, #tpu.memory_space<semaphore_mem>>
    %dma_wait3A_291 = tpu.memref_squeeze %dma_wait3A_290 : memref<1x!tpu.dma_semaphore, #tpu.memory_space<semaphore_mem>> -> memref<!tpu.dma_semaphore, #tpu.memory_space<semaphore_mem>>
    %dma_wait3A_292 = arith.constant 0 : i32
    %dma_wait3A_293 = arith.constant 0 : i32
    %dma_wait3A_294 = tpu.memref_slice %arg6[%dma_wait3A_282, %dma_wait3A_292, %dma_wait3A_293] : memref<4x128x128xf32, #tpu.memory_space<vmem>> -> memref<1x128x128xf32, #tpu.memory_space<vmem>>
    %dma_wait3A_295 = tpu.memref_squeeze %dma_wait3A_294 : memref<1x128x128xf32, #tpu.memory_space<vmem>> -> memref<128x128xf32, #tpu.memory_space<vmem>>
    %dma_wait3A_296 = arith.constant 0 : i32
    %dma_wait3A_297 = tpu.memref_slice %arg2[%add3A_79, %dma_wait3A_296] : memref<100000x128xf32, #tpu.memory_space<hbm>> -> memref<128x128xf32, #tpu.memory_space<hbm>>
    tpu.wait_dma2 semaphore(%dma_wait3A_291 : memref<!tpu.dma_semaphore, #tpu.memory_space<semaphore_mem>>) src(%dma_wait3A_297 : memref<128x128xf32, #tpu.memory_space<hbm>>) dst(%dma_wait3A_295 : memref<128x128xf32, #tpu.memory_space<vmem>>)
    %dma_wait3A_298 = arith.constant 2 : i32
    %dma_wait3A_299 = arith.constant 2 : i32
    %dma_wait3A_300 = arith.constant 0 : i32
    %dma_wait3A_301 = tpu.memref_slice %arg7[%dma_wait3A_298, %dma_wait3A_300] : memref<4x128xi32, #tpu.memory_space<vmem>> -> memref<1x128xi32, #tpu.memory_space<vmem>>
    %dma_wait3A_302 = tpu.memref_squeeze %dma_wait3A_301 : memref<1x128xi32, #tpu.memory_space<vmem>> -> memref<128xi32, #tpu.memory_space<vmem>>
    %dma_wait3A_303 = tpu.memref_slice %arg3[%mul3A_97] : memref<53248xi32, #tpu.memory_space<hbm>> -> memref<128xi32, #tpu.memory_space<hbm>>
    %dma_wait3A_304 = tpu.memref_slice %arg12[%dma_wait3A_299] : memref<4x!tpu.dma_semaphore, #tpu.memory_space<semaphore_mem>> -> memref<1x!tpu.dma_semaphore, #tpu.memory_space<semaphore_mem>>
    %dma_wait3A_305 = tpu.memref_squeeze %dma_wait3A_304 : memref<1x!tpu.dma_semaphore, #tpu.memory_space<semaphore_mem>> -> memref<!tpu.dma_semaphore, #tpu.memory_space<semaphore_mem>>
    %dma_wait3A_306 = arith.constant 0 : i32
    %dma_wait3A_307 = tpu.memref_slice %arg7[%dma_wait3A_298, %dma_wait3A_306] : memref<4x128xi32, #tpu.memory_space<vmem>> -> memref<1x128xi32, #tpu.memory_space<vmem>>
    %dma_wait3A_308 = tpu.memref_squeeze %dma_wait3A_307 : memref<1x128xi32, #tpu.memory_space<vmem>> -> memref<128xi32, #tpu.memory_space<vmem>>
    %dma_wait3A_309 = tpu.memref_slice %arg3[%mul3A_97] : memref<53248xi32, #tpu.memory_space<hbm>> -> memref<128xi32, #tpu.memory_space<hbm>>
    tpu.wait_dma2 semaphore(%dma_wait3A_305 : memref<!tpu.dma_semaphore, #tpu.memory_space<semaphore_mem>>) src(%dma_wait3A_309 : memref<128xi32, #tpu.memory_space<hbm>>) dst(%dma_wait3A_308 : memref<128xi32, #tpu.memory_space<vmem>>)
    %dma_start3A_310 = arith.constant 2 : i32
    %dma_start3A_311 = arith.constant 2 : i32
    %dma_start3A_312 = arith.constant 2 : i32
    %dma_start3A_313 = arith.constant 0 : i32
    %dma_start3A_314 = arith.constant 0 : i32
    %dma_start3A_315 = tpu.memref_slice %arg6[%dma_start3A_310, %dma_start3A_313, %dma_start3A_314] : memref<4x128x128xf32, #tpu.memory_space<vmem>> -> memref<1x128x128xf32, #tpu.memory_space<vmem>>
    %dma_start3A_316 = tpu.memref_squeeze %dma_start3A_315 : memref<1x128x128xf32, #tpu.memory_space<vmem>> -> memref<128x128xf32, #tpu.memory_space<vmem>>
    %dma_start3A_317 = arith.constant 0 : i32
    %dma_start3A_318 = tpu.memref_slice %arg7[%dma_start3A_311, %dma_start3A_317] : memref<4x128xi32, #tpu.memory_space<vmem>> -> memref<1x128xi32, #tpu.memory_space<vmem>>
    %dma_start3A_319 = tpu.memref_squeeze %dma_start3A_318 : memref<1x128xi32, #tpu.memory_space<vmem>> -> memref<128xi32, #tpu.memory_space<vmem>>
    %dma_start3A_320 = arith.constant 0 : i32
    %dma_start3A_321 = arith.constant 0 : i32
    %dma_start3A_322 = tpu.memref_slice %arg10[%dma_start3A_320, %dma_start3A_321] : memref<128x128xf32, #tpu.memory_space<vmem_shared>> -> memref<128x128xf32, #tpu.memory_space<vmem_shared>>
    %dma_start3A_323 = tpu.memref_slice %arg13[%dma_start3A_312] : memref<4x!tpu.dma_semaphore, #tpu.memory_space<semaphore_mem>> -> memref<1x!tpu.dma_semaphore, #tpu.memory_space<semaphore_mem>>
    %dma_start3A_324 = tpu.memref_squeeze %dma_start3A_323 : memref<1x!tpu.dma_semaphore, #tpu.memory_space<semaphore_mem>> -> memref<!tpu.dma_semaphore, #tpu.memory_space<semaphore_mem>>
    tpu.enqueue_indirect_dma source(%dma_start3A_316 : memref<128x128xf32, #tpu.memory_space<vmem>>) target(%dma_start3A_322 : memref<128x128xf32, #tpu.memory_space<vmem_shared>>) offsets(%dma_start3A_319 : memref<128xi32, #tpu.memory_space<vmem>>) semaphore(%dma_start3A_324 : memref<!tpu.dma_semaphore, #tpu.memory_space<semaphore_mem>>) {add = true}
    %dma_wait3A_325 = arith.constant 1 : i32
    %dma_wait3A_326 = arith.constant 1 : i32
    %dma_wait3A_327 = arith.constant 1 : i32
    %dma_wait3A_328 = arith.constant 0 : i32
    %dma_wait3A_329 = arith.constant 0 : i32
    %dma_wait3A_330 = tpu.memref_slice %arg6[%dma_wait3A_325, %dma_wait3A_328, %dma_wait3A_329] : memref<4x128x128xf32, #tpu.memory_space<vmem>> -> memref<1x128x128xf32, #tpu.memory_space<vmem>>
    %dma_wait3A_331 = tpu.memref_squeeze %dma_wait3A_330 : memref<1x128x128xf32, #tpu.memory_space<vmem>> -> memref<128x128xf32, #tpu.memory_space<vmem>>
    %dma_wait3A_332 = arith.constant 0 : i32
    %dma_wait3A_333 = tpu.memref_slice %arg7[%dma_wait3A_326, %dma_wait3A_332] : memref<4x128xi32, #tpu.memory_space<vmem>> -> memref<1x128xi32, #tpu.memory_space<vmem>>
    %dma_wait3A_334 = tpu.memref_squeeze %dma_wait3A_333 : memref<1x128xi32, #tpu.memory_space<vmem>> -> memref<128xi32, #tpu.memory_space<vmem>>
    %dma_wait3A_335 = arith.constant 0 : i32
    %dma_wait3A_336 = arith.constant 0 : i32
    %dma_wait3A_337 = tpu.memref_slice %arg10[%dma_wait3A_335, %dma_wait3A_336] : memref<128x128xf32, #tpu.memory_space<vmem_shared>> -> memref<128x128xf32, #tpu.memory_space<vmem_shared>>
    %dma_wait3A_338 = tpu.memref_slice %arg13[%dma_wait3A_327] : memref<4x!tpu.dma_semaphore, #tpu.memory_space<semaphore_mem>> -> memref<1x!tpu.dma_semaphore, #tpu.memory_space<semaphore_mem>>
    %dma_wait3A_339 = tpu.memref_squeeze %dma_wait3A_338 : memref<1x!tpu.dma_semaphore, #tpu.memory_space<semaphore_mem>> -> memref<!tpu.dma_semaphore, #tpu.memory_space<semaphore_mem>>
    tpu.wait_indirect_dma semaphore(%dma_wait3A_339 : memref<!tpu.dma_semaphore, #tpu.memory_space<semaphore_mem>>) src(%dma_wait3A_331 : memref<128x128xf32, #tpu.memory_space<vmem>>) dst(%dma_wait3A_337 : memref<128x128xf32, #tpu.memory_space<vmem_shared>>)
    %add3A_340 = arith.constant 160 : i32
    %add3A_341 = arith.addi %add3A, %add3A_340 : i32
    %mul3A_342 = arith.constant 128 : i32
    %mul3A_343 = arith.muli %add3A_341, %mul3A_342 : i32
    %add3A_344 = arith.constant 49152 : i32
    %add3A_345 = arith.addi %add3A_344, %mul3A_343 : i32
    %dma_start3A_346 = arith.constant 1 : i32
    %dma_start3A_347 = arith.constant 1 : i32
    %dma_start3A_348 = arith.constant 0 : i32
    %dma_start3A_349 = arith.constant 0 : i32
    %dma_start3A_350 = tpu.memref_slice %arg6[%dma_start3A_346, %dma_start3A_348, %dma_start3A_349] : memref<4x128x128xf32, #tpu.memory_space<vmem>> -> memref<1x128x128xf32, #tpu.memory_space<vmem>>
    %dma_start3A_351 = tpu.memref_squeeze %dma_start3A_350 : memref<1x128x128xf32, #tpu.memory_space<vmem>> -> memref<128x128xf32, #tpu.memory_space<vmem>>
    %dma_start3A_352 = arith.constant 0 : i32
    %dma_start3A_353 = tpu.memref_slice %arg2[%add3A_345, %dma_start3A_352] : memref<100000x128xf32, #tpu.memory_space<hbm>> -> memref<128x128xf32, #tpu.memory_space<hbm>>
    %dma_start3A_354 = tpu.memref_slice %arg11[%dma_start3A_347] : memref<4x!tpu.dma_semaphore, #tpu.memory_space<semaphore_mem>> -> memref<1x!tpu.dma_semaphore, #tpu.memory_space<semaphore_mem>>
    %dma_start3A_355 = tpu.memref_squeeze %dma_start3A_354 : memref<1x!tpu.dma_semaphore, #tpu.memory_space<semaphore_mem>> -> memref<!tpu.dma_semaphore, #tpu.memory_space<semaphore_mem>>
    %dma_start3A_356 = arith.constant 0 : i32
    %dma_start3A_357 = arith.constant 0 : i32
    %dma_start3A_358 = tpu.memref_slice %arg6[%dma_start3A_346, %dma_start3A_356, %dma_start3A_357] : memref<4x128x128xf32, #tpu.memory_space<vmem>> -> memref<1x128x128xf32, #tpu.memory_space<vmem>>
    %dma_start3A_359 = tpu.memref_squeeze %dma_start3A_358 : memref<1x128x128xf32, #tpu.memory_space<vmem>> -> memref<128x128xf32, #tpu.memory_space<vmem>>
    %dma_start3A_360 = arith.constant 0 : i32
    %dma_start3A_361 = tpu.memref_slice %arg2[%add3A_345, %dma_start3A_360] : memref<100000x128xf32, #tpu.memory_space<hbm>> -> memref<128x128xf32, #tpu.memory_space<hbm>>
    tpu.enqueue_dma source(%dma_start3A_361 : memref<128x128xf32, #tpu.memory_space<hbm>>) target(%dma_start3A_359 : memref<128x128xf32, #tpu.memory_space<vmem>>) target_semaphore(%dma_start3A_355 : memref<!tpu.dma_semaphore, #tpu.memory_space<semaphore_mem>>)
    %mul3A_362 = arith.constant 128 : i32
    %mul3A_363 = arith.muli %add3A_341, %mul3A_362 : i32
    %dma_start3A_364 = arith.constant 1 : i32
    %dma_start3A_365 = arith.constant 1 : i32
    %dma_start3A_366 = arith.constant 0 : i32
    %dma_start3A_367 = tpu.memref_slice %arg7[%dma_start3A_364, %dma_start3A_366] : memref<4x128xi32, #tpu.memory_space<vmem>> -> memref<1x128xi32, #tpu.memory_space<vmem>>
    %dma_start3A_368 = tpu.memref_squeeze %dma_start3A_367 : memref<1x128xi32, #tpu.memory_space<vmem>> -> memref<128xi32, #tpu.memory_space<vmem>>
    %dma_start3A_369 = tpu.memref_slice %arg3[%mul3A_363] : memref<53248xi32, #tpu.memory_space<hbm>> -> memref<128xi32, #tpu.memory_space<hbm>>
    %dma_start3A_370 = tpu.memref_slice %arg12[%dma_start3A_365] : memref<4x!tpu.dma_semaphore, #tpu.memory_space<semaphore_mem>> -> memref<1x!tpu.dma_semaphore, #tpu.memory_space<semaphore_mem>>
    %dma_start3A_371 = tpu.memref_squeeze %dma_start3A_370 : memref<1x!tpu.dma_semaphore, #tpu.memory_space<semaphore_mem>> -> memref<!tpu.dma_semaphore, #tpu.memory_space<semaphore_mem>>
    %dma_start3A_372 = arith.constant 0 : i32
    %dma_start3A_373 = tpu.memref_slice %arg7[%dma_start3A_364, %dma_start3A_372] : memref<4x128xi32, #tpu.memory_space<vmem>> -> memref<1x128xi32, #tpu.memory_space<vmem>>
    %dma_start3A_374 = tpu.memref_squeeze %dma_start3A_373 : memref<1x128xi32, #tpu.memory_space<vmem>> -> memref<128xi32, #tpu.memory_space<vmem>>
    %dma_start3A_375 = tpu.memref_slice %arg3[%mul3A_363] : memref<53248xi32, #tpu.memory_space<hbm>> -> memref<128xi32, #tpu.memory_space<hbm>>
    tpu.enqueue_dma source(%dma_start3A_375 : memref<128xi32, #tpu.memory_space<hbm>>) target(%dma_start3A_374 : memref<128xi32, #tpu.memory_space<vmem>>) target_semaphore(%dma_start3A_371 : memref<!tpu.dma_semaphore, #tpu.memory_space<semaphore_mem>>)
    %dma_wait3A_376 = arith.constant 3 : i32
    %dma_wait3A_377 = arith.constant 3 : i32
    %dma_wait3A_378 = arith.constant 0 : i32
    %dma_wait3A_379 = arith.constant 0 : i32
    %dma_wait3A_380 = tpu.memref_slice %arg6[%dma_wait3A_376, %dma_wait3A_378, %dma_wait3A_379] : memref<4x128x128xf32, #tpu.memory_space<vmem>> -> memref<1x128x128xf32, #tpu.memory_space<vmem>>
    %dma_wait3A_381 = tpu.memref_squeeze %dma_wait3A_380 : memref<1x128x128xf32, #tpu.memory_space<vmem>> -> memref<128x128xf32, #tpu.memory_space<vmem>>
    %dma_wait3A_382 = arith.constant 0 : i32
    %dma_wait3A_383 = tpu.memref_slice %arg2[%add3A_157, %dma_wait3A_382] : memref<100000x128xf32, #tpu.memory_space<hbm>> -> memref<128x128xf32, #tpu.memory_space<hbm>>
    %dma_wait3A_384 = tpu.memref_slice %arg11[%dma_wait3A_377] : memref<4x!tpu.dma_semaphore, #tpu.memory_space<semaphore_mem>> -> memref<1x!tpu.dma_semaphore, #tpu.memory_space<semaphore_mem>>
    %dma_wait3A_385 = tpu.memref_squeeze %dma_wait3A_384 : memref<1x!tpu.dma_semaphore, #tpu.memory_space<semaphore_mem>> -> memref<!tpu.dma_semaphore, #tpu.memory_space<semaphore_mem>>
    %dma_wait3A_386 = arith.constant 0 : i32
    %dma_wait3A_387 = arith.constant 0 : i32
    %dma_wait3A_388 = tpu.memref_slice %arg6[%dma_wait3A_376, %dma_wait3A_386, %dma_wait3A_387] : memref<4x128x128xf32, #tpu.memory_space<vmem>> -> memref<1x128x128xf32, #tpu.memory_space<vmem>>
    %dma_wait3A_389 = tpu.memref_squeeze %dma_wait3A_388 : memref<1x128x128xf32, #tpu.memory_space<vmem>> -> memref<128x128xf32, #tpu.memory_space<vmem>>
    %dma_wait3A_390 = arith.constant 0 : i32
    %dma_wait3A_391 = tpu.memref_slice %arg2[%add3A_157, %dma_wait3A_390] : memref<100000x128xf32, #tpu.memory_space<hbm>> -> memref<128x128xf32, #tpu.memory_space<hbm>>
    tpu.wait_dma2 semaphore(%dma_wait3A_385 : memref<!tpu.dma_semaphore, #tpu.memory_space<semaphore_mem>>) src(%dma_wait3A_391 : memref<128x128xf32, #tpu.memory_space<hbm>>) dst(%dma_wait3A_389 : memref<128x128xf32, #tpu.memory_space<vmem>>)
    %dma_wait3A_392 = arith.constant 3 : i32
    %dma_wait3A_393 = arith.constant 3 : i32
    %dma_wait3A_394 = arith.constant 0 : i32
    %dma_wait3A_395 = tpu.memref_slice %arg7[%dma_wait3A_392, %dma_wait3A_394] : memref<4x128xi32, #tpu.memory_space<vmem>> -> memref<1x128xi32, #tpu.memory_space<vmem>>
    %dma_wait3A_396 = tpu.memref_squeeze %dma_wait3A_395 : memref<1x128xi32, #tpu.memory_space<vmem>> -> memref<128xi32, #tpu.memory_space<vmem>>
    %dma_wait3A_397 = tpu.memref_slice %arg3[%mul3A_175] : memref<53248xi32, #tpu.memory_space<hbm>> -> memref<128xi32, #tpu.memory_space<hbm>>
    %dma_wait3A_398 = tpu.memref_slice %arg12[%dma_wait3A_393] : memref<4x!tpu.dma_semaphore, #tpu.memory_space<semaphore_mem>> -> memref<1x!tpu.dma_semaphore, #tpu.memory_space<semaphore_mem>>
    %dma_wait3A_399 = tpu.memref_squeeze %dma_wait3A_398 : memref<1x!tpu.dma_semaphore, #tpu.memory_space<semaphore_mem>> -> memref<!tpu.dma_semaphore, #tpu.memory_space<semaphore_mem>>
    %dma_wait3A_400 = arith.constant 0 : i32
    %dma_wait3A_401 = tpu.memref_slice %arg7[%dma_wait3A_392, %dma_wait3A_400] : memref<4x128xi32, #tpu.memory_space<vmem>> -> memref<1x128xi32, #tpu.memory_space<vmem>>
    %dma_wait3A_402 = tpu.memref_squeeze %dma_wait3A_401 : memref<1x128xi32, #tpu.memory_space<vmem>> -> memref<128xi32, #tpu.memory_space<vmem>>
    %dma_wait3A_403 = tpu.memref_slice %arg3[%mul3A_175] : memref<53248xi32, #tpu.memory_space<hbm>> -> memref<128xi32, #tpu.memory_space<hbm>>
    tpu.wait_dma2 semaphore(%dma_wait3A_399 : memref<!tpu.dma_semaphore, #tpu.memory_space<semaphore_mem>>) src(%dma_wait3A_403 : memref<128xi32, #tpu.memory_space<hbm>>) dst(%dma_wait3A_402 : memref<128xi32, #tpu.memory_space<vmem>>)
    %dma_start3A_404 = arith.constant 3 : i32
    %dma_start3A_405 = arith.constant 3 : i32
    %dma_start3A_406 = arith.constant 3 : i32
    %dma_start3A_407 = arith.constant 0 : i32
    %dma_start3A_408 = arith.constant 0 : i32
    %dma_start3A_409 = tpu.memref_slice %arg6[%dma_start3A_404, %dma_start3A_407, %dma_start3A_408] : memref<4x128x128xf32, #tpu.memory_space<vmem>> -> memref<1x128x128xf32, #tpu.memory_space<vmem>>
    %dma_start3A_410 = tpu.memref_squeeze %dma_start3A_409 : memref<1x128x128xf32, #tpu.memory_space<vmem>> -> memref<128x128xf32, #tpu.memory_space<vmem>>
    %dma_start3A_411 = arith.constant 0 : i32
    %dma_start3A_412 = tpu.memref_slice %arg7[%dma_start3A_405, %dma_start3A_411] : memref<4x128xi32, #tpu.memory_space<vmem>> -> memref<1x128xi32, #tpu.memory_space<vmem>>
    %dma_start3A_413 = tpu.memref_squeeze %dma_start3A_412 : memref<1x128xi32, #tpu.memory_space<vmem>> -> memref<128xi32, #tpu.memory_space<vmem>>
    %dma_start3A_414 = arith.constant 0 : i32
    %dma_start3A_415 = arith.constant 0 : i32
    %dma_start3A_416 = tpu.memref_slice %arg10[%dma_start3A_414, %dma_start3A_415] : memref<128x128xf32, #tpu.memory_space<vmem_shared>> -> memref<128x128xf32, #tpu.memory_space<vmem_shared>>
    %dma_start3A_417 = tpu.memref_slice %arg13[%dma_start3A_406] : memref<4x!tpu.dma_semaphore, #tpu.memory_space<semaphore_mem>> -> memref<1x!tpu.dma_semaphore, #tpu.memory_space<semaphore_mem>>
    %dma_start3A_418 = tpu.memref_squeeze %dma_start3A_417 : memref<1x!tpu.dma_semaphore, #tpu.memory_space<semaphore_mem>> -> memref<!tpu.dma_semaphore, #tpu.memory_space<semaphore_mem>>
    tpu.enqueue_indirect_dma source(%dma_start3A_410 : memref<128x128xf32, #tpu.memory_space<vmem>>) target(%dma_start3A_416 : memref<128x128xf32, #tpu.memory_space<vmem_shared>>) offsets(%dma_start3A_413 : memref<128xi32, #tpu.memory_space<vmem>>) semaphore(%dma_start3A_418 : memref<!tpu.dma_semaphore, #tpu.memory_space<semaphore_mem>>) {add = true}
    %dma_wait3A_419 = arith.constant 2 : i32
    %dma_wait3A_420 = arith.constant 2 : i32
    %dma_wait3A_421 = arith.constant 2 : i32
    %dma_wait3A_422 = arith.constant 0 : i32
    %dma_wait3A_423 = arith.constant 0 : i32
    %dma_wait3A_424 = tpu.memref_slice %arg6[%dma_wait3A_419, %dma_wait3A_422, %dma_wait3A_423] : memref<4x128x128xf32, #tpu.memory_space<vmem>> -> memref<1x128x128xf32, #tpu.memory_space<vmem>>
    %dma_wait3A_425 = tpu.memref_squeeze %dma_wait3A_424 : memref<1x128x128xf32, #tpu.memory_space<vmem>> -> memref<128x128xf32, #tpu.memory_space<vmem>>
    %dma_wait3A_426 = arith.constant 0 : i32
    %dma_wait3A_427 = tpu.memref_slice %arg7[%dma_wait3A_420, %dma_wait3A_426] : memref<4x128xi32, #tpu.memory_space<vmem>> -> memref<1x128xi32, #tpu.memory_space<vmem>>
    %dma_wait3A_428 = tpu.memref_squeeze %dma_wait3A_427 : memref<1x128xi32, #tpu.memory_space<vmem>> -> memref<128xi32, #tpu.memory_space<vmem>>
    %dma_wait3A_429 = arith.constant 0 : i32
    %dma_wait3A_430 = arith.constant 0 : i32
    %dma_wait3A_431 = tpu.memref_slice %arg10[%dma_wait3A_429, %dma_wait3A_430] : memref<128x128xf32, #tpu.memory_space<vmem_shared>> -> memref<128x128xf32, #tpu.memory_space<vmem_shared>>
    %dma_wait3A_432 = tpu.memref_slice %arg13[%dma_wait3A_421] : memref<4x!tpu.dma_semaphore, #tpu.memory_space<semaphore_mem>> -> memref<1x!tpu.dma_semaphore, #tpu.memory_space<semaphore_mem>>
    %dma_wait3A_433 = tpu.memref_squeeze %dma_wait3A_432 : memref<1x!tpu.dma_semaphore, #tpu.memory_space<semaphore_mem>> -> memref<!tpu.dma_semaphore, #tpu.memory_space<semaphore_mem>>
    tpu.wait_indirect_dma semaphore(%dma_wait3A_433 : memref<!tpu.dma_semaphore, #tpu.memory_space<semaphore_mem>>) src(%dma_wait3A_425 : memref<128x128xf32, #tpu.memory_space<vmem>>) dst(%dma_wait3A_431 : memref<128x128xf32, #tpu.memory_space<vmem_shared>>)
    %add3A_434 = arith.constant 192 : i32
    %add3A_435 = arith.addi %add3A, %add3A_434 : i32
    %mul3A_436 = arith.constant 128 : i32
    %mul3A_437 = arith.muli %add3A_435, %mul3A_436 : i32
    %add3A_438 = arith.constant 49152 : i32
    %add3A_439 = arith.addi %add3A_438, %mul3A_437 : i32
    %dma_start3A_440 = arith.constant 2 : i32
    %dma_start3A_441 = arith.constant 2 : i32
    %dma_start3A_442 = arith.constant 0 : i32
    %dma_start3A_443 = arith.constant 0 : i32
    %dma_start3A_444 = tpu.memref_slice %arg6[%dma_start3A_440, %dma_start3A_442, %dma_start3A_443] : memref<4x128x128xf32, #tpu.memory_space<vmem>> -> memref<1x128x128xf32, #tpu.memory_space<vmem>>
    %dma_start3A_445 = tpu.memref_squeeze %dma_start3A_444 : memref<1x128x128xf32, #tpu.memory_space<vmem>> -> memref<128x128xf32, #tpu.memory_space<vmem>>
    %dma_start3A_446 = arith.constant 0 : i32
    %dma_start3A_447 = tpu.memref_slice %arg2[%add3A_439, %dma_start3A_446] : memref<100000x128xf32, #tpu.memory_space<hbm>> -> memref<128x128xf32, #tpu.memory_space<hbm>>
    %dma_start3A_448 = tpu.memref_slice %arg11[%dma_start3A_441] : memref<4x!tpu.dma_semaphore, #tpu.memory_space<semaphore_mem>> -> memref<1x!tpu.dma_semaphore, #tpu.memory_space<semaphore_mem>>
    %dma_start3A_449 = tpu.memref_squeeze %dma_start3A_448 : memref<1x!tpu.dma_semaphore, #tpu.memory_space<semaphore_mem>> -> memref<!tpu.dma_semaphore, #tpu.memory_space<semaphore_mem>>
    %dma_start3A_450 = arith.constant 0 : i32
    %dma_start3A_451 = arith.constant 0 : i32
    %dma_start3A_452 = tpu.memref_slice %arg6[%dma_start3A_440, %dma_start3A_450, %dma_start3A_451] : memref<4x128x128xf32, #tpu.memory_space<vmem>> -> memref<1x128x128xf32, #tpu.memory_space<vmem>>
    %dma_start3A_453 = tpu.memref_squeeze %dma_start3A_452 : memref<1x128x128xf32, #tpu.memory_space<vmem>> -> memref<128x128xf32, #tpu.memory_space<vmem>>
    %dma_start3A_454 = arith.constant 0 : i32
    %dma_start3A_455 = tpu.memref_slice %arg2[%add3A_439, %dma_start3A_454] : memref<100000x128xf32, #tpu.memory_space<hbm>> -> memref<128x128xf32, #tpu.memory_space<hbm>>
    tpu.enqueue_dma source(%dma_start3A_455 : memref<128x128xf32, #tpu.memory_space<hbm>>) target(%dma_start3A_453 : memref<128x128xf32, #tpu.memory_space<vmem>>) target_semaphore(%dma_start3A_449 : memref<!tpu.dma_semaphore, #tpu.memory_space<semaphore_mem>>)
    %mul3A_456 = arith.constant 128 : i32
    %mul3A_457 = arith.muli %add3A_435, %mul3A_456 : i32
    %dma_start3A_458 = arith.constant 2 : i32
    %dma_start3A_459 = arith.constant 2 : i32
    %dma_start3A_460 = arith.constant 0 : i32
    %dma_start3A_461 = tpu.memref_slice %arg7[%dma_start3A_458, %dma_start3A_460] : memref<4x128xi32, #tpu.memory_space<vmem>> -> memref<1x128xi32, #tpu.memory_space<vmem>>
    %dma_start3A_462 = tpu.memref_squeeze %dma_start3A_461 : memref<1x128xi32, #tpu.memory_space<vmem>> -> memref<128xi32, #tpu.memory_space<vmem>>
    %dma_start3A_463 = tpu.memref_slice %arg3[%mul3A_457] : memref<53248xi32, #tpu.memory_space<hbm>> -> memref<128xi32, #tpu.memory_space<hbm>>
    %dma_start3A_464 = tpu.memref_slice %arg12[%dma_start3A_459] : memref<4x!tpu.dma_semaphore, #tpu.memory_space<semaphore_mem>> -> memref<1x!tpu.dma_semaphore, #tpu.memory_space<semaphore_mem>>
    %dma_start3A_465 = tpu.memref_squeeze %dma_start3A_464 : memref<1x!tpu.dma_semaphore, #tpu.memory_space<semaphore_mem>> -> memref<!tpu.dma_semaphore, #tpu.memory_space<semaphore_mem>>
    %dma_start3A_466 = arith.constant 0 : i32
    %dma_start3A_467 = tpu.memref_slice %arg7[%dma_start3A_458, %dma_start3A_466] : memref<4x128xi32, #tpu.memory_space<vmem>> -> memref<1x128xi32, #tpu.memory_space<vmem>>
    %dma_start3A_468 = tpu.memref_squeeze %dma_start3A_467 : memref<1x128xi32, #tpu.memory_space<vmem>> -> memref<128xi32, #tpu.memory_space<vmem>>
    %dma_start3A_469 = tpu.memref_slice %arg3[%mul3A_457] : memref<53248xi32, #tpu.memory_space<hbm>> -> memref<128xi32, #tpu.memory_space<hbm>>
    tpu.enqueue_dma source(%dma_start3A_469 : memref<128xi32, #tpu.memory_space<hbm>>) target(%dma_start3A_468 : memref<128xi32, #tpu.memory_space<vmem>>) target_semaphore(%dma_start3A_465 : memref<!tpu.dma_semaphore, #tpu.memory_space<semaphore_mem>>)
    %dma_wait3A_470 = arith.constant 0 : i32
    %dma_wait3A_471 = arith.constant 0 : i32
    %dma_wait3A_472 = arith.constant 0 : i32
    %dma_wait3A_473 = arith.constant 0 : i32
    %dma_wait3A_474 = tpu.memref_slice %arg6[%dma_wait3A_470, %dma_wait3A_472, %dma_wait3A_473] : memref<4x128x128xf32, #tpu.memory_space<vmem>> -> memref<1x128x128xf32, #tpu.memory_space<vmem>>
    %dma_wait3A_475 = tpu.memref_squeeze %dma_wait3A_474 : memref<1x128x128xf32, #tpu.memory_space<vmem>> -> memref<128x128xf32, #tpu.memory_space<vmem>>
    %dma_wait3A_476 = arith.constant 0 : i32
    %dma_wait3A_477 = tpu.memref_slice %arg2[%add3A_251, %dma_wait3A_476] : memref<100000x128xf32, #tpu.memory_space<hbm>> -> memref<128x128xf32, #tpu.memory_space<hbm>>
    %dma_wait3A_478 = tpu.memref_slice %arg11[%dma_wait3A_471] : memref<4x!tpu.dma_semaphore, #tpu.memory_space<semaphore_mem>> -> memref<1x!tpu.dma_semaphore, #tpu.memory_space<semaphore_mem>>
    %dma_wait3A_479 = tpu.memref_squeeze %dma_wait3A_478 : memref<1x!tpu.dma_semaphore, #tpu.memory_space<semaphore_mem>> -> memref<!tpu.dma_semaphore, #tpu.memory_space<semaphore_mem>>
    %dma_wait3A_480 = arith.constant 0 : i32
    %dma_wait3A_481 = arith.constant 0 : i32
    %dma_wait3A_482 = tpu.memref_slice %arg6[%dma_wait3A_470, %dma_wait3A_480, %dma_wait3A_481] : memref<4x128x128xf32, #tpu.memory_space<vmem>> -> memref<1x128x128xf32, #tpu.memory_space<vmem>>
    %dma_wait3A_483 = tpu.memref_squeeze %dma_wait3A_482 : memref<1x128x128xf32, #tpu.memory_space<vmem>> -> memref<128x128xf32, #tpu.memory_space<vmem>>
    %dma_wait3A_484 = arith.constant 0 : i32
    %dma_wait3A_485 = tpu.memref_slice %arg2[%add3A_251, %dma_wait3A_484] : memref<100000x128xf32, #tpu.memory_space<hbm>> -> memref<128x128xf32, #tpu.memory_space<hbm>>
    tpu.wait_dma2 semaphore(%dma_wait3A_479 : memref<!tpu.dma_semaphore, #tpu.memory_space<semaphore_mem>>) src(%dma_wait3A_485 : memref<128x128xf32, #tpu.memory_space<hbm>>) dst(%dma_wait3A_483 : memref<128x128xf32, #tpu.memory_space<vmem>>)
    %dma_wait3A_486 = arith.constant 0 : i32
    %dma_wait3A_487 = arith.constant 0 : i32
    %dma_wait3A_488 = arith.constant 0 : i32
    %dma_wait3A_489 = tpu.memref_slice %arg7[%dma_wait3A_486, %dma_wait3A_488] : memref<4x128xi32, #tpu.memory_space<vmem>> -> memref<1x128xi32, #tpu.memory_space<vmem>>
    %dma_wait3A_490 = tpu.memref_squeeze %dma_wait3A_489 : memref<1x128xi32, #tpu.memory_space<vmem>> -> memref<128xi32, #tpu.memory_space<vmem>>
    %dma_wait3A_491 = tpu.memref_slice %arg3[%mul3A_269] : memref<53248xi32, #tpu.memory_space<hbm>> -> memref<128xi32, #tpu.memory_space<hbm>>
    %dma_wait3A_492 = tpu.memref_slice %arg12[%dma_wait3A_487] : memref<4x!tpu.dma_semaphore, #tpu.memory_space<semaphore_mem>> -> memref<1x!tpu.dma_semaphore, #tpu.memory_space<semaphore_mem>>
    %dma_wait3A_493 = tpu.memref_squeeze %dma_wait3A_492 : memref<1x!tpu.dma_semaphore, #tpu.memory_space<semaphore_mem>> -> memref<!tpu.dma_semaphore, #tpu.memory_space<semaphore_mem>>
    %dma_wait3A_494 = arith.constant 0 : i32
    %dma_wait3A_495 = tpu.memref_slice %arg7[%dma_wait3A_486, %dma_wait3A_494] : memref<4x128xi32, #tpu.memory_space<vmem>> -> memref<1x128xi32, #tpu.memory_space<vmem>>
    %dma_wait3A_496 = tpu.memref_squeeze %dma_wait3A_495 : memref<1x128xi32, #tpu.memory_space<vmem>> -> memref<128xi32, #tpu.memory_space<vmem>>
    %dma_wait3A_497 = tpu.memref_slice %arg3[%mul3A_269] : memref<53248xi32, #tpu.memory_space<hbm>> -> memref<128xi32, #tpu.memory_space<hbm>>
    tpu.wait_dma2 semaphore(%dma_wait3A_493 : memref<!tpu.dma_semaphore, #tpu.memory_space<semaphore_mem>>) src(%dma_wait3A_497 : memref<128xi32, #tpu.memory_space<hbm>>) dst(%dma_wait3A_496 : memref<128xi32, #tpu.memory_space<vmem>>)
    %dma_start3A_498 = arith.constant 0 : i32
    %dma_start3A_499 = arith.constant 0 : i32
    %dma_start3A_500 = arith.constant 0 : i32
    %dma_start3A_501 = arith.constant 0 : i32
    %dma_start3A_502 = arith.constant 0 : i32
    %dma_start3A_503 = tpu.memref_slice %arg6[%dma_start3A_498, %dma_start3A_501, %dma_start3A_502] : memref<4x128x128xf32, #tpu.memory_space<vmem>> -> memref<1x128x128xf32, #tpu.memory_space<vmem>>
    %dma_start3A_504 = tpu.memref_squeeze %dma_start3A_503 : memref<1x128x128xf32, #tpu.memory_space<vmem>> -> memref<128x128xf32, #tpu.memory_space<vmem>>
    %dma_start3A_505 = arith.constant 0 : i32
    %dma_start3A_506 = tpu.memref_slice %arg7[%dma_start3A_499, %dma_start3A_505] : memref<4x128xi32, #tpu.memory_space<vmem>> -> memref<1x128xi32, #tpu.memory_space<vmem>>
    %dma_start3A_507 = tpu.memref_squeeze %dma_start3A_506 : memref<1x128xi32, #tpu.memory_space<vmem>> -> memref<128xi32, #tpu.memory_space<vmem>>
    %dma_start3A_508 = arith.constant 0 : i32
    %dma_start3A_509 = arith.constant 0 : i32
    %dma_start3A_510 = tpu.memref_slice %arg10[%dma_start3A_508, %dma_start3A_509] : memref<128x128xf32, #tpu.memory_space<vmem_shared>> -> memref<128x128xf32, #tpu.memory_space<vmem_shared>>
    %dma_start3A_511 = tpu.memref_slice %arg13[%dma_start3A_500] : memref<4x!tpu.dma_semaphore, #tpu.memory_space<semaphore_mem>> -> memref<1x!tpu.dma_semaphore, #tpu.memory_space<semaphore_mem>>
    %dma_start3A_512 = tpu.memref_squeeze %dma_start3A_511 : memref<1x!tpu.dma_semaphore, #tpu.memory_space<semaphore_mem>> -> memref<!tpu.dma_semaphore, #tpu.memory_space<semaphore_mem>>
    tpu.enqueue_indirect_dma source(%dma_start3A_504 : memref<128x128xf32, #tpu.memory_space<vmem>>) target(%dma_start3A_510 : memref<128x128xf32, #tpu.memory_space<vmem_shared>>) offsets(%dma_start3A_507 : memref<128xi32, #tpu.memory_space<vmem>>) semaphore(%dma_start3A_512 : memref<!tpu.dma_semaphore, #tpu.memory_space<semaphore_mem>>) {add = true}
    %dma_wait3A_513 = arith.constant 3 : i32
    %dma_wait3A_514 = arith.constant 3 : i32
    %dma_wait3A_515 = arith.constant 3 : i32
    %dma_wait3A_516 = arith.constant 0 : i32
    %dma_wait3A_517 = arith.constant 0 : i32
    %dma_wait3A_518 = tpu.memref_slice %arg6[%dma_wait3A_513, %dma_wait3A_516, %dma_wait3A_517] : memref<4x128x128xf32, #tpu.memory_space<vmem>> -> memref<1x128x128xf32, #tpu.memory_space<vmem>>
    %dma_wait3A_519 = tpu.memref_squeeze %dma_wait3A_518 : memref<1x128x128xf32, #tpu.memory_space<vmem>> -> memref<128x128xf32, #tpu.memory_space<vmem>>
    %dma_wait3A_520 = arith.constant 0 : i32
    %dma_wait3A_521 = tpu.memref_slice %arg7[%dma_wait3A_514, %dma_wait3A_520] : memref<4x128xi32, #tpu.memory_space<vmem>> -> memref<1x128xi32, #tpu.memory_space<vmem>>
    %dma_wait3A_522 = tpu.memref_squeeze %dma_wait3A_521 : memref<1x128xi32, #tpu.memory_space<vmem>> -> memref<128xi32, #tpu.memory_space<vmem>>
    %dma_wait3A_523 = arith.constant 0 : i32
    %dma_wait3A_524 = arith.constant 0 : i32
    %dma_wait3A_525 = tpu.memref_slice %arg10[%dma_wait3A_523, %dma_wait3A_524] : memref<128x128xf32, #tpu.memory_space<vmem_shared>> -> memref<128x128xf32, #tpu.memory_space<vmem_shared>>
    %dma_wait3A_526 = tpu.memref_slice %arg13[%dma_wait3A_515] : memref<4x!tpu.dma_semaphore, #tpu.memory_space<semaphore_mem>> -> memref<1x!tpu.dma_semaphore, #tpu.memory_space<semaphore_mem>>
    %dma_wait3A_527 = tpu.memref_squeeze %dma_wait3A_526 : memref<1x!tpu.dma_semaphore, #tpu.memory_space<semaphore_mem>> -> memref<!tpu.dma_semaphore, #tpu.memory_space<semaphore_mem>>
    tpu.wait_indirect_dma semaphore(%dma_wait3A_527 : memref<!tpu.dma_semaphore, #tpu.memory_space<semaphore_mem>>) src(%dma_wait3A_519 : memref<128x128xf32, #tpu.memory_space<vmem>>) dst(%dma_wait3A_525 : memref<128x128xf32, #tpu.memory_space<vmem_shared>>)
    %add3A_528 = arith.constant 224 : i32
    %add3A_529 = arith.addi %add3A, %add3A_528 : i32
    %mul3A_530 = arith.constant 128 : i32
    %mul3A_531 = arith.muli %add3A_529, %mul3A_530 : i32
    %add3A_532 = arith.constant 49152 : i32
    %add3A_533 = arith.addi %add3A_532, %mul3A_531 : i32
    %dma_start3A_534 = arith.constant 3 : i32
    %dma_start3A_535 = arith.constant 3 : i32
    %dma_start3A_536 = arith.constant 0 : i32
    %dma_start3A_537 = arith.constant 0 : i32
    %dma_start3A_538 = tpu.memref_slice %arg6[%dma_start3A_534, %dma_start3A_536, %dma_start3A_537] : memref<4x128x128xf32, #tpu.memory_space<vmem>> -> memref<1x128x128xf32, #tpu.memory_space<vmem>>
    %dma_start3A_539 = tpu.memref_squeeze %dma_start3A_538 : memref<1x128x128xf32, #tpu.memory_space<vmem>> -> memref<128x128xf32, #tpu.memory_space<vmem>>
    %dma_start3A_540 = arith.constant 0 : i32
    %dma_start3A_541 = tpu.memref_slice %arg2[%add3A_533, %dma_start3A_540] : memref<100000x128xf32, #tpu.memory_space<hbm>> -> memref<128x128xf32, #tpu.memory_space<hbm>>
    %dma_start3A_542 = tpu.memref_slice %arg11[%dma_start3A_535] : memref<4x!tpu.dma_semaphore, #tpu.memory_space<semaphore_mem>> -> memref<1x!tpu.dma_semaphore, #tpu.memory_space<semaphore_mem>>
    %dma_start3A_543 = tpu.memref_squeeze %dma_start3A_542 : memref<1x!tpu.dma_semaphore, #tpu.memory_space<semaphore_mem>> -> memref<!tpu.dma_semaphore, #tpu.memory_space<semaphore_mem>>
    %dma_start3A_544 = arith.constant 0 : i32
    %dma_start3A_545 = arith.constant 0 : i32
    %dma_start3A_546 = tpu.memref_slice %arg6[%dma_start3A_534, %dma_start3A_544, %dma_start3A_545] : memref<4x128x128xf32, #tpu.memory_space<vmem>> -> memref<1x128x128xf32, #tpu.memory_space<vmem>>
    %dma_start3A_547 = tpu.memref_squeeze %dma_start3A_546 : memref<1x128x128xf32, #tpu.memory_space<vmem>> -> memref<128x128xf32, #tpu.memory_space<vmem>>
    %dma_start3A_548 = arith.constant 0 : i32
    %dma_start3A_549 = tpu.memref_slice %arg2[%add3A_533, %dma_start3A_548] : memref<100000x128xf32, #tpu.memory_space<hbm>> -> memref<128x128xf32, #tpu.memory_space<hbm>>
    tpu.enqueue_dma source(%dma_start3A_549 : memref<128x128xf32, #tpu.memory_space<hbm>>) target(%dma_start3A_547 : memref<128x128xf32, #tpu.memory_space<vmem>>) target_semaphore(%dma_start3A_543 : memref<!tpu.dma_semaphore, #tpu.memory_space<semaphore_mem>>)
    %mul3A_550 = arith.constant 128 : i32
    %mul3A_551 = arith.muli %add3A_529, %mul3A_550 : i32
    %dma_start3A_552 = arith.constant 3 : i32
    %dma_start3A_553 = arith.constant 3 : i32
    %dma_start3A_554 = arith.constant 0 : i32
    %dma_start3A_555 = tpu.memref_slice %arg7[%dma_start3A_552, %dma_start3A_554] : memref<4x128xi32, #tpu.memory_space<vmem>> -> memref<1x128xi32, #tpu.memory_space<vmem>>
    %dma_start3A_556 = tpu.memref_squeeze %dma_start3A_555 : memref<1x128xi32, #tpu.memory_space<vmem>> -> memref<128xi32, #tpu.memory_space<vmem>>
    %dma_start3A_557 = tpu.memref_slice %arg3[%mul3A_551] : memref<53248xi32, #tpu.memory_space<hbm>> -> memref<128xi32, #tpu.memory_space<hbm>>
    %dma_start3A_558 = tpu.memref_slice %arg12[%dma_start3A_553] : memref<4x!tpu.dma_semaphore, #tpu.memory_space<semaphore_mem>> -> memref<1x!tpu.dma_semaphore, #tpu.memory_space<semaphore_mem>>
    %dma_start3A_559 = tpu.memref_squeeze %dma_start3A_558 : memref<1x!tpu.dma_semaphore, #tpu.memory_space<semaphore_mem>> -> memref<!tpu.dma_semaphore, #tpu.memory_space<semaphore_mem>>
    %dma_start3A_560 = arith.constant 0 : i32
    %dma_start3A_561 = tpu.memref_slice %arg7[%dma_start3A_552, %dma_start3A_560] : memref<4x128xi32, #tpu.memory_space<vmem>> -> memref<1x128xi32, #tpu.memory_space<vmem>>
    %dma_start3A_562 = tpu.memref_squeeze %dma_start3A_561 : memref<1x128xi32, #tpu.memory_space<vmem>> -> memref<128xi32, #tpu.memory_space<vmem>>
    %dma_start3A_563 = tpu.memref_slice %arg3[%mul3A_551] : memref<53248xi32, #tpu.memory_space<hbm>> -> memref<128xi32, #tpu.memory_space<hbm>>
    tpu.enqueue_dma source(%dma_start3A_563 : memref<128xi32, #tpu.memory_space<hbm>>) target(%dma_start3A_562 : memref<128xi32, #tpu.memory_space<vmem>>) target_semaphore(%dma_start3A_559 : memref<!tpu.dma_semaphore, #tpu.memory_space<semaphore_mem>>)
    %dma_wait3A_564 = arith.constant 1 : i32
    %dma_wait3A_565 = arith.constant 1 : i32
    %dma_wait3A_566 = arith.constant 0 : i32
    %dma_wait3A_567 = arith.constant 0 : i32
    %dma_wait3A_568 = tpu.memref_slice %arg6[%dma_wait3A_564, %dma_wait3A_566, %dma_wait3A_567] : memref<4x128x128xf32, #tpu.memory_space<vmem>> -> memref<1x128x128xf32, #tpu.memory_space<vmem>>
    %dma_wait3A_569 = tpu.memref_squeeze %dma_wait3A_568 : memref<1x128x128xf32, #tpu.memory_space<vmem>> -> memref<128x128xf32, #tpu.memory_space<vmem>>
    %dma_wait3A_570 = arith.constant 0 : i32
    %dma_wait3A_571 = tpu.memref_slice %arg2[%add3A_345, %dma_wait3A_570] : memref<100000x128xf32, #tpu.memory_space<hbm>> -> memref<128x128xf32, #tpu.memory_space<hbm>>
    %dma_wait3A_572 = tpu.memref_slice %arg11[%dma_wait3A_565] : memref<4x!tpu.dma_semaphore, #tpu.memory_space<semaphore_mem>> -> memref<1x!tpu.dma_semaphore, #tpu.memory_space<semaphore_mem>>
    %dma_wait3A_573 = tpu.memref_squeeze %dma_wait3A_572 : memref<1x!tpu.dma_semaphore, #tpu.memory_space<semaphore_mem>> -> memref<!tpu.dma_semaphore, #tpu.memory_space<semaphore_mem>>
    %dma_wait3A_574 = arith.constant 0 : i32
    %dma_wait3A_575 = arith.constant 0 : i32
    %dma_wait3A_576 = tpu.memref_slice %arg6[%dma_wait3A_564, %dma_wait3A_574, %dma_wait3A_575] : memref<4x128x128xf32, #tpu.memory_space<vmem>> -> memref<1x128x128xf32, #tpu.memory_space<vmem>>
    %dma_wait3A_577 = tpu.memref_squeeze %dma_wait3A_576 : memref<1x128x128xf32, #tpu.memory_space<vmem>> -> memref<128x128xf32, #tpu.memory_space<vmem>>
    %dma_wait3A_578 = arith.constant 0 : i32
    %dma_wait3A_579 = tpu.memref_slice %arg2[%add3A_345, %dma_wait3A_578] : memref<100000x128xf32, #tpu.memory_space<hbm>> -> memref<128x128xf32, #tpu.memory_space<hbm>>
    tpu.wait_dma2 semaphore(%dma_wait3A_573 : memref<!tpu.dma_semaphore, #tpu.memory_space<semaphore_mem>>) src(%dma_wait3A_579 : memref<128x128xf32, #tpu.memory_space<hbm>>) dst(%dma_wait3A_577 : memref<128x128xf32, #tpu.memory_space<vmem>>)
    %dma_wait3A_580 = arith.constant 1 : i32
    %dma_wait3A_581 = arith.constant 1 : i32
    %dma_wait3A_582 = arith.constant 0 : i32
    %dma_wait3A_583 = tpu.memref_slice %arg7[%dma_wait3A_580, %dma_wait3A_582] : memref<4x128xi32, #tpu.memory_space<vmem>> -> memref<1x128xi32, #tpu.memory_space<vmem>>
    %dma_wait3A_584 = tpu.memref_squeeze %dma_wait3A_583 : memref<1x128xi32, #tpu.memory_space<vmem>> -> memref<128xi32, #tpu.memory_space<vmem>>
    %dma_wait3A_585 = tpu.memref_slice %arg3[%mul3A_363] : memref<53248xi32, #tpu.memory_space<hbm>> -> memref<128xi32, #tpu.memory_space<hbm>>
    %dma_wait3A_586 = tpu.memref_slice %arg12[%dma_wait3A_581] : memref<4x!tpu.dma_semaphore, #tpu.memory_space<semaphore_mem>> -> memref<1x!tpu.dma_semaphore, #tpu.memory_space<semaphore_mem>>
    %dma_wait3A_587 = tpu.memref_squeeze %dma_wait3A_586 : memref<1x!tpu.dma_semaphore, #tpu.memory_space<semaphore_mem>> -> memref<!tpu.dma_semaphore, #tpu.memory_space<semaphore_mem>>
    %dma_wait3A_588 = arith.constant 0 : i32
    %dma_wait3A_589 = tpu.memref_slice %arg7[%dma_wait3A_580, %dma_wait3A_588] : memref<4x128xi32, #tpu.memory_space<vmem>> -> memref<1x128xi32, #tpu.memory_space<vmem>>
    %dma_wait3A_590 = tpu.memref_squeeze %dma_wait3A_589 : memref<1x128xi32, #tpu.memory_space<vmem>> -> memref<128xi32, #tpu.memory_space<vmem>>
    %dma_wait3A_591 = tpu.memref_slice %arg3[%mul3A_363] : memref<53248xi32, #tpu.memory_space<hbm>> -> memref<128xi32, #tpu.memory_space<hbm>>
    tpu.wait_dma2 semaphore(%dma_wait3A_587 : memref<!tpu.dma_semaphore, #tpu.memory_space<semaphore_mem>>) src(%dma_wait3A_591 : memref<128xi32, #tpu.memory_space<hbm>>) dst(%dma_wait3A_590 : memref<128xi32, #tpu.memory_space<vmem>>)
    %dma_start3A_592 = arith.constant 1 : i32
    %dma_start3A_593 = arith.constant 1 : i32
    %dma_start3A_594 = arith.constant 1 : i32
    %dma_start3A_595 = arith.constant 0 : i32
    %dma_start3A_596 = arith.constant 0 : i32
    %dma_start3A_597 = tpu.memref_slice %arg6[%dma_start3A_592, %dma_start3A_595, %dma_start3A_596] : memref<4x128x128xf32, #tpu.memory_space<vmem>> -> memref<1x128x128xf32, #tpu.memory_space<vmem>>
    %dma_start3A_598 = tpu.memref_squeeze %dma_start3A_597 : memref<1x128x128xf32, #tpu.memory_space<vmem>> -> memref<128x128xf32, #tpu.memory_space<vmem>>
    %dma_start3A_599 = arith.constant 0 : i32
    %dma_start3A_600 = tpu.memref_slice %arg7[%dma_start3A_593, %dma_start3A_599] : memref<4x128xi32, #tpu.memory_space<vmem>> -> memref<1x128xi32, #tpu.memory_space<vmem>>
    %dma_start3A_601 = tpu.memref_squeeze %dma_start3A_600 : memref<1x128xi32, #tpu.memory_space<vmem>> -> memref<128xi32, #tpu.memory_space<vmem>>
    %dma_start3A_602 = arith.constant 0 : i32
    %dma_start3A_603 = arith.constant 0 : i32
    %dma_start3A_604 = tpu.memref_slice %arg10[%dma_start3A_602, %dma_start3A_603] : memref<128x128xf32, #tpu.memory_space<vmem_shared>> -> memref<128x128xf32, #tpu.memory_space<vmem_shared>>
    %dma_start3A_605 = tpu.memref_slice %arg13[%dma_start3A_594] : memref<4x!tpu.dma_semaphore, #tpu.memory_space<semaphore_mem>> -> memref<1x!tpu.dma_semaphore, #tpu.memory_space<semaphore_mem>>
    %dma_start3A_606 = tpu.memref_squeeze %dma_start3A_605 : memref<1x!tpu.dma_semaphore, #tpu.memory_space<semaphore_mem>> -> memref<!tpu.dma_semaphore, #tpu.memory_space<semaphore_mem>>
    tpu.enqueue_indirect_dma source(%dma_start3A_598 : memref<128x128xf32, #tpu.memory_space<vmem>>) target(%dma_start3A_604 : memref<128x128xf32, #tpu.memory_space<vmem_shared>>) offsets(%dma_start3A_601 : memref<128xi32, #tpu.memory_space<vmem>>) semaphore(%dma_start3A_606 : memref<!tpu.dma_semaphore, #tpu.memory_space<semaphore_mem>>) {add = true}
    %dma_wait3A_607 = arith.constant 0 : i32
    %dma_wait3A_608 = arith.constant 0 : i32
    %dma_wait3A_609 = arith.constant 0 : i32
    %dma_wait3A_610 = arith.constant 0 : i32
    %dma_wait3A_611 = arith.constant 0 : i32
    %dma_wait3A_612 = tpu.memref_slice %arg6[%dma_wait3A_607, %dma_wait3A_610, %dma_wait3A_611] : memref<4x128x128xf32, #tpu.memory_space<vmem>> -> memref<1x128x128xf32, #tpu.memory_space<vmem>>
    %dma_wait3A_613 = tpu.memref_squeeze %dma_wait3A_612 : memref<1x128x128xf32, #tpu.memory_space<vmem>> -> memref<128x128xf32, #tpu.memory_space<vmem>>
    %dma_wait3A_614 = arith.constant 0 : i32
    %dma_wait3A_615 = tpu.memref_slice %arg7[%dma_wait3A_608, %dma_wait3A_614] : memref<4x128xi32, #tpu.memory_space<vmem>> -> memref<1x128xi32, #tpu.memory_space<vmem>>
    %dma_wait3A_616 = tpu.memref_squeeze %dma_wait3A_615 : memref<1x128xi32, #tpu.memory_space<vmem>> -> memref<128xi32, #tpu.memory_space<vmem>>
    %dma_wait3A_617 = arith.constant 0 : i32
    %dma_wait3A_618 = arith.constant 0 : i32
    %dma_wait3A_619 = tpu.memref_slice %arg10[%dma_wait3A_617, %dma_wait3A_618] : memref<128x128xf32, #tpu.memory_space<vmem_shared>> -> memref<128x128xf32, #tpu.memory_space<vmem_shared>>
    %dma_wait3A_620 = tpu.memref_slice %arg13[%dma_wait3A_609] : memref<4x!tpu.dma_semaphore, #tpu.memory_space<semaphore_mem>> -> memref<1x!tpu.dma_semaphore, #tpu.memory_space<semaphore_mem>>
    %dma_wait3A_621 = tpu.memref_squeeze %dma_wait3A_620 : memref<1x!tpu.dma_semaphore, #tpu.memory_space<semaphore_mem>> -> memref<!tpu.dma_semaphore, #tpu.memory_space<semaphore_mem>>
    tpu.wait_indirect_dma semaphore(%dma_wait3A_621 : memref<!tpu.dma_semaphore, #tpu.memory_space<semaphore_mem>>) src(%dma_wait3A_613 : memref<128x128xf32, #tpu.memory_space<vmem>>) dst(%dma_wait3A_619 : memref<128x128xf32, #tpu.memory_space<vmem_shared>>)
    %add3A_622 = arith.constant 256 : i32
    %add3A_623 = arith.addi %add3A, %add3A_622 : i32
    %mul3A_624 = arith.constant 128 : i32
    %mul3A_625 = arith.muli %add3A_623, %mul3A_624 : i32
    %add3A_626 = arith.constant 49152 : i32
    %add3A_627 = arith.addi %add3A_626, %mul3A_625 : i32
    %dma_start3A_628 = arith.constant 0 : i32
    %dma_start3A_629 = arith.constant 0 : i32
    %dma_start3A_630 = arith.constant 0 : i32
    %dma_start3A_631 = arith.constant 0 : i32
    %dma_start3A_632 = tpu.memref_slice %arg6[%dma_start3A_628, %dma_start3A_630, %dma_start3A_631] : memref<4x128x128xf32, #tpu.memory_space<vmem>> -> memref<1x128x128xf32, #tpu.memory_space<vmem>>
    %dma_start3A_633 = tpu.memref_squeeze %dma_start3A_632 : memref<1x128x128xf32, #tpu.memory_space<vmem>> -> memref<128x128xf32, #tpu.memory_space<vmem>>
    %dma_start3A_634 = arith.constant 0 : i32
    %dma_start3A_635 = tpu.memref_slice %arg2[%add3A_627, %dma_start3A_634] : memref<100000x128xf32, #tpu.memory_space<hbm>> -> memref<128x128xf32, #tpu.memory_space<hbm>>
    %dma_start3A_636 = tpu.memref_slice %arg11[%dma_start3A_629] : memref<4x!tpu.dma_semaphore, #tpu.memory_space<semaphore_mem>> -> memref<1x!tpu.dma_semaphore, #tpu.memory_space<semaphore_mem>>
    %dma_start3A_637 = tpu.memref_squeeze %dma_start3A_636 : memref<1x!tpu.dma_semaphore, #tpu.memory_space<semaphore_mem>> -> memref<!tpu.dma_semaphore, #tpu.memory_space<semaphore_mem>>
    %dma_start3A_638 = arith.constant 0 : i32
    %dma_start3A_639 = arith.constant 0 : i32
    %dma_start3A_640 = tpu.memref_slice %arg6[%dma_start3A_628, %dma_start3A_638, %dma_start3A_639] : memref<4x128x128xf32, #tpu.memory_space<vmem>> -> memref<1x128x128xf32, #tpu.memory_space<vmem>>
    %dma_start3A_641 = tpu.memref_squeeze %dma_start3A_640 : memref<1x128x128xf32, #tpu.memory_space<vmem>> -> memref<128x128xf32, #tpu.memory_space<vmem>>
    %dma_start3A_642 = arith.constant 0 : i32
    %dma_start3A_643 = tpu.memref_slice %arg2[%add3A_627, %dma_start3A_642] : memref<100000x128xf32, #tpu.memory_space<hbm>> -> memref<128x128xf32, #tpu.memory_space<hbm>>
    tpu.enqueue_dma source(%dma_start3A_643 : memref<128x128xf32, #tpu.memory_space<hbm>>) target(%dma_start3A_641 : memref<128x128xf32, #tpu.memory_space<vmem>>) target_semaphore(%dma_start3A_637 : memref<!tpu.dma_semaphore, #tpu.memory_space<semaphore_mem>>)
    %mul3A_644 = arith.constant 128 : i32
    %mul3A_645 = arith.muli %add3A_623, %mul3A_644 : i32
    %dma_start3A_646 = arith.constant 0 : i32
    %dma_start3A_647 = arith.constant 0 : i32
    %dma_start3A_648 = arith.constant 0 : i32
    %dma_start3A_649 = tpu.memref_slice %arg7[%dma_start3A_646, %dma_start3A_648] : memref<4x128xi32, #tpu.memory_space<vmem>> -> memref<1x128xi32, #tpu.memory_space<vmem>>
    %dma_start3A_650 = tpu.memref_squeeze %dma_start3A_649 : memref<1x128xi32, #tpu.memory_space<vmem>> -> memref<128xi32, #tpu.memory_space<vmem>>
    %dma_start3A_651 = tpu.memref_slice %arg3[%mul3A_645] : memref<53248xi32, #tpu.memory_space<hbm>> -> memref<128xi32, #tpu.memory_space<hbm>>
    %dma_start3A_652 = tpu.memref_slice %arg12[%dma_start3A_647] : memref<4x!tpu.dma_semaphore, #tpu.memory_space<semaphore_mem>> -> memref<1x!tpu.dma_semaphore, #tpu.memory_space<semaphore_mem>>
    %dma_start3A_653 = tpu.memref_squeeze %dma_start3A_652 : memref<1x!tpu.dma_semaphore, #tpu.memory_space<semaphore_mem>> -> memref<!tpu.dma_semaphore, #tpu.memory_space<semaphore_mem>>
    %dma_start3A_654 = arith.constant 0 : i32
    %dma_start3A_655 = tpu.memref_slice %arg7[%dma_start3A_646, %dma_start3A_654] : memref<4x128xi32, #tpu.memory_space<vmem>> -> memref<1x128xi32, #tpu.memory_space<vmem>>
    %dma_start3A_656 = tpu.memref_squeeze %dma_start3A_655 : memref<1x128xi32, #tpu.memory_space<vmem>> -> memref<128xi32, #tpu.memory_space<vmem>>
    %dma_start3A_657 = tpu.memref_slice %arg3[%mul3A_645] : memref<53248xi32, #tpu.memory_space<hbm>> -> memref<128xi32, #tpu.memory_space<hbm>>
    tpu.enqueue_dma source(%dma_start3A_657 : memref<128xi32, #tpu.memory_space<hbm>>) target(%dma_start3A_656 : memref<128xi32, #tpu.memory_space<vmem>>) target_semaphore(%dma_start3A_653 : memref<!tpu.dma_semaphore, #tpu.memory_space<semaphore_mem>>)
    %dma_wait3A_658 = arith.constant 2 : i32
    %dma_wait3A_659 = arith.constant 2 : i32
    %dma_wait3A_660 = arith.constant 0 : i32
    %dma_wait3A_661 = arith.constant 0 : i32
    %dma_wait3A_662 = tpu.memref_slice %arg6[%dma_wait3A_658, %dma_wait3A_660, %dma_wait3A_661] : memref<4x128x128xf32, #tpu.memory_space<vmem>> -> memref<1x128x128xf32, #tpu.memory_space<vmem>>
    %dma_wait3A_663 = tpu.memref_squeeze %dma_wait3A_662 : memref<1x128x128xf32, #tpu.memory_space<vmem>> -> memref<128x128xf32, #tpu.memory_space<vmem>>
    %dma_wait3A_664 = arith.constant 0 : i32
    %dma_wait3A_665 = tpu.memref_slice %arg2[%add3A_439, %dma_wait3A_664] : memref<100000x128xf32, #tpu.memory_space<hbm>> -> memref<128x128xf32, #tpu.memory_space<hbm>>
    %dma_wait3A_666 = tpu.memref_slice %arg11[%dma_wait3A_659] : memref<4x!tpu.dma_semaphore, #tpu.memory_space<semaphore_mem>> -> memref<1x!tpu.dma_semaphore, #tpu.memory_space<semaphore_mem>>
    %dma_wait3A_667 = tpu.memref_squeeze %dma_wait3A_666 : memref<1x!tpu.dma_semaphore, #tpu.memory_space<semaphore_mem>> -> memref<!tpu.dma_semaphore, #tpu.memory_space<semaphore_mem>>
    %dma_wait3A_668 = arith.constant 0 : i32
    %dma_wait3A_669 = arith.constant 0 : i32
    %dma_wait3A_670 = tpu.memref_slice %arg6[%dma_wait3A_658, %dma_wait3A_668, %dma_wait3A_669] : memref<4x128x128xf32, #tpu.memory_space<vmem>> -> memref<1x128x128xf32, #tpu.memory_space<vmem>>
    %dma_wait3A_671 = tpu.memref_squeeze %dma_wait3A_670 : memref<1x128x128xf32, #tpu.memory_space<vmem>> -> memref<128x128xf32, #tpu.memory_space<vmem>>
    %dma_wait3A_672 = arith.constant 0 : i32
    %dma_wait3A_673 = tpu.memref_slice %arg2[%add3A_439, %dma_wait3A_672] : memref<100000x128xf32, #tpu.memory_space<hbm>> -> memref<128x128xf32, #tpu.memory_space<hbm>>
    tpu.wait_dma2 semaphore(%dma_wait3A_667 : memref<!tpu.dma_semaphore, #tpu.memory_space<semaphore_mem>>) src(%dma_wait3A_673 : memref<128x128xf32, #tpu.memory_space<hbm>>) dst(%dma_wait3A_671 : memref<128x128xf32, #tpu.memory_space<vmem>>)
    %dma_wait3A_674 = arith.constant 2 : i32
    %dma_wait3A_675 = arith.constant 2 : i32
    %dma_wait3A_676 = arith.constant 0 : i32
    %dma_wait3A_677 = tpu.memref_slice %arg7[%dma_wait3A_674, %dma_wait3A_676] : memref<4x128xi32, #tpu.memory_space<vmem>> -> memref<1x128xi32, #tpu.memory_space<vmem>>
    %dma_wait3A_678 = tpu.memref_squeeze %dma_wait3A_677 : memref<1x128xi32, #tpu.memory_space<vmem>> -> memref<128xi32, #tpu.memory_space<vmem>>
    %dma_wait3A_679 = tpu.memref_slice %arg3[%mul3A_457] : memref<53248xi32, #tpu.memory_space<hbm>> -> memref<128xi32, #tpu.memory_space<hbm>>
    %dma_wait3A_680 = tpu.memref_slice %arg12[%dma_wait3A_675] : memref<4x!tpu.dma_semaphore, #tpu.memory_space<semaphore_mem>> -> memref<1x!tpu.dma_semaphore, #tpu.memory_space<semaphore_mem>>
    %dma_wait3A_681 = tpu.memref_squeeze %dma_wait3A_680 : memref<1x!tpu.dma_semaphore, #tpu.memory_space<semaphore_mem>> -> memref<!tpu.dma_semaphore, #tpu.memory_space<semaphore_mem>>
    %dma_wait3A_682 = arith.constant 0 : i32
    %dma_wait3A_683 = tpu.memref_slice %arg7[%dma_wait3A_674, %dma_wait3A_682] : memref<4x128xi32, #tpu.memory_space<vmem>> -> memref<1x128xi32, #tpu.memory_space<vmem>>
    %dma_wait3A_684 = tpu.memref_squeeze %dma_wait3A_683 : memref<1x128xi32, #tpu.memory_space<vmem>> -> memref<128xi32, #tpu.memory_space<vmem>>
    %dma_wait3A_685 = tpu.memref_slice %arg3[%mul3A_457] : memref<53248xi32, #tpu.memory_space<hbm>> -> memref<128xi32, #tpu.memory_space<hbm>>
    tpu.wait_dma2 semaphore(%dma_wait3A_681 : memref<!tpu.dma_semaphore, #tpu.memory_space<semaphore_mem>>) src(%dma_wait3A_685 : memref<128xi32, #tpu.memory_space<hbm>>) dst(%dma_wait3A_684 : memref<128xi32, #tpu.memory_space<vmem>>)
    %dma_start3A_686 = arith.constant 2 : i32
    %dma_start3A_687 = arith.constant 2 : i32
    %dma_start3A_688 = arith.constant 2 : i32
    %dma_start3A_689 = arith.constant 0 : i32
    %dma_start3A_690 = arith.constant 0 : i32
    %dma_start3A_691 = tpu.memref_slice %arg6[%dma_start3A_686, %dma_start3A_689, %dma_start3A_690] : memref<4x128x128xf32, #tpu.memory_space<vmem>> -> memref<1x128x128xf32, #tpu.memory_space<vmem>>
    %dma_start3A_692 = tpu.memref_squeeze %dma_start3A_691 : memref<1x128x128xf32, #tpu.memory_space<vmem>> -> memref<128x128xf32, #tpu.memory_space<vmem>>
    %dma_start3A_693 = arith.constant 0 : i32
    %dma_start3A_694 = tpu.memref_slice %arg7[%dma_start3A_687, %dma_start3A_693] : memref<4x128xi32, #tpu.memory_space<vmem>> -> memref<1x128xi32, #tpu.memory_space<vmem>>
    %dma_start3A_695 = tpu.memref_squeeze %dma_start3A_694 : memref<1x128xi32, #tpu.memory_space<vmem>> -> memref<128xi32, #tpu.memory_space<vmem>>
    %dma_start3A_696 = arith.constant 0 : i32
    %dma_start3A_697 = arith.constant 0 : i32
    %dma_start3A_698 = tpu.memref_slice %arg10[%dma_start3A_696, %dma_start3A_697] : memref<128x128xf32, #tpu.memory_space<vmem_shared>> -> memref<128x128xf32, #tpu.memory_space<vmem_shared>>
    %dma_start3A_699 = tpu.memref_slice %arg13[%dma_start3A_688] : memref<4x!tpu.dma_semaphore, #tpu.memory_space<semaphore_mem>> -> memref<1x!tpu.dma_semaphore, #tpu.memory_space<semaphore_mem>>
    %dma_start3A_700 = tpu.memref_squeeze %dma_start3A_699 : memref<1x!tpu.dma_semaphore, #tpu.memory_space<semaphore_mem>> -> memref<!tpu.dma_semaphore, #tpu.memory_space<semaphore_mem>>
    tpu.enqueue_indirect_dma source(%dma_start3A_692 : memref<128x128xf32, #tpu.memory_space<vmem>>) target(%dma_start3A_698 : memref<128x128xf32, #tpu.memory_space<vmem_shared>>) offsets(%dma_start3A_695 : memref<128xi32, #tpu.memory_space<vmem>>) semaphore(%dma_start3A_700 : memref<!tpu.dma_semaphore, #tpu.memory_space<semaphore_mem>>) {add = true}
    %dma_wait3A_701 = arith.constant 1 : i32
    %dma_wait3A_702 = arith.constant 1 : i32
    %dma_wait3A_703 = arith.constant 1 : i32
    %dma_wait3A_704 = arith.constant 0 : i32
    %dma_wait3A_705 = arith.constant 0 : i32
    %dma_wait3A_706 = tpu.memref_slice %arg6[%dma_wait3A_701, %dma_wait3A_704, %dma_wait3A_705] : memref<4x128x128xf32, #tpu.memory_space<vmem>> -> memref<1x128x128xf32, #tpu.memory_space<vmem>>
    %dma_wait3A_707 = tpu.memref_squeeze %dma_wait3A_706 : memref<1x128x128xf32, #tpu.memory_space<vmem>> -> memref<128x128xf32, #tpu.memory_space<vmem>>
    %dma_wait3A_708 = arith.constant 0 : i32
    %dma_wait3A_709 = tpu.memref_slice %arg7[%dma_wait3A_702, %dma_wait3A_708] : memref<4x128xi32, #tpu.memory_space<vmem>> -> memref<1x128xi32, #tpu.memory_space<vmem>>
    %dma_wait3A_710 = tpu.memref_squeeze %dma_wait3A_709 : memref<1x128xi32, #tpu.memory_space<vmem>> -> memref<128xi32, #tpu.memory_space<vmem>>
    %dma_wait3A_711 = arith.constant 0 : i32
    %dma_wait3A_712 = arith.constant 0 : i32
    %dma_wait3A_713 = tpu.memref_slice %arg10[%dma_wait3A_711, %dma_wait3A_712] : memref<128x128xf32, #tpu.memory_space<vmem_shared>> -> memref<128x128xf32, #tpu.memory_space<vmem_shared>>
    %dma_wait3A_714 = tpu.memref_slice %arg13[%dma_wait3A_703] : memref<4x!tpu.dma_semaphore, #tpu.memory_space<semaphore_mem>> -> memref<1x!tpu.dma_semaphore, #tpu.memory_space<semaphore_mem>>
    %dma_wait3A_715 = tpu.memref_squeeze %dma_wait3A_714 : memref<1x!tpu.dma_semaphore, #tpu.memory_space<semaphore_mem>> -> memref<!tpu.dma_semaphore, #tpu.memory_space<semaphore_mem>>
    tpu.wait_indirect_dma semaphore(%dma_wait3A_715 : memref<!tpu.dma_semaphore, #tpu.memory_space<semaphore_mem>>) src(%dma_wait3A_707 : memref<128x128xf32, #tpu.memory_space<vmem>>) dst(%dma_wait3A_713 : memref<128x128xf32, #tpu.memory_space<vmem_shared>>)
    %add3A_716 = arith.constant 288 : i32
    %add3A_717 = arith.addi %add3A, %add3A_716 : i32
    %mul3A_718 = arith.constant 128 : i32
    %mul3A_719 = arith.muli %add3A_717, %mul3A_718 : i32
    %add3A_720 = arith.constant 49152 : i32
    %add3A_721 = arith.addi %add3A_720, %mul3A_719 : i32
    %dma_start3A_722 = arith.constant 1 : i32
    %dma_start3A_723 = arith.constant 1 : i32
    %dma_start3A_724 = arith.constant 0 : i32
    %dma_start3A_725 = arith.constant 0 : i32
    %dma_start3A_726 = tpu.memref_slice %arg6[%dma_start3A_722, %dma_start3A_724, %dma_start3A_725] : memref<4x128x128xf32, #tpu.memory_space<vmem>> -> memref<1x128x128xf32, #tpu.memory_space<vmem>>
    %dma_start3A_727 = tpu.memref_squeeze %dma_start3A_726 : memref<1x128x128xf32, #tpu.memory_space<vmem>> -> memref<128x128xf32, #tpu.memory_space<vmem>>
    %dma_start3A_728 = arith.constant 0 : i32
    %dma_start3A_729 = tpu.memref_slice %arg2[%add3A_721, %dma_start3A_728] : memref<100000x128xf32, #tpu.memory_space<hbm>> -> memref<128x128xf32, #tpu.memory_space<hbm>>
    %dma_start3A_730 = tpu.memref_slice %arg11[%dma_start3A_723] : memref<4x!tpu.dma_semaphore, #tpu.memory_space<semaphore_mem>> -> memref<1x!tpu.dma_semaphore, #tpu.memory_space<semaphore_mem>>
    %dma_start3A_731 = tpu.memref_squeeze %dma_start3A_730 : memref<1x!tpu.dma_semaphore, #tpu.memory_space<semaphore_mem>> -> memref<!tpu.dma_semaphore, #tpu.memory_space<semaphore_mem>>
    %dma_start3A_732 = arith.constant 0 : i32
    %dma_start3A_733 = arith.constant 0 : i32
    %dma_start3A_734 = tpu.memref_slice %arg6[%dma_start3A_722, %dma_start3A_732, %dma_start3A_733] : memref<4x128x128xf32, #tpu.memory_space<vmem>> -> memref<1x128x128xf32, #tpu.memory_space<vmem>>
    %dma_start3A_735 = tpu.memref_squeeze %dma_start3A_734 : memref<1x128x128xf32, #tpu.memory_space<vmem>> -> memref<128x128xf32, #tpu.memory_space<vmem>>
    %dma_start3A_736 = arith.constant 0 : i32
    %dma_start3A_737 = tpu.memref_slice %arg2[%add3A_721, %dma_start3A_736] : memref<100000x128xf32, #tpu.memory_space<hbm>> -> memref<128x128xf32, #tpu.memory_space<hbm>>
    tpu.enqueue_dma source(%dma_start3A_737 : memref<128x128xf32, #tpu.memory_space<hbm>>) target(%dma_start3A_735 : memref<128x128xf32, #tpu.memory_space<vmem>>) target_semaphore(%dma_start3A_731 : memref<!tpu.dma_semaphore, #tpu.memory_space<semaphore_mem>>)
    %mul3A_738 = arith.constant 128 : i32
    %mul3A_739 = arith.muli %add3A_717, %mul3A_738 : i32
    %dma_start3A_740 = arith.constant 1 : i32
    %dma_start3A_741 = arith.constant 1 : i32
    %dma_start3A_742 = arith.constant 0 : i32
    %dma_start3A_743 = tpu.memref_slice %arg7[%dma_start3A_740, %dma_start3A_742] : memref<4x128xi32, #tpu.memory_space<vmem>> -> memref<1x128xi32, #tpu.memory_space<vmem>>
    %dma_start3A_744 = tpu.memref_squeeze %dma_start3A_743 : memref<1x128xi32, #tpu.memory_space<vmem>> -> memref<128xi32, #tpu.memory_space<vmem>>
    %dma_start3A_745 = tpu.memref_slice %arg3[%mul3A_739] : memref<53248xi32, #tpu.memory_space<hbm>> -> memref<128xi32, #tpu.memory_space<hbm>>
    %dma_start3A_746 = tpu.memref_slice %arg12[%dma_start3A_741] : memref<4x!tpu.dma_semaphore, #tpu.memory_space<semaphore_mem>> -> memref<1x!tpu.dma_semaphore, #tpu.memory_space<semaphore_mem>>
    %dma_start3A_747 = tpu.memref_squeeze %dma_start3A_746 : memref<1x!tpu.dma_semaphore, #tpu.memory_space<semaphore_mem>> -> memref<!tpu.dma_semaphore, #tpu.memory_space<semaphore_mem>>
    %dma_start3A_748 = arith.constant 0 : i32
    %dma_start3A_749 = tpu.memref_slice %arg7[%dma_start3A_740, %dma_start3A_748] : memref<4x128xi32, #tpu.memory_space<vmem>> -> memref<1x128xi32, #tpu.memory_space<vmem>>
    %dma_start3A_750 = tpu.memref_squeeze %dma_start3A_749 : memref<1x128xi32, #tpu.memory_space<vmem>> -> memref<128xi32, #tpu.memory_space<vmem>>
    %dma_start3A_751 = tpu.memref_slice %arg3[%mul3A_739] : memref<53248xi32, #tpu.memory_space<hbm>> -> memref<128xi32, #tpu.memory_space<hbm>>
    tpu.enqueue_dma source(%dma_start3A_751 : memref<128xi32, #tpu.memory_space<hbm>>) target(%dma_start3A_750 : memref<128xi32, #tpu.memory_space<vmem>>) target_semaphore(%dma_start3A_747 : memref<!tpu.dma_semaphore, #tpu.memory_space<semaphore_mem>>)
    %dma_wait3A_752 = arith.constant 3 : i32
    %dma_wait3A_753 = arith.constant 3 : i32
    %dma_wait3A_754 = arith.constant 0 : i32
    %dma_wait3A_755 = arith.constant 0 : i32
    %dma_wait3A_756 = tpu.memref_slice %arg6[%dma_wait3A_752, %dma_wait3A_754, %dma_wait3A_755] : memref<4x128x128xf32, #tpu.memory_space<vmem>> -> memref<1x128x128xf32, #tpu.memory_space<vmem>>
    %dma_wait3A_757 = tpu.memref_squeeze %dma_wait3A_756 : memref<1x128x128xf32, #tpu.memory_space<vmem>> -> memref<128x128xf32, #tpu.memory_space<vmem>>
    %dma_wait3A_758 = arith.constant 0 : i32
    %dma_wait3A_759 = tpu.memref_slice %arg2[%add3A_533, %dma_wait3A_758] : memref<100000x128xf32, #tpu.memory_space<hbm>> -> memref<128x128xf32, #tpu.memory_space<hbm>>
    %dma_wait3A_760 = tpu.memref_slice %arg11[%dma_wait3A_753] : memref<4x!tpu.dma_semaphore, #tpu.memory_space<semaphore_mem>> -> memref<1x!tpu.dma_semaphore, #tpu.memory_space<semaphore_mem>>
    %dma_wait3A_761 = tpu.memref_squeeze %dma_wait3A_760 : memref<1x!tpu.dma_semaphore, #tpu.memory_space<semaphore_mem>> -> memref<!tpu.dma_semaphore, #tpu.memory_space<semaphore_mem>>
    %dma_wait3A_762 = arith.constant 0 : i32
    %dma_wait3A_763 = arith.constant 0 : i32
    %dma_wait3A_764 = tpu.memref_slice %arg6[%dma_wait3A_752, %dma_wait3A_762, %dma_wait3A_763] : memref<4x128x128xf32, #tpu.memory_space<vmem>> -> memref<1x128x128xf32, #tpu.memory_space<vmem>>
    %dma_wait3A_765 = tpu.memref_squeeze %dma_wait3A_764 : memref<1x128x128xf32, #tpu.memory_space<vmem>> -> memref<128x128xf32, #tpu.memory_space<vmem>>
    %dma_wait3A_766 = arith.constant 0 : i32
    %dma_wait3A_767 = tpu.memref_slice %arg2[%add3A_533, %dma_wait3A_766] : memref<100000x128xf32, #tpu.memory_space<hbm>> -> memref<128x128xf32, #tpu.memory_space<hbm>>
    tpu.wait_dma2 semaphore(%dma_wait3A_761 : memref<!tpu.dma_semaphore, #tpu.memory_space<semaphore_mem>>) src(%dma_wait3A_767 : memref<128x128xf32, #tpu.memory_space<hbm>>) dst(%dma_wait3A_765 : memref<128x128xf32, #tpu.memory_space<vmem>>)
    %dma_wait3A_768 = arith.constant 3 : i32
    %dma_wait3A_769 = arith.constant 3 : i32
    %dma_wait3A_770 = arith.constant 0 : i32
    %dma_wait3A_771 = tpu.memref_slice %arg7[%dma_wait3A_768, %dma_wait3A_770] : memref<4x128xi32, #tpu.memory_space<vmem>> -> memref<1x128xi32, #tpu.memory_space<vmem>>
    %dma_wait3A_772 = tpu.memref_squeeze %dma_wait3A_771 : memref<1x128xi32, #tpu.memory_space<vmem>> -> memref<128xi32, #tpu.memory_space<vmem>>
    %dma_wait3A_773 = tpu.memref_slice %arg3[%mul3A_551] : memref<53248xi32, #tpu.memory_space<hbm>> -> memref<128xi32, #tpu.memory_space<hbm>>
    %dma_wait3A_774 = tpu.memref_slice %arg12[%dma_wait3A_769] : memref<4x!tpu.dma_semaphore, #tpu.memory_space<semaphore_mem>> -> memref<1x!tpu.dma_semaphore, #tpu.memory_space<semaphore_mem>>
    %dma_wait3A_775 = tpu.memref_squeeze %dma_wait3A_774 : memref<1x!tpu.dma_semaphore, #tpu.memory_space<semaphore_mem>> -> memref<!tpu.dma_semaphore, #tpu.memory_space<semaphore_mem>>
    %dma_wait3A_776 = arith.constant 0 : i32
    %dma_wait3A_777 = tpu.memref_slice %arg7[%dma_wait3A_768, %dma_wait3A_776] : memref<4x128xi32, #tpu.memory_space<vmem>> -> memref<1x128xi32, #tpu.memory_space<vmem>>
    %dma_wait3A_778 = tpu.memref_squeeze %dma_wait3A_777 : memref<1x128xi32, #tpu.memory_space<vmem>> -> memref<128xi32, #tpu.memory_space<vmem>>
    %dma_wait3A_779 = tpu.memref_slice %arg3[%mul3A_551] : memref<53248xi32, #tpu.memory_space<hbm>> -> memref<128xi32, #tpu.memory_space<hbm>>
    tpu.wait_dma2 semaphore(%dma_wait3A_775 : memref<!tpu.dma_semaphore, #tpu.memory_space<semaphore_mem>>) src(%dma_wait3A_779 : memref<128xi32, #tpu.memory_space<hbm>>) dst(%dma_wait3A_778 : memref<128xi32, #tpu.memory_space<vmem>>)
    %dma_start3A_780 = arith.constant 3 : i32
    %dma_start3A_781 = arith.constant 3 : i32
    %dma_start3A_782 = arith.constant 3 : i32
    %dma_start3A_783 = arith.constant 0 : i32
    %dma_start3A_784 = arith.constant 0 : i32
    %dma_start3A_785 = tpu.memref_slice %arg6[%dma_start3A_780, %dma_start3A_783, %dma_start3A_784] : memref<4x128x128xf32, #tpu.memory_space<vmem>> -> memref<1x128x128xf32, #tpu.memory_space<vmem>>
    %dma_start3A_786 = tpu.memref_squeeze %dma_start3A_785 : memref<1x128x128xf32, #tpu.memory_space<vmem>> -> memref<128x128xf32, #tpu.memory_space<vmem>>
    %dma_start3A_787 = arith.constant 0 : i32
    %dma_start3A_788 = tpu.memref_slice %arg7[%dma_start3A_781, %dma_start3A_787] : memref<4x128xi32, #tpu.memory_space<vmem>> -> memref<1x128xi32, #tpu.memory_space<vmem>>
    %dma_start3A_789 = tpu.memref_squeeze %dma_start3A_788 : memref<1x128xi32, #tpu.memory_space<vmem>> -> memref<128xi32, #tpu.memory_space<vmem>>
    %dma_start3A_790 = arith.constant 0 : i32
    %dma_start3A_791 = arith.constant 0 : i32
    %dma_start3A_792 = tpu.memref_slice %arg10[%dma_start3A_790, %dma_start3A_791] : memref<128x128xf32, #tpu.memory_space<vmem_shared>> -> memref<128x128xf32, #tpu.memory_space<vmem_shared>>
    %dma_start3A_793 = tpu.memref_slice %arg13[%dma_start3A_782] : memref<4x!tpu.dma_semaphore, #tpu.memory_space<semaphore_mem>> -> memref<1x!tpu.dma_semaphore, #tpu.memory_space<semaphore_mem>>
    %dma_start3A_794 = tpu.memref_squeeze %dma_start3A_793 : memref<1x!tpu.dma_semaphore, #tpu.memory_space<semaphore_mem>> -> memref<!tpu.dma_semaphore, #tpu.memory_space<semaphore_mem>>
    tpu.enqueue_indirect_dma source(%dma_start3A_786 : memref<128x128xf32, #tpu.memory_space<vmem>>) target(%dma_start3A_792 : memref<128x128xf32, #tpu.memory_space<vmem_shared>>) offsets(%dma_start3A_789 : memref<128xi32, #tpu.memory_space<vmem>>) semaphore(%dma_start3A_794 : memref<!tpu.dma_semaphore, #tpu.memory_space<semaphore_mem>>) {add = true}
    %dma_wait3A_795 = arith.constant 2 : i32
    %dma_wait3A_796 = arith.constant 2 : i32
    %dma_wait3A_797 = arith.constant 2 : i32
    %dma_wait3A_798 = arith.constant 0 : i32
    %dma_wait3A_799 = arith.constant 0 : i32
    %dma_wait3A_800 = tpu.memref_slice %arg6[%dma_wait3A_795, %dma_wait3A_798, %dma_wait3A_799] : memref<4x128x128xf32, #tpu.memory_space<vmem>> -> memref<1x128x128xf32, #tpu.memory_space<vmem>>
    %dma_wait3A_801 = tpu.memref_squeeze %dma_wait3A_800 : memref<1x128x128xf32, #tpu.memory_space<vmem>> -> memref<128x128xf32, #tpu.memory_space<vmem>>
    %dma_wait3A_802 = arith.constant 0 : i32
    %dma_wait3A_803 = tpu.memref_slice %arg7[%dma_wait3A_796, %dma_wait3A_802] : memref<4x128xi32, #tpu.memory_space<vmem>> -> memref<1x128xi32, #tpu.memory_space<vmem>>
    %dma_wait3A_804 = tpu.memref_squeeze %dma_wait3A_803 : memref<1x128xi32, #tpu.memory_space<vmem>> -> memref<128xi32, #tpu.memory_space<vmem>>
    %dma_wait3A_805 = arith.constant 0 : i32
    %dma_wait3A_806 = arith.constant 0 : i32
    %dma_wait3A_807 = tpu.memref_slice %arg10[%dma_wait3A_805, %dma_wait3A_806] : memref<128x128xf32, #tpu.memory_space<vmem_shared>> -> memref<128x128xf32, #tpu.memory_space<vmem_shared>>
    %dma_wait3A_808 = tpu.memref_slice %arg13[%dma_wait3A_797] : memref<4x!tpu.dma_semaphore, #tpu.memory_space<semaphore_mem>> -> memref<1x!tpu.dma_semaphore, #tpu.memory_space<semaphore_mem>>
    %dma_wait3A_809 = tpu.memref_squeeze %dma_wait3A_808 : memref<1x!tpu.dma_semaphore, #tpu.memory_space<semaphore_mem>> -> memref<!tpu.dma_semaphore, #tpu.memory_space<semaphore_mem>>
    tpu.wait_indirect_dma semaphore(%dma_wait3A_809 : memref<!tpu.dma_semaphore, #tpu.memory_space<semaphore_mem>>) src(%dma_wait3A_801 : memref<128x128xf32, #tpu.memory_space<vmem>>) dst(%dma_wait3A_807 : memref<128x128xf32, #tpu.memory_space<vmem_shared>>)
    %add3A_810 = arith.constant 320 : i32
    %add3A_811 = arith.addi %add3A, %add3A_810 : i32
    %mul3A_812 = arith.constant 128 : i32
    %mul3A_813 = arith.muli %add3A_811, %mul3A_812 : i32
    %add3A_814 = arith.constant 49152 : i32
    %add3A_815 = arith.addi %add3A_814, %mul3A_813 : i32
    %dma_start3A_816 = arith.constant 2 : i32
    %dma_start3A_817 = arith.constant 2 : i32
    %dma_start3A_818 = arith.constant 0 : i32
    %dma_start3A_819 = arith.constant 0 : i32
    %dma_start3A_820 = tpu.memref_slice %arg6[%dma_start3A_816, %dma_start3A_818, %dma_start3A_819] : memref<4x128x128xf32, #tpu.memory_space<vmem>> -> memref<1x128x128xf32, #tpu.memory_space<vmem>>
    %dma_start3A_821 = tpu.memref_squeeze %dma_start3A_820 : memref<1x128x128xf32, #tpu.memory_space<vmem>> -> memref<128x128xf32, #tpu.memory_space<vmem>>
    %dma_start3A_822 = arith.constant 0 : i32
    %dma_start3A_823 = tpu.memref_slice %arg2[%add3A_815, %dma_start3A_822] : memref<100000x128xf32, #tpu.memory_space<hbm>> -> memref<128x128xf32, #tpu.memory_space<hbm>>
    %dma_start3A_824 = tpu.memref_slice %arg11[%dma_start3A_817] : memref<4x!tpu.dma_semaphore, #tpu.memory_space<semaphore_mem>> -> memref<1x!tpu.dma_semaphore, #tpu.memory_space<semaphore_mem>>
    %dma_start3A_825 = tpu.memref_squeeze %dma_start3A_824 : memref<1x!tpu.dma_semaphore, #tpu.memory_space<semaphore_mem>> -> memref<!tpu.dma_semaphore, #tpu.memory_space<semaphore_mem>>
    %dma_start3A_826 = arith.constant 0 : i32
    %dma_start3A_827 = arith.constant 0 : i32
    %dma_start3A_828 = tpu.memref_slice %arg6[%dma_start3A_816, %dma_start3A_826, %dma_start3A_827] : memref<4x128x128xf32, #tpu.memory_space<vmem>> -> memref<1x128x128xf32, #tpu.memory_space<vmem>>
    %dma_start3A_829 = tpu.memref_squeeze %dma_start3A_828 : memref<1x128x128xf32, #tpu.memory_space<vmem>> -> memref<128x128xf32, #tpu.memory_space<vmem>>
    %dma_start3A_830 = arith.constant 0 : i32
    %dma_start3A_831 = tpu.memref_slice %arg2[%add3A_815, %dma_start3A_830] : memref<100000x128xf32, #tpu.memory_space<hbm>> -> memref<128x128xf32, #tpu.memory_space<hbm>>
    tpu.enqueue_dma source(%dma_start3A_831 : memref<128x128xf32, #tpu.memory_space<hbm>>) target(%dma_start3A_829 : memref<128x128xf32, #tpu.memory_space<vmem>>) target_semaphore(%dma_start3A_825 : memref<!tpu.dma_semaphore, #tpu.memory_space<semaphore_mem>>)
    %mul3A_832 = arith.constant 128 : i32
    %mul3A_833 = arith.muli %add3A_811, %mul3A_832 : i32
    %dma_start3A_834 = arith.constant 2 : i32
    %dma_start3A_835 = arith.constant 2 : i32
    %dma_start3A_836 = arith.constant 0 : i32
    %dma_start3A_837 = tpu.memref_slice %arg7[%dma_start3A_834, %dma_start3A_836] : memref<4x128xi32, #tpu.memory_space<vmem>> -> memref<1x128xi32, #tpu.memory_space<vmem>>
    %dma_start3A_838 = tpu.memref_squeeze %dma_start3A_837 : memref<1x128xi32, #tpu.memory_space<vmem>> -> memref<128xi32, #tpu.memory_space<vmem>>
    %dma_start3A_839 = tpu.memref_slice %arg3[%mul3A_833] : memref<53248xi32, #tpu.memory_space<hbm>> -> memref<128xi32, #tpu.memory_space<hbm>>
    %dma_start3A_840 = tpu.memref_slice %arg12[%dma_start3A_835] : memref<4x!tpu.dma_semaphore, #tpu.memory_space<semaphore_mem>> -> memref<1x!tpu.dma_semaphore, #tpu.memory_space<semaphore_mem>>
    %dma_start3A_841 = tpu.memref_squeeze %dma_start3A_840 : memref<1x!tpu.dma_semaphore, #tpu.memory_space<semaphore_mem>> -> memref<!tpu.dma_semaphore, #tpu.memory_space<semaphore_mem>>
    %dma_start3A_842 = arith.constant 0 : i32
    %dma_start3A_843 = tpu.memref_slice %arg7[%dma_start3A_834, %dma_start3A_842] : memref<4x128xi32, #tpu.memory_space<vmem>> -> memref<1x128xi32, #tpu.memory_space<vmem>>
    %dma_start3A_844 = tpu.memref_squeeze %dma_start3A_843 : memref<1x128xi32, #tpu.memory_space<vmem>> -> memref<128xi32, #tpu.memory_space<vmem>>
    %dma_start3A_845 = tpu.memref_slice %arg3[%mul3A_833] : memref<53248xi32, #tpu.memory_space<hbm>> -> memref<128xi32, #tpu.memory_space<hbm>>
    tpu.enqueue_dma source(%dma_start3A_845 : memref<128xi32, #tpu.memory_space<hbm>>) target(%dma_start3A_844 : memref<128xi32, #tpu.memory_space<vmem>>) target_semaphore(%dma_start3A_841 : memref<!tpu.dma_semaphore, #tpu.memory_space<semaphore_mem>>)
    %dma_wait3A_846 = arith.constant 0 : i32
    %dma_wait3A_847 = arith.constant 0 : i32
    %dma_wait3A_848 = arith.constant 0 : i32
    %dma_wait3A_849 = arith.constant 0 : i32
    %dma_wait3A_850 = tpu.memref_slice %arg6[%dma_wait3A_846, %dma_wait3A_848, %dma_wait3A_849] : memref<4x128x128xf32, #tpu.memory_space<vmem>> -> memref<1x128x128xf32, #tpu.memory_space<vmem>>
    %dma_wait3A_851 = tpu.memref_squeeze %dma_wait3A_850 : memref<1x128x128xf32, #tpu.memory_space<vmem>> -> memref<128x128xf32, #tpu.memory_space<vmem>>
    %dma_wait3A_852 = arith.constant 0 : i32
    %dma_wait3A_853 = tpu.memref_slice %arg2[%add3A_627, %dma_wait3A_852] : memref<100000x128xf32, #tpu.memory_space<hbm>> -> memref<128x128xf32, #tpu.memory_space<hbm>>
    %dma_wait3A_854 = tpu.memref_slice %arg11[%dma_wait3A_847] : memref<4x!tpu.dma_semaphore, #tpu.memory_space<semaphore_mem>> -> memref<1x!tpu.dma_semaphore, #tpu.memory_space<semaphore_mem>>
    %dma_wait3A_855 = tpu.memref_squeeze %dma_wait3A_854 : memref<1x!tpu.dma_semaphore, #tpu.memory_space<semaphore_mem>> -> memref<!tpu.dma_semaphore, #tpu.memory_space<semaphore_mem>>
    %dma_wait3A_856 = arith.constant 0 : i32
    %dma_wait3A_857 = arith.constant 0 : i32
    %dma_wait3A_858 = tpu.memref_slice %arg6[%dma_wait3A_846, %dma_wait3A_856, %dma_wait3A_857] : memref<4x128x128xf32, #tpu.memory_space<vmem>> -> memref<1x128x128xf32, #tpu.memory_space<vmem>>
    %dma_wait3A_859 = tpu.memref_squeeze %dma_wait3A_858 : memref<1x128x128xf32, #tpu.memory_space<vmem>> -> memref<128x128xf32, #tpu.memory_space<vmem>>
    %dma_wait3A_860 = arith.constant 0 : i32
    %dma_wait3A_861 = tpu.memref_slice %arg2[%add3A_627, %dma_wait3A_860] : memref<100000x128xf32, #tpu.memory_space<hbm>> -> memref<128x128xf32, #tpu.memory_space<hbm>>
    tpu.wait_dma2 semaphore(%dma_wait3A_855 : memref<!tpu.dma_semaphore, #tpu.memory_space<semaphore_mem>>) src(%dma_wait3A_861 : memref<128x128xf32, #tpu.memory_space<hbm>>) dst(%dma_wait3A_859 : memref<128x128xf32, #tpu.memory_space<vmem>>)
    %dma_wait3A_862 = arith.constant 0 : i32
    %dma_wait3A_863 = arith.constant 0 : i32
    %dma_wait3A_864 = arith.constant 0 : i32
    %dma_wait3A_865 = tpu.memref_slice %arg7[%dma_wait3A_862, %dma_wait3A_864] : memref<4x128xi32, #tpu.memory_space<vmem>> -> memref<1x128xi32, #tpu.memory_space<vmem>>
    %dma_wait3A_866 = tpu.memref_squeeze %dma_wait3A_865 : memref<1x128xi32, #tpu.memory_space<vmem>> -> memref<128xi32, #tpu.memory_space<vmem>>
    %dma_wait3A_867 = tpu.memref_slice %arg3[%mul3A_645] : memref<53248xi32, #tpu.memory_space<hbm>> -> memref<128xi32, #tpu.memory_space<hbm>>
    %dma_wait3A_868 = tpu.memref_slice %arg12[%dma_wait3A_863] : memref<4x!tpu.dma_semaphore, #tpu.memory_space<semaphore_mem>> -> memref<1x!tpu.dma_semaphore, #tpu.memory_space<semaphore_mem>>
    %dma_wait3A_869 = tpu.memref_squeeze %dma_wait3A_868 : memref<1x!tpu.dma_semaphore, #tpu.memory_space<semaphore_mem>> -> memref<!tpu.dma_semaphore, #tpu.memory_space<semaphore_mem>>
    %dma_wait3A_870 = arith.constant 0 : i32
    %dma_wait3A_871 = tpu.memref_slice %arg7[%dma_wait3A_862, %dma_wait3A_870] : memref<4x128xi32, #tpu.memory_space<vmem>> -> memref<1x128xi32, #tpu.memory_space<vmem>>
    %dma_wait3A_872 = tpu.memref_squeeze %dma_wait3A_871 : memref<1x128xi32, #tpu.memory_space<vmem>> -> memref<128xi32, #tpu.memory_space<vmem>>
    %dma_wait3A_873 = tpu.memref_slice %arg3[%mul3A_645] : memref<53248xi32, #tpu.memory_space<hbm>> -> memref<128xi32, #tpu.memory_space<hbm>>
    tpu.wait_dma2 semaphore(%dma_wait3A_869 : memref<!tpu.dma_semaphore, #tpu.memory_space<semaphore_mem>>) src(%dma_wait3A_873 : memref<128xi32, #tpu.memory_space<hbm>>) dst(%dma_wait3A_872 : memref<128xi32, #tpu.memory_space<vmem>>)
    %dma_start3A_874 = arith.constant 0 : i32
    %dma_start3A_875 = arith.constant 0 : i32
    %dma_start3A_876 = arith.constant 0 : i32
    %dma_start3A_877 = arith.constant 0 : i32
    %dma_start3A_878 = arith.constant 0 : i32
    %dma_start3A_879 = tpu.memref_slice %arg6[%dma_start3A_874, %dma_start3A_877, %dma_start3A_878] : memref<4x128x128xf32, #tpu.memory_space<vmem>> -> memref<1x128x128xf32, #tpu.memory_space<vmem>>
    %dma_start3A_880 = tpu.memref_squeeze %dma_start3A_879 : memref<1x128x128xf32, #tpu.memory_space<vmem>> -> memref<128x128xf32, #tpu.memory_space<vmem>>
    %dma_start3A_881 = arith.constant 0 : i32
    %dma_start3A_882 = tpu.memref_slice %arg7[%dma_start3A_875, %dma_start3A_881] : memref<4x128xi32, #tpu.memory_space<vmem>> -> memref<1x128xi32, #tpu.memory_space<vmem>>
    %dma_start3A_883 = tpu.memref_squeeze %dma_start3A_882 : memref<1x128xi32, #tpu.memory_space<vmem>> -> memref<128xi32, #tpu.memory_space<vmem>>
    %dma_start3A_884 = arith.constant 0 : i32
    %dma_start3A_885 = arith.constant 0 : i32
    %dma_start3A_886 = tpu.memref_slice %arg10[%dma_start3A_884, %dma_start3A_885] : memref<128x128xf32, #tpu.memory_space<vmem_shared>> -> memref<128x128xf32, #tpu.memory_space<vmem_shared>>
    %dma_start3A_887 = tpu.memref_slice %arg13[%dma_start3A_876] : memref<4x!tpu.dma_semaphore, #tpu.memory_space<semaphore_mem>> -> memref<1x!tpu.dma_semaphore, #tpu.memory_space<semaphore_mem>>
    %dma_start3A_888 = tpu.memref_squeeze %dma_start3A_887 : memref<1x!tpu.dma_semaphore, #tpu.memory_space<semaphore_mem>> -> memref<!tpu.dma_semaphore, #tpu.memory_space<semaphore_mem>>
    tpu.enqueue_indirect_dma source(%dma_start3A_880 : memref<128x128xf32, #tpu.memory_space<vmem>>) target(%dma_start3A_886 : memref<128x128xf32, #tpu.memory_space<vmem_shared>>) offsets(%dma_start3A_883 : memref<128xi32, #tpu.memory_space<vmem>>) semaphore(%dma_start3A_888 : memref<!tpu.dma_semaphore, #tpu.memory_space<semaphore_mem>>) {add = true}
    %dma_wait3A_889 = arith.constant 3 : i32
    %dma_wait3A_890 = arith.constant 3 : i32
    %dma_wait3A_891 = arith.constant 3 : i32
    %dma_wait3A_892 = arith.constant 0 : i32
    %dma_wait3A_893 = arith.constant 0 : i32
    %dma_wait3A_894 = tpu.memref_slice %arg6[%dma_wait3A_889, %dma_wait3A_892, %dma_wait3A_893] : memref<4x128x128xf32, #tpu.memory_space<vmem>> -> memref<1x128x128xf32, #tpu.memory_space<vmem>>
    %dma_wait3A_895 = tpu.memref_squeeze %dma_wait3A_894 : memref<1x128x128xf32, #tpu.memory_space<vmem>> -> memref<128x128xf32, #tpu.memory_space<vmem>>
    %dma_wait3A_896 = arith.constant 0 : i32
    %dma_wait3A_897 = tpu.memref_slice %arg7[%dma_wait3A_890, %dma_wait3A_896] : memref<4x128xi32, #tpu.memory_space<vmem>> -> memref<1x128xi32, #tpu.memory_space<vmem>>
    %dma_wait3A_898 = tpu.memref_squeeze %dma_wait3A_897 : memref<1x128xi32, #tpu.memory_space<vmem>> -> memref<128xi32, #tpu.memory_space<vmem>>
    %dma_wait3A_899 = arith.constant 0 : i32
    %dma_wait3A_900 = arith.constant 0 : i32
    %dma_wait3A_901 = tpu.memref_slice %arg10[%dma_wait3A_899, %dma_wait3A_900] : memref<128x128xf32, #tpu.memory_space<vmem_shared>> -> memref<128x128xf32, #tpu.memory_space<vmem_shared>>
    %dma_wait3A_902 = tpu.memref_slice %arg13[%dma_wait3A_891] : memref<4x!tpu.dma_semaphore, #tpu.memory_space<semaphore_mem>> -> memref<1x!tpu.dma_semaphore, #tpu.memory_space<semaphore_mem>>
    %dma_wait3A_903 = tpu.memref_squeeze %dma_wait3A_902 : memref<1x!tpu.dma_semaphore, #tpu.memory_space<semaphore_mem>> -> memref<!tpu.dma_semaphore, #tpu.memory_space<semaphore_mem>>
    tpu.wait_indirect_dma semaphore(%dma_wait3A_903 : memref<!tpu.dma_semaphore, #tpu.memory_space<semaphore_mem>>) src(%dma_wait3A_895 : memref<128x128xf32, #tpu.memory_space<vmem>>) dst(%dma_wait3A_901 : memref<128x128xf32, #tpu.memory_space<vmem_shared>>)
    %add3A_904 = arith.constant 352 : i32
    %add3A_905 = arith.addi %add3A, %add3A_904 : i32
    %mul3A_906 = arith.constant 128 : i32
    %mul3A_907 = arith.muli %add3A_905, %mul3A_906 : i32
    %add3A_908 = arith.constant 49152 : i32
    %add3A_909 = arith.addi %add3A_908, %mul3A_907 : i32
    %dma_start3A_910 = arith.constant 3 : i32
    %dma_start3A_911 = arith.constant 3 : i32
    %dma_start3A_912 = arith.constant 0 : i32
    %dma_start3A_913 = arith.constant 0 : i32
    %dma_start3A_914 = tpu.memref_slice %arg6[%dma_start3A_910, %dma_start3A_912, %dma_start3A_913] : memref<4x128x128xf32, #tpu.memory_space<vmem>> -> memref<1x128x128xf32, #tpu.memory_space<vmem>>
    %dma_start3A_915 = tpu.memref_squeeze %dma_start3A_914 : memref<1x128x128xf32, #tpu.memory_space<vmem>> -> memref<128x128xf32, #tpu.memory_space<vmem>>
    %dma_start3A_916 = arith.constant 0 : i32
    %dma_start3A_917 = tpu.memref_slice %arg2[%add3A_909, %dma_start3A_916] : memref<100000x128xf32, #tpu.memory_space<hbm>> -> memref<128x128xf32, #tpu.memory_space<hbm>>
    %dma_start3A_918 = tpu.memref_slice %arg11[%dma_start3A_911] : memref<4x!tpu.dma_semaphore, #tpu.memory_space<semaphore_mem>> -> memref<1x!tpu.dma_semaphore, #tpu.memory_space<semaphore_mem>>
    %dma_start3A_919 = tpu.memref_squeeze %dma_start3A_918 : memref<1x!tpu.dma_semaphore, #tpu.memory_space<semaphore_mem>> -> memref<!tpu.dma_semaphore, #tpu.memory_space<semaphore_mem>>
    %dma_start3A_920 = arith.constant 0 : i32
    %dma_start3A_921 = arith.constant 0 : i32
    %dma_start3A_922 = tpu.memref_slice %arg6[%dma_start3A_910, %dma_start3A_920, %dma_start3A_921] : memref<4x128x128xf32, #tpu.memory_space<vmem>> -> memref<1x128x128xf32, #tpu.memory_space<vmem>>
    %dma_start3A_923 = tpu.memref_squeeze %dma_start3A_922 : memref<1x128x128xf32, #tpu.memory_space<vmem>> -> memref<128x128xf32, #tpu.memory_space<vmem>>
    %dma_start3A_924 = arith.constant 0 : i32
    %dma_start3A_925 = tpu.memref_slice %arg2[%add3A_909, %dma_start3A_924] : memref<100000x128xf32, #tpu.memory_space<hbm>> -> memref<128x128xf32, #tpu.memory_space<hbm>>
    tpu.enqueue_dma source(%dma_start3A_925 : memref<128x128xf32, #tpu.memory_space<hbm>>) target(%dma_start3A_923 : memref<128x128xf32, #tpu.memory_space<vmem>>) target_semaphore(%dma_start3A_919 : memref<!tpu.dma_semaphore, #tpu.memory_space<semaphore_mem>>)
    %mul3A_926 = arith.constant 128 : i32
    %mul3A_927 = arith.muli %add3A_905, %mul3A_926 : i32
    %dma_start3A_928 = arith.constant 3 : i32
    %dma_start3A_929 = arith.constant 3 : i32
    %dma_start3A_930 = arith.constant 0 : i32
    %dma_start3A_931 = tpu.memref_slice %arg7[%dma_start3A_928, %dma_start3A_930] : memref<4x128xi32, #tpu.memory_space<vmem>> -> memref<1x128xi32, #tpu.memory_space<vmem>>
    %dma_start3A_932 = tpu.memref_squeeze %dma_start3A_931 : memref<1x128xi32, #tpu.memory_space<vmem>> -> memref<128xi32, #tpu.memory_space<vmem>>
    %dma_start3A_933 = tpu.memref_slice %arg3[%mul3A_927] : memref<53248xi32, #tpu.memory_space<hbm>> -> memref<128xi32, #tpu.memory_space<hbm>>
    %dma_start3A_934 = tpu.memref_slice %arg12[%dma_start3A_929] : memref<4x!tpu.dma_semaphore, #tpu.memory_space<semaphore_mem>> -> memref<1x!tpu.dma_semaphore, #tpu.memory_space<semaphore_mem>>
    %dma_start3A_935 = tpu.memref_squeeze %dma_start3A_934 : memref<1x!tpu.dma_semaphore, #tpu.memory_space<semaphore_mem>> -> memref<!tpu.dma_semaphore, #tpu.memory_space<semaphore_mem>>
    %dma_start3A_936 = arith.constant 0 : i32
    %dma_start3A_937 = tpu.memref_slice %arg7[%dma_start3A_928, %dma_start3A_936] : memref<4x128xi32, #tpu.memory_space<vmem>> -> memref<1x128xi32, #tpu.memory_space<vmem>>
    %dma_start3A_938 = tpu.memref_squeeze %dma_start3A_937 : memref<1x128xi32, #tpu.memory_space<vmem>> -> memref<128xi32, #tpu.memory_space<vmem>>
    %dma_start3A_939 = tpu.memref_slice %arg3[%mul3A_927] : memref<53248xi32, #tpu.memory_space<hbm>> -> memref<128xi32, #tpu.memory_space<hbm>>
    tpu.enqueue_dma source(%dma_start3A_939 : memref<128xi32, #tpu.memory_space<hbm>>) target(%dma_start3A_938 : memref<128xi32, #tpu.memory_space<vmem>>) target_semaphore(%dma_start3A_935 : memref<!tpu.dma_semaphore, #tpu.memory_space<semaphore_mem>>)
    %dma_wait3A_940 = arith.constant 1 : i32
    %dma_wait3A_941 = arith.constant 1 : i32
    %dma_wait3A_942 = arith.constant 0 : i32
    %dma_wait3A_943 = arith.constant 0 : i32
    %dma_wait3A_944 = tpu.memref_slice %arg6[%dma_wait3A_940, %dma_wait3A_942, %dma_wait3A_943] : memref<4x128x128xf32, #tpu.memory_space<vmem>> -> memref<1x128x128xf32, #tpu.memory_space<vmem>>
    %dma_wait3A_945 = tpu.memref_squeeze %dma_wait3A_944 : memref<1x128x128xf32, #tpu.memory_space<vmem>> -> memref<128x128xf32, #tpu.memory_space<vmem>>
    %dma_wait3A_946 = arith.constant 0 : i32
    %dma_wait3A_947 = tpu.memref_slice %arg2[%add3A_721, %dma_wait3A_946] : memref<100000x128xf32, #tpu.memory_space<hbm>> -> memref<128x128xf32, #tpu.memory_space<hbm>>
    %dma_wait3A_948 = tpu.memref_slice %arg11[%dma_wait3A_941] : memref<4x!tpu.dma_semaphore, #tpu.memory_space<semaphore_mem>> -> memref<1x!tpu.dma_semaphore, #tpu.memory_space<semaphore_mem>>
    %dma_wait3A_949 = tpu.memref_squeeze %dma_wait3A_948 : memref<1x!tpu.dma_semaphore, #tpu.memory_space<semaphore_mem>> -> memref<!tpu.dma_semaphore, #tpu.memory_space<semaphore_mem>>
    %dma_wait3A_950 = arith.constant 0 : i32
    %dma_wait3A_951 = arith.constant 0 : i32
    %dma_wait3A_952 = tpu.memref_slice %arg6[%dma_wait3A_940, %dma_wait3A_950, %dma_wait3A_951] : memref<4x128x128xf32, #tpu.memory_space<vmem>> -> memref<1x128x128xf32, #tpu.memory_space<vmem>>
    %dma_wait3A_953 = tpu.memref_squeeze %dma_wait3A_952 : memref<1x128x128xf32, #tpu.memory_space<vmem>> -> memref<128x128xf32, #tpu.memory_space<vmem>>
    %dma_wait3A_954 = arith.constant 0 : i32
    %dma_wait3A_955 = tpu.memref_slice %arg2[%add3A_721, %dma_wait3A_954] : memref<100000x128xf32, #tpu.memory_space<hbm>> -> memref<128x128xf32, #tpu.memory_space<hbm>>
    tpu.wait_dma2 semaphore(%dma_wait3A_949 : memref<!tpu.dma_semaphore, #tpu.memory_space<semaphore_mem>>) src(%dma_wait3A_955 : memref<128x128xf32, #tpu.memory_space<hbm>>) dst(%dma_wait3A_953 : memref<128x128xf32, #tpu.memory_space<vmem>>)
    %dma_wait3A_956 = arith.constant 1 : i32
    %dma_wait3A_957 = arith.constant 1 : i32
    %dma_wait3A_958 = arith.constant 0 : i32
    %dma_wait3A_959 = tpu.memref_slice %arg7[%dma_wait3A_956, %dma_wait3A_958] : memref<4x128xi32, #tpu.memory_space<vmem>> -> memref<1x128xi32, #tpu.memory_space<vmem>>
    %dma_wait3A_960 = tpu.memref_squeeze %dma_wait3A_959 : memref<1x128xi32, #tpu.memory_space<vmem>> -> memref<128xi32, #tpu.memory_space<vmem>>
    %dma_wait3A_961 = tpu.memref_slice %arg3[%mul3A_739] : memref<53248xi32, #tpu.memory_space<hbm>> -> memref<128xi32, #tpu.memory_space<hbm>>
    %dma_wait3A_962 = tpu.memref_slice %arg12[%dma_wait3A_957] : memref<4x!tpu.dma_semaphore, #tpu.memory_space<semaphore_mem>> -> memref<1x!tpu.dma_semaphore, #tpu.memory_space<semaphore_mem>>
    %dma_wait3A_963 = tpu.memref_squeeze %dma_wait3A_962 : memref<1x!tpu.dma_semaphore, #tpu.memory_space<semaphore_mem>> -> memref<!tpu.dma_semaphore, #tpu.memory_space<semaphore_mem>>
    %dma_wait3A_964 = arith.constant 0 : i32
    %dma_wait3A_965 = tpu.memref_slice %arg7[%dma_wait3A_956, %dma_wait3A_964] : memref<4x128xi32, #tpu.memory_space<vmem>> -> memref<1x128xi32, #tpu.memory_space<vmem>>
    %dma_wait3A_966 = tpu.memref_squeeze %dma_wait3A_965 : memref<1x128xi32, #tpu.memory_space<vmem>> -> memref<128xi32, #tpu.memory_space<vmem>>
    %dma_wait3A_967 = tpu.memref_slice %arg3[%mul3A_739] : memref<53248xi32, #tpu.memory_space<hbm>> -> memref<128xi32, #tpu.memory_space<hbm>>
    tpu.wait_dma2 semaphore(%dma_wait3A_963 : memref<!tpu.dma_semaphore, #tpu.memory_space<semaphore_mem>>) src(%dma_wait3A_967 : memref<128xi32, #tpu.memory_space<hbm>>) dst(%dma_wait3A_966 : memref<128xi32, #tpu.memory_space<vmem>>)
    %dma_start3A_968 = arith.constant 1 : i32
    %dma_start3A_969 = arith.constant 1 : i32
    %dma_start3A_970 = arith.constant 1 : i32
    %dma_start3A_971 = arith.constant 0 : i32
    %dma_start3A_972 = arith.constant 0 : i32
    %dma_start3A_973 = tpu.memref_slice %arg6[%dma_start3A_968, %dma_start3A_971, %dma_start3A_972] : memref<4x128x128xf32, #tpu.memory_space<vmem>> -> memref<1x128x128xf32, #tpu.memory_space<vmem>>
    %dma_start3A_974 = tpu.memref_squeeze %dma_start3A_973 : memref<1x128x128xf32, #tpu.memory_space<vmem>> -> memref<128x128xf32, #tpu.memory_space<vmem>>
    %dma_start3A_975 = arith.constant 0 : i32
    %dma_start3A_976 = tpu.memref_slice %arg7[%dma_start3A_969, %dma_start3A_975] : memref<4x128xi32, #tpu.memory_space<vmem>> -> memref<1x128xi32, #tpu.memory_space<vmem>>
    %dma_start3A_977 = tpu.memref_squeeze %dma_start3A_976 : memref<1x128xi32, #tpu.memory_space<vmem>> -> memref<128xi32, #tpu.memory_space<vmem>>
    %dma_start3A_978 = arith.constant 0 : i32
    %dma_start3A_979 = arith.constant 0 : i32
    %dma_start3A_980 = tpu.memref_slice %arg10[%dma_start3A_978, %dma_start3A_979] : memref<128x128xf32, #tpu.memory_space<vmem_shared>> -> memref<128x128xf32, #tpu.memory_space<vmem_shared>>
    %dma_start3A_981 = tpu.memref_slice %arg13[%dma_start3A_970] : memref<4x!tpu.dma_semaphore, #tpu.memory_space<semaphore_mem>> -> memref<1x!tpu.dma_semaphore, #tpu.memory_space<semaphore_mem>>
    %dma_start3A_982 = tpu.memref_squeeze %dma_start3A_981 : memref<1x!tpu.dma_semaphore, #tpu.memory_space<semaphore_mem>> -> memref<!tpu.dma_semaphore, #tpu.memory_space<semaphore_mem>>
    tpu.enqueue_indirect_dma source(%dma_start3A_974 : memref<128x128xf32, #tpu.memory_space<vmem>>) target(%dma_start3A_980 : memref<128x128xf32, #tpu.memory_space<vmem_shared>>) offsets(%dma_start3A_977 : memref<128xi32, #tpu.memory_space<vmem>>) semaphore(%dma_start3A_982 : memref<!tpu.dma_semaphore, #tpu.memory_space<semaphore_mem>>) {add = true}
    %dma_wait3A_983 = arith.constant 2 : i32
    %dma_wait3A_984 = arith.constant 2 : i32
    %dma_wait3A_985 = arith.constant 0 : i32
    %dma_wait3A_986 = arith.constant 0 : i32
    %dma_wait3A_987 = tpu.memref_slice %arg6[%dma_wait3A_983, %dma_wait3A_985, %dma_wait3A_986] : memref<4x128x128xf32, #tpu.memory_space<vmem>> -> memref<1x128x128xf32, #tpu.memory_space<vmem>>
    %dma_wait3A_988 = tpu.memref_squeeze %dma_wait3A_987 : memref<1x128x128xf32, #tpu.memory_space<vmem>> -> memref<128x128xf32, #tpu.memory_space<vmem>>
    %dma_wait3A_989 = arith.constant 0 : i32
    %dma_wait3A_990 = tpu.memref_slice %arg2[%add3A_815, %dma_wait3A_989] : memref<100000x128xf32, #tpu.memory_space<hbm>> -> memref<128x128xf32, #tpu.memory_space<hbm>>
    %dma_wait3A_991 = tpu.memref_slice %arg11[%dma_wait3A_984] : memref<4x!tpu.dma_semaphore, #tpu.memory_space<semaphore_mem>> -> memref<1x!tpu.dma_semaphore, #tpu.memory_space<semaphore_mem>>
    %dma_wait3A_992 = tpu.memref_squeeze %dma_wait3A_991 : memref<1x!tpu.dma_semaphore, #tpu.memory_space<semaphore_mem>> -> memref<!tpu.dma_semaphore, #tpu.memory_space<semaphore_mem>>
    %dma_wait3A_993 = arith.constant 0 : i32
    %dma_wait3A_994 = arith.constant 0 : i32
    %dma_wait3A_995 = tpu.memref_slice %arg6[%dma_wait3A_983, %dma_wait3A_993, %dma_wait3A_994] : memref<4x128x128xf32, #tpu.memory_space<vmem>> -> memref<1x128x128xf32, #tpu.memory_space<vmem>>
    %dma_wait3A_996 = tpu.memref_squeeze %dma_wait3A_995 : memref<1x128x128xf32, #tpu.memory_space<vmem>> -> memref<128x128xf32, #tpu.memory_space<vmem>>
    %dma_wait3A_997 = arith.constant 0 : i32
    %dma_wait3A_998 = tpu.memref_slice %arg2[%add3A_815, %dma_wait3A_997] : memref<100000x128xf32, #tpu.memory_space<hbm>> -> memref<128x128xf32, #tpu.memory_space<hbm>>
    tpu.wait_dma2 semaphore(%dma_wait3A_992 : memref<!tpu.dma_semaphore, #tpu.memory_space<semaphore_mem>>) src(%dma_wait3A_998 : memref<128x128xf32, #tpu.memory_space<hbm>>) dst(%dma_wait3A_996 : memref<128x128xf32, #tpu.memory_space<vmem>>)
    %dma_wait3A_999 = arith.constant 2 : i32
    %dma_wait3A_1000 = arith.constant 2 : i32
    %dma_wait3A_1001 = arith.constant 0 : i32
    %dma_wait3A_1002 = tpu.memref_slice %arg7[%dma_wait3A_999, %dma_wait3A_1001] : memref<4x128xi32, #tpu.memory_space<vmem>> -> memref<1x128xi32, #tpu.memory_space<vmem>>
    %dma_wait3A_1003 = tpu.memref_squeeze %dma_wait3A_1002 : memref<1x128xi32, #tpu.memory_space<vmem>> -> memref<128xi32, #tpu.memory_space<vmem>>
    %dma_wait3A_1004 = tpu.memref_slice %arg3[%mul3A_833] : memref<53248xi32, #tpu.memory_space<hbm>> -> memref<128xi32, #tpu.memory_space<hbm>>
    %dma_wait3A_1005 = tpu.memref_slice %arg12[%dma_wait3A_1000] : memref<4x!tpu.dma_semaphore, #tpu.memory_space<semaphore_mem>> -> memref<1x!tpu.dma_semaphore, #tpu.memory_space<semaphore_mem>>
    %dma_wait3A_1006 = tpu.memref_squeeze %dma_wait3A_1005 : memref<1x!tpu.dma_semaphore, #tpu.memory_space<semaphore_mem>> -> memref<!tpu.dma_semaphore, #tpu.memory_space<semaphore_mem>>
    %dma_wait3A_1007 = arith.constant 0 : i32
    %dma_wait3A_1008 = tpu.memref_slice %arg7[%dma_wait3A_999, %dma_wait3A_1007] : memref<4x128xi32, #tpu.memory_space<vmem>> -> memref<1x128xi32, #tpu.memory_space<vmem>>
    %dma_wait3A_1009 = tpu.memref_squeeze %dma_wait3A_1008 : memref<1x128xi32, #tpu.memory_space<vmem>> -> memref<128xi32, #tpu.memory_space<vmem>>
    %dma_wait3A_1010 = tpu.memref_slice %arg3[%mul3A_833] : memref<53248xi32, #tpu.memory_space<hbm>> -> memref<128xi32, #tpu.memory_space<hbm>>
    tpu.wait_dma2 semaphore(%dma_wait3A_1006 : memref<!tpu.dma_semaphore, #tpu.memory_space<semaphore_mem>>) src(%dma_wait3A_1010 : memref<128xi32, #tpu.memory_space<hbm>>) dst(%dma_wait3A_1009 : memref<128xi32, #tpu.memory_space<vmem>>)
    %dma_start3A_1011 = arith.constant 2 : i32
    %dma_start3A_1012 = arith.constant 2 : i32
    %dma_start3A_1013 = arith.constant 2 : i32
    %dma_start3A_1014 = arith.constant 0 : i32
    %dma_start3A_1015 = arith.constant 0 : i32
    %dma_start3A_1016 = tpu.memref_slice %arg6[%dma_start3A_1011, %dma_start3A_1014, %dma_start3A_1015] : memref<4x128x128xf32, #tpu.memory_space<vmem>> -> memref<1x128x128xf32, #tpu.memory_space<vmem>>
    %dma_start3A_1017 = tpu.memref_squeeze %dma_start3A_1016 : memref<1x128x128xf32, #tpu.memory_space<vmem>> -> memref<128x128xf32, #tpu.memory_space<vmem>>
    %dma_start3A_1018 = arith.constant 0 : i32
    %dma_start3A_1019 = tpu.memref_slice %arg7[%dma_start3A_1012, %dma_start3A_1018] : memref<4x128xi32, #tpu.memory_space<vmem>> -> memref<1x128xi32, #tpu.memory_space<vmem>>
    %dma_start3A_1020 = tpu.memref_squeeze %dma_start3A_1019 : memref<1x128xi32, #tpu.memory_space<vmem>> -> memref<128xi32, #tpu.memory_space<vmem>>
    %dma_start3A_1021 = arith.constant 0 : i32
    %dma_start3A_1022 = arith.constant 0 : i32
    %dma_start3A_1023 = tpu.memref_slice %arg10[%dma_start3A_1021, %dma_start3A_1022] : memref<128x128xf32, #tpu.memory_space<vmem_shared>> -> memref<128x128xf32, #tpu.memory_space<vmem_shared>>
    %dma_start3A_1024 = tpu.memref_slice %arg13[%dma_start3A_1013] : memref<4x!tpu.dma_semaphore, #tpu.memory_space<semaphore_mem>> -> memref<1x!tpu.dma_semaphore, #tpu.memory_space<semaphore_mem>>
    %dma_start3A_1025 = tpu.memref_squeeze %dma_start3A_1024 : memref<1x!tpu.dma_semaphore, #tpu.memory_space<semaphore_mem>> -> memref<!tpu.dma_semaphore, #tpu.memory_space<semaphore_mem>>
    tpu.enqueue_indirect_dma source(%dma_start3A_1017 : memref<128x128xf32, #tpu.memory_space<vmem>>) target(%dma_start3A_1023 : memref<128x128xf32, #tpu.memory_space<vmem_shared>>) offsets(%dma_start3A_1020 : memref<128xi32, #tpu.memory_space<vmem>>) semaphore(%dma_start3A_1025 : memref<!tpu.dma_semaphore, #tpu.memory_space<semaphore_mem>>) {add = true}
    %dma_wait3A_1026 = arith.constant 3 : i32
    %dma_wait3A_1027 = arith.constant 3 : i32
    %dma_wait3A_1028 = arith.constant 0 : i32
    %dma_wait3A_1029 = arith.constant 0 : i32
    %dma_wait3A_1030 = tpu.memref_slice %arg6[%dma_wait3A_1026, %dma_wait3A_1028, %dma_wait3A_1029] : memref<4x128x128xf32, #tpu.memory_space<vmem>> -> memref<1x128x128xf32, #tpu.memory_space<vmem>>
    %dma_wait3A_1031 = tpu.memref_squeeze %dma_wait3A_1030 : memref<1x128x128xf32, #tpu.memory_space<vmem>> -> memref<128x128xf32, #tpu.memory_space<vmem>>
    %dma_wait3A_1032 = arith.constant 0 : i32
    %dma_wait3A_1033 = tpu.memref_slice %arg2[%add3A_909, %dma_wait3A_1032] : memref<100000x128xf32, #tpu.memory_space<hbm>> -> memref<128x128xf32, #tpu.memory_space<hbm>>
    %dma_wait3A_1034 = tpu.memref_slice %arg11[%dma_wait3A_1027] : memref<4x!tpu.dma_semaphore, #tpu.memory_space<semaphore_mem>> -> memref<1x!tpu.dma_semaphore, #tpu.memory_space<semaphore_mem>>
    %dma_wait3A_1035 = tpu.memref_squeeze %dma_wait3A_1034 : memref<1x!tpu.dma_semaphore, #tpu.memory_space<semaphore_mem>> -> memref<!tpu.dma_semaphore, #tpu.memory_space<semaphore_mem>>
    %dma_wait3A_1036 = arith.constant 0 : i32
    %dma_wait3A_1037 = arith.constant 0 : i32
    %dma_wait3A_1038 = tpu.memref_slice %arg6[%dma_wait3A_1026, %dma_wait3A_1036, %dma_wait3A_1037] : memref<4x128x128xf32, #tpu.memory_space<vmem>> -> memref<1x128x128xf32, #tpu.memory_space<vmem>>
    %dma_wait3A_1039 = tpu.memref_squeeze %dma_wait3A_1038 : memref<1x128x128xf32, #tpu.memory_space<vmem>> -> memref<128x128xf32, #tpu.memory_space<vmem>>
    %dma_wait3A_1040 = arith.constant 0 : i32
    %dma_wait3A_1041 = tpu.memref_slice %arg2[%add3A_909, %dma_wait3A_1040] : memref<100000x128xf32, #tpu.memory_space<hbm>> -> memref<128x128xf32, #tpu.memory_space<hbm>>
    tpu.wait_dma2 semaphore(%dma_wait3A_1035 : memref<!tpu.dma_semaphore, #tpu.memory_space<semaphore_mem>>) src(%dma_wait3A_1041 : memref<128x128xf32, #tpu.memory_space<hbm>>) dst(%dma_wait3A_1039 : memref<128x128xf32, #tpu.memory_space<vmem>>)
    %dma_wait3A_1042 = arith.constant 3 : i32
    %dma_wait3A_1043 = arith.constant 3 : i32
    %dma_wait3A_1044 = arith.constant 0 : i32
    %dma_wait3A_1045 = tpu.memref_slice %arg7[%dma_wait3A_1042, %dma_wait3A_1044] : memref<4x128xi32, #tpu.memory_space<vmem>> -> memref<1x128xi32, #tpu.memory_space<vmem>>
    %dma_wait3A_1046 = tpu.memref_squeeze %dma_wait3A_1045 : memref<1x128xi32, #tpu.memory_space<vmem>> -> memref<128xi32, #tpu.memory_space<vmem>>
    %dma_wait3A_1047 = tpu.memref_slice %arg3[%mul3A_927] : memref<53248xi32, #tpu.memory_space<hbm>> -> memref<128xi32, #tpu.memory_space<hbm>>
    %dma_wait3A_1048 = tpu.memref_slice %arg12[%dma_wait3A_1043] : memref<4x!tpu.dma_semaphore, #tpu.memory_space<semaphore_mem>> -> memref<1x!tpu.dma_semaphore, #tpu.memory_space<semaphore_mem>>
    %dma_wait3A_1049 = tpu.memref_squeeze %dma_wait3A_1048 : memref<1x!tpu.dma_semaphore, #tpu.memory_space<semaphore_mem>> -> memref<!tpu.dma_semaphore, #tpu.memory_space<semaphore_mem>>
    %dma_wait3A_1050 = arith.constant 0 : i32
    %dma_wait3A_1051 = tpu.memref_slice %arg7[%dma_wait3A_1042, %dma_wait3A_1050] : memref<4x128xi32, #tpu.memory_space<vmem>> -> memref<1x128xi32, #tpu.memory_space<vmem>>
    %dma_wait3A_1052 = tpu.memref_squeeze %dma_wait3A_1051 : memref<1x128xi32, #tpu.memory_space<vmem>> -> memref<128xi32, #tpu.memory_space<vmem>>
    %dma_wait3A_1053 = tpu.memref_slice %arg3[%mul3A_927] : memref<53248xi32, #tpu.memory_space<hbm>> -> memref<128xi32, #tpu.memory_space<hbm>>
    tpu.wait_dma2 semaphore(%dma_wait3A_1049 : memref<!tpu.dma_semaphore, #tpu.memory_space<semaphore_mem>>) src(%dma_wait3A_1053 : memref<128xi32, #tpu.memory_space<hbm>>) dst(%dma_wait3A_1052 : memref<128xi32, #tpu.memory_space<vmem>>)
    %dma_start3A_1054 = arith.constant 3 : i32
    %dma_start3A_1055 = arith.constant 3 : i32
    %dma_start3A_1056 = arith.constant 3 : i32
    %dma_start3A_1057 = arith.constant 0 : i32
    %dma_start3A_1058 = arith.constant 0 : i32
    %dma_start3A_1059 = tpu.memref_slice %arg6[%dma_start3A_1054, %dma_start3A_1057, %dma_start3A_1058] : memref<4x128x128xf32, #tpu.memory_space<vmem>> -> memref<1x128x128xf32, #tpu.memory_space<vmem>>
    %dma_start3A_1060 = tpu.memref_squeeze %dma_start3A_1059 : memref<1x128x128xf32, #tpu.memory_space<vmem>> -> memref<128x128xf32, #tpu.memory_space<vmem>>
    %dma_start3A_1061 = arith.constant 0 : i32
    %dma_start3A_1062 = tpu.memref_slice %arg7[%dma_start3A_1055, %dma_start3A_1061] : memref<4x128xi32, #tpu.memory_space<vmem>> -> memref<1x128xi32, #tpu.memory_space<vmem>>
    %dma_start3A_1063 = tpu.memref_squeeze %dma_start3A_1062 : memref<1x128xi32, #tpu.memory_space<vmem>> -> memref<128xi32, #tpu.memory_space<vmem>>
    %dma_start3A_1064 = arith.constant 0 : i32
    %dma_start3A_1065 = arith.constant 0 : i32
    %dma_start3A_1066 = tpu.memref_slice %arg10[%dma_start3A_1064, %dma_start3A_1065] : memref<128x128xf32, #tpu.memory_space<vmem_shared>> -> memref<128x128xf32, #tpu.memory_space<vmem_shared>>
    %dma_start3A_1067 = tpu.memref_slice %arg13[%dma_start3A_1056] : memref<4x!tpu.dma_semaphore, #tpu.memory_space<semaphore_mem>> -> memref<1x!tpu.dma_semaphore, #tpu.memory_space<semaphore_mem>>
    %dma_start3A_1068 = tpu.memref_squeeze %dma_start3A_1067 : memref<1x!tpu.dma_semaphore, #tpu.memory_space<semaphore_mem>> -> memref<!tpu.dma_semaphore, #tpu.memory_space<semaphore_mem>>
    tpu.enqueue_indirect_dma source(%dma_start3A_1060 : memref<128x128xf32, #tpu.memory_space<vmem>>) target(%dma_start3A_1066 : memref<128x128xf32, #tpu.memory_space<vmem_shared>>) offsets(%dma_start3A_1063 : memref<128xi32, #tpu.memory_space<vmem>>) semaphore(%dma_start3A_1068 : memref<!tpu.dma_semaphore, #tpu.memory_space<semaphore_mem>>) {add = true}
    %dma_wait3A_1069 = arith.constant 0 : i32
    %dma_wait3A_1070 = arith.constant 0 : i32
    %dma_wait3A_1071 = arith.constant 0 : i32
    %dma_wait3A_1072 = arith.constant 0 : i32
    %dma_wait3A_1073 = arith.constant 0 : i32
    %dma_wait3A_1074 = tpu.memref_slice %arg6[%dma_wait3A_1069, %dma_wait3A_1072, %dma_wait3A_1073] : memref<4x128x128xf32, #tpu.memory_space<vmem>> -> memref<1x128x128xf32, #tpu.memory_space<vmem>>
    %dma_wait3A_1075 = tpu.memref_squeeze %dma_wait3A_1074 : memref<1x128x128xf32, #tpu.memory_space<vmem>> -> memref<128x128xf32, #tpu.memory_space<vmem>>
    %dma_wait3A_1076 = arith.constant 0 : i32
    %dma_wait3A_1077 = tpu.memref_slice %arg7[%dma_wait3A_1070, %dma_wait3A_1076] : memref<4x128xi32, #tpu.memory_space<vmem>> -> memref<1x128xi32, #tpu.memory_space<vmem>>
    %dma_wait3A_1078 = tpu.memref_squeeze %dma_wait3A_1077 : memref<1x128xi32, #tpu.memory_space<vmem>> -> memref<128xi32, #tpu.memory_space<vmem>>
    %dma_wait3A_1079 = arith.constant 0 : i32
    %dma_wait3A_1080 = arith.constant 0 : i32
    %dma_wait3A_1081 = tpu.memref_slice %arg10[%dma_wait3A_1079, %dma_wait3A_1080] : memref<128x128xf32, #tpu.memory_space<vmem_shared>> -> memref<128x128xf32, #tpu.memory_space<vmem_shared>>
    %dma_wait3A_1082 = tpu.memref_slice %arg13[%dma_wait3A_1071] : memref<4x!tpu.dma_semaphore, #tpu.memory_space<semaphore_mem>> -> memref<1x!tpu.dma_semaphore, #tpu.memory_space<semaphore_mem>>
    %dma_wait3A_1083 = tpu.memref_squeeze %dma_wait3A_1082 : memref<1x!tpu.dma_semaphore, #tpu.memory_space<semaphore_mem>> -> memref<!tpu.dma_semaphore, #tpu.memory_space<semaphore_mem>>
    tpu.wait_indirect_dma semaphore(%dma_wait3A_1083 : memref<!tpu.dma_semaphore, #tpu.memory_space<semaphore_mem>>) src(%dma_wait3A_1075 : memref<128x128xf32, #tpu.memory_space<vmem>>) dst(%dma_wait3A_1081 : memref<128x128xf32, #tpu.memory_space<vmem_shared>>)
    %dma_wait3A_1084 = arith.constant 1 : i32
    %dma_wait3A_1085 = arith.constant 1 : i32
    %dma_wait3A_1086 = arith.constant 1 : i32
    %dma_wait3A_1087 = arith.constant 0 : i32
    %dma_wait3A_1088 = arith.constant 0 : i32
    %dma_wait3A_1089 = tpu.memref_slice %arg6[%dma_wait3A_1084, %dma_wait3A_1087, %dma_wait3A_1088] : memref<4x128x128xf32, #tpu.memory_space<vmem>> -> memref<1x128x128xf32, #tpu.memory_space<vmem>>
    %dma_wait3A_1090 = tpu.memref_squeeze %dma_wait3A_1089 : memref<1x128x128xf32, #tpu.memory_space<vmem>> -> memref<128x128xf32, #tpu.memory_space<vmem>>
    %dma_wait3A_1091 = arith.constant 0 : i32
    %dma_wait3A_1092 = tpu.memref_slice %arg7[%dma_wait3A_1085, %dma_wait3A_1091] : memref<4x128xi32, #tpu.memory_space<vmem>> -> memref<1x128xi32, #tpu.memory_space<vmem>>
    %dma_wait3A_1093 = tpu.memref_squeeze %dma_wait3A_1092 : memref<1x128xi32, #tpu.memory_space<vmem>> -> memref<128xi32, #tpu.memory_space<vmem>>
    %dma_wait3A_1094 = arith.constant 0 : i32
    %dma_wait3A_1095 = arith.constant 0 : i32
    %dma_wait3A_1096 = tpu.memref_slice %arg10[%dma_wait3A_1094, %dma_wait3A_1095] : memref<128x128xf32, #tpu.memory_space<vmem_shared>> -> memref<128x128xf32, #tpu.memory_space<vmem_shared>>
    %dma_wait3A_1097 = tpu.memref_slice %arg13[%dma_wait3A_1086] : memref<4x!tpu.dma_semaphore, #tpu.memory_space<semaphore_mem>> -> memref<1x!tpu.dma_semaphore, #tpu.memory_space<semaphore_mem>>
    %dma_wait3A_1098 = tpu.memref_squeeze %dma_wait3A_1097 : memref<1x!tpu.dma_semaphore, #tpu.memory_space<semaphore_mem>> -> memref<!tpu.dma_semaphore, #tpu.memory_space<semaphore_mem>>
    tpu.wait_indirect_dma semaphore(%dma_wait3A_1098 : memref<!tpu.dma_semaphore, #tpu.memory_space<semaphore_mem>>) src(%dma_wait3A_1090 : memref<128x128xf32, #tpu.memory_space<vmem>>) dst(%dma_wait3A_1096 : memref<128x128xf32, #tpu.memory_space<vmem_shared>>)
    %dma_wait3A_1099 = arith.constant 2 : i32
    %dma_wait3A_1100 = arith.constant 2 : i32
    %dma_wait3A_1101 = arith.constant 2 : i32
    %dma_wait3A_1102 = arith.constant 0 : i32
    %dma_wait3A_1103 = arith.constant 0 : i32
    %dma_wait3A_1104 = tpu.memref_slice %arg6[%dma_wait3A_1099, %dma_wait3A_1102, %dma_wait3A_1103] : memref<4x128x128xf32, #tpu.memory_space<vmem>> -> memref<1x128x128xf32, #tpu.memory_space<vmem>>
    %dma_wait3A_1105 = tpu.memref_squeeze %dma_wait3A_1104 : memref<1x128x128xf32, #tpu.memory_space<vmem>> -> memref<128x128xf32, #tpu.memory_space<vmem>>
    %dma_wait3A_1106 = arith.constant 0 : i32
    %dma_wait3A_1107 = tpu.memref_slice %arg7[%dma_wait3A_1100, %dma_wait3A_1106] : memref<4x128xi32, #tpu.memory_space<vmem>> -> memref<1x128xi32, #tpu.memory_space<vmem>>
    %dma_wait3A_1108 = tpu.memref_squeeze %dma_wait3A_1107 : memref<1x128xi32, #tpu.memory_space<vmem>> -> memref<128xi32, #tpu.memory_space<vmem>>
    %dma_wait3A_1109 = arith.constant 0 : i32
    %dma_wait3A_1110 = arith.constant 0 : i32
    %dma_wait3A_1111 = tpu.memref_slice %arg10[%dma_wait3A_1109, %dma_wait3A_1110] : memref<128x128xf32, #tpu.memory_space<vmem_shared>> -> memref<128x128xf32, #tpu.memory_space<vmem_shared>>
    %dma_wait3A_1112 = tpu.memref_slice %arg13[%dma_wait3A_1101] : memref<4x!tpu.dma_semaphore, #tpu.memory_space<semaphore_mem>> -> memref<1x!tpu.dma_semaphore, #tpu.memory_space<semaphore_mem>>
    %dma_wait3A_1113 = tpu.memref_squeeze %dma_wait3A_1112 : memref<1x!tpu.dma_semaphore, #tpu.memory_space<semaphore_mem>> -> memref<!tpu.dma_semaphore, #tpu.memory_space<semaphore_mem>>
    tpu.wait_indirect_dma semaphore(%dma_wait3A_1113 : memref<!tpu.dma_semaphore, #tpu.memory_space<semaphore_mem>>) src(%dma_wait3A_1105 : memref<128x128xf32, #tpu.memory_space<vmem>>) dst(%dma_wait3A_1111 : memref<128x128xf32, #tpu.memory_space<vmem_shared>>)
    %dma_wait3A_1114 = arith.constant 3 : i32
    %dma_wait3A_1115 = arith.constant 3 : i32
    %dma_wait3A_1116 = arith.constant 3 : i32
    %dma_wait3A_1117 = arith.constant 0 : i32
    %dma_wait3A_1118 = arith.constant 0 : i32
    %dma_wait3A_1119 = tpu.memref_slice %arg6[%dma_wait3A_1114, %dma_wait3A_1117, %dma_wait3A_1118] : memref<4x128x128xf32, #tpu.memory_space<vmem>> -> memref<1x128x128xf32, #tpu.memory_space<vmem>>
    %dma_wait3A_1120 = tpu.memref_squeeze %dma_wait3A_1119 : memref<1x128x128xf32, #tpu.memory_space<vmem>> -> memref<128x128xf32, #tpu.memory_space<vmem>>
    %dma_wait3A_1121 = arith.constant 0 : i32
    %dma_wait3A_1122 = tpu.memref_slice %arg7[%dma_wait3A_1115, %dma_wait3A_1121] : memref<4x128xi32, #tpu.memory_space<vmem>> -> memref<1x128xi32, #tpu.memory_space<vmem>>
    %dma_wait3A_1123 = tpu.memref_squeeze %dma_wait3A_1122 : memref<1x128xi32, #tpu.memory_space<vmem>> -> memref<128xi32, #tpu.memory_space<vmem>>
    %dma_wait3A_1124 = arith.constant 0 : i32
    %dma_wait3A_1125 = arith.constant 0 : i32
    %dma_wait3A_1126 = tpu.memref_slice %arg10[%dma_wait3A_1124, %dma_wait3A_1125] : memref<128x128xf32, #tpu.memory_space<vmem_shared>> -> memref<128x128xf32, #tpu.memory_space<vmem_shared>>
    %dma_wait3A_1127 = tpu.memref_slice %arg13[%dma_wait3A_1116] : memref<4x!tpu.dma_semaphore, #tpu.memory_space<semaphore_mem>> -> memref<1x!tpu.dma_semaphore, #tpu.memory_space<semaphore_mem>>
    %dma_wait3A_1128 = tpu.memref_squeeze %dma_wait3A_1127 : memref<1x!tpu.dma_semaphore, #tpu.memory_space<semaphore_mem>> -> memref<!tpu.dma_semaphore, #tpu.memory_space<semaphore_mem>>
    tpu.wait_indirect_dma semaphore(%dma_wait3A_1128 : memref<!tpu.dma_semaphore, #tpu.memory_space<semaphore_mem>>) src(%dma_wait3A_1120 : memref<128x128xf32, #tpu.memory_space<vmem>>) dst(%dma_wait3A_1126 : memref<128x128xf32, #tpu.memory_space<vmem_shared>>)
    %lt3A = arith.constant 13 : i32
    %lt3A_1129 = arith.cmpi slt, %add3A, %lt3A : i32
    %convert_element_type3A_1130 = arith.extui %lt3A_1129 : i1 to i32
    %cond3A_1131 = arith.constant 0 : i32
    %cond3A_1132 = arith.cmpi ne, %convert_element_type3A_1130, %cond3A_1131 : i32
    scf.if %cond3A_1132 {
      %add3A_1144 = arith.constant 384 : i32
      %add3A_1145 = arith.addi %add3A, %add3A_1144 : i32
      %mul3A_1146 = arith.constant 128 : i32
      %mul3A_1147 = arith.muli %add3A_1145, %mul3A_1146 : i32
      %add3A_1148 = arith.constant 49152 : i32
      %add3A_1149 = arith.addi %add3A_1148, %mul3A_1147 : i32
      %run_scoped3A = arith.constant 0 : i32
      "tpu.region"() ({
        %run_scoped3A_1155 = tpu.sem_alloc : memref<!tpu.dma_semaphore, #tpu.memory_space<semaphore_mem>>
        %dma_start3A_1156 = arith.constant 0 : i32
        %dma_start3A_1157 = arith.constant 0 : i32
        %dma_start3A_1158 = tpu.memref_slice %arg6[%run_scoped3A, %dma_start3A_1156, %dma_start3A_1157] : memref<4x128x128xf32, #tpu.memory_space<vmem>> -> memref<1x128x128xf32, #tpu.memory_space<vmem>>
        %dma_start3A_1159 = tpu.memref_squeeze %dma_start3A_1158 : memref<1x128x128xf32, #tpu.memory_space<vmem>> -> memref<128x128xf32, #tpu.memory_space<vmem>>
        %dma_start3A_1160 = arith.constant 0 : i32
        %dma_start3A_1161 = tpu.memref_slice %arg2[%add3A_1149, %dma_start3A_1160] : memref<100000x128xf32, #tpu.memory_space<hbm>> -> memref<128x128xf32, #tpu.memory_space<hbm>>
        %dma_start3A_1162 = arith.constant 0 : i32
        %dma_start3A_1163 = arith.constant 0 : i32
        %dma_start3A_1164 = tpu.memref_slice %arg6[%run_scoped3A, %dma_start3A_1162, %dma_start3A_1163] : memref<4x128x128xf32, #tpu.memory_space<vmem>> -> memref<1x128x128xf32, #tpu.memory_space<vmem>>
        %dma_start3A_1165 = tpu.memref_squeeze %dma_start3A_1164 : memref<1x128x128xf32, #tpu.memory_space<vmem>> -> memref<128x128xf32, #tpu.memory_space<vmem>>
        %dma_start3A_1166 = arith.constant 0 : i32
        %dma_start3A_1167 = tpu.memref_slice %arg2[%add3A_1149, %dma_start3A_1166] : memref<100000x128xf32, #tpu.memory_space<hbm>> -> memref<128x128xf32, #tpu.memory_space<hbm>>
        tpu.enqueue_dma source(%dma_start3A_1167 : memref<128x128xf32, #tpu.memory_space<hbm>>) target(%dma_start3A_1165 : memref<128x128xf32, #tpu.memory_space<vmem>>) target_semaphore(%run_scoped3A_1155 : memref<!tpu.dma_semaphore, #tpu.memory_space<semaphore_mem>>)
        %dma_wait3A_1168 = arith.constant 0 : i32
        %dma_wait3A_1169 = arith.constant 0 : i32
        %dma_wait3A_1170 = tpu.memref_slice %arg6[%run_scoped3A, %dma_wait3A_1168, %dma_wait3A_1169] : memref<4x128x128xf32, #tpu.memory_space<vmem>> -> memref<1x128x128xf32, #tpu.memory_space<vmem>>
        %dma_wait3A_1171 = tpu.memref_squeeze %dma_wait3A_1170 : memref<1x128x128xf32, #tpu.memory_space<vmem>> -> memref<128x128xf32, #tpu.memory_space<vmem>>
        %dma_wait3A_1172 = arith.constant 0 : i32
        %dma_wait3A_1173 = tpu.memref_slice %arg2[%add3A_1149, %dma_wait3A_1172] : memref<100000x128xf32, #tpu.memory_space<hbm>> -> memref<128x128xf32, #tpu.memory_space<hbm>>
        %dma_wait3A_1174 = arith.constant 0 : i32
        %dma_wait3A_1175 = arith.constant 0 : i32
        %dma_wait3A_1176 = tpu.memref_slice %arg6[%run_scoped3A, %dma_wait3A_1174, %dma_wait3A_1175] : memref<4x128x128xf32, #tpu.memory_space<vmem>> -> memref<1x128x128xf32, #tpu.memory_space<vmem>>
        %dma_wait3A_1177 = tpu.memref_squeeze %dma_wait3A_1176 : memref<1x128x128xf32, #tpu.memory_space<vmem>> -> memref<128x128xf32, #tpu.memory_space<vmem>>
        %dma_wait3A_1178 = arith.constant 0 : i32
        %dma_wait3A_1179 = tpu.memref_slice %arg2[%add3A_1149, %dma_wait3A_1178] : memref<100000x128xf32, #tpu.memory_space<hbm>> -> memref<128x128xf32, #tpu.memory_space<hbm>>
        tpu.wait_dma2 semaphore(%run_scoped3A_1155 : memref<!tpu.dma_semaphore, #tpu.memory_space<semaphore_mem>>) src(%dma_wait3A_1179 : memref<128x128xf32, #tpu.memory_space<hbm>>) dst(%dma_wait3A_1177 : memref<128x128xf32, #tpu.memory_space<vmem>>)
        tpu.yield
      }) : () -> ()
      %mul3A_1150 = arith.constant 128 : i32
      %mul3A_1151 = arith.muli %add3A_1145, %mul3A_1150 : i32
      %run_scoped3A_1152 = arith.constant 0 : i32
      "tpu.region"() ({
        %run_scoped3A_1155 = tpu.sem_alloc : memref<!tpu.dma_semaphore, #tpu.memory_space<semaphore_mem>>
        %dma_start3A_1156 = arith.constant 0 : i32
        %dma_start3A_1157 = tpu.memref_slice %arg7[%run_scoped3A_1152, %dma_start3A_1156] : memref<4x128xi32, #tpu.memory_space<vmem>> -> memref<1x128xi32, #tpu.memory_space<vmem>>
        %dma_start3A_1158 = tpu.memref_squeeze %dma_start3A_1157 : memref<1x128xi32, #tpu.memory_space<vmem>> -> memref<128xi32, #tpu.memory_space<vmem>>
        %dma_start3A_1159 = tpu.memref_slice %arg3[%mul3A_1151] : memref<53248xi32, #tpu.memory_space<hbm>> -> memref<128xi32, #tpu.memory_space<hbm>>
        %dma_start3A_1160 = arith.constant 0 : i32
        %dma_start3A_1161 = tpu.memref_slice %arg7[%run_scoped3A_1152, %dma_start3A_1160] : memref<4x128xi32, #tpu.memory_space<vmem>> -> memref<1x128xi32, #tpu.memory_space<vmem>>
        %dma_start3A_1162 = tpu.memref_squeeze %dma_start3A_1161 : memref<1x128xi32, #tpu.memory_space<vmem>> -> memref<128xi32, #tpu.memory_space<vmem>>
        %dma_start3A_1163 = tpu.memref_slice %arg3[%mul3A_1151] : memref<53248xi32, #tpu.memory_space<hbm>> -> memref<128xi32, #tpu.memory_space<hbm>>
        tpu.enqueue_dma source(%dma_start3A_1163 : memref<128xi32, #tpu.memory_space<hbm>>) target(%dma_start3A_1162 : memref<128xi32, #tpu.memory_space<vmem>>) target_semaphore(%run_scoped3A_1155 : memref<!tpu.dma_semaphore, #tpu.memory_space<semaphore_mem>>)
        %dma_wait3A_1164 = arith.constant 0 : i32
        %dma_wait3A_1165 = tpu.memref_slice %arg7[%run_scoped3A_1152, %dma_wait3A_1164] : memref<4x128xi32, #tpu.memory_space<vmem>> -> memref<1x128xi32, #tpu.memory_space<vmem>>
        %dma_wait3A_1166 = tpu.memref_squeeze %dma_wait3A_1165 : memref<1x128xi32, #tpu.memory_space<vmem>> -> memref<128xi32, #tpu.memory_space<vmem>>
        %dma_wait3A_1167 = tpu.memref_slice %arg3[%mul3A_1151] : memref<53248xi32, #tpu.memory_space<hbm>> -> memref<128xi32, #tpu.memory_space<hbm>>
        %dma_wait3A_1168 = arith.constant 0 : i32
        %dma_wait3A_1169 = tpu.memref_slice %arg7[%run_scoped3A_1152, %dma_wait3A_1168] : memref<4x128xi32, #tpu.memory_space<vmem>> -> memref<1x128xi32, #tpu.memory_space<vmem>>
        %dma_wait3A_1170 = tpu.memref_squeeze %dma_wait3A_1169 : memref<1x128xi32, #tpu.memory_space<vmem>> -> memref<128xi32, #tpu.memory_space<vmem>>
        %dma_wait3A_1171 = tpu.memref_slice %arg3[%mul3A_1151] : memref<53248xi32, #tpu.memory_space<hbm>> -> memref<128xi32, #tpu.memory_space<hbm>>
        tpu.wait_dma2 semaphore(%run_scoped3A_1155 : memref<!tpu.dma_semaphore, #tpu.memory_space<semaphore_mem>>) src(%dma_wait3A_1171 : memref<128xi32, #tpu.memory_space<hbm>>) dst(%dma_wait3A_1170 : memref<128xi32, #tpu.memory_space<vmem>>)
        tpu.yield
      }) : () -> ()
      %run_scoped3A_1153 = arith.constant 0 : i32
      %run_scoped3A_1154 = arith.constant 0 : i32
      "tpu.region"() ({
        %run_scoped3A_1155 = tpu.sem_alloc : memref<!tpu.dma_semaphore, #tpu.memory_space<semaphore_mem>>
        %dma_start3A_1156 = arith.constant 0 : i32
        %dma_start3A_1157 = arith.constant 0 : i32
        %dma_start3A_1158 = tpu.memref_slice %arg6[%run_scoped3A_1153, %dma_start3A_1156, %dma_start3A_1157] : memref<4x128x128xf32, #tpu.memory_space<vmem>> -> memref<1x128x128xf32, #tpu.memory_space<vmem>>
        %dma_start3A_1159 = tpu.memref_squeeze %dma_start3A_1158 : memref<1x128x128xf32, #tpu.memory_space<vmem>> -> memref<128x128xf32, #tpu.memory_space<vmem>>
        %dma_start3A_1160 = arith.constant 0 : i32
        %dma_start3A_1161 = tpu.memref_slice %arg7[%run_scoped3A_1154, %dma_start3A_1160] : memref<4x128xi32, #tpu.memory_space<vmem>> -> memref<1x128xi32, #tpu.memory_space<vmem>>
        %dma_start3A_1162 = tpu.memref_squeeze %dma_start3A_1161 : memref<1x128xi32, #tpu.memory_space<vmem>> -> memref<128xi32, #tpu.memory_space<vmem>>
        %dma_start3A_1163 = arith.constant 0 : i32
        %dma_start3A_1164 = arith.constant 0 : i32
        %dma_start3A_1165 = tpu.memref_slice %arg10[%dma_start3A_1163, %dma_start3A_1164] : memref<128x128xf32, #tpu.memory_space<vmem_shared>> -> memref<128x128xf32, #tpu.memory_space<vmem_shared>>
        tpu.enqueue_indirect_dma source(%dma_start3A_1159 : memref<128x128xf32, #tpu.memory_space<vmem>>) target(%dma_start3A_1165 : memref<128x128xf32, #tpu.memory_space<vmem_shared>>) offsets(%dma_start3A_1162 : memref<128xi32, #tpu.memory_space<vmem>>) semaphore(%run_scoped3A_1155 : memref<!tpu.dma_semaphore, #tpu.memory_space<semaphore_mem>>) {add = true}
        %dma_wait3A_1166 = arith.constant 0 : i32
        %dma_wait3A_1167 = arith.constant 0 : i32
        %dma_wait3A_1168 = tpu.memref_slice %arg6[%run_scoped3A_1153, %dma_wait3A_1166, %dma_wait3A_1167] : memref<4x128x128xf32, #tpu.memory_space<vmem>> -> memref<1x128x128xf32, #tpu.memory_space<vmem>>
        %dma_wait3A_1169 = tpu.memref_squeeze %dma_wait3A_1168 : memref<1x128x128xf32, #tpu.memory_space<vmem>> -> memref<128x128xf32, #tpu.memory_space<vmem>>
        %dma_wait3A_1170 = arith.constant 0 : i32
        %dma_wait3A_1171 = tpu.memref_slice %arg7[%run_scoped3A_1154, %dma_wait3A_1170] : memref<4x128xi32, #tpu.memory_space<vmem>> -> memref<1x128xi32, #tpu.memory_space<vmem>>
        %dma_wait3A_1172 = tpu.memref_squeeze %dma_wait3A_1171 : memref<1x128xi32, #tpu.memory_space<vmem>> -> memref<128xi32, #tpu.memory_space<vmem>>
        %dma_wait3A_1173 = arith.constant 0 : i32
        %dma_wait3A_1174 = arith.constant 0 : i32
        %dma_wait3A_1175 = tpu.memref_slice %arg10[%dma_wait3A_1173, %dma_wait3A_1174] : memref<128x128xf32, #tpu.memory_space<vmem_shared>> -> memref<128x128xf32, #tpu.memory_space<vmem_shared>>
        tpu.wait_indirect_dma semaphore(%run_scoped3A_1155 : memref<!tpu.dma_semaphore, #tpu.memory_space<semaphore_mem>>) src(%dma_wait3A_1169 : memref<128x128xf32, #tpu.memory_space<vmem>>) dst(%dma_wait3A_1175 : memref<128x128xf32, #tpu.memory_space<vmem_shared>>)
        tpu.yield
      }) : () -> ()
    } else {
    }
    %eq3A_1133 = arith.constant 31 : i32
    %eq3A_1134 = arith.cmpi eq, %add3A, %eq3A_1133 : i32
    %convert_element_type3A_1135 = arith.extui %eq3A_1134 : i1 to i32
    %cond3A_1136 = arith.constant 0 : i32
    %cond3A_1137 = arith.cmpi ne, %convert_element_type3A_1135, %cond3A_1136 : i32
    scf.if %cond3A_1137 {
      "tpu.region"() ({
        %run_scoped3A = tpu.sem_alloc : memref<!tpu.dma_semaphore, #tpu.memory_space<semaphore_mem>>
        tpu.enqueue_dma source(%arg4 : memref<128x128xf32, #tpu.memory_space<hbm>>) target(%arg8 : memref<128x128xf32, #tpu.memory_space<vmem>>) target_semaphore(%run_scoped3A : memref<!tpu.dma_semaphore, #tpu.memory_space<semaphore_mem>>)
        tpu.wait_dma2 semaphore(%run_scoped3A : memref<!tpu.dma_semaphore, #tpu.memory_space<semaphore_mem>>) src(%arg4 : memref<128x128xf32, #tpu.memory_space<hbm>>) dst(%arg8 : memref<128x128xf32, #tpu.memory_space<vmem>>)
        tpu.yield
      }) : () -> ()
      "tpu.region"() ({
        %run_scoped3A = tpu.sem_alloc : memref<!tpu.dma_semaphore, #tpu.memory_space<semaphore_mem>>
        %dma_start3A_1144 = arith.constant 0 : i32
        %dma_start3A_1145 = arith.constant 0 : i32
        %dma_start3A_1146 = tpu.memref_slice %arg8[%dma_start3A_1144, %dma_start3A_1145] : memref<128x128xf32, #tpu.memory_space<vmem>> -> memref<32x128xf32, #tpu.memory_space<vmem>>
        %dma_start3A_1147 = arith.constant 99968 : i32
        %dma_start3A_1148 = arith.constant 0 : i32
        %dma_start3A_1149 = tpu.memref_slice %arg2[%dma_start3A_1147, %dma_start3A_1148] : memref<100000x128xf32, #tpu.memory_space<hbm>> -> memref<32x128xf32, #tpu.memory_space<hbm>>
        %dma_start3A_1150 = arith.constant 0 : i32
        %dma_start3A_1151 = arith.constant 0 : i32
        %dma_start3A_1152 = tpu.memref_slice %arg8[%dma_start3A_1150, %dma_start3A_1151] : memref<128x128xf32, #tpu.memory_space<vmem>> -> memref<32x128xf32, #tpu.memory_space<vmem>>
        %dma_start3A_1153 = arith.constant 99968 : i32
        %dma_start3A_1154 = arith.constant 0 : i32
        %dma_start3A_1155 = tpu.memref_slice %arg2[%dma_start3A_1153, %dma_start3A_1154] : memref<100000x128xf32, #tpu.memory_space<hbm>> -> memref<32x128xf32, #tpu.memory_space<hbm>>
        tpu.enqueue_dma source(%dma_start3A_1155 : memref<32x128xf32, #tpu.memory_space<hbm>>) target(%dma_start3A_1152 : memref<32x128xf32, #tpu.memory_space<vmem>>) target_semaphore(%run_scoped3A : memref<!tpu.dma_semaphore, #tpu.memory_space<semaphore_mem>>)
        %dma_wait3A_1156 = arith.constant 0 : i32
        %dma_wait3A_1157 = arith.constant 0 : i32
        %dma_wait3A_1158 = tpu.memref_slice %arg8[%dma_wait3A_1156, %dma_wait3A_1157] : memref<128x128xf32, #tpu.memory_space<vmem>> -> memref<32x128xf32, #tpu.memory_space<vmem>>
        %dma_wait3A_1159 = arith.constant 99968 : i32
        %dma_wait3A_1160 = arith.constant 0 : i32
        %dma_wait3A_1161 = tpu.memref_slice %arg2[%dma_wait3A_1159, %dma_wait3A_1160] : memref<100000x128xf32, #tpu.memory_space<hbm>> -> memref<32x128xf32, #tpu.memory_space<hbm>>
        %dma_wait3A_1162 = arith.constant 0 : i32
        %dma_wait3A_1163 = arith.constant 0 : i32
        %dma_wait3A_1164 = tpu.memref_slice %arg8[%dma_wait3A_1162, %dma_wait3A_1163] : memref<128x128xf32, #tpu.memory_space<vmem>> -> memref<32x128xf32, #tpu.memory_space<vmem>>
        %dma_wait3A_1165 = arith.constant 99968 : i32
        %dma_wait3A_1166 = arith.constant 0 : i32
        %dma_wait3A_1167 = tpu.memref_slice %arg2[%dma_wait3A_1165, %dma_wait3A_1166] : memref<100000x128xf32, #tpu.memory_space<hbm>> -> memref<32x128xf32, #tpu.memory_space<hbm>>
        tpu.wait_dma2 semaphore(%run_scoped3A : memref<!tpu.dma_semaphore, #tpu.memory_space<semaphore_mem>>) src(%dma_wait3A_1167 : memref<32x128xf32, #tpu.memory_space<hbm>>) dst(%dma_wait3A_1164 : memref<32x128xf32, #tpu.memory_space<vmem>>)
        tpu.yield
      }) : () -> ()
      "tpu.region"() ({
        %run_scoped3A = tpu.sem_alloc : memref<!tpu.dma_semaphore, #tpu.memory_space<semaphore_mem>>
        %dma_start3A_1144 = arith.constant 50816 : i32
        %dma_start3A_1145 = tpu.memref_slice %arg3[%dma_start3A_1144] : memref<53248xi32, #tpu.memory_space<hbm>> -> memref<128xi32, #tpu.memory_space<hbm>>
        %dma_start3A_1146 = arith.constant 50816 : i32
        %dma_start3A_1147 = tpu.memref_slice %arg3[%dma_start3A_1146] : memref<53248xi32, #tpu.memory_space<hbm>> -> memref<128xi32, #tpu.memory_space<hbm>>
        tpu.enqueue_dma source(%dma_start3A_1147 : memref<128xi32, #tpu.memory_space<hbm>>) target(%arg9 : memref<128xi32, #tpu.memory_space<vmem>>) target_semaphore(%run_scoped3A : memref<!tpu.dma_semaphore, #tpu.memory_space<semaphore_mem>>)
        %dma_wait3A_1148 = arith.constant 50816 : i32
        %dma_wait3A_1149 = tpu.memref_slice %arg3[%dma_wait3A_1148] : memref<53248xi32, #tpu.memory_space<hbm>> -> memref<128xi32, #tpu.memory_space<hbm>>
        %dma_wait3A_1150 = arith.constant 50816 : i32
        %dma_wait3A_1151 = tpu.memref_slice %arg3[%dma_wait3A_1150] : memref<53248xi32, #tpu.memory_space<hbm>> -> memref<128xi32, #tpu.memory_space<hbm>>
        tpu.wait_dma2 semaphore(%run_scoped3A : memref<!tpu.dma_semaphore, #tpu.memory_space<semaphore_mem>>) src(%dma_wait3A_1151 : memref<128xi32, #tpu.memory_space<hbm>>) dst(%arg9 : memref<128xi32, #tpu.memory_space<vmem>>)
        tpu.yield
      }) : () -> ()
      "tpu.region"() ({
        %run_scoped3A = tpu.sem_alloc : memref<!tpu.dma_semaphore, #tpu.memory_space<semaphore_mem>>
        %dma_start3A_1144 = arith.constant 0 : i32
        %dma_start3A_1145 = arith.constant 0 : i32
        %dma_start3A_1146 = tpu.memref_slice %arg10[%dma_start3A_1144, %dma_start3A_1145] : memref<128x128xf32, #tpu.memory_space<vmem_shared>> -> memref<128x128xf32, #tpu.memory_space<vmem_shared>>
        tpu.enqueue_indirect_dma source(%arg8 : memref<128x128xf32, #tpu.memory_space<vmem>>) target(%dma_start3A_1146 : memref<128x128xf32, #tpu.memory_space<vmem_shared>>) offsets(%arg9 : memref<128xi32, #tpu.memory_space<vmem>>) semaphore(%run_scoped3A : memref<!tpu.dma_semaphore, #tpu.memory_space<semaphore_mem>>) {add = true}
        %dma_wait3A_1147 = arith.constant 0 : i32
        %dma_wait3A_1148 = arith.constant 0 : i32
        %dma_wait3A_1149 = tpu.memref_slice %arg10[%dma_wait3A_1147, %dma_wait3A_1148] : memref<128x128xf32, #tpu.memory_space<vmem_shared>> -> memref<128x128xf32, #tpu.memory_space<vmem_shared>>
        tpu.wait_indirect_dma semaphore(%run_scoped3A : memref<!tpu.dma_semaphore, #tpu.memory_space<semaphore_mem>>) src(%arg8 : memref<128x128xf32, #tpu.memory_space<vmem>>) dst(%dma_wait3A_1149 : memref<128x128xf32, #tpu.memory_space<vmem_shared>>)
        tpu.yield
      }) : () -> ()
    } else {
    }
    %barrier3A_1138 = arith.constant 0 : index
    tpu.barrier barrier_id(%barrier3A_1138)
    %eq3A_1139 = arith.constant 0 : i32
    %eq3A_1140 = arith.cmpi eq, %arg1, %eq3A_1139 : i32
    %convert_element_type3A_1141 = arith.extui %eq3A_1140 : i1 to i32
    %cond3A_1142 = arith.constant 0 : i32
    %cond3A_1143 = arith.cmpi ne, %convert_element_type3A_1141, %cond3A_1142 : i32
    scf.if %cond3A_1143 {
      "tpu.region"() ({
        %run_scoped3A = tpu.sem_alloc : memref<!tpu.dma_semaphore, #tpu.memory_space<semaphore_mem>>
        %dma_start3A_1144 = arith.constant 0 : i32
        %dma_start3A_1145 = arith.constant 0 : i32
        %dma_start3A_1146 = tpu.memref_slice %arg5[%arg0, %dma_start3A_1144, %dma_start3A_1145] : memref<2x128x128xf32, #tpu.memory_space<hbm>> -> memref<1x128x128xf32, #tpu.memory_space<hbm>>
        %dma_start3A_1147 = tpu.memref_squeeze %dma_start3A_1146 : memref<1x128x128xf32, #tpu.memory_space<hbm>> -> memref<128x128xf32, #tpu.memory_space<hbm>>
        tpu.enqueue_dma source(%arg10 : memref<128x128xf32, #tpu.memory_space<vmem_shared>>) target(%dma_start3A_1147 : memref<128x128xf32, #tpu.memory_space<hbm>>) target_semaphore(%run_scoped3A : memref<!tpu.dma_semaphore, #tpu.memory_space<semaphore_mem>>)
        %dma_wait3A_1148 = arith.constant 0 : i32
        %dma_wait3A_1149 = arith.constant 0 : i32
        %dma_wait3A_1150 = tpu.memref_slice %arg5[%arg0, %dma_wait3A_1148, %dma_wait3A_1149] : memref<2x128x128xf32, #tpu.memory_space<hbm>> -> memref<1x128x128xf32, #tpu.memory_space<hbm>>
        %dma_wait3A_1151 = tpu.memref_squeeze %dma_wait3A_1150 : memref<1x128x128xf32, #tpu.memory_space<hbm>> -> memref<128x128xf32, #tpu.memory_space<hbm>>
        tpu.wait_dma2 semaphore(%run_scoped3A : memref<!tpu.dma_semaphore, #tpu.memory_space<semaphore_mem>>) src(%arg10 : memref<128x128xf32, #tpu.memory_space<vmem_shared>>) dst(%dma_wait3A_1151 : memref<128x128xf32, #tpu.memory_space<hbm>>)
        tpu.yield
      }) : () -> ()
    } else {
    }
    return
  }
}

#map = affine_map<(d0, d1) -> (0, 0)>
#map1 = affine_map<(d0, d1) -> (0)>
#map2 = affine_map<(d0, d1) -> (0, 0, 0)>
module attributes {stable_mosaic.version = 14 : i64} {
  func.func @_sc_seg_body(%arg0: i32, %arg1: i32, %arg2: memref<100000x128xf32, #tpu.memory_space<hbm>>, %arg3: memref<49152xi32, #tpu.memory_space<hbm>>, %arg4: memref<128x128xf32, #tpu.memory_space<hbm>>, %arg5: memref<2x128x128xf32, #tpu.memory_space<hbm>>, %arg6: memref<4x128x128xf32, #tpu.memory_space<vmem>>, %arg7: memref<4x128xi32, #tpu.memory_space<vmem>>, %arg8: memref<128x128xf32, #tpu.memory_space<vmem>>, %arg9: memref<128xi32, #tpu.memory_space<vmem>>, %arg10: memref<128x128xf32, #tpu.memory_space<vmem_shared>>, %arg11: memref<4x!tpu.dma_semaphore, #tpu.memory_space<semaphore_mem>>, %arg12: memref<4x!tpu.dma_semaphore, #tpu.memory_space<semaphore_mem>>, %arg13: memref<4x!tpu.dma_semaphore, #tpu.memory_space<semaphore_mem>>) attributes {dimension_semantics = [#tpu.dimension_semantics<core_parallel>, #tpu.dimension_semantics<subcore_parallel>], iteration_bounds = array<i64: 2, 16>, scalar_prefetch = 0 : i64, scratch_operands = 8 : i64, tpu.core_type = #tpu.core_type<sc_vector_subcore>, window_params = [{transform_indices = #map}, {transform_indices = #map1}, {transform_indices = #map}, {transform_indices = #map2}]} {
    %mul3A = arith.constant 2 : i32
    %mul3A_0 = arith.muli %arg1, %mul3A : i32
    %add3A = arith.addi %mul3A_0, %arg0 : i32
    %eq3A = arith.constant 0 : i32
    %eq3A_1 = arith.cmpi eq, %arg1, %eq3A : i32
    %convert_element_type3A = arith.extui %eq3A_1 : i1 to i32
    %cond3A = arith.constant 0 : i32
    %cond3A_2 = arith.cmpi ne, %convert_element_type3A, %cond3A : i32
    scf.if %cond3A_2 {
      "tpu.region"() ({
        %run_scoped3A = tpu.sem_alloc : memref<!tpu.dma_semaphore, #tpu.memory_space<semaphore_mem>>
        tpu.enqueue_dma source(%arg4 : memref<128x128xf32, #tpu.memory_space<hbm>>) target(%arg10 : memref<128x128xf32, #tpu.memory_space<vmem_shared>>) target_semaphore(%run_scoped3A : memref<!tpu.dma_semaphore, #tpu.memory_space<semaphore_mem>>)
        tpu.wait_dma2 semaphore(%run_scoped3A : memref<!tpu.dma_semaphore, #tpu.memory_space<semaphore_mem>>) src(%arg4 : memref<128x128xf32, #tpu.memory_space<hbm>>) dst(%arg10 : memref<128x128xf32, #tpu.memory_space<vmem_shared>>)
        tpu.yield
      }) : () -> ()
    } else {
    }
    %barrier3A = arith.constant 0 : index
    tpu.barrier barrier_id(%barrier3A)
    %add3A_3 = arith.constant 0 : i32
    %add3A_4 = arith.addi %add3A, %add3A_3 : i32
    %mul3A_5 = arith.constant 128 : i32
    %mul3A_6 = arith.muli %add3A_4, %mul3A_5 : i32
    %add3A_7 = arith.constant 0 : i32
    %add3A_8 = arith.addi %add3A_7, %mul3A_6 : i32
    %dma_start3A = arith.constant 0 : i32
    %dma_start3A_9 = arith.constant 0 : i32
    %dma_start3A_10 = arith.constant 0 : i32
    %dma_start3A_11 = arith.constant 0 : i32
    %dma_start3A_12 = tpu.memref_slice %arg6[%dma_start3A, %dma_start3A_10, %dma_start3A_11] : memref<4x128x128xf32, #tpu.memory_space<vmem>> -> memref<1x128x128xf32, #tpu.memory_space<vmem>>
    %dma_start3A_13 = tpu.memref_squeeze %dma_start3A_12 : memref<1x128x128xf32, #tpu.memory_space<vmem>> -> memref<128x128xf32, #tpu.memory_space<vmem>>
    %dma_start3A_14 = arith.constant 0 : i32
    %dma_start3A_15 = tpu.memref_slice %arg2[%add3A_8, %dma_start3A_14] : memref<100000x128xf32, #tpu.memory_space<hbm>> -> memref<128x128xf32, #tpu.memory_space<hbm>>
    %dma_start3A_16 = tpu.memref_slice %arg11[%dma_start3A_9] : memref<4x!tpu.dma_semaphore, #tpu.memory_space<semaphore_mem>> -> memref<1x!tpu.dma_semaphore, #tpu.memory_space<semaphore_mem>>
    %dma_start3A_17 = tpu.memref_squeeze %dma_start3A_16 : memref<1x!tpu.dma_semaphore, #tpu.memory_space<semaphore_mem>> -> memref<!tpu.dma_semaphore, #tpu.memory_space<semaphore_mem>>
    %dma_start3A_18 = arith.constant 0 : i32
    %dma_start3A_19 = arith.constant 0 : i32
    %dma_start3A_20 = tpu.memref_slice %arg6[%dma_start3A, %dma_start3A_18, %dma_start3A_19] : memref<4x128x128xf32, #tpu.memory_space<vmem>> -> memref<1x128x128xf32, #tpu.memory_space<vmem>>
    %dma_start3A_21 = tpu.memref_squeeze %dma_start3A_20 : memref<1x128x128xf32, #tpu.memory_space<vmem>> -> memref<128x128xf32, #tpu.memory_space<vmem>>
    %dma_start3A_22 = arith.constant 0 : i32
    %dma_start3A_23 = tpu.memref_slice %arg2[%add3A_8, %dma_start3A_22] : memref<100000x128xf32, #tpu.memory_space<hbm>> -> memref<128x128xf32, #tpu.memory_space<hbm>>
    tpu.enqueue_dma source(%dma_start3A_23 : memref<128x128xf32, #tpu.memory_space<hbm>>) target(%dma_start3A_21 : memref<128x128xf32, #tpu.memory_space<vmem>>) target_semaphore(%dma_start3A_17 : memref<!tpu.dma_semaphore, #tpu.memory_space<semaphore_mem>>)
    %mul3A_24 = arith.constant 128 : i32
    %mul3A_25 = arith.muli %add3A_4, %mul3A_24 : i32
    %dma_start3A_26 = arith.constant 0 : i32
    %dma_start3A_27 = arith.constant 0 : i32
    %dma_start3A_28 = arith.constant 0 : i32
    %dma_start3A_29 = tpu.memref_slice %arg7[%dma_start3A_26, %dma_start3A_28] : memref<4x128xi32, #tpu.memory_space<vmem>> -> memref<1x128xi32, #tpu.memory_space<vmem>>
    %dma_start3A_30 = tpu.memref_squeeze %dma_start3A_29 : memref<1x128xi32, #tpu.memory_space<vmem>> -> memref<128xi32, #tpu.memory_space<vmem>>
    %dma_start3A_31 = tpu.memref_slice %arg3[%mul3A_25] : memref<49152xi32, #tpu.memory_space<hbm>> -> memref<128xi32, #tpu.memory_space<hbm>>
    %dma_start3A_32 = tpu.memref_slice %arg12[%dma_start3A_27] : memref<4x!tpu.dma_semaphore, #tpu.memory_space<semaphore_mem>> -> memref<1x!tpu.dma_semaphore, #tpu.memory_space<semaphore_mem>>
    %dma_start3A_33 = tpu.memref_squeeze %dma_start3A_32 : memref<1x!tpu.dma_semaphore, #tpu.memory_space<semaphore_mem>> -> memref<!tpu.dma_semaphore, #tpu.memory_space<semaphore_mem>>
    %dma_start3A_34 = arith.constant 0 : i32
    %dma_start3A_35 = tpu.memref_slice %arg7[%dma_start3A_26, %dma_start3A_34] : memref<4x128xi32, #tpu.memory_space<vmem>> -> memref<1x128xi32, #tpu.memory_space<vmem>>
    %dma_start3A_36 = tpu.memref_squeeze %dma_start3A_35 : memref<1x128xi32, #tpu.memory_space<vmem>> -> memref<128xi32, #tpu.memory_space<vmem>>
    %dma_start3A_37 = tpu.memref_slice %arg3[%mul3A_25] : memref<49152xi32, #tpu.memory_space<hbm>> -> memref<128xi32, #tpu.memory_space<hbm>>
    tpu.enqueue_dma source(%dma_start3A_37 : memref<128xi32, #tpu.memory_space<hbm>>) target(%dma_start3A_36 : memref<128xi32, #tpu.memory_space<vmem>>) target_semaphore(%dma_start3A_33 : memref<!tpu.dma_semaphore, #tpu.memory_space<semaphore_mem>>)
    %add3A_38 = arith.constant 32 : i32
    %add3A_39 = arith.addi %add3A, %add3A_38 : i32
    %mul3A_40 = arith.constant 128 : i32
    %mul3A_41 = arith.muli %add3A_39, %mul3A_40 : i32
    %add3A_42 = arith.constant 0 : i32
    %add3A_43 = arith.addi %add3A_42, %mul3A_41 : i32
    %dma_start3A_44 = arith.constant 1 : i32
    %dma_start3A_45 = arith.constant 1 : i32
    %dma_start3A_46 = arith.constant 0 : i32
    %dma_start3A_47 = arith.constant 0 : i32
    %dma_start3A_48 = tpu.memref_slice %arg6[%dma_start3A_44, %dma_start3A_46, %dma_start3A_47] : memref<4x128x128xf32, #tpu.memory_space<vmem>> -> memref<1x128x128xf32, #tpu.memory_space<vmem>>
    %dma_start3A_49 = tpu.memref_squeeze %dma_start3A_48 : memref<1x128x128xf32, #tpu.memory_space<vmem>> -> memref<128x128xf32, #tpu.memory_space<vmem>>
    %dma_start3A_50 = arith.constant 0 : i32
    %dma_start3A_51 = tpu.memref_slice %arg2[%add3A_43, %dma_start3A_50] : memref<100000x128xf32, #tpu.memory_space<hbm>> -> memref<128x128xf32, #tpu.memory_space<hbm>>
    %dma_start3A_52 = tpu.memref_slice %arg11[%dma_start3A_45] : memref<4x!tpu.dma_semaphore, #tpu.memory_space<semaphore_mem>> -> memref<1x!tpu.dma_semaphore, #tpu.memory_space<semaphore_mem>>
    %dma_start3A_53 = tpu.memref_squeeze %dma_start3A_52 : memref<1x!tpu.dma_semaphore, #tpu.memory_space<semaphore_mem>> -> memref<!tpu.dma_semaphore, #tpu.memory_space<semaphore_mem>>
    %dma_start3A_54 = arith.constant 0 : i32
    %dma_start3A_55 = arith.constant 0 : i32
    %dma_start3A_56 = tpu.memref_slice %arg6[%dma_start3A_44, %dma_start3A_54, %dma_start3A_55] : memref<4x128x128xf32, #tpu.memory_space<vmem>> -> memref<1x128x128xf32, #tpu.memory_space<vmem>>
    %dma_start3A_57 = tpu.memref_squeeze %dma_start3A_56 : memref<1x128x128xf32, #tpu.memory_space<vmem>> -> memref<128x128xf32, #tpu.memory_space<vmem>>
    %dma_start3A_58 = arith.constant 0 : i32
    %dma_start3A_59 = tpu.memref_slice %arg2[%add3A_43, %dma_start3A_58] : memref<100000x128xf32, #tpu.memory_space<hbm>> -> memref<128x128xf32, #tpu.memory_space<hbm>>
    tpu.enqueue_dma source(%dma_start3A_59 : memref<128x128xf32, #tpu.memory_space<hbm>>) target(%dma_start3A_57 : memref<128x128xf32, #tpu.memory_space<vmem>>) target_semaphore(%dma_start3A_53 : memref<!tpu.dma_semaphore, #tpu.memory_space<semaphore_mem>>)
    %mul3A_60 = arith.constant 128 : i32
    %mul3A_61 = arith.muli %add3A_39, %mul3A_60 : i32
    %dma_start3A_62 = arith.constant 1 : i32
    %dma_start3A_63 = arith.constant 1 : i32
    %dma_start3A_64 = arith.constant 0 : i32
    %dma_start3A_65 = tpu.memref_slice %arg7[%dma_start3A_62, %dma_start3A_64] : memref<4x128xi32, #tpu.memory_space<vmem>> -> memref<1x128xi32, #tpu.memory_space<vmem>>
    %dma_start3A_66 = tpu.memref_squeeze %dma_start3A_65 : memref<1x128xi32, #tpu.memory_space<vmem>> -> memref<128xi32, #tpu.memory_space<vmem>>
    %dma_start3A_67 = tpu.memref_slice %arg3[%mul3A_61] : memref<49152xi32, #tpu.memory_space<hbm>> -> memref<128xi32, #tpu.memory_space<hbm>>
    %dma_start3A_68 = tpu.memref_slice %arg12[%dma_start3A_63] : memref<4x!tpu.dma_semaphore, #tpu.memory_space<semaphore_mem>> -> memref<1x!tpu.dma_semaphore, #tpu.memory_space<semaphore_mem>>
    %dma_start3A_69 = tpu.memref_squeeze %dma_start3A_68 : memref<1x!tpu.dma_semaphore, #tpu.memory_space<semaphore_mem>> -> memref<!tpu.dma_semaphore, #tpu.memory_space<semaphore_mem>>
    %dma_start3A_70 = arith.constant 0 : i32
    %dma_start3A_71 = tpu.memref_slice %arg7[%dma_start3A_62, %dma_start3A_70] : memref<4x128xi32, #tpu.memory_space<vmem>> -> memref<1x128xi32, #tpu.memory_space<vmem>>
    %dma_start3A_72 = tpu.memref_squeeze %dma_start3A_71 : memref<1x128xi32, #tpu.memory_space<vmem>> -> memref<128xi32, #tpu.memory_space<vmem>>
    %dma_start3A_73 = tpu.memref_slice %arg3[%mul3A_61] : memref<49152xi32, #tpu.memory_space<hbm>> -> memref<128xi32, #tpu.memory_space<hbm>>
    tpu.enqueue_dma source(%dma_start3A_73 : memref<128xi32, #tpu.memory_space<hbm>>) target(%dma_start3A_72 : memref<128xi32, #tpu.memory_space<vmem>>) target_semaphore(%dma_start3A_69 : memref<!tpu.dma_semaphore, #tpu.memory_space<semaphore_mem>>)
    %add3A_74 = arith.constant 64 : i32
    %add3A_75 = arith.addi %add3A, %add3A_74 : i32
    %mul3A_76 = arith.constant 128 : i32
    %mul3A_77 = arith.muli %add3A_75, %mul3A_76 : i32
    %add3A_78 = arith.constant 0 : i32
    %add3A_79 = arith.addi %add3A_78, %mul3A_77 : i32
    %dma_start3A_80 = arith.constant 2 : i32
    %dma_start3A_81 = arith.constant 2 : i32
    %dma_start3A_82 = arith.constant 0 : i32
    %dma_start3A_83 = arith.constant 0 : i32
    %dma_start3A_84 = tpu.memref_slice %arg6[%dma_start3A_80, %dma_start3A_82, %dma_start3A_83] : memref<4x128x128xf32, #tpu.memory_space<vmem>> -> memref<1x128x128xf32, #tpu.memory_space<vmem>>
    %dma_start3A_85 = tpu.memref_squeeze %dma_start3A_84 : memref<1x128x128xf32, #tpu.memory_space<vmem>> -> memref<128x128xf32, #tpu.memory_space<vmem>>
    %dma_start3A_86 = arith.constant 0 : i32
    %dma_start3A_87 = tpu.memref_slice %arg2[%add3A_79, %dma_start3A_86] : memref<100000x128xf32, #tpu.memory_space<hbm>> -> memref<128x128xf32, #tpu.memory_space<hbm>>
    %dma_start3A_88 = tpu.memref_slice %arg11[%dma_start3A_81] : memref<4x!tpu.dma_semaphore, #tpu.memory_space<semaphore_mem>> -> memref<1x!tpu.dma_semaphore, #tpu.memory_space<semaphore_mem>>
    %dma_start3A_89 = tpu.memref_squeeze %dma_start3A_88 : memref<1x!tpu.dma_semaphore, #tpu.memory_space<semaphore_mem>> -> memref<!tpu.dma_semaphore, #tpu.memory_space<semaphore_mem>>
    %dma_start3A_90 = arith.constant 0 : i32
    %dma_start3A_91 = arith.constant 0 : i32
    %dma_start3A_92 = tpu.memref_slice %arg6[%dma_start3A_80, %dma_start3A_90, %dma_start3A_91] : memref<4x128x128xf32, #tpu.memory_space<vmem>> -> memref<1x128x128xf32, #tpu.memory_space<vmem>>
    %dma_start3A_93 = tpu.memref_squeeze %dma_start3A_92 : memref<1x128x128xf32, #tpu.memory_space<vmem>> -> memref<128x128xf32, #tpu.memory_space<vmem>>
    %dma_start3A_94 = arith.constant 0 : i32
    %dma_start3A_95 = tpu.memref_slice %arg2[%add3A_79, %dma_start3A_94] : memref<100000x128xf32, #tpu.memory_space<hbm>> -> memref<128x128xf32, #tpu.memory_space<hbm>>
    tpu.enqueue_dma source(%dma_start3A_95 : memref<128x128xf32, #tpu.memory_space<hbm>>) target(%dma_start3A_93 : memref<128x128xf32, #tpu.memory_space<vmem>>) target_semaphore(%dma_start3A_89 : memref<!tpu.dma_semaphore, #tpu.memory_space<semaphore_mem>>)
    %mul3A_96 = arith.constant 128 : i32
    %mul3A_97 = arith.muli %add3A_75, %mul3A_96 : i32
    %dma_start3A_98 = arith.constant 2 : i32
    %dma_start3A_99 = arith.constant 2 : i32
    %dma_start3A_100 = arith.constant 0 : i32
    %dma_start3A_101 = tpu.memref_slice %arg7[%dma_start3A_98, %dma_start3A_100] : memref<4x128xi32, #tpu.memory_space<vmem>> -> memref<1x128xi32, #tpu.memory_space<vmem>>
    %dma_start3A_102 = tpu.memref_squeeze %dma_start3A_101 : memref<1x128xi32, #tpu.memory_space<vmem>> -> memref<128xi32, #tpu.memory_space<vmem>>
    %dma_start3A_103 = tpu.memref_slice %arg3[%mul3A_97] : memref<49152xi32, #tpu.memory_space<hbm>> -> memref<128xi32, #tpu.memory_space<hbm>>
    %dma_start3A_104 = tpu.memref_slice %arg12[%dma_start3A_99] : memref<4x!tpu.dma_semaphore, #tpu.memory_space<semaphore_mem>> -> memref<1x!tpu.dma_semaphore, #tpu.memory_space<semaphore_mem>>
    %dma_start3A_105 = tpu.memref_squeeze %dma_start3A_104 : memref<1x!tpu.dma_semaphore, #tpu.memory_space<semaphore_mem>> -> memref<!tpu.dma_semaphore, #tpu.memory_space<semaphore_mem>>
    %dma_start3A_106 = arith.constant 0 : i32
    %dma_start3A_107 = tpu.memref_slice %arg7[%dma_start3A_98, %dma_start3A_106] : memref<4x128xi32, #tpu.memory_space<vmem>> -> memref<1x128xi32, #tpu.memory_space<vmem>>
    %dma_start3A_108 = tpu.memref_squeeze %dma_start3A_107 : memref<1x128xi32, #tpu.memory_space<vmem>> -> memref<128xi32, #tpu.memory_space<vmem>>
    %dma_start3A_109 = tpu.memref_slice %arg3[%mul3A_97] : memref<49152xi32, #tpu.memory_space<hbm>> -> memref<128xi32, #tpu.memory_space<hbm>>
    tpu.enqueue_dma source(%dma_start3A_109 : memref<128xi32, #tpu.memory_space<hbm>>) target(%dma_start3A_108 : memref<128xi32, #tpu.memory_space<vmem>>) target_semaphore(%dma_start3A_105 : memref<!tpu.dma_semaphore, #tpu.memory_space<semaphore_mem>>)
    %dma_wait3A = arith.constant 0 : i32
    %dma_wait3A_110 = arith.constant 0 : i32
    %dma_wait3A_111 = arith.constant 0 : i32
    %dma_wait3A_112 = arith.constant 0 : i32
    %dma_wait3A_113 = tpu.memref_slice %arg6[%dma_wait3A, %dma_wait3A_111, %dma_wait3A_112] : memref<4x128x128xf32, #tpu.memory_space<vmem>> -> memref<1x128x128xf32, #tpu.memory_space<vmem>>
    %dma_wait3A_114 = tpu.memref_squeeze %dma_wait3A_113 : memref<1x128x128xf32, #tpu.memory_space<vmem>> -> memref<128x128xf32, #tpu.memory_space<vmem>>
    %dma_wait3A_115 = arith.constant 0 : i32
    %dma_wait3A_116 = tpu.memref_slice %arg2[%add3A_8, %dma_wait3A_115] : memref<100000x128xf32, #tpu.memory_space<hbm>> -> memref<128x128xf32, #tpu.memory_space<hbm>>
    %dma_wait3A_117 = tpu.memref_slice %arg11[%dma_wait3A_110] : memref<4x!tpu.dma_semaphore, #tpu.memory_space<semaphore_mem>> -> memref<1x!tpu.dma_semaphore, #tpu.memory_space<semaphore_mem>>
    %dma_wait3A_118 = tpu.memref_squeeze %dma_wait3A_117 : memref<1x!tpu.dma_semaphore, #tpu.memory_space<semaphore_mem>> -> memref<!tpu.dma_semaphore, #tpu.memory_space<semaphore_mem>>
    %dma_wait3A_119 = arith.constant 0 : i32
    %dma_wait3A_120 = arith.constant 0 : i32
    %dma_wait3A_121 = tpu.memref_slice %arg6[%dma_wait3A, %dma_wait3A_119, %dma_wait3A_120] : memref<4x128x128xf32, #tpu.memory_space<vmem>> -> memref<1x128x128xf32, #tpu.memory_space<vmem>>
    %dma_wait3A_122 = tpu.memref_squeeze %dma_wait3A_121 : memref<1x128x128xf32, #tpu.memory_space<vmem>> -> memref<128x128xf32, #tpu.memory_space<vmem>>
    %dma_wait3A_123 = arith.constant 0 : i32
    %dma_wait3A_124 = tpu.memref_slice %arg2[%add3A_8, %dma_wait3A_123] : memref<100000x128xf32, #tpu.memory_space<hbm>> -> memref<128x128xf32, #tpu.memory_space<hbm>>
    tpu.wait_dma2 semaphore(%dma_wait3A_118 : memref<!tpu.dma_semaphore, #tpu.memory_space<semaphore_mem>>) src(%dma_wait3A_124 : memref<128x128xf32, #tpu.memory_space<hbm>>) dst(%dma_wait3A_122 : memref<128x128xf32, #tpu.memory_space<vmem>>)
    %dma_wait3A_125 = arith.constant 0 : i32
    %dma_wait3A_126 = arith.constant 0 : i32
    %dma_wait3A_127 = arith.constant 0 : i32
    %dma_wait3A_128 = tpu.memref_slice %arg7[%dma_wait3A_125, %dma_wait3A_127] : memref<4x128xi32, #tpu.memory_space<vmem>> -> memref<1x128xi32, #tpu.memory_space<vmem>>
    %dma_wait3A_129 = tpu.memref_squeeze %dma_wait3A_128 : memref<1x128xi32, #tpu.memory_space<vmem>> -> memref<128xi32, #tpu.memory_space<vmem>>
    %dma_wait3A_130 = tpu.memref_slice %arg3[%mul3A_25] : memref<49152xi32, #tpu.memory_space<hbm>> -> memref<128xi32, #tpu.memory_space<hbm>>
    %dma_wait3A_131 = tpu.memref_slice %arg12[%dma_wait3A_126] : memref<4x!tpu.dma_semaphore, #tpu.memory_space<semaphore_mem>> -> memref<1x!tpu.dma_semaphore, #tpu.memory_space<semaphore_mem>>
    %dma_wait3A_132 = tpu.memref_squeeze %dma_wait3A_131 : memref<1x!tpu.dma_semaphore, #tpu.memory_space<semaphore_mem>> -> memref<!tpu.dma_semaphore, #tpu.memory_space<semaphore_mem>>
    %dma_wait3A_133 = arith.constant 0 : i32
    %dma_wait3A_134 = tpu.memref_slice %arg7[%dma_wait3A_125, %dma_wait3A_133] : memref<4x128xi32, #tpu.memory_space<vmem>> -> memref<1x128xi32, #tpu.memory_space<vmem>>
    %dma_wait3A_135 = tpu.memref_squeeze %dma_wait3A_134 : memref<1x128xi32, #tpu.memory_space<vmem>> -> memref<128xi32, #tpu.memory_space<vmem>>
    %dma_wait3A_136 = tpu.memref_slice %arg3[%mul3A_25] : memref<49152xi32, #tpu.memory_space<hbm>> -> memref<128xi32, #tpu.memory_space<hbm>>
    tpu.wait_dma2 semaphore(%dma_wait3A_132 : memref<!tpu.dma_semaphore, #tpu.memory_space<semaphore_mem>>) src(%dma_wait3A_136 : memref<128xi32, #tpu.memory_space<hbm>>) dst(%dma_wait3A_135 : memref<128xi32, #tpu.memory_space<vmem>>)
    %dma_start3A_137 = arith.constant 0 : i32
    %dma_start3A_138 = arith.constant 0 : i32
    %dma_start3A_139 = arith.constant 0 : i32
    %dma_start3A_140 = arith.constant 0 : i32
    %dma_start3A_141 = arith.constant 0 : i32
    %dma_start3A_142 = tpu.memref_slice %arg6[%dma_start3A_137, %dma_start3A_140, %dma_start3A_141] : memref<4x128x128xf32, #tpu.memory_space<vmem>> -> memref<1x128x128xf32, #tpu.memory_space<vmem>>
    %dma_start3A_143 = tpu.memref_squeeze %dma_start3A_142 : memref<1x128x128xf32, #tpu.memory_space<vmem>> -> memref<128x128xf32, #tpu.memory_space<vmem>>
    %dma_start3A_144 = arith.constant 0 : i32
    %dma_start3A_145 = tpu.memref_slice %arg7[%dma_start3A_138, %dma_start3A_144] : memref<4x128xi32, #tpu.memory_space<vmem>> -> memref<1x128xi32, #tpu.memory_space<vmem>>
    %dma_start3A_146 = tpu.memref_squeeze %dma_start3A_145 : memref<1x128xi32, #tpu.memory_space<vmem>> -> memref<128xi32, #tpu.memory_space<vmem>>
    %dma_start3A_147 = arith.constant 0 : i32
    %dma_start3A_148 = arith.constant 0 : i32
    %dma_start3A_149 = tpu.memref_slice %arg10[%dma_start3A_147, %dma_start3A_148] : memref<128x128xf32, #tpu.memory_space<vmem_shared>> -> memref<128x128xf32, #tpu.memory_space<vmem_shared>>
    %dma_start3A_150 = tpu.memref_slice %arg13[%dma_start3A_139] : memref<4x!tpu.dma_semaphore, #tpu.memory_space<semaphore_mem>> -> memref<1x!tpu.dma_semaphore, #tpu.memory_space<semaphore_mem>>
    %dma_start3A_151 = tpu.memref_squeeze %dma_start3A_150 : memref<1x!tpu.dma_semaphore, #tpu.memory_space<semaphore_mem>> -> memref<!tpu.dma_semaphore, #tpu.memory_space<semaphore_mem>>
    tpu.enqueue_indirect_dma source(%dma_start3A_143 : memref<128x128xf32, #tpu.memory_space<vmem>>) target(%dma_start3A_149 : memref<128x128xf32, #tpu.memory_space<vmem_shared>>) offsets(%dma_start3A_146 : memref<128xi32, #tpu.memory_space<vmem>>) semaphore(%dma_start3A_151 : memref<!tpu.dma_semaphore, #tpu.memory_space<semaphore_mem>>) {add = true}
    %add3A_152 = arith.constant 96 : i32
    %add3A_153 = arith.addi %add3A, %add3A_152 : i32
    %mul3A_154 = arith.constant 128 : i32
    %mul3A_155 = arith.muli %add3A_153, %mul3A_154 : i32
    %add3A_156 = arith.constant 0 : i32
    %add3A_157 = arith.addi %add3A_156, %mul3A_155 : i32
    %dma_start3A_158 = arith.constant 3 : i32
    %dma_start3A_159 = arith.constant 3 : i32
    %dma_start3A_160 = arith.constant 0 : i32
    %dma_start3A_161 = arith.constant 0 : i32
    %dma_start3A_162 = tpu.memref_slice %arg6[%dma_start3A_158, %dma_start3A_160, %dma_start3A_161] : memref<4x128x128xf32, #tpu.memory_space<vmem>> -> memref<1x128x128xf32, #tpu.memory_space<vmem>>
    %dma_start3A_163 = tpu.memref_squeeze %dma_start3A_162 : memref<1x128x128xf32, #tpu.memory_space<vmem>> -> memref<128x128xf32, #tpu.memory_space<vmem>>
    %dma_start3A_164 = arith.constant 0 : i32
    %dma_start3A_165 = tpu.memref_slice %arg2[%add3A_157, %dma_start3A_164] : memref<100000x128xf32, #tpu.memory_space<hbm>> -> memref<128x128xf32, #tpu.memory_space<hbm>>
    %dma_start3A_166 = tpu.memref_slice %arg11[%dma_start3A_159] : memref<4x!tpu.dma_semaphore, #tpu.memory_space<semaphore_mem>> -> memref<1x!tpu.dma_semaphore, #tpu.memory_space<semaphore_mem>>
    %dma_start3A_167 = tpu.memref_squeeze %dma_start3A_166 : memref<1x!tpu.dma_semaphore, #tpu.memory_space<semaphore_mem>> -> memref<!tpu.dma_semaphore, #tpu.memory_space<semaphore_mem>>
    %dma_start3A_168 = arith.constant 0 : i32
    %dma_start3A_169 = arith.constant 0 : i32
    %dma_start3A_170 = tpu.memref_slice %arg6[%dma_start3A_158, %dma_start3A_168, %dma_start3A_169] : memref<4x128x128xf32, #tpu.memory_space<vmem>> -> memref<1x128x128xf32, #tpu.memory_space<vmem>>
    %dma_start3A_171 = tpu.memref_squeeze %dma_start3A_170 : memref<1x128x128xf32, #tpu.memory_space<vmem>> -> memref<128x128xf32, #tpu.memory_space<vmem>>
    %dma_start3A_172 = arith.constant 0 : i32
    %dma_start3A_173 = tpu.memref_slice %arg2[%add3A_157, %dma_start3A_172] : memref<100000x128xf32, #tpu.memory_space<hbm>> -> memref<128x128xf32, #tpu.memory_space<hbm>>
    tpu.enqueue_dma source(%dma_start3A_173 : memref<128x128xf32, #tpu.memory_space<hbm>>) target(%dma_start3A_171 : memref<128x128xf32, #tpu.memory_space<vmem>>) target_semaphore(%dma_start3A_167 : memref<!tpu.dma_semaphore, #tpu.memory_space<semaphore_mem>>)
    %mul3A_174 = arith.constant 128 : i32
    %mul3A_175 = arith.muli %add3A_153, %mul3A_174 : i32
    %dma_start3A_176 = arith.constant 3 : i32
    %dma_start3A_177 = arith.constant 3 : i32
    %dma_start3A_178 = arith.constant 0 : i32
    %dma_start3A_179 = tpu.memref_slice %arg7[%dma_start3A_176, %dma_start3A_178] : memref<4x128xi32, #tpu.memory_space<vmem>> -> memref<1x128xi32, #tpu.memory_space<vmem>>
    %dma_start3A_180 = tpu.memref_squeeze %dma_start3A_179 : memref<1x128xi32, #tpu.memory_space<vmem>> -> memref<128xi32, #tpu.memory_space<vmem>>
    %dma_start3A_181 = tpu.memref_slice %arg3[%mul3A_175] : memref<49152xi32, #tpu.memory_space<hbm>> -> memref<128xi32, #tpu.memory_space<hbm>>
    %dma_start3A_182 = tpu.memref_slice %arg12[%dma_start3A_177] : memref<4x!tpu.dma_semaphore, #tpu.memory_space<semaphore_mem>> -> memref<1x!tpu.dma_semaphore, #tpu.memory_space<semaphore_mem>>
    %dma_start3A_183 = tpu.memref_squeeze %dma_start3A_182 : memref<1x!tpu.dma_semaphore, #tpu.memory_space<semaphore_mem>> -> memref<!tpu.dma_semaphore, #tpu.memory_space<semaphore_mem>>
    %dma_start3A_184 = arith.constant 0 : i32
    %dma_start3A_185 = tpu.memref_slice %arg7[%dma_start3A_176, %dma_start3A_184] : memref<4x128xi32, #tpu.memory_space<vmem>> -> memref<1x128xi32, #tpu.memory_space<vmem>>
    %dma_start3A_186 = tpu.memref_squeeze %dma_start3A_185 : memref<1x128xi32, #tpu.memory_space<vmem>> -> memref<128xi32, #tpu.memory_space<vmem>>
    %dma_start3A_187 = tpu.memref_slice %arg3[%mul3A_175] : memref<49152xi32, #tpu.memory_space<hbm>> -> memref<128xi32, #tpu.memory_space<hbm>>
    tpu.enqueue_dma source(%dma_start3A_187 : memref<128xi32, #tpu.memory_space<hbm>>) target(%dma_start3A_186 : memref<128xi32, #tpu.memory_space<vmem>>) target_semaphore(%dma_start3A_183 : memref<!tpu.dma_semaphore, #tpu.memory_space<semaphore_mem>>)
    %dma_wait3A_188 = arith.constant 1 : i32
    %dma_wait3A_189 = arith.constant 1 : i32
    %dma_wait3A_190 = arith.constant 0 : i32
    %dma_wait3A_191 = arith.constant 0 : i32
    %dma_wait3A_192 = tpu.memref_slice %arg6[%dma_wait3A_188, %dma_wait3A_190, %dma_wait3A_191] : memref<4x128x128xf32, #tpu.memory_space<vmem>> -> memref<1x128x128xf32, #tpu.memory_space<vmem>>
    %dma_wait3A_193 = tpu.memref_squeeze %dma_wait3A_192 : memref<1x128x128xf32, #tpu.memory_space<vmem>> -> memref<128x128xf32, #tpu.memory_space<vmem>>
    %dma_wait3A_194 = arith.constant 0 : i32
    %dma_wait3A_195 = tpu.memref_slice %arg2[%add3A_43, %dma_wait3A_194] : memref<100000x128xf32, #tpu.memory_space<hbm>> -> memref<128x128xf32, #tpu.memory_space<hbm>>
    %dma_wait3A_196 = tpu.memref_slice %arg11[%dma_wait3A_189] : memref<4x!tpu.dma_semaphore, #tpu.memory_space<semaphore_mem>> -> memref<1x!tpu.dma_semaphore, #tpu.memory_space<semaphore_mem>>
    %dma_wait3A_197 = tpu.memref_squeeze %dma_wait3A_196 : memref<1x!tpu.dma_semaphore, #tpu.memory_space<semaphore_mem>> -> memref<!tpu.dma_semaphore, #tpu.memory_space<semaphore_mem>>
    %dma_wait3A_198 = arith.constant 0 : i32
    %dma_wait3A_199 = arith.constant 0 : i32
    %dma_wait3A_200 = tpu.memref_slice %arg6[%dma_wait3A_188, %dma_wait3A_198, %dma_wait3A_199] : memref<4x128x128xf32, #tpu.memory_space<vmem>> -> memref<1x128x128xf32, #tpu.memory_space<vmem>>
    %dma_wait3A_201 = tpu.memref_squeeze %dma_wait3A_200 : memref<1x128x128xf32, #tpu.memory_space<vmem>> -> memref<128x128xf32, #tpu.memory_space<vmem>>
    %dma_wait3A_202 = arith.constant 0 : i32
    %dma_wait3A_203 = tpu.memref_slice %arg2[%add3A_43, %dma_wait3A_202] : memref<100000x128xf32, #tpu.memory_space<hbm>> -> memref<128x128xf32, #tpu.memory_space<hbm>>
    tpu.wait_dma2 semaphore(%dma_wait3A_197 : memref<!tpu.dma_semaphore, #tpu.memory_space<semaphore_mem>>) src(%dma_wait3A_203 : memref<128x128xf32, #tpu.memory_space<hbm>>) dst(%dma_wait3A_201 : memref<128x128xf32, #tpu.memory_space<vmem>>)
    %dma_wait3A_204 = arith.constant 1 : i32
    %dma_wait3A_205 = arith.constant 1 : i32
    %dma_wait3A_206 = arith.constant 0 : i32
    %dma_wait3A_207 = tpu.memref_slice %arg7[%dma_wait3A_204, %dma_wait3A_206] : memref<4x128xi32, #tpu.memory_space<vmem>> -> memref<1x128xi32, #tpu.memory_space<vmem>>
    %dma_wait3A_208 = tpu.memref_squeeze %dma_wait3A_207 : memref<1x128xi32, #tpu.memory_space<vmem>> -> memref<128xi32, #tpu.memory_space<vmem>>
    %dma_wait3A_209 = tpu.memref_slice %arg3[%mul3A_61] : memref<49152xi32, #tpu.memory_space<hbm>> -> memref<128xi32, #tpu.memory_space<hbm>>
    %dma_wait3A_210 = tpu.memref_slice %arg12[%dma_wait3A_205] : memref<4x!tpu.dma_semaphore, #tpu.memory_space<semaphore_mem>> -> memref<1x!tpu.dma_semaphore, #tpu.memory_space<semaphore_mem>>
    %dma_wait3A_211 = tpu.memref_squeeze %dma_wait3A_210 : memref<1x!tpu.dma_semaphore, #tpu.memory_space<semaphore_mem>> -> memref<!tpu.dma_semaphore, #tpu.memory_space<semaphore_mem>>
    %dma_wait3A_212 = arith.constant 0 : i32
    %dma_wait3A_213 = tpu.memref_slice %arg7[%dma_wait3A_204, %dma_wait3A_212] : memref<4x128xi32, #tpu.memory_space<vmem>> -> memref<1x128xi32, #tpu.memory_space<vmem>>
    %dma_wait3A_214 = tpu.memref_squeeze %dma_wait3A_213 : memref<1x128xi32, #tpu.memory_space<vmem>> -> memref<128xi32, #tpu.memory_space<vmem>>
    %dma_wait3A_215 = tpu.memref_slice %arg3[%mul3A_61] : memref<49152xi32, #tpu.memory_space<hbm>> -> memref<128xi32, #tpu.memory_space<hbm>>
    tpu.wait_dma2 semaphore(%dma_wait3A_211 : memref<!tpu.dma_semaphore, #tpu.memory_space<semaphore_mem>>) src(%dma_wait3A_215 : memref<128xi32, #tpu.memory_space<hbm>>) dst(%dma_wait3A_214 : memref<128xi32, #tpu.memory_space<vmem>>)
    %dma_start3A_216 = arith.constant 1 : i32
    %dma_start3A_217 = arith.constant 1 : i32
    %dma_start3A_218 = arith.constant 1 : i32
    %dma_start3A_219 = arith.constant 0 : i32
    %dma_start3A_220 = arith.constant 0 : i32
    %dma_start3A_221 = tpu.memref_slice %arg6[%dma_start3A_216, %dma_start3A_219, %dma_start3A_220] : memref<4x128x128xf32, #tpu.memory_space<vmem>> -> memref<1x128x128xf32, #tpu.memory_space<vmem>>
    %dma_start3A_222 = tpu.memref_squeeze %dma_start3A_221 : memref<1x128x128xf32, #tpu.memory_space<vmem>> -> memref<128x128xf32, #tpu.memory_space<vmem>>
    %dma_start3A_223 = arith.constant 0 : i32
    %dma_start3A_224 = tpu.memref_slice %arg7[%dma_start3A_217, %dma_start3A_223] : memref<4x128xi32, #tpu.memory_space<vmem>> -> memref<1x128xi32, #tpu.memory_space<vmem>>
    %dma_start3A_225 = tpu.memref_squeeze %dma_start3A_224 : memref<1x128xi32, #tpu.memory_space<vmem>> -> memref<128xi32, #tpu.memory_space<vmem>>
    %dma_start3A_226 = arith.constant 0 : i32
    %dma_start3A_227 = arith.constant 0 : i32
    %dma_start3A_228 = tpu.memref_slice %arg10[%dma_start3A_226, %dma_start3A_227] : memref<128x128xf32, #tpu.memory_space<vmem_shared>> -> memref<128x128xf32, #tpu.memory_space<vmem_shared>>
    %dma_start3A_229 = tpu.memref_slice %arg13[%dma_start3A_218] : memref<4x!tpu.dma_semaphore, #tpu.memory_space<semaphore_mem>> -> memref<1x!tpu.dma_semaphore, #tpu.memory_space<semaphore_mem>>
    %dma_start3A_230 = tpu.memref_squeeze %dma_start3A_229 : memref<1x!tpu.dma_semaphore, #tpu.memory_space<semaphore_mem>> -> memref<!tpu.dma_semaphore, #tpu.memory_space<semaphore_mem>>
    tpu.enqueue_indirect_dma source(%dma_start3A_222 : memref<128x128xf32, #tpu.memory_space<vmem>>) target(%dma_start3A_228 : memref<128x128xf32, #tpu.memory_space<vmem_shared>>) offsets(%dma_start3A_225 : memref<128xi32, #tpu.memory_space<vmem>>) semaphore(%dma_start3A_230 : memref<!tpu.dma_semaphore, #tpu.memory_space<semaphore_mem>>) {add = true}
    %dma_wait3A_231 = arith.constant 0 : i32
    %dma_wait3A_232 = arith.constant 0 : i32
    %dma_wait3A_233 = arith.constant 0 : i32
    %dma_wait3A_234 = arith.constant 0 : i32
    %dma_wait3A_235 = arith.constant 0 : i32
    %dma_wait3A_236 = tpu.memref_slice %arg6[%dma_wait3A_231, %dma_wait3A_234, %dma_wait3A_235] : memref<4x128x128xf32, #tpu.memory_space<vmem>> -> memref<1x128x128xf32, #tpu.memory_space<vmem>>
    %dma_wait3A_237 = tpu.memref_squeeze %dma_wait3A_236 : memref<1x128x128xf32, #tpu.memory_space<vmem>> -> memref<128x128xf32, #tpu.memory_space<vmem>>
    %dma_wait3A_238 = arith.constant 0 : i32
    %dma_wait3A_239 = tpu.memref_slice %arg7[%dma_wait3A_232, %dma_wait3A_238] : memref<4x128xi32, #tpu.memory_space<vmem>> -> memref<1x128xi32, #tpu.memory_space<vmem>>
    %dma_wait3A_240 = tpu.memref_squeeze %dma_wait3A_239 : memref<1x128xi32, #tpu.memory_space<vmem>> -> memref<128xi32, #tpu.memory_space<vmem>>
    %dma_wait3A_241 = arith.constant 0 : i32
    %dma_wait3A_242 = arith.constant 0 : i32
    %dma_wait3A_243 = tpu.memref_slice %arg10[%dma_wait3A_241, %dma_wait3A_242] : memref<128x128xf32, #tpu.memory_space<vmem_shared>> -> memref<128x128xf32, #tpu.memory_space<vmem_shared>>
    %dma_wait3A_244 = tpu.memref_slice %arg13[%dma_wait3A_233] : memref<4x!tpu.dma_semaphore, #tpu.memory_space<semaphore_mem>> -> memref<1x!tpu.dma_semaphore, #tpu.memory_space<semaphore_mem>>
    %dma_wait3A_245 = tpu.memref_squeeze %dma_wait3A_244 : memref<1x!tpu.dma_semaphore, #tpu.memory_space<semaphore_mem>> -> memref<!tpu.dma_semaphore, #tpu.memory_space<semaphore_mem>>
    tpu.wait_indirect_dma semaphore(%dma_wait3A_245 : memref<!tpu.dma_semaphore, #tpu.memory_space<semaphore_mem>>) src(%dma_wait3A_237 : memref<128x128xf32, #tpu.memory_space<vmem>>) dst(%dma_wait3A_243 : memref<128x128xf32, #tpu.memory_space<vmem_shared>>)
    %add3A_246 = arith.constant 128 : i32
    %add3A_247 = arith.addi %add3A, %add3A_246 : i32
    %mul3A_248 = arith.constant 128 : i32
    %mul3A_249 = arith.muli %add3A_247, %mul3A_248 : i32
    %add3A_250 = arith.constant 0 : i32
    %add3A_251 = arith.addi %add3A_250, %mul3A_249 : i32
    %dma_start3A_252 = arith.constant 0 : i32
    %dma_start3A_253 = arith.constant 0 : i32
    %dma_start3A_254 = arith.constant 0 : i32
    %dma_start3A_255 = arith.constant 0 : i32
    %dma_start3A_256 = tpu.memref_slice %arg6[%dma_start3A_252, %dma_start3A_254, %dma_start3A_255] : memref<4x128x128xf32, #tpu.memory_space<vmem>> -> memref<1x128x128xf32, #tpu.memory_space<vmem>>
    %dma_start3A_257 = tpu.memref_squeeze %dma_start3A_256 : memref<1x128x128xf32, #tpu.memory_space<vmem>> -> memref<128x128xf32, #tpu.memory_space<vmem>>
    %dma_start3A_258 = arith.constant 0 : i32
    %dma_start3A_259 = tpu.memref_slice %arg2[%add3A_251, %dma_start3A_258] : memref<100000x128xf32, #tpu.memory_space<hbm>> -> memref<128x128xf32, #tpu.memory_space<hbm>>
    %dma_start3A_260 = tpu.memref_slice %arg11[%dma_start3A_253] : memref<4x!tpu.dma_semaphore, #tpu.memory_space<semaphore_mem>> -> memref<1x!tpu.dma_semaphore, #tpu.memory_space<semaphore_mem>>
    %dma_start3A_261 = tpu.memref_squeeze %dma_start3A_260 : memref<1x!tpu.dma_semaphore, #tpu.memory_space<semaphore_mem>> -> memref<!tpu.dma_semaphore, #tpu.memory_space<semaphore_mem>>
    %dma_start3A_262 = arith.constant 0 : i32
    %dma_start3A_263 = arith.constant 0 : i32
    %dma_start3A_264 = tpu.memref_slice %arg6[%dma_start3A_252, %dma_start3A_262, %dma_start3A_263] : memref<4x128x128xf32, #tpu.memory_space<vmem>> -> memref<1x128x128xf32, #tpu.memory_space<vmem>>
    %dma_start3A_265 = tpu.memref_squeeze %dma_start3A_264 : memref<1x128x128xf32, #tpu.memory_space<vmem>> -> memref<128x128xf32, #tpu.memory_space<vmem>>
    %dma_start3A_266 = arith.constant 0 : i32
    %dma_start3A_267 = tpu.memref_slice %arg2[%add3A_251, %dma_start3A_266] : memref<100000x128xf32, #tpu.memory_space<hbm>> -> memref<128x128xf32, #tpu.memory_space<hbm>>
    tpu.enqueue_dma source(%dma_start3A_267 : memref<128x128xf32, #tpu.memory_space<hbm>>) target(%dma_start3A_265 : memref<128x128xf32, #tpu.memory_space<vmem>>) target_semaphore(%dma_start3A_261 : memref<!tpu.dma_semaphore, #tpu.memory_space<semaphore_mem>>)
    %mul3A_268 = arith.constant 128 : i32
    %mul3A_269 = arith.muli %add3A_247, %mul3A_268 : i32
    %dma_start3A_270 = arith.constant 0 : i32
    %dma_start3A_271 = arith.constant 0 : i32
    %dma_start3A_272 = arith.constant 0 : i32
    %dma_start3A_273 = tpu.memref_slice %arg7[%dma_start3A_270, %dma_start3A_272] : memref<4x128xi32, #tpu.memory_space<vmem>> -> memref<1x128xi32, #tpu.memory_space<vmem>>
    %dma_start3A_274 = tpu.memref_squeeze %dma_start3A_273 : memref<1x128xi32, #tpu.memory_space<vmem>> -> memref<128xi32, #tpu.memory_space<vmem>>
    %dma_start3A_275 = tpu.memref_slice %arg3[%mul3A_269] : memref<49152xi32, #tpu.memory_space<hbm>> -> memref<128xi32, #tpu.memory_space<hbm>>
    %dma_start3A_276 = tpu.memref_slice %arg12[%dma_start3A_271] : memref<4x!tpu.dma_semaphore, #tpu.memory_space<semaphore_mem>> -> memref<1x!tpu.dma_semaphore, #tpu.memory_space<semaphore_mem>>
    %dma_start3A_277 = tpu.memref_squeeze %dma_start3A_276 : memref<1x!tpu.dma_semaphore, #tpu.memory_space<semaphore_mem>> -> memref<!tpu.dma_semaphore, #tpu.memory_space<semaphore_mem>>
    %dma_start3A_278 = arith.constant 0 : i32
    %dma_start3A_279 = tpu.memref_slice %arg7[%dma_start3A_270, %dma_start3A_278] : memref<4x128xi32, #tpu.memory_space<vmem>> -> memref<1x128xi32, #tpu.memory_space<vmem>>
    %dma_start3A_280 = tpu.memref_squeeze %dma_start3A_279 : memref<1x128xi32, #tpu.memory_space<vmem>> -> memref<128xi32, #tpu.memory_space<vmem>>
    %dma_start3A_281 = tpu.memref_slice %arg3[%mul3A_269] : memref<49152xi32, #tpu.memory_space<hbm>> -> memref<128xi32, #tpu.memory_space<hbm>>
    tpu.enqueue_dma source(%dma_start3A_281 : memref<128xi32, #tpu.memory_space<hbm>>) target(%dma_start3A_280 : memref<128xi32, #tpu.memory_space<vmem>>) target_semaphore(%dma_start3A_277 : memref<!tpu.dma_semaphore, #tpu.memory_space<semaphore_mem>>)
    %dma_wait3A_282 = arith.constant 2 : i32
    %dma_wait3A_283 = arith.constant 2 : i32
    %dma_wait3A_284 = arith.constant 0 : i32
    %dma_wait3A_285 = arith.constant 0 : i32
    %dma_wait3A_286 = tpu.memref_slice %arg6[%dma_wait3A_282, %dma_wait3A_284, %dma_wait3A_285] : memref<4x128x128xf32, #tpu.memory_space<vmem>> -> memref<1x128x128xf32, #tpu.memory_space<vmem>>
    %dma_wait3A_287 = tpu.memref_squeeze %dma_wait3A_286 : memref<1x128x128xf32, #tpu.memory_space<vmem>> -> memref<128x128xf32, #tpu.memory_space<vmem>>
    %dma_wait3A_288 = arith.constant 0 : i32
    %dma_wait3A_289 = tpu.memref_slice %arg2[%add3A_79, %dma_wait3A_288] : memref<100000x128xf32, #tpu.memory_space<hbm>> -> memref<128x128xf32, #tpu.memory_space<hbm>>
    %dma_wait3A_290 = tpu.memref_slice %arg11[%dma_wait3A_283] : memref<4x!tpu.dma_semaphore, #tpu.memory_space<semaphore_mem>> -> memref<1x!tpu.dma_semaphore, #tpu.memory_space<semaphore_mem>>
    %dma_wait3A_291 = tpu.memref_squeeze %dma_wait3A_290 : memref<1x!tpu.dma_semaphore, #tpu.memory_space<semaphore_mem>> -> memref<!tpu.dma_semaphore, #tpu.memory_space<semaphore_mem>>
    %dma_wait3A_292 = arith.constant 0 : i32
    %dma_wait3A_293 = arith.constant 0 : i32
    %dma_wait3A_294 = tpu.memref_slice %arg6[%dma_wait3A_282, %dma_wait3A_292, %dma_wait3A_293] : memref<4x128x128xf32, #tpu.memory_space<vmem>> -> memref<1x128x128xf32, #tpu.memory_space<vmem>>
    %dma_wait3A_295 = tpu.memref_squeeze %dma_wait3A_294 : memref<1x128x128xf32, #tpu.memory_space<vmem>> -> memref<128x128xf32, #tpu.memory_space<vmem>>
    %dma_wait3A_296 = arith.constant 0 : i32
    %dma_wait3A_297 = tpu.memref_slice %arg2[%add3A_79, %dma_wait3A_296] : memref<100000x128xf32, #tpu.memory_space<hbm>> -> memref<128x128xf32, #tpu.memory_space<hbm>>
    tpu.wait_dma2 semaphore(%dma_wait3A_291 : memref<!tpu.dma_semaphore, #tpu.memory_space<semaphore_mem>>) src(%dma_wait3A_297 : memref<128x128xf32, #tpu.memory_space<hbm>>) dst(%dma_wait3A_295 : memref<128x128xf32, #tpu.memory_space<vmem>>)
    %dma_wait3A_298 = arith.constant 2 : i32
    %dma_wait3A_299 = arith.constant 2 : i32
    %dma_wait3A_300 = arith.constant 0 : i32
    %dma_wait3A_301 = tpu.memref_slice %arg7[%dma_wait3A_298, %dma_wait3A_300] : memref<4x128xi32, #tpu.memory_space<vmem>> -> memref<1x128xi32, #tpu.memory_space<vmem>>
    %dma_wait3A_302 = tpu.memref_squeeze %dma_wait3A_301 : memref<1x128xi32, #tpu.memory_space<vmem>> -> memref<128xi32, #tpu.memory_space<vmem>>
    %dma_wait3A_303 = tpu.memref_slice %arg3[%mul3A_97] : memref<49152xi32, #tpu.memory_space<hbm>> -> memref<128xi32, #tpu.memory_space<hbm>>
    %dma_wait3A_304 = tpu.memref_slice %arg12[%dma_wait3A_299] : memref<4x!tpu.dma_semaphore, #tpu.memory_space<semaphore_mem>> -> memref<1x!tpu.dma_semaphore, #tpu.memory_space<semaphore_mem>>
    %dma_wait3A_305 = tpu.memref_squeeze %dma_wait3A_304 : memref<1x!tpu.dma_semaphore, #tpu.memory_space<semaphore_mem>> -> memref<!tpu.dma_semaphore, #tpu.memory_space<semaphore_mem>>
    %dma_wait3A_306 = arith.constant 0 : i32
    %dma_wait3A_307 = tpu.memref_slice %arg7[%dma_wait3A_298, %dma_wait3A_306] : memref<4x128xi32, #tpu.memory_space<vmem>> -> memref<1x128xi32, #tpu.memory_space<vmem>>
    %dma_wait3A_308 = tpu.memref_squeeze %dma_wait3A_307 : memref<1x128xi32, #tpu.memory_space<vmem>> -> memref<128xi32, #tpu.memory_space<vmem>>
    %dma_wait3A_309 = tpu.memref_slice %arg3[%mul3A_97] : memref<49152xi32, #tpu.memory_space<hbm>> -> memref<128xi32, #tpu.memory_space<hbm>>
    tpu.wait_dma2 semaphore(%dma_wait3A_305 : memref<!tpu.dma_semaphore, #tpu.memory_space<semaphore_mem>>) src(%dma_wait3A_309 : memref<128xi32, #tpu.memory_space<hbm>>) dst(%dma_wait3A_308 : memref<128xi32, #tpu.memory_space<vmem>>)
    %dma_start3A_310 = arith.constant 2 : i32
    %dma_start3A_311 = arith.constant 2 : i32
    %dma_start3A_312 = arith.constant 2 : i32
    %dma_start3A_313 = arith.constant 0 : i32
    %dma_start3A_314 = arith.constant 0 : i32
    %dma_start3A_315 = tpu.memref_slice %arg6[%dma_start3A_310, %dma_start3A_313, %dma_start3A_314] : memref<4x128x128xf32, #tpu.memory_space<vmem>> -> memref<1x128x128xf32, #tpu.memory_space<vmem>>
    %dma_start3A_316 = tpu.memref_squeeze %dma_start3A_315 : memref<1x128x128xf32, #tpu.memory_space<vmem>> -> memref<128x128xf32, #tpu.memory_space<vmem>>
    %dma_start3A_317 = arith.constant 0 : i32
    %dma_start3A_318 = tpu.memref_slice %arg7[%dma_start3A_311, %dma_start3A_317] : memref<4x128xi32, #tpu.memory_space<vmem>> -> memref<1x128xi32, #tpu.memory_space<vmem>>
    %dma_start3A_319 = tpu.memref_squeeze %dma_start3A_318 : memref<1x128xi32, #tpu.memory_space<vmem>> -> memref<128xi32, #tpu.memory_space<vmem>>
    %dma_start3A_320 = arith.constant 0 : i32
    %dma_start3A_321 = arith.constant 0 : i32
    %dma_start3A_322 = tpu.memref_slice %arg10[%dma_start3A_320, %dma_start3A_321] : memref<128x128xf32, #tpu.memory_space<vmem_shared>> -> memref<128x128xf32, #tpu.memory_space<vmem_shared>>
    %dma_start3A_323 = tpu.memref_slice %arg13[%dma_start3A_312] : memref<4x!tpu.dma_semaphore, #tpu.memory_space<semaphore_mem>> -> memref<1x!tpu.dma_semaphore, #tpu.memory_space<semaphore_mem>>
    %dma_start3A_324 = tpu.memref_squeeze %dma_start3A_323 : memref<1x!tpu.dma_semaphore, #tpu.memory_space<semaphore_mem>> -> memref<!tpu.dma_semaphore, #tpu.memory_space<semaphore_mem>>
    tpu.enqueue_indirect_dma source(%dma_start3A_316 : memref<128x128xf32, #tpu.memory_space<vmem>>) target(%dma_start3A_322 : memref<128x128xf32, #tpu.memory_space<vmem_shared>>) offsets(%dma_start3A_319 : memref<128xi32, #tpu.memory_space<vmem>>) semaphore(%dma_start3A_324 : memref<!tpu.dma_semaphore, #tpu.memory_space<semaphore_mem>>) {add = true}
    %dma_wait3A_325 = arith.constant 1 : i32
    %dma_wait3A_326 = arith.constant 1 : i32
    %dma_wait3A_327 = arith.constant 1 : i32
    %dma_wait3A_328 = arith.constant 0 : i32
    %dma_wait3A_329 = arith.constant 0 : i32
    %dma_wait3A_330 = tpu.memref_slice %arg6[%dma_wait3A_325, %dma_wait3A_328, %dma_wait3A_329] : memref<4x128x128xf32, #tpu.memory_space<vmem>> -> memref<1x128x128xf32, #tpu.memory_space<vmem>>
    %dma_wait3A_331 = tpu.memref_squeeze %dma_wait3A_330 : memref<1x128x128xf32, #tpu.memory_space<vmem>> -> memref<128x128xf32, #tpu.memory_space<vmem>>
    %dma_wait3A_332 = arith.constant 0 : i32
    %dma_wait3A_333 = tpu.memref_slice %arg7[%dma_wait3A_326, %dma_wait3A_332] : memref<4x128xi32, #tpu.memory_space<vmem>> -> memref<1x128xi32, #tpu.memory_space<vmem>>
    %dma_wait3A_334 = tpu.memref_squeeze %dma_wait3A_333 : memref<1x128xi32, #tpu.memory_space<vmem>> -> memref<128xi32, #tpu.memory_space<vmem>>
    %dma_wait3A_335 = arith.constant 0 : i32
    %dma_wait3A_336 = arith.constant 0 : i32
    %dma_wait3A_337 = tpu.memref_slice %arg10[%dma_wait3A_335, %dma_wait3A_336] : memref<128x128xf32, #tpu.memory_space<vmem_shared>> -> memref<128x128xf32, #tpu.memory_space<vmem_shared>>
    %dma_wait3A_338 = tpu.memref_slice %arg13[%dma_wait3A_327] : memref<4x!tpu.dma_semaphore, #tpu.memory_space<semaphore_mem>> -> memref<1x!tpu.dma_semaphore, #tpu.memory_space<semaphore_mem>>
    %dma_wait3A_339 = tpu.memref_squeeze %dma_wait3A_338 : memref<1x!tpu.dma_semaphore, #tpu.memory_space<semaphore_mem>> -> memref<!tpu.dma_semaphore, #tpu.memory_space<semaphore_mem>>
    tpu.wait_indirect_dma semaphore(%dma_wait3A_339 : memref<!tpu.dma_semaphore, #tpu.memory_space<semaphore_mem>>) src(%dma_wait3A_331 : memref<128x128xf32, #tpu.memory_space<vmem>>) dst(%dma_wait3A_337 : memref<128x128xf32, #tpu.memory_space<vmem_shared>>)
    %add3A_340 = arith.constant 160 : i32
    %add3A_341 = arith.addi %add3A, %add3A_340 : i32
    %mul3A_342 = arith.constant 128 : i32
    %mul3A_343 = arith.muli %add3A_341, %mul3A_342 : i32
    %add3A_344 = arith.constant 0 : i32
    %add3A_345 = arith.addi %add3A_344, %mul3A_343 : i32
    %dma_start3A_346 = arith.constant 1 : i32
    %dma_start3A_347 = arith.constant 1 : i32
    %dma_start3A_348 = arith.constant 0 : i32
    %dma_start3A_349 = arith.constant 0 : i32
    %dma_start3A_350 = tpu.memref_slice %arg6[%dma_start3A_346, %dma_start3A_348, %dma_start3A_349] : memref<4x128x128xf32, #tpu.memory_space<vmem>> -> memref<1x128x128xf32, #tpu.memory_space<vmem>>
    %dma_start3A_351 = tpu.memref_squeeze %dma_start3A_350 : memref<1x128x128xf32, #tpu.memory_space<vmem>> -> memref<128x128xf32, #tpu.memory_space<vmem>>
    %dma_start3A_352 = arith.constant 0 : i32
    %dma_start3A_353 = tpu.memref_slice %arg2[%add3A_345, %dma_start3A_352] : memref<100000x128xf32, #tpu.memory_space<hbm>> -> memref<128x128xf32, #tpu.memory_space<hbm>>
    %dma_start3A_354 = tpu.memref_slice %arg11[%dma_start3A_347] : memref<4x!tpu.dma_semaphore, #tpu.memory_space<semaphore_mem>> -> memref<1x!tpu.dma_semaphore, #tpu.memory_space<semaphore_mem>>
    %dma_start3A_355 = tpu.memref_squeeze %dma_start3A_354 : memref<1x!tpu.dma_semaphore, #tpu.memory_space<semaphore_mem>> -> memref<!tpu.dma_semaphore, #tpu.memory_space<semaphore_mem>>
    %dma_start3A_356 = arith.constant 0 : i32
    %dma_start3A_357 = arith.constant 0 : i32
    %dma_start3A_358 = tpu.memref_slice %arg6[%dma_start3A_346, %dma_start3A_356, %dma_start3A_357] : memref<4x128x128xf32, #tpu.memory_space<vmem>> -> memref<1x128x128xf32, #tpu.memory_space<vmem>>
    %dma_start3A_359 = tpu.memref_squeeze %dma_start3A_358 : memref<1x128x128xf32, #tpu.memory_space<vmem>> -> memref<128x128xf32, #tpu.memory_space<vmem>>
    %dma_start3A_360 = arith.constant 0 : i32
    %dma_start3A_361 = tpu.memref_slice %arg2[%add3A_345, %dma_start3A_360] : memref<100000x128xf32, #tpu.memory_space<hbm>> -> memref<128x128xf32, #tpu.memory_space<hbm>>
    tpu.enqueue_dma source(%dma_start3A_361 : memref<128x128xf32, #tpu.memory_space<hbm>>) target(%dma_start3A_359 : memref<128x128xf32, #tpu.memory_space<vmem>>) target_semaphore(%dma_start3A_355 : memref<!tpu.dma_semaphore, #tpu.memory_space<semaphore_mem>>)
    %mul3A_362 = arith.constant 128 : i32
    %mul3A_363 = arith.muli %add3A_341, %mul3A_362 : i32
    %dma_start3A_364 = arith.constant 1 : i32
    %dma_start3A_365 = arith.constant 1 : i32
    %dma_start3A_366 = arith.constant 0 : i32
    %dma_start3A_367 = tpu.memref_slice %arg7[%dma_start3A_364, %dma_start3A_366] : memref<4x128xi32, #tpu.memory_space<vmem>> -> memref<1x128xi32, #tpu.memory_space<vmem>>
    %dma_start3A_368 = tpu.memref_squeeze %dma_start3A_367 : memref<1x128xi32, #tpu.memory_space<vmem>> -> memref<128xi32, #tpu.memory_space<vmem>>
    %dma_start3A_369 = tpu.memref_slice %arg3[%mul3A_363] : memref<49152xi32, #tpu.memory_space<hbm>> -> memref<128xi32, #tpu.memory_space<hbm>>
    %dma_start3A_370 = tpu.memref_slice %arg12[%dma_start3A_365] : memref<4x!tpu.dma_semaphore, #tpu.memory_space<semaphore_mem>> -> memref<1x!tpu.dma_semaphore, #tpu.memory_space<semaphore_mem>>
    %dma_start3A_371 = tpu.memref_squeeze %dma_start3A_370 : memref<1x!tpu.dma_semaphore, #tpu.memory_space<semaphore_mem>> -> memref<!tpu.dma_semaphore, #tpu.memory_space<semaphore_mem>>
    %dma_start3A_372 = arith.constant 0 : i32
    %dma_start3A_373 = tpu.memref_slice %arg7[%dma_start3A_364, %dma_start3A_372] : memref<4x128xi32, #tpu.memory_space<vmem>> -> memref<1x128xi32, #tpu.memory_space<vmem>>
    %dma_start3A_374 = tpu.memref_squeeze %dma_start3A_373 : memref<1x128xi32, #tpu.memory_space<vmem>> -> memref<128xi32, #tpu.memory_space<vmem>>
    %dma_start3A_375 = tpu.memref_slice %arg3[%mul3A_363] : memref<49152xi32, #tpu.memory_space<hbm>> -> memref<128xi32, #tpu.memory_space<hbm>>
    tpu.enqueue_dma source(%dma_start3A_375 : memref<128xi32, #tpu.memory_space<hbm>>) target(%dma_start3A_374 : memref<128xi32, #tpu.memory_space<vmem>>) target_semaphore(%dma_start3A_371 : memref<!tpu.dma_semaphore, #tpu.memory_space<semaphore_mem>>)
    %dma_wait3A_376 = arith.constant 3 : i32
    %dma_wait3A_377 = arith.constant 3 : i32
    %dma_wait3A_378 = arith.constant 0 : i32
    %dma_wait3A_379 = arith.constant 0 : i32
    %dma_wait3A_380 = tpu.memref_slice %arg6[%dma_wait3A_376, %dma_wait3A_378, %dma_wait3A_379] : memref<4x128x128xf32, #tpu.memory_space<vmem>> -> memref<1x128x128xf32, #tpu.memory_space<vmem>>
    %dma_wait3A_381 = tpu.memref_squeeze %dma_wait3A_380 : memref<1x128x128xf32, #tpu.memory_space<vmem>> -> memref<128x128xf32, #tpu.memory_space<vmem>>
    %dma_wait3A_382 = arith.constant 0 : i32
    %dma_wait3A_383 = tpu.memref_slice %arg2[%add3A_157, %dma_wait3A_382] : memref<100000x128xf32, #tpu.memory_space<hbm>> -> memref<128x128xf32, #tpu.memory_space<hbm>>
    %dma_wait3A_384 = tpu.memref_slice %arg11[%dma_wait3A_377] : memref<4x!tpu.dma_semaphore, #tpu.memory_space<semaphore_mem>> -> memref<1x!tpu.dma_semaphore, #tpu.memory_space<semaphore_mem>>
    %dma_wait3A_385 = tpu.memref_squeeze %dma_wait3A_384 : memref<1x!tpu.dma_semaphore, #tpu.memory_space<semaphore_mem>> -> memref<!tpu.dma_semaphore, #tpu.memory_space<semaphore_mem>>
    %dma_wait3A_386 = arith.constant 0 : i32
    %dma_wait3A_387 = arith.constant 0 : i32
    %dma_wait3A_388 = tpu.memref_slice %arg6[%dma_wait3A_376, %dma_wait3A_386, %dma_wait3A_387] : memref<4x128x128xf32, #tpu.memory_space<vmem>> -> memref<1x128x128xf32, #tpu.memory_space<vmem>>
    %dma_wait3A_389 = tpu.memref_squeeze %dma_wait3A_388 : memref<1x128x128xf32, #tpu.memory_space<vmem>> -> memref<128x128xf32, #tpu.memory_space<vmem>>
    %dma_wait3A_390 = arith.constant 0 : i32
    %dma_wait3A_391 = tpu.memref_slice %arg2[%add3A_157, %dma_wait3A_390] : memref<100000x128xf32, #tpu.memory_space<hbm>> -> memref<128x128xf32, #tpu.memory_space<hbm>>
    tpu.wait_dma2 semaphore(%dma_wait3A_385 : memref<!tpu.dma_semaphore, #tpu.memory_space<semaphore_mem>>) src(%dma_wait3A_391 : memref<128x128xf32, #tpu.memory_space<hbm>>) dst(%dma_wait3A_389 : memref<128x128xf32, #tpu.memory_space<vmem>>)
    %dma_wait3A_392 = arith.constant 3 : i32
    %dma_wait3A_393 = arith.constant 3 : i32
    %dma_wait3A_394 = arith.constant 0 : i32
    %dma_wait3A_395 = tpu.memref_slice %arg7[%dma_wait3A_392, %dma_wait3A_394] : memref<4x128xi32, #tpu.memory_space<vmem>> -> memref<1x128xi32, #tpu.memory_space<vmem>>
    %dma_wait3A_396 = tpu.memref_squeeze %dma_wait3A_395 : memref<1x128xi32, #tpu.memory_space<vmem>> -> memref<128xi32, #tpu.memory_space<vmem>>
    %dma_wait3A_397 = tpu.memref_slice %arg3[%mul3A_175] : memref<49152xi32, #tpu.memory_space<hbm>> -> memref<128xi32, #tpu.memory_space<hbm>>
    %dma_wait3A_398 = tpu.memref_slice %arg12[%dma_wait3A_393] : memref<4x!tpu.dma_semaphore, #tpu.memory_space<semaphore_mem>> -> memref<1x!tpu.dma_semaphore, #tpu.memory_space<semaphore_mem>>
    %dma_wait3A_399 = tpu.memref_squeeze %dma_wait3A_398 : memref<1x!tpu.dma_semaphore, #tpu.memory_space<semaphore_mem>> -> memref<!tpu.dma_semaphore, #tpu.memory_space<semaphore_mem>>
    %dma_wait3A_400 = arith.constant 0 : i32
    %dma_wait3A_401 = tpu.memref_slice %arg7[%dma_wait3A_392, %dma_wait3A_400] : memref<4x128xi32, #tpu.memory_space<vmem>> -> memref<1x128xi32, #tpu.memory_space<vmem>>
    %dma_wait3A_402 = tpu.memref_squeeze %dma_wait3A_401 : memref<1x128xi32, #tpu.memory_space<vmem>> -> memref<128xi32, #tpu.memory_space<vmem>>
    %dma_wait3A_403 = tpu.memref_slice %arg3[%mul3A_175] : memref<49152xi32, #tpu.memory_space<hbm>> -> memref<128xi32, #tpu.memory_space<hbm>>
    tpu.wait_dma2 semaphore(%dma_wait3A_399 : memref<!tpu.dma_semaphore, #tpu.memory_space<semaphore_mem>>) src(%dma_wait3A_403 : memref<128xi32, #tpu.memory_space<hbm>>) dst(%dma_wait3A_402 : memref<128xi32, #tpu.memory_space<vmem>>)
    %dma_start3A_404 = arith.constant 3 : i32
    %dma_start3A_405 = arith.constant 3 : i32
    %dma_start3A_406 = arith.constant 3 : i32
    %dma_start3A_407 = arith.constant 0 : i32
    %dma_start3A_408 = arith.constant 0 : i32
    %dma_start3A_409 = tpu.memref_slice %arg6[%dma_start3A_404, %dma_start3A_407, %dma_start3A_408] : memref<4x128x128xf32, #tpu.memory_space<vmem>> -> memref<1x128x128xf32, #tpu.memory_space<vmem>>
    %dma_start3A_410 = tpu.memref_squeeze %dma_start3A_409 : memref<1x128x128xf32, #tpu.memory_space<vmem>> -> memref<128x128xf32, #tpu.memory_space<vmem>>
    %dma_start3A_411 = arith.constant 0 : i32
    %dma_start3A_412 = tpu.memref_slice %arg7[%dma_start3A_405, %dma_start3A_411] : memref<4x128xi32, #tpu.memory_space<vmem>> -> memref<1x128xi32, #tpu.memory_space<vmem>>
    %dma_start3A_413 = tpu.memref_squeeze %dma_start3A_412 : memref<1x128xi32, #tpu.memory_space<vmem>> -> memref<128xi32, #tpu.memory_space<vmem>>
    %dma_start3A_414 = arith.constant 0 : i32
    %dma_start3A_415 = arith.constant 0 : i32
    %dma_start3A_416 = tpu.memref_slice %arg10[%dma_start3A_414, %dma_start3A_415] : memref<128x128xf32, #tpu.memory_space<vmem_shared>> -> memref<128x128xf32, #tpu.memory_space<vmem_shared>>
    %dma_start3A_417 = tpu.memref_slice %arg13[%dma_start3A_406] : memref<4x!tpu.dma_semaphore, #tpu.memory_space<semaphore_mem>> -> memref<1x!tpu.dma_semaphore, #tpu.memory_space<semaphore_mem>>
    %dma_start3A_418 = tpu.memref_squeeze %dma_start3A_417 : memref<1x!tpu.dma_semaphore, #tpu.memory_space<semaphore_mem>> -> memref<!tpu.dma_semaphore, #tpu.memory_space<semaphore_mem>>
    tpu.enqueue_indirect_dma source(%dma_start3A_410 : memref<128x128xf32, #tpu.memory_space<vmem>>) target(%dma_start3A_416 : memref<128x128xf32, #tpu.memory_space<vmem_shared>>) offsets(%dma_start3A_413 : memref<128xi32, #tpu.memory_space<vmem>>) semaphore(%dma_start3A_418 : memref<!tpu.dma_semaphore, #tpu.memory_space<semaphore_mem>>) {add = true}
    %dma_wait3A_419 = arith.constant 2 : i32
    %dma_wait3A_420 = arith.constant 2 : i32
    %dma_wait3A_421 = arith.constant 2 : i32
    %dma_wait3A_422 = arith.constant 0 : i32
    %dma_wait3A_423 = arith.constant 0 : i32
    %dma_wait3A_424 = tpu.memref_slice %arg6[%dma_wait3A_419, %dma_wait3A_422, %dma_wait3A_423] : memref<4x128x128xf32, #tpu.memory_space<vmem>> -> memref<1x128x128xf32, #tpu.memory_space<vmem>>
    %dma_wait3A_425 = tpu.memref_squeeze %dma_wait3A_424 : memref<1x128x128xf32, #tpu.memory_space<vmem>> -> memref<128x128xf32, #tpu.memory_space<vmem>>
    %dma_wait3A_426 = arith.constant 0 : i32
    %dma_wait3A_427 = tpu.memref_slice %arg7[%dma_wait3A_420, %dma_wait3A_426] : memref<4x128xi32, #tpu.memory_space<vmem>> -> memref<1x128xi32, #tpu.memory_space<vmem>>
    %dma_wait3A_428 = tpu.memref_squeeze %dma_wait3A_427 : memref<1x128xi32, #tpu.memory_space<vmem>> -> memref<128xi32, #tpu.memory_space<vmem>>
    %dma_wait3A_429 = arith.constant 0 : i32
    %dma_wait3A_430 = arith.constant 0 : i32
    %dma_wait3A_431 = tpu.memref_slice %arg10[%dma_wait3A_429, %dma_wait3A_430] : memref<128x128xf32, #tpu.memory_space<vmem_shared>> -> memref<128x128xf32, #tpu.memory_space<vmem_shared>>
    %dma_wait3A_432 = tpu.memref_slice %arg13[%dma_wait3A_421] : memref<4x!tpu.dma_semaphore, #tpu.memory_space<semaphore_mem>> -> memref<1x!tpu.dma_semaphore, #tpu.memory_space<semaphore_mem>>
    %dma_wait3A_433 = tpu.memref_squeeze %dma_wait3A_432 : memref<1x!tpu.dma_semaphore, #tpu.memory_space<semaphore_mem>> -> memref<!tpu.dma_semaphore, #tpu.memory_space<semaphore_mem>>
    tpu.wait_indirect_dma semaphore(%dma_wait3A_433 : memref<!tpu.dma_semaphore, #tpu.memory_space<semaphore_mem>>) src(%dma_wait3A_425 : memref<128x128xf32, #tpu.memory_space<vmem>>) dst(%dma_wait3A_431 : memref<128x128xf32, #tpu.memory_space<vmem_shared>>)
    %add3A_434 = arith.constant 192 : i32
    %add3A_435 = arith.addi %add3A, %add3A_434 : i32
    %mul3A_436 = arith.constant 128 : i32
    %mul3A_437 = arith.muli %add3A_435, %mul3A_436 : i32
    %add3A_438 = arith.constant 0 : i32
    %add3A_439 = arith.addi %add3A_438, %mul3A_437 : i32
    %dma_start3A_440 = arith.constant 2 : i32
    %dma_start3A_441 = arith.constant 2 : i32
    %dma_start3A_442 = arith.constant 0 : i32
    %dma_start3A_443 = arith.constant 0 : i32
    %dma_start3A_444 = tpu.memref_slice %arg6[%dma_start3A_440, %dma_start3A_442, %dma_start3A_443] : memref<4x128x128xf32, #tpu.memory_space<vmem>> -> memref<1x128x128xf32, #tpu.memory_space<vmem>>
    %dma_start3A_445 = tpu.memref_squeeze %dma_start3A_444 : memref<1x128x128xf32, #tpu.memory_space<vmem>> -> memref<128x128xf32, #tpu.memory_space<vmem>>
    %dma_start3A_446 = arith.constant 0 : i32
    %dma_start3A_447 = tpu.memref_slice %arg2[%add3A_439, %dma_start3A_446] : memref<100000x128xf32, #tpu.memory_space<hbm>> -> memref<128x128xf32, #tpu.memory_space<hbm>>
    %dma_start3A_448 = tpu.memref_slice %arg11[%dma_start3A_441] : memref<4x!tpu.dma_semaphore, #tpu.memory_space<semaphore_mem>> -> memref<1x!tpu.dma_semaphore, #tpu.memory_space<semaphore_mem>>
    %dma_start3A_449 = tpu.memref_squeeze %dma_start3A_448 : memref<1x!tpu.dma_semaphore, #tpu.memory_space<semaphore_mem>> -> memref<!tpu.dma_semaphore, #tpu.memory_space<semaphore_mem>>
    %dma_start3A_450 = arith.constant 0 : i32
    %dma_start3A_451 = arith.constant 0 : i32
    %dma_start3A_452 = tpu.memref_slice %arg6[%dma_start3A_440, %dma_start3A_450, %dma_start3A_451] : memref<4x128x128xf32, #tpu.memory_space<vmem>> -> memref<1x128x128xf32, #tpu.memory_space<vmem>>
    %dma_start3A_453 = tpu.memref_squeeze %dma_start3A_452 : memref<1x128x128xf32, #tpu.memory_space<vmem>> -> memref<128x128xf32, #tpu.memory_space<vmem>>
    %dma_start3A_454 = arith.constant 0 : i32
    %dma_start3A_455 = tpu.memref_slice %arg2[%add3A_439, %dma_start3A_454] : memref<100000x128xf32, #tpu.memory_space<hbm>> -> memref<128x128xf32, #tpu.memory_space<hbm>>
    tpu.enqueue_dma source(%dma_start3A_455 : memref<128x128xf32, #tpu.memory_space<hbm>>) target(%dma_start3A_453 : memref<128x128xf32, #tpu.memory_space<vmem>>) target_semaphore(%dma_start3A_449 : memref<!tpu.dma_semaphore, #tpu.memory_space<semaphore_mem>>)
    %mul3A_456 = arith.constant 128 : i32
    %mul3A_457 = arith.muli %add3A_435, %mul3A_456 : i32
    %dma_start3A_458 = arith.constant 2 : i32
    %dma_start3A_459 = arith.constant 2 : i32
    %dma_start3A_460 = arith.constant 0 : i32
    %dma_start3A_461 = tpu.memref_slice %arg7[%dma_start3A_458, %dma_start3A_460] : memref<4x128xi32, #tpu.memory_space<vmem>> -> memref<1x128xi32, #tpu.memory_space<vmem>>
    %dma_start3A_462 = tpu.memref_squeeze %dma_start3A_461 : memref<1x128xi32, #tpu.memory_space<vmem>> -> memref<128xi32, #tpu.memory_space<vmem>>
    %dma_start3A_463 = tpu.memref_slice %arg3[%mul3A_457] : memref<49152xi32, #tpu.memory_space<hbm>> -> memref<128xi32, #tpu.memory_space<hbm>>
    %dma_start3A_464 = tpu.memref_slice %arg12[%dma_start3A_459] : memref<4x!tpu.dma_semaphore, #tpu.memory_space<semaphore_mem>> -> memref<1x!tpu.dma_semaphore, #tpu.memory_space<semaphore_mem>>
    %dma_start3A_465 = tpu.memref_squeeze %dma_start3A_464 : memref<1x!tpu.dma_semaphore, #tpu.memory_space<semaphore_mem>> -> memref<!tpu.dma_semaphore, #tpu.memory_space<semaphore_mem>>
    %dma_start3A_466 = arith.constant 0 : i32
    %dma_start3A_467 = tpu.memref_slice %arg7[%dma_start3A_458, %dma_start3A_466] : memref<4x128xi32, #tpu.memory_space<vmem>> -> memref<1x128xi32, #tpu.memory_space<vmem>>
    %dma_start3A_468 = tpu.memref_squeeze %dma_start3A_467 : memref<1x128xi32, #tpu.memory_space<vmem>> -> memref<128xi32, #tpu.memory_space<vmem>>
    %dma_start3A_469 = tpu.memref_slice %arg3[%mul3A_457] : memref<49152xi32, #tpu.memory_space<hbm>> -> memref<128xi32, #tpu.memory_space<hbm>>
    tpu.enqueue_dma source(%dma_start3A_469 : memref<128xi32, #tpu.memory_space<hbm>>) target(%dma_start3A_468 : memref<128xi32, #tpu.memory_space<vmem>>) target_semaphore(%dma_start3A_465 : memref<!tpu.dma_semaphore, #tpu.memory_space<semaphore_mem>>)
    %dma_wait3A_470 = arith.constant 0 : i32
    %dma_wait3A_471 = arith.constant 0 : i32
    %dma_wait3A_472 = arith.constant 0 : i32
    %dma_wait3A_473 = arith.constant 0 : i32
    %dma_wait3A_474 = tpu.memref_slice %arg6[%dma_wait3A_470, %dma_wait3A_472, %dma_wait3A_473] : memref<4x128x128xf32, #tpu.memory_space<vmem>> -> memref<1x128x128xf32, #tpu.memory_space<vmem>>
    %dma_wait3A_475 = tpu.memref_squeeze %dma_wait3A_474 : memref<1x128x128xf32, #tpu.memory_space<vmem>> -> memref<128x128xf32, #tpu.memory_space<vmem>>
    %dma_wait3A_476 = arith.constant 0 : i32
    %dma_wait3A_477 = tpu.memref_slice %arg2[%add3A_251, %dma_wait3A_476] : memref<100000x128xf32, #tpu.memory_space<hbm>> -> memref<128x128xf32, #tpu.memory_space<hbm>>
    %dma_wait3A_478 = tpu.memref_slice %arg11[%dma_wait3A_471] : memref<4x!tpu.dma_semaphore, #tpu.memory_space<semaphore_mem>> -> memref<1x!tpu.dma_semaphore, #tpu.memory_space<semaphore_mem>>
    %dma_wait3A_479 = tpu.memref_squeeze %dma_wait3A_478 : memref<1x!tpu.dma_semaphore, #tpu.memory_space<semaphore_mem>> -> memref<!tpu.dma_semaphore, #tpu.memory_space<semaphore_mem>>
    %dma_wait3A_480 = arith.constant 0 : i32
    %dma_wait3A_481 = arith.constant 0 : i32
    %dma_wait3A_482 = tpu.memref_slice %arg6[%dma_wait3A_470, %dma_wait3A_480, %dma_wait3A_481] : memref<4x128x128xf32, #tpu.memory_space<vmem>> -> memref<1x128x128xf32, #tpu.memory_space<vmem>>
    %dma_wait3A_483 = tpu.memref_squeeze %dma_wait3A_482 : memref<1x128x128xf32, #tpu.memory_space<vmem>> -> memref<128x128xf32, #tpu.memory_space<vmem>>
    %dma_wait3A_484 = arith.constant 0 : i32
    %dma_wait3A_485 = tpu.memref_slice %arg2[%add3A_251, %dma_wait3A_484] : memref<100000x128xf32, #tpu.memory_space<hbm>> -> memref<128x128xf32, #tpu.memory_space<hbm>>
    tpu.wait_dma2 semaphore(%dma_wait3A_479 : memref<!tpu.dma_semaphore, #tpu.memory_space<semaphore_mem>>) src(%dma_wait3A_485 : memref<128x128xf32, #tpu.memory_space<hbm>>) dst(%dma_wait3A_483 : memref<128x128xf32, #tpu.memory_space<vmem>>)
    %dma_wait3A_486 = arith.constant 0 : i32
    %dma_wait3A_487 = arith.constant 0 : i32
    %dma_wait3A_488 = arith.constant 0 : i32
    %dma_wait3A_489 = tpu.memref_slice %arg7[%dma_wait3A_486, %dma_wait3A_488] : memref<4x128xi32, #tpu.memory_space<vmem>> -> memref<1x128xi32, #tpu.memory_space<vmem>>
    %dma_wait3A_490 = tpu.memref_squeeze %dma_wait3A_489 : memref<1x128xi32, #tpu.memory_space<vmem>> -> memref<128xi32, #tpu.memory_space<vmem>>
    %dma_wait3A_491 = tpu.memref_slice %arg3[%mul3A_269] : memref<49152xi32, #tpu.memory_space<hbm>> -> memref<128xi32, #tpu.memory_space<hbm>>
    %dma_wait3A_492 = tpu.memref_slice %arg12[%dma_wait3A_487] : memref<4x!tpu.dma_semaphore, #tpu.memory_space<semaphore_mem>> -> memref<1x!tpu.dma_semaphore, #tpu.memory_space<semaphore_mem>>
    %dma_wait3A_493 = tpu.memref_squeeze %dma_wait3A_492 : memref<1x!tpu.dma_semaphore, #tpu.memory_space<semaphore_mem>> -> memref<!tpu.dma_semaphore, #tpu.memory_space<semaphore_mem>>
    %dma_wait3A_494 = arith.constant 0 : i32
    %dma_wait3A_495 = tpu.memref_slice %arg7[%dma_wait3A_486, %dma_wait3A_494] : memref<4x128xi32, #tpu.memory_space<vmem>> -> memref<1x128xi32, #tpu.memory_space<vmem>>
    %dma_wait3A_496 = tpu.memref_squeeze %dma_wait3A_495 : memref<1x128xi32, #tpu.memory_space<vmem>> -> memref<128xi32, #tpu.memory_space<vmem>>
    %dma_wait3A_497 = tpu.memref_slice %arg3[%mul3A_269] : memref<49152xi32, #tpu.memory_space<hbm>> -> memref<128xi32, #tpu.memory_space<hbm>>
    tpu.wait_dma2 semaphore(%dma_wait3A_493 : memref<!tpu.dma_semaphore, #tpu.memory_space<semaphore_mem>>) src(%dma_wait3A_497 : memref<128xi32, #tpu.memory_space<hbm>>) dst(%dma_wait3A_496 : memref<128xi32, #tpu.memory_space<vmem>>)
    %dma_start3A_498 = arith.constant 0 : i32
    %dma_start3A_499 = arith.constant 0 : i32
    %dma_start3A_500 = arith.constant 0 : i32
    %dma_start3A_501 = arith.constant 0 : i32
    %dma_start3A_502 = arith.constant 0 : i32
    %dma_start3A_503 = tpu.memref_slice %arg6[%dma_start3A_498, %dma_start3A_501, %dma_start3A_502] : memref<4x128x128xf32, #tpu.memory_space<vmem>> -> memref<1x128x128xf32, #tpu.memory_space<vmem>>
    %dma_start3A_504 = tpu.memref_squeeze %dma_start3A_503 : memref<1x128x128xf32, #tpu.memory_space<vmem>> -> memref<128x128xf32, #tpu.memory_space<vmem>>
    %dma_start3A_505 = arith.constant 0 : i32
    %dma_start3A_506 = tpu.memref_slice %arg7[%dma_start3A_499, %dma_start3A_505] : memref<4x128xi32, #tpu.memory_space<vmem>> -> memref<1x128xi32, #tpu.memory_space<vmem>>
    %dma_start3A_507 = tpu.memref_squeeze %dma_start3A_506 : memref<1x128xi32, #tpu.memory_space<vmem>> -> memref<128xi32, #tpu.memory_space<vmem>>
    %dma_start3A_508 = arith.constant 0 : i32
    %dma_start3A_509 = arith.constant 0 : i32
    %dma_start3A_510 = tpu.memref_slice %arg10[%dma_start3A_508, %dma_start3A_509] : memref<128x128xf32, #tpu.memory_space<vmem_shared>> -> memref<128x128xf32, #tpu.memory_space<vmem_shared>>
    %dma_start3A_511 = tpu.memref_slice %arg13[%dma_start3A_500] : memref<4x!tpu.dma_semaphore, #tpu.memory_space<semaphore_mem>> -> memref<1x!tpu.dma_semaphore, #tpu.memory_space<semaphore_mem>>
    %dma_start3A_512 = tpu.memref_squeeze %dma_start3A_511 : memref<1x!tpu.dma_semaphore, #tpu.memory_space<semaphore_mem>> -> memref<!tpu.dma_semaphore, #tpu.memory_space<semaphore_mem>>
    tpu.enqueue_indirect_dma source(%dma_start3A_504 : memref<128x128xf32, #tpu.memory_space<vmem>>) target(%dma_start3A_510 : memref<128x128xf32, #tpu.memory_space<vmem_shared>>) offsets(%dma_start3A_507 : memref<128xi32, #tpu.memory_space<vmem>>) semaphore(%dma_start3A_512 : memref<!tpu.dma_semaphore, #tpu.memory_space<semaphore_mem>>) {add = true}
    %dma_wait3A_513 = arith.constant 3 : i32
    %dma_wait3A_514 = arith.constant 3 : i32
    %dma_wait3A_515 = arith.constant 3 : i32
    %dma_wait3A_516 = arith.constant 0 : i32
    %dma_wait3A_517 = arith.constant 0 : i32
    %dma_wait3A_518 = tpu.memref_slice %arg6[%dma_wait3A_513, %dma_wait3A_516, %dma_wait3A_517] : memref<4x128x128xf32, #tpu.memory_space<vmem>> -> memref<1x128x128xf32, #tpu.memory_space<vmem>>
    %dma_wait3A_519 = tpu.memref_squeeze %dma_wait3A_518 : memref<1x128x128xf32, #tpu.memory_space<vmem>> -> memref<128x128xf32, #tpu.memory_space<vmem>>
    %dma_wait3A_520 = arith.constant 0 : i32
    %dma_wait3A_521 = tpu.memref_slice %arg7[%dma_wait3A_514, %dma_wait3A_520] : memref<4x128xi32, #tpu.memory_space<vmem>> -> memref<1x128xi32, #tpu.memory_space<vmem>>
    %dma_wait3A_522 = tpu.memref_squeeze %dma_wait3A_521 : memref<1x128xi32, #tpu.memory_space<vmem>> -> memref<128xi32, #tpu.memory_space<vmem>>
    %dma_wait3A_523 = arith.constant 0 : i32
    %dma_wait3A_524 = arith.constant 0 : i32
    %dma_wait3A_525 = tpu.memref_slice %arg10[%dma_wait3A_523, %dma_wait3A_524] : memref<128x128xf32, #tpu.memory_space<vmem_shared>> -> memref<128x128xf32, #tpu.memory_space<vmem_shared>>
    %dma_wait3A_526 = tpu.memref_slice %arg13[%dma_wait3A_515] : memref<4x!tpu.dma_semaphore, #tpu.memory_space<semaphore_mem>> -> memref<1x!tpu.dma_semaphore, #tpu.memory_space<semaphore_mem>>
    %dma_wait3A_527 = tpu.memref_squeeze %dma_wait3A_526 : memref<1x!tpu.dma_semaphore, #tpu.memory_space<semaphore_mem>> -> memref<!tpu.dma_semaphore, #tpu.memory_space<semaphore_mem>>
    tpu.wait_indirect_dma semaphore(%dma_wait3A_527 : memref<!tpu.dma_semaphore, #tpu.memory_space<semaphore_mem>>) src(%dma_wait3A_519 : memref<128x128xf32, #tpu.memory_space<vmem>>) dst(%dma_wait3A_525 : memref<128x128xf32, #tpu.memory_space<vmem_shared>>)
    %add3A_528 = arith.constant 224 : i32
    %add3A_529 = arith.addi %add3A, %add3A_528 : i32
    %mul3A_530 = arith.constant 128 : i32
    %mul3A_531 = arith.muli %add3A_529, %mul3A_530 : i32
    %add3A_532 = arith.constant 0 : i32
    %add3A_533 = arith.addi %add3A_532, %mul3A_531 : i32
    %dma_start3A_534 = arith.constant 3 : i32
    %dma_start3A_535 = arith.constant 3 : i32
    %dma_start3A_536 = arith.constant 0 : i32
    %dma_start3A_537 = arith.constant 0 : i32
    %dma_start3A_538 = tpu.memref_slice %arg6[%dma_start3A_534, %dma_start3A_536, %dma_start3A_537] : memref<4x128x128xf32, #tpu.memory_space<vmem>> -> memref<1x128x128xf32, #tpu.memory_space<vmem>>
    %dma_start3A_539 = tpu.memref_squeeze %dma_start3A_538 : memref<1x128x128xf32, #tpu.memory_space<vmem>> -> memref<128x128xf32, #tpu.memory_space<vmem>>
    %dma_start3A_540 = arith.constant 0 : i32
    %dma_start3A_541 = tpu.memref_slice %arg2[%add3A_533, %dma_start3A_540] : memref<100000x128xf32, #tpu.memory_space<hbm>> -> memref<128x128xf32, #tpu.memory_space<hbm>>
    %dma_start3A_542 = tpu.memref_slice %arg11[%dma_start3A_535] : memref<4x!tpu.dma_semaphore, #tpu.memory_space<semaphore_mem>> -> memref<1x!tpu.dma_semaphore, #tpu.memory_space<semaphore_mem>>
    %dma_start3A_543 = tpu.memref_squeeze %dma_start3A_542 : memref<1x!tpu.dma_semaphore, #tpu.memory_space<semaphore_mem>> -> memref<!tpu.dma_semaphore, #tpu.memory_space<semaphore_mem>>
    %dma_start3A_544 = arith.constant 0 : i32
    %dma_start3A_545 = arith.constant 0 : i32
    %dma_start3A_546 = tpu.memref_slice %arg6[%dma_start3A_534, %dma_start3A_544, %dma_start3A_545] : memref<4x128x128xf32, #tpu.memory_space<vmem>> -> memref<1x128x128xf32, #tpu.memory_space<vmem>>
    %dma_start3A_547 = tpu.memref_squeeze %dma_start3A_546 : memref<1x128x128xf32, #tpu.memory_space<vmem>> -> memref<128x128xf32, #tpu.memory_space<vmem>>
    %dma_start3A_548 = arith.constant 0 : i32
    %dma_start3A_549 = tpu.memref_slice %arg2[%add3A_533, %dma_start3A_548] : memref<100000x128xf32, #tpu.memory_space<hbm>> -> memref<128x128xf32, #tpu.memory_space<hbm>>
    tpu.enqueue_dma source(%dma_start3A_549 : memref<128x128xf32, #tpu.memory_space<hbm>>) target(%dma_start3A_547 : memref<128x128xf32, #tpu.memory_space<vmem>>) target_semaphore(%dma_start3A_543 : memref<!tpu.dma_semaphore, #tpu.memory_space<semaphore_mem>>)
    %mul3A_550 = arith.constant 128 : i32
    %mul3A_551 = arith.muli %add3A_529, %mul3A_550 : i32
    %dma_start3A_552 = arith.constant 3 : i32
    %dma_start3A_553 = arith.constant 3 : i32
    %dma_start3A_554 = arith.constant 0 : i32
    %dma_start3A_555 = tpu.memref_slice %arg7[%dma_start3A_552, %dma_start3A_554] : memref<4x128xi32, #tpu.memory_space<vmem>> -> memref<1x128xi32, #tpu.memory_space<vmem>>
    %dma_start3A_556 = tpu.memref_squeeze %dma_start3A_555 : memref<1x128xi32, #tpu.memory_space<vmem>> -> memref<128xi32, #tpu.memory_space<vmem>>
    %dma_start3A_557 = tpu.memref_slice %arg3[%mul3A_551] : memref<49152xi32, #tpu.memory_space<hbm>> -> memref<128xi32, #tpu.memory_space<hbm>>
    %dma_start3A_558 = tpu.memref_slice %arg12[%dma_start3A_553] : memref<4x!tpu.dma_semaphore, #tpu.memory_space<semaphore_mem>> -> memref<1x!tpu.dma_semaphore, #tpu.memory_space<semaphore_mem>>
    %dma_start3A_559 = tpu.memref_squeeze %dma_start3A_558 : memref<1x!tpu.dma_semaphore, #tpu.memory_space<semaphore_mem>> -> memref<!tpu.dma_semaphore, #tpu.memory_space<semaphore_mem>>
    %dma_start3A_560 = arith.constant 0 : i32
    %dma_start3A_561 = tpu.memref_slice %arg7[%dma_start3A_552, %dma_start3A_560] : memref<4x128xi32, #tpu.memory_space<vmem>> -> memref<1x128xi32, #tpu.memory_space<vmem>>
    %dma_start3A_562 = tpu.memref_squeeze %dma_start3A_561 : memref<1x128xi32, #tpu.memory_space<vmem>> -> memref<128xi32, #tpu.memory_space<vmem>>
    %dma_start3A_563 = tpu.memref_slice %arg3[%mul3A_551] : memref<49152xi32, #tpu.memory_space<hbm>> -> memref<128xi32, #tpu.memory_space<hbm>>
    tpu.enqueue_dma source(%dma_start3A_563 : memref<128xi32, #tpu.memory_space<hbm>>) target(%dma_start3A_562 : memref<128xi32, #tpu.memory_space<vmem>>) target_semaphore(%dma_start3A_559 : memref<!tpu.dma_semaphore, #tpu.memory_space<semaphore_mem>>)
    %dma_wait3A_564 = arith.constant 1 : i32
    %dma_wait3A_565 = arith.constant 1 : i32
    %dma_wait3A_566 = arith.constant 0 : i32
    %dma_wait3A_567 = arith.constant 0 : i32
    %dma_wait3A_568 = tpu.memref_slice %arg6[%dma_wait3A_564, %dma_wait3A_566, %dma_wait3A_567] : memref<4x128x128xf32, #tpu.memory_space<vmem>> -> memref<1x128x128xf32, #tpu.memory_space<vmem>>
    %dma_wait3A_569 = tpu.memref_squeeze %dma_wait3A_568 : memref<1x128x128xf32, #tpu.memory_space<vmem>> -> memref<128x128xf32, #tpu.memory_space<vmem>>
    %dma_wait3A_570 = arith.constant 0 : i32
    %dma_wait3A_571 = tpu.memref_slice %arg2[%add3A_345, %dma_wait3A_570] : memref<100000x128xf32, #tpu.memory_space<hbm>> -> memref<128x128xf32, #tpu.memory_space<hbm>>
    %dma_wait3A_572 = tpu.memref_slice %arg11[%dma_wait3A_565] : memref<4x!tpu.dma_semaphore, #tpu.memory_space<semaphore_mem>> -> memref<1x!tpu.dma_semaphore, #tpu.memory_space<semaphore_mem>>
    %dma_wait3A_573 = tpu.memref_squeeze %dma_wait3A_572 : memref<1x!tpu.dma_semaphore, #tpu.memory_space<semaphore_mem>> -> memref<!tpu.dma_semaphore, #tpu.memory_space<semaphore_mem>>
    %dma_wait3A_574 = arith.constant 0 : i32
    %dma_wait3A_575 = arith.constant 0 : i32
    %dma_wait3A_576 = tpu.memref_slice %arg6[%dma_wait3A_564, %dma_wait3A_574, %dma_wait3A_575] : memref<4x128x128xf32, #tpu.memory_space<vmem>> -> memref<1x128x128xf32, #tpu.memory_space<vmem>>
    %dma_wait3A_577 = tpu.memref_squeeze %dma_wait3A_576 : memref<1x128x128xf32, #tpu.memory_space<vmem>> -> memref<128x128xf32, #tpu.memory_space<vmem>>
    %dma_wait3A_578 = arith.constant 0 : i32
    %dma_wait3A_579 = tpu.memref_slice %arg2[%add3A_345, %dma_wait3A_578] : memref<100000x128xf32, #tpu.memory_space<hbm>> -> memref<128x128xf32, #tpu.memory_space<hbm>>
    tpu.wait_dma2 semaphore(%dma_wait3A_573 : memref<!tpu.dma_semaphore, #tpu.memory_space<semaphore_mem>>) src(%dma_wait3A_579 : memref<128x128xf32, #tpu.memory_space<hbm>>) dst(%dma_wait3A_577 : memref<128x128xf32, #tpu.memory_space<vmem>>)
    %dma_wait3A_580 = arith.constant 1 : i32
    %dma_wait3A_581 = arith.constant 1 : i32
    %dma_wait3A_582 = arith.constant 0 : i32
    %dma_wait3A_583 = tpu.memref_slice %arg7[%dma_wait3A_580, %dma_wait3A_582] : memref<4x128xi32, #tpu.memory_space<vmem>> -> memref<1x128xi32, #tpu.memory_space<vmem>>
    %dma_wait3A_584 = tpu.memref_squeeze %dma_wait3A_583 : memref<1x128xi32, #tpu.memory_space<vmem>> -> memref<128xi32, #tpu.memory_space<vmem>>
    %dma_wait3A_585 = tpu.memref_slice %arg3[%mul3A_363] : memref<49152xi32, #tpu.memory_space<hbm>> -> memref<128xi32, #tpu.memory_space<hbm>>
    %dma_wait3A_586 = tpu.memref_slice %arg12[%dma_wait3A_581] : memref<4x!tpu.dma_semaphore, #tpu.memory_space<semaphore_mem>> -> memref<1x!tpu.dma_semaphore, #tpu.memory_space<semaphore_mem>>
    %dma_wait3A_587 = tpu.memref_squeeze %dma_wait3A_586 : memref<1x!tpu.dma_semaphore, #tpu.memory_space<semaphore_mem>> -> memref<!tpu.dma_semaphore, #tpu.memory_space<semaphore_mem>>
    %dma_wait3A_588 = arith.constant 0 : i32
    %dma_wait3A_589 = tpu.memref_slice %arg7[%dma_wait3A_580, %dma_wait3A_588] : memref<4x128xi32, #tpu.memory_space<vmem>> -> memref<1x128xi32, #tpu.memory_space<vmem>>
    %dma_wait3A_590 = tpu.memref_squeeze %dma_wait3A_589 : memref<1x128xi32, #tpu.memory_space<vmem>> -> memref<128xi32, #tpu.memory_space<vmem>>
    %dma_wait3A_591 = tpu.memref_slice %arg3[%mul3A_363] : memref<49152xi32, #tpu.memory_space<hbm>> -> memref<128xi32, #tpu.memory_space<hbm>>
    tpu.wait_dma2 semaphore(%dma_wait3A_587 : memref<!tpu.dma_semaphore, #tpu.memory_space<semaphore_mem>>) src(%dma_wait3A_591 : memref<128xi32, #tpu.memory_space<hbm>>) dst(%dma_wait3A_590 : memref<128xi32, #tpu.memory_space<vmem>>)
    %dma_start3A_592 = arith.constant 1 : i32
    %dma_start3A_593 = arith.constant 1 : i32
    %dma_start3A_594 = arith.constant 1 : i32
    %dma_start3A_595 = arith.constant 0 : i32
    %dma_start3A_596 = arith.constant 0 : i32
    %dma_start3A_597 = tpu.memref_slice %arg6[%dma_start3A_592, %dma_start3A_595, %dma_start3A_596] : memref<4x128x128xf32, #tpu.memory_space<vmem>> -> memref<1x128x128xf32, #tpu.memory_space<vmem>>
    %dma_start3A_598 = tpu.memref_squeeze %dma_start3A_597 : memref<1x128x128xf32, #tpu.memory_space<vmem>> -> memref<128x128xf32, #tpu.memory_space<vmem>>
    %dma_start3A_599 = arith.constant 0 : i32
    %dma_start3A_600 = tpu.memref_slice %arg7[%dma_start3A_593, %dma_start3A_599] : memref<4x128xi32, #tpu.memory_space<vmem>> -> memref<1x128xi32, #tpu.memory_space<vmem>>
    %dma_start3A_601 = tpu.memref_squeeze %dma_start3A_600 : memref<1x128xi32, #tpu.memory_space<vmem>> -> memref<128xi32, #tpu.memory_space<vmem>>
    %dma_start3A_602 = arith.constant 0 : i32
    %dma_start3A_603 = arith.constant 0 : i32
    %dma_start3A_604 = tpu.memref_slice %arg10[%dma_start3A_602, %dma_start3A_603] : memref<128x128xf32, #tpu.memory_space<vmem_shared>> -> memref<128x128xf32, #tpu.memory_space<vmem_shared>>
    %dma_start3A_605 = tpu.memref_slice %arg13[%dma_start3A_594] : memref<4x!tpu.dma_semaphore, #tpu.memory_space<semaphore_mem>> -> memref<1x!tpu.dma_semaphore, #tpu.memory_space<semaphore_mem>>
    %dma_start3A_606 = tpu.memref_squeeze %dma_start3A_605 : memref<1x!tpu.dma_semaphore, #tpu.memory_space<semaphore_mem>> -> memref<!tpu.dma_semaphore, #tpu.memory_space<semaphore_mem>>
    tpu.enqueue_indirect_dma source(%dma_start3A_598 : memref<128x128xf32, #tpu.memory_space<vmem>>) target(%dma_start3A_604 : memref<128x128xf32, #tpu.memory_space<vmem_shared>>) offsets(%dma_start3A_601 : memref<128xi32, #tpu.memory_space<vmem>>) semaphore(%dma_start3A_606 : memref<!tpu.dma_semaphore, #tpu.memory_space<semaphore_mem>>) {add = true}
    %dma_wait3A_607 = arith.constant 0 : i32
    %dma_wait3A_608 = arith.constant 0 : i32
    %dma_wait3A_609 = arith.constant 0 : i32
    %dma_wait3A_610 = arith.constant 0 : i32
    %dma_wait3A_611 = arith.constant 0 : i32
    %dma_wait3A_612 = tpu.memref_slice %arg6[%dma_wait3A_607, %dma_wait3A_610, %dma_wait3A_611] : memref<4x128x128xf32, #tpu.memory_space<vmem>> -> memref<1x128x128xf32, #tpu.memory_space<vmem>>
    %dma_wait3A_613 = tpu.memref_squeeze %dma_wait3A_612 : memref<1x128x128xf32, #tpu.memory_space<vmem>> -> memref<128x128xf32, #tpu.memory_space<vmem>>
    %dma_wait3A_614 = arith.constant 0 : i32
    %dma_wait3A_615 = tpu.memref_slice %arg7[%dma_wait3A_608, %dma_wait3A_614] : memref<4x128xi32, #tpu.memory_space<vmem>> -> memref<1x128xi32, #tpu.memory_space<vmem>>
    %dma_wait3A_616 = tpu.memref_squeeze %dma_wait3A_615 : memref<1x128xi32, #tpu.memory_space<vmem>> -> memref<128xi32, #tpu.memory_space<vmem>>
    %dma_wait3A_617 = arith.constant 0 : i32
    %dma_wait3A_618 = arith.constant 0 : i32
    %dma_wait3A_619 = tpu.memref_slice %arg10[%dma_wait3A_617, %dma_wait3A_618] : memref<128x128xf32, #tpu.memory_space<vmem_shared>> -> memref<128x128xf32, #tpu.memory_space<vmem_shared>>
    %dma_wait3A_620 = tpu.memref_slice %arg13[%dma_wait3A_609] : memref<4x!tpu.dma_semaphore, #tpu.memory_space<semaphore_mem>> -> memref<1x!tpu.dma_semaphore, #tpu.memory_space<semaphore_mem>>
    %dma_wait3A_621 = tpu.memref_squeeze %dma_wait3A_620 : memref<1x!tpu.dma_semaphore, #tpu.memory_space<semaphore_mem>> -> memref<!tpu.dma_semaphore, #tpu.memory_space<semaphore_mem>>
    tpu.wait_indirect_dma semaphore(%dma_wait3A_621 : memref<!tpu.dma_semaphore, #tpu.memory_space<semaphore_mem>>) src(%dma_wait3A_613 : memref<128x128xf32, #tpu.memory_space<vmem>>) dst(%dma_wait3A_619 : memref<128x128xf32, #tpu.memory_space<vmem_shared>>)
    %add3A_622 = arith.constant 256 : i32
    %add3A_623 = arith.addi %add3A, %add3A_622 : i32
    %mul3A_624 = arith.constant 128 : i32
    %mul3A_625 = arith.muli %add3A_623, %mul3A_624 : i32
    %add3A_626 = arith.constant 0 : i32
    %add3A_627 = arith.addi %add3A_626, %mul3A_625 : i32
    %dma_start3A_628 = arith.constant 0 : i32
    %dma_start3A_629 = arith.constant 0 : i32
    %dma_start3A_630 = arith.constant 0 : i32
    %dma_start3A_631 = arith.constant 0 : i32
    %dma_start3A_632 = tpu.memref_slice %arg6[%dma_start3A_628, %dma_start3A_630, %dma_start3A_631] : memref<4x128x128xf32, #tpu.memory_space<vmem>> -> memref<1x128x128xf32, #tpu.memory_space<vmem>>
    %dma_start3A_633 = tpu.memref_squeeze %dma_start3A_632 : memref<1x128x128xf32, #tpu.memory_space<vmem>> -> memref<128x128xf32, #tpu.memory_space<vmem>>
    %dma_start3A_634 = arith.constant 0 : i32
    %dma_start3A_635 = tpu.memref_slice %arg2[%add3A_627, %dma_start3A_634] : memref<100000x128xf32, #tpu.memory_space<hbm>> -> memref<128x128xf32, #tpu.memory_space<hbm>>
    %dma_start3A_636 = tpu.memref_slice %arg11[%dma_start3A_629] : memref<4x!tpu.dma_semaphore, #tpu.memory_space<semaphore_mem>> -> memref<1x!tpu.dma_semaphore, #tpu.memory_space<semaphore_mem>>
    %dma_start3A_637 = tpu.memref_squeeze %dma_start3A_636 : memref<1x!tpu.dma_semaphore, #tpu.memory_space<semaphore_mem>> -> memref<!tpu.dma_semaphore, #tpu.memory_space<semaphore_mem>>
    %dma_start3A_638 = arith.constant 0 : i32
    %dma_start3A_639 = arith.constant 0 : i32
    %dma_start3A_640 = tpu.memref_slice %arg6[%dma_start3A_628, %dma_start3A_638, %dma_start3A_639] : memref<4x128x128xf32, #tpu.memory_space<vmem>> -> memref<1x128x128xf32, #tpu.memory_space<vmem>>
    %dma_start3A_641 = tpu.memref_squeeze %dma_start3A_640 : memref<1x128x128xf32, #tpu.memory_space<vmem>> -> memref<128x128xf32, #tpu.memory_space<vmem>>
    %dma_start3A_642 = arith.constant 0 : i32
    %dma_start3A_643 = tpu.memref_slice %arg2[%add3A_627, %dma_start3A_642] : memref<100000x128xf32, #tpu.memory_space<hbm>> -> memref<128x128xf32, #tpu.memory_space<hbm>>
    tpu.enqueue_dma source(%dma_start3A_643 : memref<128x128xf32, #tpu.memory_space<hbm>>) target(%dma_start3A_641 : memref<128x128xf32, #tpu.memory_space<vmem>>) target_semaphore(%dma_start3A_637 : memref<!tpu.dma_semaphore, #tpu.memory_space<semaphore_mem>>)
    %mul3A_644 = arith.constant 128 : i32
    %mul3A_645 = arith.muli %add3A_623, %mul3A_644 : i32
    %dma_start3A_646 = arith.constant 0 : i32
    %dma_start3A_647 = arith.constant 0 : i32
    %dma_start3A_648 = arith.constant 0 : i32
    %dma_start3A_649 = tpu.memref_slice %arg7[%dma_start3A_646, %dma_start3A_648] : memref<4x128xi32, #tpu.memory_space<vmem>> -> memref<1x128xi32, #tpu.memory_space<vmem>>
    %dma_start3A_650 = tpu.memref_squeeze %dma_start3A_649 : memref<1x128xi32, #tpu.memory_space<vmem>> -> memref<128xi32, #tpu.memory_space<vmem>>
    %dma_start3A_651 = tpu.memref_slice %arg3[%mul3A_645] : memref<49152xi32, #tpu.memory_space<hbm>> -> memref<128xi32, #tpu.memory_space<hbm>>
    %dma_start3A_652 = tpu.memref_slice %arg12[%dma_start3A_647] : memref<4x!tpu.dma_semaphore, #tpu.memory_space<semaphore_mem>> -> memref<1x!tpu.dma_semaphore, #tpu.memory_space<semaphore_mem>>
    %dma_start3A_653 = tpu.memref_squeeze %dma_start3A_652 : memref<1x!tpu.dma_semaphore, #tpu.memory_space<semaphore_mem>> -> memref<!tpu.dma_semaphore, #tpu.memory_space<semaphore_mem>>
    %dma_start3A_654 = arith.constant 0 : i32
    %dma_start3A_655 = tpu.memref_slice %arg7[%dma_start3A_646, %dma_start3A_654] : memref<4x128xi32, #tpu.memory_space<vmem>> -> memref<1x128xi32, #tpu.memory_space<vmem>>
    %dma_start3A_656 = tpu.memref_squeeze %dma_start3A_655 : memref<1x128xi32, #tpu.memory_space<vmem>> -> memref<128xi32, #tpu.memory_space<vmem>>
    %dma_start3A_657 = tpu.memref_slice %arg3[%mul3A_645] : memref<49152xi32, #tpu.memory_space<hbm>> -> memref<128xi32, #tpu.memory_space<hbm>>
    tpu.enqueue_dma source(%dma_start3A_657 : memref<128xi32, #tpu.memory_space<hbm>>) target(%dma_start3A_656 : memref<128xi32, #tpu.memory_space<vmem>>) target_semaphore(%dma_start3A_653 : memref<!tpu.dma_semaphore, #tpu.memory_space<semaphore_mem>>)
    %dma_wait3A_658 = arith.constant 2 : i32
    %dma_wait3A_659 = arith.constant 2 : i32
    %dma_wait3A_660 = arith.constant 0 : i32
    %dma_wait3A_661 = arith.constant 0 : i32
    %dma_wait3A_662 = tpu.memref_slice %arg6[%dma_wait3A_658, %dma_wait3A_660, %dma_wait3A_661] : memref<4x128x128xf32, #tpu.memory_space<vmem>> -> memref<1x128x128xf32, #tpu.memory_space<vmem>>
    %dma_wait3A_663 = tpu.memref_squeeze %dma_wait3A_662 : memref<1x128x128xf32, #tpu.memory_space<vmem>> -> memref<128x128xf32, #tpu.memory_space<vmem>>
    %dma_wait3A_664 = arith.constant 0 : i32
    %dma_wait3A_665 = tpu.memref_slice %arg2[%add3A_439, %dma_wait3A_664] : memref<100000x128xf32, #tpu.memory_space<hbm>> -> memref<128x128xf32, #tpu.memory_space<hbm>>
    %dma_wait3A_666 = tpu.memref_slice %arg11[%dma_wait3A_659] : memref<4x!tpu.dma_semaphore, #tpu.memory_space<semaphore_mem>> -> memref<1x!tpu.dma_semaphore, #tpu.memory_space<semaphore_mem>>
    %dma_wait3A_667 = tpu.memref_squeeze %dma_wait3A_666 : memref<1x!tpu.dma_semaphore, #tpu.memory_space<semaphore_mem>> -> memref<!tpu.dma_semaphore, #tpu.memory_space<semaphore_mem>>
    %dma_wait3A_668 = arith.constant 0 : i32
    %dma_wait3A_669 = arith.constant 0 : i32
    %dma_wait3A_670 = tpu.memref_slice %arg6[%dma_wait3A_658, %dma_wait3A_668, %dma_wait3A_669] : memref<4x128x128xf32, #tpu.memory_space<vmem>> -> memref<1x128x128xf32, #tpu.memory_space<vmem>>
    %dma_wait3A_671 = tpu.memref_squeeze %dma_wait3A_670 : memref<1x128x128xf32, #tpu.memory_space<vmem>> -> memref<128x128xf32, #tpu.memory_space<vmem>>
    %dma_wait3A_672 = arith.constant 0 : i32
    %dma_wait3A_673 = tpu.memref_slice %arg2[%add3A_439, %dma_wait3A_672] : memref<100000x128xf32, #tpu.memory_space<hbm>> -> memref<128x128xf32, #tpu.memory_space<hbm>>
    tpu.wait_dma2 semaphore(%dma_wait3A_667 : memref<!tpu.dma_semaphore, #tpu.memory_space<semaphore_mem>>) src(%dma_wait3A_673 : memref<128x128xf32, #tpu.memory_space<hbm>>) dst(%dma_wait3A_671 : memref<128x128xf32, #tpu.memory_space<vmem>>)
    %dma_wait3A_674 = arith.constant 2 : i32
    %dma_wait3A_675 = arith.constant 2 : i32
    %dma_wait3A_676 = arith.constant 0 : i32
    %dma_wait3A_677 = tpu.memref_slice %arg7[%dma_wait3A_674, %dma_wait3A_676] : memref<4x128xi32, #tpu.memory_space<vmem>> -> memref<1x128xi32, #tpu.memory_space<vmem>>
    %dma_wait3A_678 = tpu.memref_squeeze %dma_wait3A_677 : memref<1x128xi32, #tpu.memory_space<vmem>> -> memref<128xi32, #tpu.memory_space<vmem>>
    %dma_wait3A_679 = tpu.memref_slice %arg3[%mul3A_457] : memref<49152xi32, #tpu.memory_space<hbm>> -> memref<128xi32, #tpu.memory_space<hbm>>
    %dma_wait3A_680 = tpu.memref_slice %arg12[%dma_wait3A_675] : memref<4x!tpu.dma_semaphore, #tpu.memory_space<semaphore_mem>> -> memref<1x!tpu.dma_semaphore, #tpu.memory_space<semaphore_mem>>
    %dma_wait3A_681 = tpu.memref_squeeze %dma_wait3A_680 : memref<1x!tpu.dma_semaphore, #tpu.memory_space<semaphore_mem>> -> memref<!tpu.dma_semaphore, #tpu.memory_space<semaphore_mem>>
    %dma_wait3A_682 = arith.constant 0 : i32
    %dma_wait3A_683 = tpu.memref_slice %arg7[%dma_wait3A_674, %dma_wait3A_682] : memref<4x128xi32, #tpu.memory_space<vmem>> -> memref<1x128xi32, #tpu.memory_space<vmem>>
    %dma_wait3A_684 = tpu.memref_squeeze %dma_wait3A_683 : memref<1x128xi32, #tpu.memory_space<vmem>> -> memref<128xi32, #tpu.memory_space<vmem>>
    %dma_wait3A_685 = tpu.memref_slice %arg3[%mul3A_457] : memref<49152xi32, #tpu.memory_space<hbm>> -> memref<128xi32, #tpu.memory_space<hbm>>
    tpu.wait_dma2 semaphore(%dma_wait3A_681 : memref<!tpu.dma_semaphore, #tpu.memory_space<semaphore_mem>>) src(%dma_wait3A_685 : memref<128xi32, #tpu.memory_space<hbm>>) dst(%dma_wait3A_684 : memref<128xi32, #tpu.memory_space<vmem>>)
    %dma_start3A_686 = arith.constant 2 : i32
    %dma_start3A_687 = arith.constant 2 : i32
    %dma_start3A_688 = arith.constant 2 : i32
    %dma_start3A_689 = arith.constant 0 : i32
    %dma_start3A_690 = arith.constant 0 : i32
    %dma_start3A_691 = tpu.memref_slice %arg6[%dma_start3A_686, %dma_start3A_689, %dma_start3A_690] : memref<4x128x128xf32, #tpu.memory_space<vmem>> -> memref<1x128x128xf32, #tpu.memory_space<vmem>>
    %dma_start3A_692 = tpu.memref_squeeze %dma_start3A_691 : memref<1x128x128xf32, #tpu.memory_space<vmem>> -> memref<128x128xf32, #tpu.memory_space<vmem>>
    %dma_start3A_693 = arith.constant 0 : i32
    %dma_start3A_694 = tpu.memref_slice %arg7[%dma_start3A_687, %dma_start3A_693] : memref<4x128xi32, #tpu.memory_space<vmem>> -> memref<1x128xi32, #tpu.memory_space<vmem>>
    %dma_start3A_695 = tpu.memref_squeeze %dma_start3A_694 : memref<1x128xi32, #tpu.memory_space<vmem>> -> memref<128xi32, #tpu.memory_space<vmem>>
    %dma_start3A_696 = arith.constant 0 : i32
    %dma_start3A_697 = arith.constant 0 : i32
    %dma_start3A_698 = tpu.memref_slice %arg10[%dma_start3A_696, %dma_start3A_697] : memref<128x128xf32, #tpu.memory_space<vmem_shared>> -> memref<128x128xf32, #tpu.memory_space<vmem_shared>>
    %dma_start3A_699 = tpu.memref_slice %arg13[%dma_start3A_688] : memref<4x!tpu.dma_semaphore, #tpu.memory_space<semaphore_mem>> -> memref<1x!tpu.dma_semaphore, #tpu.memory_space<semaphore_mem>>
    %dma_start3A_700 = tpu.memref_squeeze %dma_start3A_699 : memref<1x!tpu.dma_semaphore, #tpu.memory_space<semaphore_mem>> -> memref<!tpu.dma_semaphore, #tpu.memory_space<semaphore_mem>>
    tpu.enqueue_indirect_dma source(%dma_start3A_692 : memref<128x128xf32, #tpu.memory_space<vmem>>) target(%dma_start3A_698 : memref<128x128xf32, #tpu.memory_space<vmem_shared>>) offsets(%dma_start3A_695 : memref<128xi32, #tpu.memory_space<vmem>>) semaphore(%dma_start3A_700 : memref<!tpu.dma_semaphore, #tpu.memory_space<semaphore_mem>>) {add = true}
    %dma_wait3A_701 = arith.constant 1 : i32
    %dma_wait3A_702 = arith.constant 1 : i32
    %dma_wait3A_703 = arith.constant 1 : i32
    %dma_wait3A_704 = arith.constant 0 : i32
    %dma_wait3A_705 = arith.constant 0 : i32
    %dma_wait3A_706 = tpu.memref_slice %arg6[%dma_wait3A_701, %dma_wait3A_704, %dma_wait3A_705] : memref<4x128x128xf32, #tpu.memory_space<vmem>> -> memref<1x128x128xf32, #tpu.memory_space<vmem>>
    %dma_wait3A_707 = tpu.memref_squeeze %dma_wait3A_706 : memref<1x128x128xf32, #tpu.memory_space<vmem>> -> memref<128x128xf32, #tpu.memory_space<vmem>>
    %dma_wait3A_708 = arith.constant 0 : i32
    %dma_wait3A_709 = tpu.memref_slice %arg7[%dma_wait3A_702, %dma_wait3A_708] : memref<4x128xi32, #tpu.memory_space<vmem>> -> memref<1x128xi32, #tpu.memory_space<vmem>>
    %dma_wait3A_710 = tpu.memref_squeeze %dma_wait3A_709 : memref<1x128xi32, #tpu.memory_space<vmem>> -> memref<128xi32, #tpu.memory_space<vmem>>
    %dma_wait3A_711 = arith.constant 0 : i32
    %dma_wait3A_712 = arith.constant 0 : i32
    %dma_wait3A_713 = tpu.memref_slice %arg10[%dma_wait3A_711, %dma_wait3A_712] : memref<128x128xf32, #tpu.memory_space<vmem_shared>> -> memref<128x128xf32, #tpu.memory_space<vmem_shared>>
    %dma_wait3A_714 = tpu.memref_slice %arg13[%dma_wait3A_703] : memref<4x!tpu.dma_semaphore, #tpu.memory_space<semaphore_mem>> -> memref<1x!tpu.dma_semaphore, #tpu.memory_space<semaphore_mem>>
    %dma_wait3A_715 = tpu.memref_squeeze %dma_wait3A_714 : memref<1x!tpu.dma_semaphore, #tpu.memory_space<semaphore_mem>> -> memref<!tpu.dma_semaphore, #tpu.memory_space<semaphore_mem>>
    tpu.wait_indirect_dma semaphore(%dma_wait3A_715 : memref<!tpu.dma_semaphore, #tpu.memory_space<semaphore_mem>>) src(%dma_wait3A_707 : memref<128x128xf32, #tpu.memory_space<vmem>>) dst(%dma_wait3A_713 : memref<128x128xf32, #tpu.memory_space<vmem_shared>>)
    %add3A_716 = arith.constant 288 : i32
    %add3A_717 = arith.addi %add3A, %add3A_716 : i32
    %mul3A_718 = arith.constant 128 : i32
    %mul3A_719 = arith.muli %add3A_717, %mul3A_718 : i32
    %add3A_720 = arith.constant 0 : i32
    %add3A_721 = arith.addi %add3A_720, %mul3A_719 : i32
    %dma_start3A_722 = arith.constant 1 : i32
    %dma_start3A_723 = arith.constant 1 : i32
    %dma_start3A_724 = arith.constant 0 : i32
    %dma_start3A_725 = arith.constant 0 : i32
    %dma_start3A_726 = tpu.memref_slice %arg6[%dma_start3A_722, %dma_start3A_724, %dma_start3A_725] : memref<4x128x128xf32, #tpu.memory_space<vmem>> -> memref<1x128x128xf32, #tpu.memory_space<vmem>>
    %dma_start3A_727 = tpu.memref_squeeze %dma_start3A_726 : memref<1x128x128xf32, #tpu.memory_space<vmem>> -> memref<128x128xf32, #tpu.memory_space<vmem>>
    %dma_start3A_728 = arith.constant 0 : i32
    %dma_start3A_729 = tpu.memref_slice %arg2[%add3A_721, %dma_start3A_728] : memref<100000x128xf32, #tpu.memory_space<hbm>> -> memref<128x128xf32, #tpu.memory_space<hbm>>
    %dma_start3A_730 = tpu.memref_slice %arg11[%dma_start3A_723] : memref<4x!tpu.dma_semaphore, #tpu.memory_space<semaphore_mem>> -> memref<1x!tpu.dma_semaphore, #tpu.memory_space<semaphore_mem>>
    %dma_start3A_731 = tpu.memref_squeeze %dma_start3A_730 : memref<1x!tpu.dma_semaphore, #tpu.memory_space<semaphore_mem>> -> memref<!tpu.dma_semaphore, #tpu.memory_space<semaphore_mem>>
    %dma_start3A_732 = arith.constant 0 : i32
    %dma_start3A_733 = arith.constant 0 : i32
    %dma_start3A_734 = tpu.memref_slice %arg6[%dma_start3A_722, %dma_start3A_732, %dma_start3A_733] : memref<4x128x128xf32, #tpu.memory_space<vmem>> -> memref<1x128x128xf32, #tpu.memory_space<vmem>>
    %dma_start3A_735 = tpu.memref_squeeze %dma_start3A_734 : memref<1x128x128xf32, #tpu.memory_space<vmem>> -> memref<128x128xf32, #tpu.memory_space<vmem>>
    %dma_start3A_736 = arith.constant 0 : i32
    %dma_start3A_737 = tpu.memref_slice %arg2[%add3A_721, %dma_start3A_736] : memref<100000x128xf32, #tpu.memory_space<hbm>> -> memref<128x128xf32, #tpu.memory_space<hbm>>
    tpu.enqueue_dma source(%dma_start3A_737 : memref<128x128xf32, #tpu.memory_space<hbm>>) target(%dma_start3A_735 : memref<128x128xf32, #tpu.memory_space<vmem>>) target_semaphore(%dma_start3A_731 : memref<!tpu.dma_semaphore, #tpu.memory_space<semaphore_mem>>)
    %mul3A_738 = arith.constant 128 : i32
    %mul3A_739 = arith.muli %add3A_717, %mul3A_738 : i32
    %dma_start3A_740 = arith.constant 1 : i32
    %dma_start3A_741 = arith.constant 1 : i32
    %dma_start3A_742 = arith.constant 0 : i32
    %dma_start3A_743 = tpu.memref_slice %arg7[%dma_start3A_740, %dma_start3A_742] : memref<4x128xi32, #tpu.memory_space<vmem>> -> memref<1x128xi32, #tpu.memory_space<vmem>>
    %dma_start3A_744 = tpu.memref_squeeze %dma_start3A_743 : memref<1x128xi32, #tpu.memory_space<vmem>> -> memref<128xi32, #tpu.memory_space<vmem>>
    %dma_start3A_745 = tpu.memref_slice %arg3[%mul3A_739] : memref<49152xi32, #tpu.memory_space<hbm>> -> memref<128xi32, #tpu.memory_space<hbm>>
    %dma_start3A_746 = tpu.memref_slice %arg12[%dma_start3A_741] : memref<4x!tpu.dma_semaphore, #tpu.memory_space<semaphore_mem>> -> memref<1x!tpu.dma_semaphore, #tpu.memory_space<semaphore_mem>>
    %dma_start3A_747 = tpu.memref_squeeze %dma_start3A_746 : memref<1x!tpu.dma_semaphore, #tpu.memory_space<semaphore_mem>> -> memref<!tpu.dma_semaphore, #tpu.memory_space<semaphore_mem>>
    %dma_start3A_748 = arith.constant 0 : i32
    %dma_start3A_749 = tpu.memref_slice %arg7[%dma_start3A_740, %dma_start3A_748] : memref<4x128xi32, #tpu.memory_space<vmem>> -> memref<1x128xi32, #tpu.memory_space<vmem>>
    %dma_start3A_750 = tpu.memref_squeeze %dma_start3A_749 : memref<1x128xi32, #tpu.memory_space<vmem>> -> memref<128xi32, #tpu.memory_space<vmem>>
    %dma_start3A_751 = tpu.memref_slice %arg3[%mul3A_739] : memref<49152xi32, #tpu.memory_space<hbm>> -> memref<128xi32, #tpu.memory_space<hbm>>
    tpu.enqueue_dma source(%dma_start3A_751 : memref<128xi32, #tpu.memory_space<hbm>>) target(%dma_start3A_750 : memref<128xi32, #tpu.memory_space<vmem>>) target_semaphore(%dma_start3A_747 : memref<!tpu.dma_semaphore, #tpu.memory_space<semaphore_mem>>)
    %dma_wait3A_752 = arith.constant 3 : i32
    %dma_wait3A_753 = arith.constant 3 : i32
    %dma_wait3A_754 = arith.constant 0 : i32
    %dma_wait3A_755 = arith.constant 0 : i32
    %dma_wait3A_756 = tpu.memref_slice %arg6[%dma_wait3A_752, %dma_wait3A_754, %dma_wait3A_755] : memref<4x128x128xf32, #tpu.memory_space<vmem>> -> memref<1x128x128xf32, #tpu.memory_space<vmem>>
    %dma_wait3A_757 = tpu.memref_squeeze %dma_wait3A_756 : memref<1x128x128xf32, #tpu.memory_space<vmem>> -> memref<128x128xf32, #tpu.memory_space<vmem>>
    %dma_wait3A_758 = arith.constant 0 : i32
    %dma_wait3A_759 = tpu.memref_slice %arg2[%add3A_533, %dma_wait3A_758] : memref<100000x128xf32, #tpu.memory_space<hbm>> -> memref<128x128xf32, #tpu.memory_space<hbm>>
    %dma_wait3A_760 = tpu.memref_slice %arg11[%dma_wait3A_753] : memref<4x!tpu.dma_semaphore, #tpu.memory_space<semaphore_mem>> -> memref<1x!tpu.dma_semaphore, #tpu.memory_space<semaphore_mem>>
    %dma_wait3A_761 = tpu.memref_squeeze %dma_wait3A_760 : memref<1x!tpu.dma_semaphore, #tpu.memory_space<semaphore_mem>> -> memref<!tpu.dma_semaphore, #tpu.memory_space<semaphore_mem>>
    %dma_wait3A_762 = arith.constant 0 : i32
    %dma_wait3A_763 = arith.constant 0 : i32
    %dma_wait3A_764 = tpu.memref_slice %arg6[%dma_wait3A_752, %dma_wait3A_762, %dma_wait3A_763] : memref<4x128x128xf32, #tpu.memory_space<vmem>> -> memref<1x128x128xf32, #tpu.memory_space<vmem>>
    %dma_wait3A_765 = tpu.memref_squeeze %dma_wait3A_764 : memref<1x128x128xf32, #tpu.memory_space<vmem>> -> memref<128x128xf32, #tpu.memory_space<vmem>>
    %dma_wait3A_766 = arith.constant 0 : i32
    %dma_wait3A_767 = tpu.memref_slice %arg2[%add3A_533, %dma_wait3A_766] : memref<100000x128xf32, #tpu.memory_space<hbm>> -> memref<128x128xf32, #tpu.memory_space<hbm>>
    tpu.wait_dma2 semaphore(%dma_wait3A_761 : memref<!tpu.dma_semaphore, #tpu.memory_space<semaphore_mem>>) src(%dma_wait3A_767 : memref<128x128xf32, #tpu.memory_space<hbm>>) dst(%dma_wait3A_765 : memref<128x128xf32, #tpu.memory_space<vmem>>)
    %dma_wait3A_768 = arith.constant 3 : i32
    %dma_wait3A_769 = arith.constant 3 : i32
    %dma_wait3A_770 = arith.constant 0 : i32
    %dma_wait3A_771 = tpu.memref_slice %arg7[%dma_wait3A_768, %dma_wait3A_770] : memref<4x128xi32, #tpu.memory_space<vmem>> -> memref<1x128xi32, #tpu.memory_space<vmem>>
    %dma_wait3A_772 = tpu.memref_squeeze %dma_wait3A_771 : memref<1x128xi32, #tpu.memory_space<vmem>> -> memref<128xi32, #tpu.memory_space<vmem>>
    %dma_wait3A_773 = tpu.memref_slice %arg3[%mul3A_551] : memref<49152xi32, #tpu.memory_space<hbm>> -> memref<128xi32, #tpu.memory_space<hbm>>
    %dma_wait3A_774 = tpu.memref_slice %arg12[%dma_wait3A_769] : memref<4x!tpu.dma_semaphore, #tpu.memory_space<semaphore_mem>> -> memref<1x!tpu.dma_semaphore, #tpu.memory_space<semaphore_mem>>
    %dma_wait3A_775 = tpu.memref_squeeze %dma_wait3A_774 : memref<1x!tpu.dma_semaphore, #tpu.memory_space<semaphore_mem>> -> memref<!tpu.dma_semaphore, #tpu.memory_space<semaphore_mem>>
    %dma_wait3A_776 = arith.constant 0 : i32
    %dma_wait3A_777 = tpu.memref_slice %arg7[%dma_wait3A_768, %dma_wait3A_776] : memref<4x128xi32, #tpu.memory_space<vmem>> -> memref<1x128xi32, #tpu.memory_space<vmem>>
    %dma_wait3A_778 = tpu.memref_squeeze %dma_wait3A_777 : memref<1x128xi32, #tpu.memory_space<vmem>> -> memref<128xi32, #tpu.memory_space<vmem>>
    %dma_wait3A_779 = tpu.memref_slice %arg3[%mul3A_551] : memref<49152xi32, #tpu.memory_space<hbm>> -> memref<128xi32, #tpu.memory_space<hbm>>
    tpu.wait_dma2 semaphore(%dma_wait3A_775 : memref<!tpu.dma_semaphore, #tpu.memory_space<semaphore_mem>>) src(%dma_wait3A_779 : memref<128xi32, #tpu.memory_space<hbm>>) dst(%dma_wait3A_778 : memref<128xi32, #tpu.memory_space<vmem>>)
    %dma_start3A_780 = arith.constant 3 : i32
    %dma_start3A_781 = arith.constant 3 : i32
    %dma_start3A_782 = arith.constant 3 : i32
    %dma_start3A_783 = arith.constant 0 : i32
    %dma_start3A_784 = arith.constant 0 : i32
    %dma_start3A_785 = tpu.memref_slice %arg6[%dma_start3A_780, %dma_start3A_783, %dma_start3A_784] : memref<4x128x128xf32, #tpu.memory_space<vmem>> -> memref<1x128x128xf32, #tpu.memory_space<vmem>>
    %dma_start3A_786 = tpu.memref_squeeze %dma_start3A_785 : memref<1x128x128xf32, #tpu.memory_space<vmem>> -> memref<128x128xf32, #tpu.memory_space<vmem>>
    %dma_start3A_787 = arith.constant 0 : i32
    %dma_start3A_788 = tpu.memref_slice %arg7[%dma_start3A_781, %dma_start3A_787] : memref<4x128xi32, #tpu.memory_space<vmem>> -> memref<1x128xi32, #tpu.memory_space<vmem>>
    %dma_start3A_789 = tpu.memref_squeeze %dma_start3A_788 : memref<1x128xi32, #tpu.memory_space<vmem>> -> memref<128xi32, #tpu.memory_space<vmem>>
    %dma_start3A_790 = arith.constant 0 : i32
    %dma_start3A_791 = arith.constant 0 : i32
    %dma_start3A_792 = tpu.memref_slice %arg10[%dma_start3A_790, %dma_start3A_791] : memref<128x128xf32, #tpu.memory_space<vmem_shared>> -> memref<128x128xf32, #tpu.memory_space<vmem_shared>>
    %dma_start3A_793 = tpu.memref_slice %arg13[%dma_start3A_782] : memref<4x!tpu.dma_semaphore, #tpu.memory_space<semaphore_mem>> -> memref<1x!tpu.dma_semaphore, #tpu.memory_space<semaphore_mem>>
    %dma_start3A_794 = tpu.memref_squeeze %dma_start3A_793 : memref<1x!tpu.dma_semaphore, #tpu.memory_space<semaphore_mem>> -> memref<!tpu.dma_semaphore, #tpu.memory_space<semaphore_mem>>
    tpu.enqueue_indirect_dma source(%dma_start3A_786 : memref<128x128xf32, #tpu.memory_space<vmem>>) target(%dma_start3A_792 : memref<128x128xf32, #tpu.memory_space<vmem_shared>>) offsets(%dma_start3A_789 : memref<128xi32, #tpu.memory_space<vmem>>) semaphore(%dma_start3A_794 : memref<!tpu.dma_semaphore, #tpu.memory_space<semaphore_mem>>) {add = true}
    %dma_wait3A_795 = arith.constant 2 : i32
    %dma_wait3A_796 = arith.constant 2 : i32
    %dma_wait3A_797 = arith.constant 2 : i32
    %dma_wait3A_798 = arith.constant 0 : i32
    %dma_wait3A_799 = arith.constant 0 : i32
    %dma_wait3A_800 = tpu.memref_slice %arg6[%dma_wait3A_795, %dma_wait3A_798, %dma_wait3A_799] : memref<4x128x128xf32, #tpu.memory_space<vmem>> -> memref<1x128x128xf32, #tpu.memory_space<vmem>>
    %dma_wait3A_801 = tpu.memref_squeeze %dma_wait3A_800 : memref<1x128x128xf32, #tpu.memory_space<vmem>> -> memref<128x128xf32, #tpu.memory_space<vmem>>
    %dma_wait3A_802 = arith.constant 0 : i32
    %dma_wait3A_803 = tpu.memref_slice %arg7[%dma_wait3A_796, %dma_wait3A_802] : memref<4x128xi32, #tpu.memory_space<vmem>> -> memref<1x128xi32, #tpu.memory_space<vmem>>
    %dma_wait3A_804 = tpu.memref_squeeze %dma_wait3A_803 : memref<1x128xi32, #tpu.memory_space<vmem>> -> memref<128xi32, #tpu.memory_space<vmem>>
    %dma_wait3A_805 = arith.constant 0 : i32
    %dma_wait3A_806 = arith.constant 0 : i32
    %dma_wait3A_807 = tpu.memref_slice %arg10[%dma_wait3A_805, %dma_wait3A_806] : memref<128x128xf32, #tpu.memory_space<vmem_shared>> -> memref<128x128xf32, #tpu.memory_space<vmem_shared>>
    %dma_wait3A_808 = tpu.memref_slice %arg13[%dma_wait3A_797] : memref<4x!tpu.dma_semaphore, #tpu.memory_space<semaphore_mem>> -> memref<1x!tpu.dma_semaphore, #tpu.memory_space<semaphore_mem>>
    %dma_wait3A_809 = tpu.memref_squeeze %dma_wait3A_808 : memref<1x!tpu.dma_semaphore, #tpu.memory_space<semaphore_mem>> -> memref<!tpu.dma_semaphore, #tpu.memory_space<semaphore_mem>>
    tpu.wait_indirect_dma semaphore(%dma_wait3A_809 : memref<!tpu.dma_semaphore, #tpu.memory_space<semaphore_mem>>) src(%dma_wait3A_801 : memref<128x128xf32, #tpu.memory_space<vmem>>) dst(%dma_wait3A_807 : memref<128x128xf32, #tpu.memory_space<vmem_shared>>)
    %add3A_810 = arith.constant 320 : i32
    %add3A_811 = arith.addi %add3A, %add3A_810 : i32
    %mul3A_812 = arith.constant 128 : i32
    %mul3A_813 = arith.muli %add3A_811, %mul3A_812 : i32
    %add3A_814 = arith.constant 0 : i32
    %add3A_815 = arith.addi %add3A_814, %mul3A_813 : i32
    %dma_start3A_816 = arith.constant 2 : i32
    %dma_start3A_817 = arith.constant 2 : i32
    %dma_start3A_818 = arith.constant 0 : i32
    %dma_start3A_819 = arith.constant 0 : i32
    %dma_start3A_820 = tpu.memref_slice %arg6[%dma_start3A_816, %dma_start3A_818, %dma_start3A_819] : memref<4x128x128xf32, #tpu.memory_space<vmem>> -> memref<1x128x128xf32, #tpu.memory_space<vmem>>
    %dma_start3A_821 = tpu.memref_squeeze %dma_start3A_820 : memref<1x128x128xf32, #tpu.memory_space<vmem>> -> memref<128x128xf32, #tpu.memory_space<vmem>>
    %dma_start3A_822 = arith.constant 0 : i32
    %dma_start3A_823 = tpu.memref_slice %arg2[%add3A_815, %dma_start3A_822] : memref<100000x128xf32, #tpu.memory_space<hbm>> -> memref<128x128xf32, #tpu.memory_space<hbm>>
    %dma_start3A_824 = tpu.memref_slice %arg11[%dma_start3A_817] : memref<4x!tpu.dma_semaphore, #tpu.memory_space<semaphore_mem>> -> memref<1x!tpu.dma_semaphore, #tpu.memory_space<semaphore_mem>>
    %dma_start3A_825 = tpu.memref_squeeze %dma_start3A_824 : memref<1x!tpu.dma_semaphore, #tpu.memory_space<semaphore_mem>> -> memref<!tpu.dma_semaphore, #tpu.memory_space<semaphore_mem>>
    %dma_start3A_826 = arith.constant 0 : i32
    %dma_start3A_827 = arith.constant 0 : i32
    %dma_start3A_828 = tpu.memref_slice %arg6[%dma_start3A_816, %dma_start3A_826, %dma_start3A_827] : memref<4x128x128xf32, #tpu.memory_space<vmem>> -> memref<1x128x128xf32, #tpu.memory_space<vmem>>
    %dma_start3A_829 = tpu.memref_squeeze %dma_start3A_828 : memref<1x128x128xf32, #tpu.memory_space<vmem>> -> memref<128x128xf32, #tpu.memory_space<vmem>>
    %dma_start3A_830 = arith.constant 0 : i32
    %dma_start3A_831 = tpu.memref_slice %arg2[%add3A_815, %dma_start3A_830] : memref<100000x128xf32, #tpu.memory_space<hbm>> -> memref<128x128xf32, #tpu.memory_space<hbm>>
    tpu.enqueue_dma source(%dma_start3A_831 : memref<128x128xf32, #tpu.memory_space<hbm>>) target(%dma_start3A_829 : memref<128x128xf32, #tpu.memory_space<vmem>>) target_semaphore(%dma_start3A_825 : memref<!tpu.dma_semaphore, #tpu.memory_space<semaphore_mem>>)
    %mul3A_832 = arith.constant 128 : i32
    %mul3A_833 = arith.muli %add3A_811, %mul3A_832 : i32
    %dma_start3A_834 = arith.constant 2 : i32
    %dma_start3A_835 = arith.constant 2 : i32
    %dma_start3A_836 = arith.constant 0 : i32
    %dma_start3A_837 = tpu.memref_slice %arg7[%dma_start3A_834, %dma_start3A_836] : memref<4x128xi32, #tpu.memory_space<vmem>> -> memref<1x128xi32, #tpu.memory_space<vmem>>
    %dma_start3A_838 = tpu.memref_squeeze %dma_start3A_837 : memref<1x128xi32, #tpu.memory_space<vmem>> -> memref<128xi32, #tpu.memory_space<vmem>>
    %dma_start3A_839 = tpu.memref_slice %arg3[%mul3A_833] : memref<49152xi32, #tpu.memory_space<hbm>> -> memref<128xi32, #tpu.memory_space<hbm>>
    %dma_start3A_840 = tpu.memref_slice %arg12[%dma_start3A_835] : memref<4x!tpu.dma_semaphore, #tpu.memory_space<semaphore_mem>> -> memref<1x!tpu.dma_semaphore, #tpu.memory_space<semaphore_mem>>
    %dma_start3A_841 = tpu.memref_squeeze %dma_start3A_840 : memref<1x!tpu.dma_semaphore, #tpu.memory_space<semaphore_mem>> -> memref<!tpu.dma_semaphore, #tpu.memory_space<semaphore_mem>>
    %dma_start3A_842 = arith.constant 0 : i32
    %dma_start3A_843 = tpu.memref_slice %arg7[%dma_start3A_834, %dma_start3A_842] : memref<4x128xi32, #tpu.memory_space<vmem>> -> memref<1x128xi32, #tpu.memory_space<vmem>>
    %dma_start3A_844 = tpu.memref_squeeze %dma_start3A_843 : memref<1x128xi32, #tpu.memory_space<vmem>> -> memref<128xi32, #tpu.memory_space<vmem>>
    %dma_start3A_845 = tpu.memref_slice %arg3[%mul3A_833] : memref<49152xi32, #tpu.memory_space<hbm>> -> memref<128xi32, #tpu.memory_space<hbm>>
    tpu.enqueue_dma source(%dma_start3A_845 : memref<128xi32, #tpu.memory_space<hbm>>) target(%dma_start3A_844 : memref<128xi32, #tpu.memory_space<vmem>>) target_semaphore(%dma_start3A_841 : memref<!tpu.dma_semaphore, #tpu.memory_space<semaphore_mem>>)
    %dma_wait3A_846 = arith.constant 0 : i32
    %dma_wait3A_847 = arith.constant 0 : i32
    %dma_wait3A_848 = arith.constant 0 : i32
    %dma_wait3A_849 = arith.constant 0 : i32
    %dma_wait3A_850 = tpu.memref_slice %arg6[%dma_wait3A_846, %dma_wait3A_848, %dma_wait3A_849] : memref<4x128x128xf32, #tpu.memory_space<vmem>> -> memref<1x128x128xf32, #tpu.memory_space<vmem>>
    %dma_wait3A_851 = tpu.memref_squeeze %dma_wait3A_850 : memref<1x128x128xf32, #tpu.memory_space<vmem>> -> memref<128x128xf32, #tpu.memory_space<vmem>>
    %dma_wait3A_852 = arith.constant 0 : i32
    %dma_wait3A_853 = tpu.memref_slice %arg2[%add3A_627, %dma_wait3A_852] : memref<100000x128xf32, #tpu.memory_space<hbm>> -> memref<128x128xf32, #tpu.memory_space<hbm>>
    %dma_wait3A_854 = tpu.memref_slice %arg11[%dma_wait3A_847] : memref<4x!tpu.dma_semaphore, #tpu.memory_space<semaphore_mem>> -> memref<1x!tpu.dma_semaphore, #tpu.memory_space<semaphore_mem>>
    %dma_wait3A_855 = tpu.memref_squeeze %dma_wait3A_854 : memref<1x!tpu.dma_semaphore, #tpu.memory_space<semaphore_mem>> -> memref<!tpu.dma_semaphore, #tpu.memory_space<semaphore_mem>>
    %dma_wait3A_856 = arith.constant 0 : i32
    %dma_wait3A_857 = arith.constant 0 : i32
    %dma_wait3A_858 = tpu.memref_slice %arg6[%dma_wait3A_846, %dma_wait3A_856, %dma_wait3A_857] : memref<4x128x128xf32, #tpu.memory_space<vmem>> -> memref<1x128x128xf32, #tpu.memory_space<vmem>>
    %dma_wait3A_859 = tpu.memref_squeeze %dma_wait3A_858 : memref<1x128x128xf32, #tpu.memory_space<vmem>> -> memref<128x128xf32, #tpu.memory_space<vmem>>
    %dma_wait3A_860 = arith.constant 0 : i32
    %dma_wait3A_861 = tpu.memref_slice %arg2[%add3A_627, %dma_wait3A_860] : memref<100000x128xf32, #tpu.memory_space<hbm>> -> memref<128x128xf32, #tpu.memory_space<hbm>>
    tpu.wait_dma2 semaphore(%dma_wait3A_855 : memref<!tpu.dma_semaphore, #tpu.memory_space<semaphore_mem>>) src(%dma_wait3A_861 : memref<128x128xf32, #tpu.memory_space<hbm>>) dst(%dma_wait3A_859 : memref<128x128xf32, #tpu.memory_space<vmem>>)
    %dma_wait3A_862 = arith.constant 0 : i32
    %dma_wait3A_863 = arith.constant 0 : i32
    %dma_wait3A_864 = arith.constant 0 : i32
    %dma_wait3A_865 = tpu.memref_slice %arg7[%dma_wait3A_862, %dma_wait3A_864] : memref<4x128xi32, #tpu.memory_space<vmem>> -> memref<1x128xi32, #tpu.memory_space<vmem>>
    %dma_wait3A_866 = tpu.memref_squeeze %dma_wait3A_865 : memref<1x128xi32, #tpu.memory_space<vmem>> -> memref<128xi32, #tpu.memory_space<vmem>>
    %dma_wait3A_867 = tpu.memref_slice %arg3[%mul3A_645] : memref<49152xi32, #tpu.memory_space<hbm>> -> memref<128xi32, #tpu.memory_space<hbm>>
    %dma_wait3A_868 = tpu.memref_slice %arg12[%dma_wait3A_863] : memref<4x!tpu.dma_semaphore, #tpu.memory_space<semaphore_mem>> -> memref<1x!tpu.dma_semaphore, #tpu.memory_space<semaphore_mem>>
    %dma_wait3A_869 = tpu.memref_squeeze %dma_wait3A_868 : memref<1x!tpu.dma_semaphore, #tpu.memory_space<semaphore_mem>> -> memref<!tpu.dma_semaphore, #tpu.memory_space<semaphore_mem>>
    %dma_wait3A_870 = arith.constant 0 : i32
    %dma_wait3A_871 = tpu.memref_slice %arg7[%dma_wait3A_862, %dma_wait3A_870] : memref<4x128xi32, #tpu.memory_space<vmem>> -> memref<1x128xi32, #tpu.memory_space<vmem>>
    %dma_wait3A_872 = tpu.memref_squeeze %dma_wait3A_871 : memref<1x128xi32, #tpu.memory_space<vmem>> -> memref<128xi32, #tpu.memory_space<vmem>>
    %dma_wait3A_873 = tpu.memref_slice %arg3[%mul3A_645] : memref<49152xi32, #tpu.memory_space<hbm>> -> memref<128xi32, #tpu.memory_space<hbm>>
    tpu.wait_dma2 semaphore(%dma_wait3A_869 : memref<!tpu.dma_semaphore, #tpu.memory_space<semaphore_mem>>) src(%dma_wait3A_873 : memref<128xi32, #tpu.memory_space<hbm>>) dst(%dma_wait3A_872 : memref<128xi32, #tpu.memory_space<vmem>>)
    %dma_start3A_874 = arith.constant 0 : i32
    %dma_start3A_875 = arith.constant 0 : i32
    %dma_start3A_876 = arith.constant 0 : i32
    %dma_start3A_877 = arith.constant 0 : i32
    %dma_start3A_878 = arith.constant 0 : i32
    %dma_start3A_879 = tpu.memref_slice %arg6[%dma_start3A_874, %dma_start3A_877, %dma_start3A_878] : memref<4x128x128xf32, #tpu.memory_space<vmem>> -> memref<1x128x128xf32, #tpu.memory_space<vmem>>
    %dma_start3A_880 = tpu.memref_squeeze %dma_start3A_879 : memref<1x128x128xf32, #tpu.memory_space<vmem>> -> memref<128x128xf32, #tpu.memory_space<vmem>>
    %dma_start3A_881 = arith.constant 0 : i32
    %dma_start3A_882 = tpu.memref_slice %arg7[%dma_start3A_875, %dma_start3A_881] : memref<4x128xi32, #tpu.memory_space<vmem>> -> memref<1x128xi32, #tpu.memory_space<vmem>>
    %dma_start3A_883 = tpu.memref_squeeze %dma_start3A_882 : memref<1x128xi32, #tpu.memory_space<vmem>> -> memref<128xi32, #tpu.memory_space<vmem>>
    %dma_start3A_884 = arith.constant 0 : i32
    %dma_start3A_885 = arith.constant 0 : i32
    %dma_start3A_886 = tpu.memref_slice %arg10[%dma_start3A_884, %dma_start3A_885] : memref<128x128xf32, #tpu.memory_space<vmem_shared>> -> memref<128x128xf32, #tpu.memory_space<vmem_shared>>
    %dma_start3A_887 = tpu.memref_slice %arg13[%dma_start3A_876] : memref<4x!tpu.dma_semaphore, #tpu.memory_space<semaphore_mem>> -> memref<1x!tpu.dma_semaphore, #tpu.memory_space<semaphore_mem>>
    %dma_start3A_888 = tpu.memref_squeeze %dma_start3A_887 : memref<1x!tpu.dma_semaphore, #tpu.memory_space<semaphore_mem>> -> memref<!tpu.dma_semaphore, #tpu.memory_space<semaphore_mem>>
    tpu.enqueue_indirect_dma source(%dma_start3A_880 : memref<128x128xf32, #tpu.memory_space<vmem>>) target(%dma_start3A_886 : memref<128x128xf32, #tpu.memory_space<vmem_shared>>) offsets(%dma_start3A_883 : memref<128xi32, #tpu.memory_space<vmem>>) semaphore(%dma_start3A_888 : memref<!tpu.dma_semaphore, #tpu.memory_space<semaphore_mem>>) {add = true}
    %dma_wait3A_889 = arith.constant 3 : i32
    %dma_wait3A_890 = arith.constant 3 : i32
    %dma_wait3A_891 = arith.constant 3 : i32
    %dma_wait3A_892 = arith.constant 0 : i32
    %dma_wait3A_893 = arith.constant 0 : i32
    %dma_wait3A_894 = tpu.memref_slice %arg6[%dma_wait3A_889, %dma_wait3A_892, %dma_wait3A_893] : memref<4x128x128xf32, #tpu.memory_space<vmem>> -> memref<1x128x128xf32, #tpu.memory_space<vmem>>
    %dma_wait3A_895 = tpu.memref_squeeze %dma_wait3A_894 : memref<1x128x128xf32, #tpu.memory_space<vmem>> -> memref<128x128xf32, #tpu.memory_space<vmem>>
    %dma_wait3A_896 = arith.constant 0 : i32
    %dma_wait3A_897 = tpu.memref_slice %arg7[%dma_wait3A_890, %dma_wait3A_896] : memref<4x128xi32, #tpu.memory_space<vmem>> -> memref<1x128xi32, #tpu.memory_space<vmem>>
    %dma_wait3A_898 = tpu.memref_squeeze %dma_wait3A_897 : memref<1x128xi32, #tpu.memory_space<vmem>> -> memref<128xi32, #tpu.memory_space<vmem>>
    %dma_wait3A_899 = arith.constant 0 : i32
    %dma_wait3A_900 = arith.constant 0 : i32
    %dma_wait3A_901 = tpu.memref_slice %arg10[%dma_wait3A_899, %dma_wait3A_900] : memref<128x128xf32, #tpu.memory_space<vmem_shared>> -> memref<128x128xf32, #tpu.memory_space<vmem_shared>>
    %dma_wait3A_902 = tpu.memref_slice %arg13[%dma_wait3A_891] : memref<4x!tpu.dma_semaphore, #tpu.memory_space<semaphore_mem>> -> memref<1x!tpu.dma_semaphore, #tpu.memory_space<semaphore_mem>>
    %dma_wait3A_903 = tpu.memref_squeeze %dma_wait3A_902 : memref<1x!tpu.dma_semaphore, #tpu.memory_space<semaphore_mem>> -> memref<!tpu.dma_semaphore, #tpu.memory_space<semaphore_mem>>
    tpu.wait_indirect_dma semaphore(%dma_wait3A_903 : memref<!tpu.dma_semaphore, #tpu.memory_space<semaphore_mem>>) src(%dma_wait3A_895 : memref<128x128xf32, #tpu.memory_space<vmem>>) dst(%dma_wait3A_901 : memref<128x128xf32, #tpu.memory_space<vmem_shared>>)
    %add3A_904 = arith.constant 352 : i32
    %add3A_905 = arith.addi %add3A, %add3A_904 : i32
    %mul3A_906 = arith.constant 128 : i32
    %mul3A_907 = arith.muli %add3A_905, %mul3A_906 : i32
    %add3A_908 = arith.constant 0 : i32
    %add3A_909 = arith.addi %add3A_908, %mul3A_907 : i32
    %dma_start3A_910 = arith.constant 3 : i32
    %dma_start3A_911 = arith.constant 3 : i32
    %dma_start3A_912 = arith.constant 0 : i32
    %dma_start3A_913 = arith.constant 0 : i32
    %dma_start3A_914 = tpu.memref_slice %arg6[%dma_start3A_910, %dma_start3A_912, %dma_start3A_913] : memref<4x128x128xf32, #tpu.memory_space<vmem>> -> memref<1x128x128xf32, #tpu.memory_space<vmem>>
    %dma_start3A_915 = tpu.memref_squeeze %dma_start3A_914 : memref<1x128x128xf32, #tpu.memory_space<vmem>> -> memref<128x128xf32, #tpu.memory_space<vmem>>
    %dma_start3A_916 = arith.constant 0 : i32
    %dma_start3A_917 = tpu.memref_slice %arg2[%add3A_909, %dma_start3A_916] : memref<100000x128xf32, #tpu.memory_space<hbm>> -> memref<128x128xf32, #tpu.memory_space<hbm>>
    %dma_start3A_918 = tpu.memref_slice %arg11[%dma_start3A_911] : memref<4x!tpu.dma_semaphore, #tpu.memory_space<semaphore_mem>> -> memref<1x!tpu.dma_semaphore, #tpu.memory_space<semaphore_mem>>
    %dma_start3A_919 = tpu.memref_squeeze %dma_start3A_918 : memref<1x!tpu.dma_semaphore, #tpu.memory_space<semaphore_mem>> -> memref<!tpu.dma_semaphore, #tpu.memory_space<semaphore_mem>>
    %dma_start3A_920 = arith.constant 0 : i32
    %dma_start3A_921 = arith.constant 0 : i32
    %dma_start3A_922 = tpu.memref_slice %arg6[%dma_start3A_910, %dma_start3A_920, %dma_start3A_921] : memref<4x128x128xf32, #tpu.memory_space<vmem>> -> memref<1x128x128xf32, #tpu.memory_space<vmem>>
    %dma_start3A_923 = tpu.memref_squeeze %dma_start3A_922 : memref<1x128x128xf32, #tpu.memory_space<vmem>> -> memref<128x128xf32, #tpu.memory_space<vmem>>
    %dma_start3A_924 = arith.constant 0 : i32
    %dma_start3A_925 = tpu.memref_slice %arg2[%add3A_909, %dma_start3A_924] : memref<100000x128xf32, #tpu.memory_space<hbm>> -> memref<128x128xf32, #tpu.memory_space<hbm>>
    tpu.enqueue_dma source(%dma_start3A_925 : memref<128x128xf32, #tpu.memory_space<hbm>>) target(%dma_start3A_923 : memref<128x128xf32, #tpu.memory_space<vmem>>) target_semaphore(%dma_start3A_919 : memref<!tpu.dma_semaphore, #tpu.memory_space<semaphore_mem>>)
    %mul3A_926 = arith.constant 128 : i32
    %mul3A_927 = arith.muli %add3A_905, %mul3A_926 : i32
    %dma_start3A_928 = arith.constant 3 : i32
    %dma_start3A_929 = arith.constant 3 : i32
    %dma_start3A_930 = arith.constant 0 : i32
    %dma_start3A_931 = tpu.memref_slice %arg7[%dma_start3A_928, %dma_start3A_930] : memref<4x128xi32, #tpu.memory_space<vmem>> -> memref<1x128xi32, #tpu.memory_space<vmem>>
    %dma_start3A_932 = tpu.memref_squeeze %dma_start3A_931 : memref<1x128xi32, #tpu.memory_space<vmem>> -> memref<128xi32, #tpu.memory_space<vmem>>
    %dma_start3A_933 = tpu.memref_slice %arg3[%mul3A_927] : memref<49152xi32, #tpu.memory_space<hbm>> -> memref<128xi32, #tpu.memory_space<hbm>>
    %dma_start3A_934 = tpu.memref_slice %arg12[%dma_start3A_929] : memref<4x!tpu.dma_semaphore, #tpu.memory_space<semaphore_mem>> -> memref<1x!tpu.dma_semaphore, #tpu.memory_space<semaphore_mem>>
    %dma_start3A_935 = tpu.memref_squeeze %dma_start3A_934 : memref<1x!tpu.dma_semaphore, #tpu.memory_space<semaphore_mem>> -> memref<!tpu.dma_semaphore, #tpu.memory_space<semaphore_mem>>
    %dma_start3A_936 = arith.constant 0 : i32
    %dma_start3A_937 = tpu.memref_slice %arg7[%dma_start3A_928, %dma_start3A_936] : memref<4x128xi32, #tpu.memory_space<vmem>> -> memref<1x128xi32, #tpu.memory_space<vmem>>
    %dma_start3A_938 = tpu.memref_squeeze %dma_start3A_937 : memref<1x128xi32, #tpu.memory_space<vmem>> -> memref<128xi32, #tpu.memory_space<vmem>>
    %dma_start3A_939 = tpu.memref_slice %arg3[%mul3A_927] : memref<49152xi32, #tpu.memory_space<hbm>> -> memref<128xi32, #tpu.memory_space<hbm>>
    tpu.enqueue_dma source(%dma_start3A_939 : memref<128xi32, #tpu.memory_space<hbm>>) target(%dma_start3A_938 : memref<128xi32, #tpu.memory_space<vmem>>) target_semaphore(%dma_start3A_935 : memref<!tpu.dma_semaphore, #tpu.memory_space<semaphore_mem>>)
    %dma_wait3A_940 = arith.constant 1 : i32
    %dma_wait3A_941 = arith.constant 1 : i32
    %dma_wait3A_942 = arith.constant 0 : i32
    %dma_wait3A_943 = arith.constant 0 : i32
    %dma_wait3A_944 = tpu.memref_slice %arg6[%dma_wait3A_940, %dma_wait3A_942, %dma_wait3A_943] : memref<4x128x128xf32, #tpu.memory_space<vmem>> -> memref<1x128x128xf32, #tpu.memory_space<vmem>>
    %dma_wait3A_945 = tpu.memref_squeeze %dma_wait3A_944 : memref<1x128x128xf32, #tpu.memory_space<vmem>> -> memref<128x128xf32, #tpu.memory_space<vmem>>
    %dma_wait3A_946 = arith.constant 0 : i32
    %dma_wait3A_947 = tpu.memref_slice %arg2[%add3A_721, %dma_wait3A_946] : memref<100000x128xf32, #tpu.memory_space<hbm>> -> memref<128x128xf32, #tpu.memory_space<hbm>>
    %dma_wait3A_948 = tpu.memref_slice %arg11[%dma_wait3A_941] : memref<4x!tpu.dma_semaphore, #tpu.memory_space<semaphore_mem>> -> memref<1x!tpu.dma_semaphore, #tpu.memory_space<semaphore_mem>>
    %dma_wait3A_949 = tpu.memref_squeeze %dma_wait3A_948 : memref<1x!tpu.dma_semaphore, #tpu.memory_space<semaphore_mem>> -> memref<!tpu.dma_semaphore, #tpu.memory_space<semaphore_mem>>
    %dma_wait3A_950 = arith.constant 0 : i32
    %dma_wait3A_951 = arith.constant 0 : i32
    %dma_wait3A_952 = tpu.memref_slice %arg6[%dma_wait3A_940, %dma_wait3A_950, %dma_wait3A_951] : memref<4x128x128xf32, #tpu.memory_space<vmem>> -> memref<1x128x128xf32, #tpu.memory_space<vmem>>
    %dma_wait3A_953 = tpu.memref_squeeze %dma_wait3A_952 : memref<1x128x128xf32, #tpu.memory_space<vmem>> -> memref<128x128xf32, #tpu.memory_space<vmem>>
    %dma_wait3A_954 = arith.constant 0 : i32
    %dma_wait3A_955 = tpu.memref_slice %arg2[%add3A_721, %dma_wait3A_954] : memref<100000x128xf32, #tpu.memory_space<hbm>> -> memref<128x128xf32, #tpu.memory_space<hbm>>
    tpu.wait_dma2 semaphore(%dma_wait3A_949 : memref<!tpu.dma_semaphore, #tpu.memory_space<semaphore_mem>>) src(%dma_wait3A_955 : memref<128x128xf32, #tpu.memory_space<hbm>>) dst(%dma_wait3A_953 : memref<128x128xf32, #tpu.memory_space<vmem>>)
    %dma_wait3A_956 = arith.constant 1 : i32
    %dma_wait3A_957 = arith.constant 1 : i32
    %dma_wait3A_958 = arith.constant 0 : i32
    %dma_wait3A_959 = tpu.memref_slice %arg7[%dma_wait3A_956, %dma_wait3A_958] : memref<4x128xi32, #tpu.memory_space<vmem>> -> memref<1x128xi32, #tpu.memory_space<vmem>>
    %dma_wait3A_960 = tpu.memref_squeeze %dma_wait3A_959 : memref<1x128xi32, #tpu.memory_space<vmem>> -> memref<128xi32, #tpu.memory_space<vmem>>
    %dma_wait3A_961 = tpu.memref_slice %arg3[%mul3A_739] : memref<49152xi32, #tpu.memory_space<hbm>> -> memref<128xi32, #tpu.memory_space<hbm>>
    %dma_wait3A_962 = tpu.memref_slice %arg12[%dma_wait3A_957] : memref<4x!tpu.dma_semaphore, #tpu.memory_space<semaphore_mem>> -> memref<1x!tpu.dma_semaphore, #tpu.memory_space<semaphore_mem>>
    %dma_wait3A_963 = tpu.memref_squeeze %dma_wait3A_962 : memref<1x!tpu.dma_semaphore, #tpu.memory_space<semaphore_mem>> -> memref<!tpu.dma_semaphore, #tpu.memory_space<semaphore_mem>>
    %dma_wait3A_964 = arith.constant 0 : i32
    %dma_wait3A_965 = tpu.memref_slice %arg7[%dma_wait3A_956, %dma_wait3A_964] : memref<4x128xi32, #tpu.memory_space<vmem>> -> memref<1x128xi32, #tpu.memory_space<vmem>>
    %dma_wait3A_966 = tpu.memref_squeeze %dma_wait3A_965 : memref<1x128xi32, #tpu.memory_space<vmem>> -> memref<128xi32, #tpu.memory_space<vmem>>
    %dma_wait3A_967 = tpu.memref_slice %arg3[%mul3A_739] : memref<49152xi32, #tpu.memory_space<hbm>> -> memref<128xi32, #tpu.memory_space<hbm>>
    tpu.wait_dma2 semaphore(%dma_wait3A_963 : memref<!tpu.dma_semaphore, #tpu.memory_space<semaphore_mem>>) src(%dma_wait3A_967 : memref<128xi32, #tpu.memory_space<hbm>>) dst(%dma_wait3A_966 : memref<128xi32, #tpu.memory_space<vmem>>)
    %dma_start3A_968 = arith.constant 1 : i32
    %dma_start3A_969 = arith.constant 1 : i32
    %dma_start3A_970 = arith.constant 1 : i32
    %dma_start3A_971 = arith.constant 0 : i32
    %dma_start3A_972 = arith.constant 0 : i32
    %dma_start3A_973 = tpu.memref_slice %arg6[%dma_start3A_968, %dma_start3A_971, %dma_start3A_972] : memref<4x128x128xf32, #tpu.memory_space<vmem>> -> memref<1x128x128xf32, #tpu.memory_space<vmem>>
    %dma_start3A_974 = tpu.memref_squeeze %dma_start3A_973 : memref<1x128x128xf32, #tpu.memory_space<vmem>> -> memref<128x128xf32, #tpu.memory_space<vmem>>
    %dma_start3A_975 = arith.constant 0 : i32
    %dma_start3A_976 = tpu.memref_slice %arg7[%dma_start3A_969, %dma_start3A_975] : memref<4x128xi32, #tpu.memory_space<vmem>> -> memref<1x128xi32, #tpu.memory_space<vmem>>
    %dma_start3A_977 = tpu.memref_squeeze %dma_start3A_976 : memref<1x128xi32, #tpu.memory_space<vmem>> -> memref<128xi32, #tpu.memory_space<vmem>>
    %dma_start3A_978 = arith.constant 0 : i32
    %dma_start3A_979 = arith.constant 0 : i32
    %dma_start3A_980 = tpu.memref_slice %arg10[%dma_start3A_978, %dma_start3A_979] : memref<128x128xf32, #tpu.memory_space<vmem_shared>> -> memref<128x128xf32, #tpu.memory_space<vmem_shared>>
    %dma_start3A_981 = tpu.memref_slice %arg13[%dma_start3A_970] : memref<4x!tpu.dma_semaphore, #tpu.memory_space<semaphore_mem>> -> memref<1x!tpu.dma_semaphore, #tpu.memory_space<semaphore_mem>>
    %dma_start3A_982 = tpu.memref_squeeze %dma_start3A_981 : memref<1x!tpu.dma_semaphore, #tpu.memory_space<semaphore_mem>> -> memref<!tpu.dma_semaphore, #tpu.memory_space<semaphore_mem>>
    tpu.enqueue_indirect_dma source(%dma_start3A_974 : memref<128x128xf32, #tpu.memory_space<vmem>>) target(%dma_start3A_980 : memref<128x128xf32, #tpu.memory_space<vmem_shared>>) offsets(%dma_start3A_977 : memref<128xi32, #tpu.memory_space<vmem>>) semaphore(%dma_start3A_982 : memref<!tpu.dma_semaphore, #tpu.memory_space<semaphore_mem>>) {add = true}
    %dma_wait3A_983 = arith.constant 2 : i32
    %dma_wait3A_984 = arith.constant 2 : i32
    %dma_wait3A_985 = arith.constant 0 : i32
    %dma_wait3A_986 = arith.constant 0 : i32
    %dma_wait3A_987 = tpu.memref_slice %arg6[%dma_wait3A_983, %dma_wait3A_985, %dma_wait3A_986] : memref<4x128x128xf32, #tpu.memory_space<vmem>> -> memref<1x128x128xf32, #tpu.memory_space<vmem>>
    %dma_wait3A_988 = tpu.memref_squeeze %dma_wait3A_987 : memref<1x128x128xf32, #tpu.memory_space<vmem>> -> memref<128x128xf32, #tpu.memory_space<vmem>>
    %dma_wait3A_989 = arith.constant 0 : i32
    %dma_wait3A_990 = tpu.memref_slice %arg2[%add3A_815, %dma_wait3A_989] : memref<100000x128xf32, #tpu.memory_space<hbm>> -> memref<128x128xf32, #tpu.memory_space<hbm>>
    %dma_wait3A_991 = tpu.memref_slice %arg11[%dma_wait3A_984] : memref<4x!tpu.dma_semaphore, #tpu.memory_space<semaphore_mem>> -> memref<1x!tpu.dma_semaphore, #tpu.memory_space<semaphore_mem>>
    %dma_wait3A_992 = tpu.memref_squeeze %dma_wait3A_991 : memref<1x!tpu.dma_semaphore, #tpu.memory_space<semaphore_mem>> -> memref<!tpu.dma_semaphore, #tpu.memory_space<semaphore_mem>>
    %dma_wait3A_993 = arith.constant 0 : i32
    %dma_wait3A_994 = arith.constant 0 : i32
    %dma_wait3A_995 = tpu.memref_slice %arg6[%dma_wait3A_983, %dma_wait3A_993, %dma_wait3A_994] : memref<4x128x128xf32, #tpu.memory_space<vmem>> -> memref<1x128x128xf32, #tpu.memory_space<vmem>>
    %dma_wait3A_996 = tpu.memref_squeeze %dma_wait3A_995 : memref<1x128x128xf32, #tpu.memory_space<vmem>> -> memref<128x128xf32, #tpu.memory_space<vmem>>
    %dma_wait3A_997 = arith.constant 0 : i32
    %dma_wait3A_998 = tpu.memref_slice %arg2[%add3A_815, %dma_wait3A_997] : memref<100000x128xf32, #tpu.memory_space<hbm>> -> memref<128x128xf32, #tpu.memory_space<hbm>>
    tpu.wait_dma2 semaphore(%dma_wait3A_992 : memref<!tpu.dma_semaphore, #tpu.memory_space<semaphore_mem>>) src(%dma_wait3A_998 : memref<128x128xf32, #tpu.memory_space<hbm>>) dst(%dma_wait3A_996 : memref<128x128xf32, #tpu.memory_space<vmem>>)
    %dma_wait3A_999 = arith.constant 2 : i32
    %dma_wait3A_1000 = arith.constant 2 : i32
    %dma_wait3A_1001 = arith.constant 0 : i32
    %dma_wait3A_1002 = tpu.memref_slice %arg7[%dma_wait3A_999, %dma_wait3A_1001] : memref<4x128xi32, #tpu.memory_space<vmem>> -> memref<1x128xi32, #tpu.memory_space<vmem>>
    %dma_wait3A_1003 = tpu.memref_squeeze %dma_wait3A_1002 : memref<1x128xi32, #tpu.memory_space<vmem>> -> memref<128xi32, #tpu.memory_space<vmem>>
    %dma_wait3A_1004 = tpu.memref_slice %arg3[%mul3A_833] : memref<49152xi32, #tpu.memory_space<hbm>> -> memref<128xi32, #tpu.memory_space<hbm>>
    %dma_wait3A_1005 = tpu.memref_slice %arg12[%dma_wait3A_1000] : memref<4x!tpu.dma_semaphore, #tpu.memory_space<semaphore_mem>> -> memref<1x!tpu.dma_semaphore, #tpu.memory_space<semaphore_mem>>
    %dma_wait3A_1006 = tpu.memref_squeeze %dma_wait3A_1005 : memref<1x!tpu.dma_semaphore, #tpu.memory_space<semaphore_mem>> -> memref<!tpu.dma_semaphore, #tpu.memory_space<semaphore_mem>>
    %dma_wait3A_1007 = arith.constant 0 : i32
    %dma_wait3A_1008 = tpu.memref_slice %arg7[%dma_wait3A_999, %dma_wait3A_1007] : memref<4x128xi32, #tpu.memory_space<vmem>> -> memref<1x128xi32, #tpu.memory_space<vmem>>
    %dma_wait3A_1009 = tpu.memref_squeeze %dma_wait3A_1008 : memref<1x128xi32, #tpu.memory_space<vmem>> -> memref<128xi32, #tpu.memory_space<vmem>>
    %dma_wait3A_1010 = tpu.memref_slice %arg3[%mul3A_833] : memref<49152xi32, #tpu.memory_space<hbm>> -> memref<128xi32, #tpu.memory_space<hbm>>
    tpu.wait_dma2 semaphore(%dma_wait3A_1006 : memref<!tpu.dma_semaphore, #tpu.memory_space<semaphore_mem>>) src(%dma_wait3A_1010 : memref<128xi32, #tpu.memory_space<hbm>>) dst(%dma_wait3A_1009 : memref<128xi32, #tpu.memory_space<vmem>>)
    %dma_start3A_1011 = arith.constant 2 : i32
    %dma_start3A_1012 = arith.constant 2 : i32
    %dma_start3A_1013 = arith.constant 2 : i32
    %dma_start3A_1014 = arith.constant 0 : i32
    %dma_start3A_1015 = arith.constant 0 : i32
    %dma_start3A_1016 = tpu.memref_slice %arg6[%dma_start3A_1011, %dma_start3A_1014, %dma_start3A_1015] : memref<4x128x128xf32, #tpu.memory_space<vmem>> -> memref<1x128x128xf32, #tpu.memory_space<vmem>>
    %dma_start3A_1017 = tpu.memref_squeeze %dma_start3A_1016 : memref<1x128x128xf32, #tpu.memory_space<vmem>> -> memref<128x128xf32, #tpu.memory_space<vmem>>
    %dma_start3A_1018 = arith.constant 0 : i32
    %dma_start3A_1019 = tpu.memref_slice %arg7[%dma_start3A_1012, %dma_start3A_1018] : memref<4x128xi32, #tpu.memory_space<vmem>> -> memref<1x128xi32, #tpu.memory_space<vmem>>
    %dma_start3A_1020 = tpu.memref_squeeze %dma_start3A_1019 : memref<1x128xi32, #tpu.memory_space<vmem>> -> memref<128xi32, #tpu.memory_space<vmem>>
    %dma_start3A_1021 = arith.constant 0 : i32
    %dma_start3A_1022 = arith.constant 0 : i32
    %dma_start3A_1023 = tpu.memref_slice %arg10[%dma_start3A_1021, %dma_start3A_1022] : memref<128x128xf32, #tpu.memory_space<vmem_shared>> -> memref<128x128xf32, #tpu.memory_space<vmem_shared>>
    %dma_start3A_1024 = tpu.memref_slice %arg13[%dma_start3A_1013] : memref<4x!tpu.dma_semaphore, #tpu.memory_space<semaphore_mem>> -> memref<1x!tpu.dma_semaphore, #tpu.memory_space<semaphore_mem>>
    %dma_start3A_1025 = tpu.memref_squeeze %dma_start3A_1024 : memref<1x!tpu.dma_semaphore, #tpu.memory_space<semaphore_mem>> -> memref<!tpu.dma_semaphore, #tpu.memory_space<semaphore_mem>>
    tpu.enqueue_indirect_dma source(%dma_start3A_1017 : memref<128x128xf32, #tpu.memory_space<vmem>>) target(%dma_start3A_1023 : memref<128x128xf32, #tpu.memory_space<vmem_shared>>) offsets(%dma_start3A_1020 : memref<128xi32, #tpu.memory_space<vmem>>) semaphore(%dma_start3A_1025 : memref<!tpu.dma_semaphore, #tpu.memory_space<semaphore_mem>>) {add = true}
    %dma_wait3A_1026 = arith.constant 3 : i32
    %dma_wait3A_1027 = arith.constant 3 : i32
    %dma_wait3A_1028 = arith.constant 0 : i32
    %dma_wait3A_1029 = arith.constant 0 : i32
    %dma_wait3A_1030 = tpu.memref_slice %arg6[%dma_wait3A_1026, %dma_wait3A_1028, %dma_wait3A_1029] : memref<4x128x128xf32, #tpu.memory_space<vmem>> -> memref<1x128x128xf32, #tpu.memory_space<vmem>>
    %dma_wait3A_1031 = tpu.memref_squeeze %dma_wait3A_1030 : memref<1x128x128xf32, #tpu.memory_space<vmem>> -> memref<128x128xf32, #tpu.memory_space<vmem>>
    %dma_wait3A_1032 = arith.constant 0 : i32
    %dma_wait3A_1033 = tpu.memref_slice %arg2[%add3A_909, %dma_wait3A_1032] : memref<100000x128xf32, #tpu.memory_space<hbm>> -> memref<128x128xf32, #tpu.memory_space<hbm>>
    %dma_wait3A_1034 = tpu.memref_slice %arg11[%dma_wait3A_1027] : memref<4x!tpu.dma_semaphore, #tpu.memory_space<semaphore_mem>> -> memref<1x!tpu.dma_semaphore, #tpu.memory_space<semaphore_mem>>
    %dma_wait3A_1035 = tpu.memref_squeeze %dma_wait3A_1034 : memref<1x!tpu.dma_semaphore, #tpu.memory_space<semaphore_mem>> -> memref<!tpu.dma_semaphore, #tpu.memory_space<semaphore_mem>>
    %dma_wait3A_1036 = arith.constant 0 : i32
    %dma_wait3A_1037 = arith.constant 0 : i32
    %dma_wait3A_1038 = tpu.memref_slice %arg6[%dma_wait3A_1026, %dma_wait3A_1036, %dma_wait3A_1037] : memref<4x128x128xf32, #tpu.memory_space<vmem>> -> memref<1x128x128xf32, #tpu.memory_space<vmem>>
    %dma_wait3A_1039 = tpu.memref_squeeze %dma_wait3A_1038 : memref<1x128x128xf32, #tpu.memory_space<vmem>> -> memref<128x128xf32, #tpu.memory_space<vmem>>
    %dma_wait3A_1040 = arith.constant 0 : i32
    %dma_wait3A_1041 = tpu.memref_slice %arg2[%add3A_909, %dma_wait3A_1040] : memref<100000x128xf32, #tpu.memory_space<hbm>> -> memref<128x128xf32, #tpu.memory_space<hbm>>
    tpu.wait_dma2 semaphore(%dma_wait3A_1035 : memref<!tpu.dma_semaphore, #tpu.memory_space<semaphore_mem>>) src(%dma_wait3A_1041 : memref<128x128xf32, #tpu.memory_space<hbm>>) dst(%dma_wait3A_1039 : memref<128x128xf32, #tpu.memory_space<vmem>>)
    %dma_wait3A_1042 = arith.constant 3 : i32
    %dma_wait3A_1043 = arith.constant 3 : i32
    %dma_wait3A_1044 = arith.constant 0 : i32
    %dma_wait3A_1045 = tpu.memref_slice %arg7[%dma_wait3A_1042, %dma_wait3A_1044] : memref<4x128xi32, #tpu.memory_space<vmem>> -> memref<1x128xi32, #tpu.memory_space<vmem>>
    %dma_wait3A_1046 = tpu.memref_squeeze %dma_wait3A_1045 : memref<1x128xi32, #tpu.memory_space<vmem>> -> memref<128xi32, #tpu.memory_space<vmem>>
    %dma_wait3A_1047 = tpu.memref_slice %arg3[%mul3A_927] : memref<49152xi32, #tpu.memory_space<hbm>> -> memref<128xi32, #tpu.memory_space<hbm>>
    %dma_wait3A_1048 = tpu.memref_slice %arg12[%dma_wait3A_1043] : memref<4x!tpu.dma_semaphore, #tpu.memory_space<semaphore_mem>> -> memref<1x!tpu.dma_semaphore, #tpu.memory_space<semaphore_mem>>
    %dma_wait3A_1049 = tpu.memref_squeeze %dma_wait3A_1048 : memref<1x!tpu.dma_semaphore, #tpu.memory_space<semaphore_mem>> -> memref<!tpu.dma_semaphore, #tpu.memory_space<semaphore_mem>>
    %dma_wait3A_1050 = arith.constant 0 : i32
    %dma_wait3A_1051 = tpu.memref_slice %arg7[%dma_wait3A_1042, %dma_wait3A_1050] : memref<4x128xi32, #tpu.memory_space<vmem>> -> memref<1x128xi32, #tpu.memory_space<vmem>>
    %dma_wait3A_1052 = tpu.memref_squeeze %dma_wait3A_1051 : memref<1x128xi32, #tpu.memory_space<vmem>> -> memref<128xi32, #tpu.memory_space<vmem>>
    %dma_wait3A_1053 = tpu.memref_slice %arg3[%mul3A_927] : memref<49152xi32, #tpu.memory_space<hbm>> -> memref<128xi32, #tpu.memory_space<hbm>>
    tpu.wait_dma2 semaphore(%dma_wait3A_1049 : memref<!tpu.dma_semaphore, #tpu.memory_space<semaphore_mem>>) src(%dma_wait3A_1053 : memref<128xi32, #tpu.memory_space<hbm>>) dst(%dma_wait3A_1052 : memref<128xi32, #tpu.memory_space<vmem>>)
    %dma_start3A_1054 = arith.constant 3 : i32
    %dma_start3A_1055 = arith.constant 3 : i32
    %dma_start3A_1056 = arith.constant 3 : i32
    %dma_start3A_1057 = arith.constant 0 : i32
    %dma_start3A_1058 = arith.constant 0 : i32
    %dma_start3A_1059 = tpu.memref_slice %arg6[%dma_start3A_1054, %dma_start3A_1057, %dma_start3A_1058] : memref<4x128x128xf32, #tpu.memory_space<vmem>> -> memref<1x128x128xf32, #tpu.memory_space<vmem>>
    %dma_start3A_1060 = tpu.memref_squeeze %dma_start3A_1059 : memref<1x128x128xf32, #tpu.memory_space<vmem>> -> memref<128x128xf32, #tpu.memory_space<vmem>>
    %dma_start3A_1061 = arith.constant 0 : i32
    %dma_start3A_1062 = tpu.memref_slice %arg7[%dma_start3A_1055, %dma_start3A_1061] : memref<4x128xi32, #tpu.memory_space<vmem>> -> memref<1x128xi32, #tpu.memory_space<vmem>>
    %dma_start3A_1063 = tpu.memref_squeeze %dma_start3A_1062 : memref<1x128xi32, #tpu.memory_space<vmem>> -> memref<128xi32, #tpu.memory_space<vmem>>
    %dma_start3A_1064 = arith.constant 0 : i32
    %dma_start3A_1065 = arith.constant 0 : i32
    %dma_start3A_1066 = tpu.memref_slice %arg10[%dma_start3A_1064, %dma_start3A_1065] : memref<128x128xf32, #tpu.memory_space<vmem_shared>> -> memref<128x128xf32, #tpu.memory_space<vmem_shared>>
    %dma_start3A_1067 = tpu.memref_slice %arg13[%dma_start3A_1056] : memref<4x!tpu.dma_semaphore, #tpu.memory_space<semaphore_mem>> -> memref<1x!tpu.dma_semaphore, #tpu.memory_space<semaphore_mem>>
    %dma_start3A_1068 = tpu.memref_squeeze %dma_start3A_1067 : memref<1x!tpu.dma_semaphore, #tpu.memory_space<semaphore_mem>> -> memref<!tpu.dma_semaphore, #tpu.memory_space<semaphore_mem>>
    tpu.enqueue_indirect_dma source(%dma_start3A_1060 : memref<128x128xf32, #tpu.memory_space<vmem>>) target(%dma_start3A_1066 : memref<128x128xf32, #tpu.memory_space<vmem_shared>>) offsets(%dma_start3A_1063 : memref<128xi32, #tpu.memory_space<vmem>>) semaphore(%dma_start3A_1068 : memref<!tpu.dma_semaphore, #tpu.memory_space<semaphore_mem>>) {add = true}
    %dma_wait3A_1069 = arith.constant 0 : i32
    %dma_wait3A_1070 = arith.constant 0 : i32
    %dma_wait3A_1071 = arith.constant 0 : i32
    %dma_wait3A_1072 = arith.constant 0 : i32
    %dma_wait3A_1073 = arith.constant 0 : i32
    %dma_wait3A_1074 = tpu.memref_slice %arg6[%dma_wait3A_1069, %dma_wait3A_1072, %dma_wait3A_1073] : memref<4x128x128xf32, #tpu.memory_space<vmem>> -> memref<1x128x128xf32, #tpu.memory_space<vmem>>
    %dma_wait3A_1075 = tpu.memref_squeeze %dma_wait3A_1074 : memref<1x128x128xf32, #tpu.memory_space<vmem>> -> memref<128x128xf32, #tpu.memory_space<vmem>>
    %dma_wait3A_1076 = arith.constant 0 : i32
    %dma_wait3A_1077 = tpu.memref_slice %arg7[%dma_wait3A_1070, %dma_wait3A_1076] : memref<4x128xi32, #tpu.memory_space<vmem>> -> memref<1x128xi32, #tpu.memory_space<vmem>>
    %dma_wait3A_1078 = tpu.memref_squeeze %dma_wait3A_1077 : memref<1x128xi32, #tpu.memory_space<vmem>> -> memref<128xi32, #tpu.memory_space<vmem>>
    %dma_wait3A_1079 = arith.constant 0 : i32
    %dma_wait3A_1080 = arith.constant 0 : i32
    %dma_wait3A_1081 = tpu.memref_slice %arg10[%dma_wait3A_1079, %dma_wait3A_1080] : memref<128x128xf32, #tpu.memory_space<vmem_shared>> -> memref<128x128xf32, #tpu.memory_space<vmem_shared>>
    %dma_wait3A_1082 = tpu.memref_slice %arg13[%dma_wait3A_1071] : memref<4x!tpu.dma_semaphore, #tpu.memory_space<semaphore_mem>> -> memref<1x!tpu.dma_semaphore, #tpu.memory_space<semaphore_mem>>
    %dma_wait3A_1083 = tpu.memref_squeeze %dma_wait3A_1082 : memref<1x!tpu.dma_semaphore, #tpu.memory_space<semaphore_mem>> -> memref<!tpu.dma_semaphore, #tpu.memory_space<semaphore_mem>>
    tpu.wait_indirect_dma semaphore(%dma_wait3A_1083 : memref<!tpu.dma_semaphore, #tpu.memory_space<semaphore_mem>>) src(%dma_wait3A_1075 : memref<128x128xf32, #tpu.memory_space<vmem>>) dst(%dma_wait3A_1081 : memref<128x128xf32, #tpu.memory_space<vmem_shared>>)
    %dma_wait3A_1084 = arith.constant 1 : i32
    %dma_wait3A_1085 = arith.constant 1 : i32
    %dma_wait3A_1086 = arith.constant 1 : i32
    %dma_wait3A_1087 = arith.constant 0 : i32
    %dma_wait3A_1088 = arith.constant 0 : i32
    %dma_wait3A_1089 = tpu.memref_slice %arg6[%dma_wait3A_1084, %dma_wait3A_1087, %dma_wait3A_1088] : memref<4x128x128xf32, #tpu.memory_space<vmem>> -> memref<1x128x128xf32, #tpu.memory_space<vmem>>
    %dma_wait3A_1090 = tpu.memref_squeeze %dma_wait3A_1089 : memref<1x128x128xf32, #tpu.memory_space<vmem>> -> memref<128x128xf32, #tpu.memory_space<vmem>>
    %dma_wait3A_1091 = arith.constant 0 : i32
    %dma_wait3A_1092 = tpu.memref_slice %arg7[%dma_wait3A_1085, %dma_wait3A_1091] : memref<4x128xi32, #tpu.memory_space<vmem>> -> memref<1x128xi32, #tpu.memory_space<vmem>>
    %dma_wait3A_1093 = tpu.memref_squeeze %dma_wait3A_1092 : memref<1x128xi32, #tpu.memory_space<vmem>> -> memref<128xi32, #tpu.memory_space<vmem>>
    %dma_wait3A_1094 = arith.constant 0 : i32
    %dma_wait3A_1095 = arith.constant 0 : i32
    %dma_wait3A_1096 = tpu.memref_slice %arg10[%dma_wait3A_1094, %dma_wait3A_1095] : memref<128x128xf32, #tpu.memory_space<vmem_shared>> -> memref<128x128xf32, #tpu.memory_space<vmem_shared>>
    %dma_wait3A_1097 = tpu.memref_slice %arg13[%dma_wait3A_1086] : memref<4x!tpu.dma_semaphore, #tpu.memory_space<semaphore_mem>> -> memref<1x!tpu.dma_semaphore, #tpu.memory_space<semaphore_mem>>
    %dma_wait3A_1098 = tpu.memref_squeeze %dma_wait3A_1097 : memref<1x!tpu.dma_semaphore, #tpu.memory_space<semaphore_mem>> -> memref<!tpu.dma_semaphore, #tpu.memory_space<semaphore_mem>>
    tpu.wait_indirect_dma semaphore(%dma_wait3A_1098 : memref<!tpu.dma_semaphore, #tpu.memory_space<semaphore_mem>>) src(%dma_wait3A_1090 : memref<128x128xf32, #tpu.memory_space<vmem>>) dst(%dma_wait3A_1096 : memref<128x128xf32, #tpu.memory_space<vmem_shared>>)
    %dma_wait3A_1099 = arith.constant 2 : i32
    %dma_wait3A_1100 = arith.constant 2 : i32
    %dma_wait3A_1101 = arith.constant 2 : i32
    %dma_wait3A_1102 = arith.constant 0 : i32
    %dma_wait3A_1103 = arith.constant 0 : i32
    %dma_wait3A_1104 = tpu.memref_slice %arg6[%dma_wait3A_1099, %dma_wait3A_1102, %dma_wait3A_1103] : memref<4x128x128xf32, #tpu.memory_space<vmem>> -> memref<1x128x128xf32, #tpu.memory_space<vmem>>
    %dma_wait3A_1105 = tpu.memref_squeeze %dma_wait3A_1104 : memref<1x128x128xf32, #tpu.memory_space<vmem>> -> memref<128x128xf32, #tpu.memory_space<vmem>>
    %dma_wait3A_1106 = arith.constant 0 : i32
    %dma_wait3A_1107 = tpu.memref_slice %arg7[%dma_wait3A_1100, %dma_wait3A_1106] : memref<4x128xi32, #tpu.memory_space<vmem>> -> memref<1x128xi32, #tpu.memory_space<vmem>>
    %dma_wait3A_1108 = tpu.memref_squeeze %dma_wait3A_1107 : memref<1x128xi32, #tpu.memory_space<vmem>> -> memref<128xi32, #tpu.memory_space<vmem>>
    %dma_wait3A_1109 = arith.constant 0 : i32
    %dma_wait3A_1110 = arith.constant 0 : i32
    %dma_wait3A_1111 = tpu.memref_slice %arg10[%dma_wait3A_1109, %dma_wait3A_1110] : memref<128x128xf32, #tpu.memory_space<vmem_shared>> -> memref<128x128xf32, #tpu.memory_space<vmem_shared>>
    %dma_wait3A_1112 = tpu.memref_slice %arg13[%dma_wait3A_1101] : memref<4x!tpu.dma_semaphore, #tpu.memory_space<semaphore_mem>> -> memref<1x!tpu.dma_semaphore, #tpu.memory_space<semaphore_mem>>
    %dma_wait3A_1113 = tpu.memref_squeeze %dma_wait3A_1112 : memref<1x!tpu.dma_semaphore, #tpu.memory_space<semaphore_mem>> -> memref<!tpu.dma_semaphore, #tpu.memory_space<semaphore_mem>>
    tpu.wait_indirect_dma semaphore(%dma_wait3A_1113 : memref<!tpu.dma_semaphore, #tpu.memory_space<semaphore_mem>>) src(%dma_wait3A_1105 : memref<128x128xf32, #tpu.memory_space<vmem>>) dst(%dma_wait3A_1111 : memref<128x128xf32, #tpu.memory_space<vmem_shared>>)
    %dma_wait3A_1114 = arith.constant 3 : i32
    %dma_wait3A_1115 = arith.constant 3 : i32
    %dma_wait3A_1116 = arith.constant 3 : i32
    %dma_wait3A_1117 = arith.constant 0 : i32
    %dma_wait3A_1118 = arith.constant 0 : i32
    %dma_wait3A_1119 = tpu.memref_slice %arg6[%dma_wait3A_1114, %dma_wait3A_1117, %dma_wait3A_1118] : memref<4x128x128xf32, #tpu.memory_space<vmem>> -> memref<1x128x128xf32, #tpu.memory_space<vmem>>
    %dma_wait3A_1120 = tpu.memref_squeeze %dma_wait3A_1119 : memref<1x128x128xf32, #tpu.memory_space<vmem>> -> memref<128x128xf32, #tpu.memory_space<vmem>>
    %dma_wait3A_1121 = arith.constant 0 : i32
    %dma_wait3A_1122 = tpu.memref_slice %arg7[%dma_wait3A_1115, %dma_wait3A_1121] : memref<4x128xi32, #tpu.memory_space<vmem>> -> memref<1x128xi32, #tpu.memory_space<vmem>>
    %dma_wait3A_1123 = tpu.memref_squeeze %dma_wait3A_1122 : memref<1x128xi32, #tpu.memory_space<vmem>> -> memref<128xi32, #tpu.memory_space<vmem>>
    %dma_wait3A_1124 = arith.constant 0 : i32
    %dma_wait3A_1125 = arith.constant 0 : i32
    %dma_wait3A_1126 = tpu.memref_slice %arg10[%dma_wait3A_1124, %dma_wait3A_1125] : memref<128x128xf32, #tpu.memory_space<vmem_shared>> -> memref<128x128xf32, #tpu.memory_space<vmem_shared>>
    %dma_wait3A_1127 = tpu.memref_slice %arg13[%dma_wait3A_1116] : memref<4x!tpu.dma_semaphore, #tpu.memory_space<semaphore_mem>> -> memref<1x!tpu.dma_semaphore, #tpu.memory_space<semaphore_mem>>
    %dma_wait3A_1128 = tpu.memref_squeeze %dma_wait3A_1127 : memref<1x!tpu.dma_semaphore, #tpu.memory_space<semaphore_mem>> -> memref<!tpu.dma_semaphore, #tpu.memory_space<semaphore_mem>>
    tpu.wait_indirect_dma semaphore(%dma_wait3A_1128 : memref<!tpu.dma_semaphore, #tpu.memory_space<semaphore_mem>>) src(%dma_wait3A_1120 : memref<128x128xf32, #tpu.memory_space<vmem>>) dst(%dma_wait3A_1126 : memref<128x128xf32, #tpu.memory_space<vmem_shared>>)
    %barrier3A_1129 = arith.constant 0 : index
    tpu.barrier barrier_id(%barrier3A_1129)
    %eq3A_1130 = arith.constant 0 : i32
    %eq3A_1131 = arith.cmpi eq, %arg1, %eq3A_1130 : i32
    %convert_element_type3A_1132 = arith.extui %eq3A_1131 : i1 to i32
    %cond3A_1133 = arith.constant 0 : i32
    %cond3A_1134 = arith.cmpi ne, %convert_element_type3A_1132, %cond3A_1133 : i32
    scf.if %cond3A_1134 {
      "tpu.region"() ({
        %run_scoped3A = tpu.sem_alloc : memref<!tpu.dma_semaphore, #tpu.memory_space<semaphore_mem>>
        %dma_start3A_1135 = arith.constant 0 : i32
        %dma_start3A_1136 = arith.constant 0 : i32
        %dma_start3A_1137 = tpu.memref_slice %arg5[%arg0, %dma_start3A_1135, %dma_start3A_1136] : memref<2x128x128xf32, #tpu.memory_space<hbm>> -> memref<1x128x128xf32, #tpu.memory_space<hbm>>
        %dma_start3A_1138 = tpu.memref_squeeze %dma_start3A_1137 : memref<1x128x128xf32, #tpu.memory_space<hbm>> -> memref<128x128xf32, #tpu.memory_space<hbm>>
        tpu.enqueue_dma source(%arg10 : memref<128x128xf32, #tpu.memory_space<vmem_shared>>) target(%dma_start3A_1138 : memref<128x128xf32, #tpu.memory_space<hbm>>) target_semaphore(%run_scoped3A : memref<!tpu.dma_semaphore, #tpu.memory_space<semaphore_mem>>)
        %dma_wait3A_1139 = arith.constant 0 : i32
        %dma_wait3A_1140 = arith.constant 0 : i32
        %dma_wait3A_1141 = tpu.memref_slice %arg5[%arg0, %dma_wait3A_1139, %dma_wait3A_1140] : memref<2x128x128xf32, #tpu.memory_space<hbm>> -> memref<1x128x128xf32, #tpu.memory_space<hbm>>
        %dma_wait3A_1142 = tpu.memref_squeeze %dma_wait3A_1141 : memref<1x128x128xf32, #tpu.memory_space<hbm>> -> memref<128x128xf32, #tpu.memory_space<hbm>>
        tpu.wait_dma2 semaphore(%run_scoped3A : memref<!tpu.dma_semaphore, #tpu.memory_space<semaphore_mem>>) src(%arg10 : memref<128x128xf32, #tpu.memory_space<vmem_shared>>) dst(%dma_wait3A_1142 : memref<128x128xf32, #tpu.memory_space<hbm>>)
        tpu.yield
      }) : () -> ()
    } else {
    }
    return
  }
}

module attributes {stable_mosaic.version = 14 : i64} {
  func.func @_argmax_body(%arg0: i32, %arg1: memref<100x4096xf32, #tpu.memory_space<vmem>>, %arg2: memref<1x1x4096xi32, #tpu.memory_space<vmem>>, %arg3: memref<100x1xf32, #tpu.memory_space<vmem>>) attributes {dimension_semantics = [#tpu.dimension_semantics<arbitrary>], iteration_bounds = array<i64: 12>, scalar_prefetch = 0 : i64, scratch_operands = 0 : i64, tpu.core_type = #tpu.core_type<tc>, window_params = [{transform_indices = @transform_0, window_bounds = array<i64: 100, 4096>}, {transform_indices = @transform_1, window_bounds = array<i64: 1, 1, 4096>}, {pipeline_mode = #tpu.pipeline_mode<synchronous>, transform_indices = @transform_2, window_bounds = array<i64: 100, 1>}]} {
    %get3A = arith.constant 0 : index
    %get3A_0 = arith.constant 0 : index
    %get3A_1 = vector.load %arg1[%get3A, %get3A_0] : memref<100x4096xf32, #tpu.memory_space<vmem>>, vector<100x4096xf32>
    %argmax3A = tpu.reduce_index %get3A_1 {axis = 0 : i32, kind = #tpu.reduction_kind<arg_max>} : vector<100x4096xf32> -> vector<4096xi32>
    %broadcast_in_dim3A = vector.shape_cast %argmax3A : vector<4096xi32> to vector<1x4096xi32>
    %mul3A = arith.constant 4096 : i32
    %mul3A_2 = arith.muli %arg0, %mul3A : i32
    %add3A = arith.constant 0 : i32
    %add3A_3 = arith.addi %add3A, %mul3A_2 : i32
    %iota3A = tpu.iota {dimensions = array<i32: 1>} : vector<1x4096xi32>
    %add3A_4 = vector.broadcast %add3A_3 : i32 to vector<1x4096xi32>
    %add3A_5 = arith.addi %add3A_4, %iota3A : vector<1x4096xi32>
    %lt3A = arith.constant 100000 : i32
    %lt3A_6 = vector.broadcast %lt3A : i32 to vector<1x4096xi32>
    %lt3A_7 = arith.cmpi slt, %add3A_5, %lt3A_6 : vector<1x4096xi32>
    %jit3A = arith.constant 0 : i32
    %broadcast_in_dim3A_8 = vector.broadcast %jit3A : i32 to vector<1x4096xi32>
    %select_n3A = arith.select %lt3A_7, %broadcast_in_dim3A, %broadcast_in_dim3A_8 : vector<1x4096xi1>, vector<1x4096xi32>
    %broadcast_in_dim3A_9 = vector.shape_cast %select_n3A : vector<1x4096xi32> to vector<1x1x4096xi32>
    %swap3A = arith.constant 0 : index
    %swap3A_10 = arith.constant 0 : index
    %swap3A_11 = arith.constant 0 : index
    %swap3A_12 = vector.load %arg2[%swap3A, %swap3A_10, %swap3A_11] : memref<1x1x4096xi32, #tpu.memory_space<vmem>>, vector<1x1x4096xi32>
    tpu.vector_store %arg2[%swap3A, %swap3A_10, %swap3A_11], %broadcast_in_dim3A_9 {strides = array<i32>} : memref<1x1x4096xi32, #tpu.memory_space<vmem>>, vector<1x1x4096xi32>,
    %iota3A_13 = tpu.iota {dimensions = array<i32: 0>} : vector<100x1xi32>
    %eq3A = vector.broadcast %select_n3A : vector<1x4096xi32> to vector<100x4096xi32>
    %eq3A_14 = vector.broadcast %iota3A_13 : vector<100x1xi32> to vector<100x4096xi32>
    %eq3A_15 = arith.cmpi eq, %eq3A, %eq3A_14 : vector<100x4096xi32>
    %convert_element_type3A = arith.extui %eq3A_15 : vector<100x4096xi1> to vector<100x4096xi32>
    %convert_element_type3A_16 = arith.sitofp %convert_element_type3A : vector<100x4096xi32> to vector<100x4096xf32>
    %jit3A_17 = arith.constant 0.000000e+00 : f32
    %broadcast_in_dim3A_18 = vector.shape_cast %lt3A_7 : vector<1x4096xi1> to vector<1x4096xi1>
    %broadcast_in_dim3A_19 = vector.broadcast %broadcast_in_dim3A_18 : vector<1x4096xi1> to vector<100x4096xi1>
    %broadcast_in_dim3A_20 = vector.broadcast %jit3A_17 : f32 to vector<100x4096xf32>
    %select_n3A_21 = arith.select %broadcast_in_dim3A_19, %convert_element_type3A_16, %broadcast_in_dim3A_20 : vector<100x4096xi1>, vector<100x4096xf32>
    %reduce_sum3A = arith.constant dense<0.000000e+00> : vector<100xf32>
    %reduce_sum3A_22 = vector.multi_reduction <add>, %select_n3A_21, %reduce_sum3A [1] : vector<100x4096xf32> to vector<100xf32>
    %broadcast_in_dim3A_23 = vector.shape_cast %reduce_sum3A_22 : vector<100xf32> to vector<100x1xf32>
    %eq3A_24 = arith.constant 0 : i32
    %eq3A_25 = arith.cmpi eq, %arg0, %eq3A_24 : i32
    %convert_element_type3A_26 = arith.extui %eq3A_25 : i1 to i32
    %cond3A = arith.constant 0 : i32
    %cond3A_27 = arith.cmpi ne, %convert_element_type3A_26, %cond3A : i32
    scf.if %cond3A_27 {
      %swap3A_32 = arith.constant 0 : index
      %swap3A_33 = arith.constant 0 : index
      %swap3A_34 = vector.load %arg3[%swap3A_32, %swap3A_33] : memref<100x1xf32, #tpu.memory_space<vmem>>, vector<100x1xf32>
      tpu.vector_store %arg3[%swap3A_32, %swap3A_33], %broadcast_in_dim3A_23 {strides = array<i32>} : memref<100x1xf32, #tpu.memory_space<vmem>>, vector<100x1xf32>,
    } else {
    }
    %gt3A = arith.constant 0 : i32
    %gt3A_28 = arith.cmpi sgt, %arg0, %gt3A : i32
    %convert_element_type3A_29 = arith.extui %gt3A_28 : i1 to i32
    %cond3A_30 = arith.constant 0 : i32
    %cond3A_31 = arith.cmpi ne, %convert_element_type3A_29, %cond3A_30 : i32
    scf.if %cond3A_31 {
      %get3A_32 = arith.constant 0 : index
      %get3A_33 = arith.constant 0 : index
      %get3A_34 = vector.load %arg3[%get3A_32, %get3A_33] : memref<100x1xf32, #tpu.memory_space<vmem>>, vector<100x1xf32>
      %add3A_35 = arith.addf %get3A_34, %broadcast_in_dim3A_23 : vector<100x1xf32>
      %swap3A_36 = arith.constant 0 : index
      %swap3A_37 = arith.constant 0 : index
      %swap3A_38 = vector.load %arg3[%swap3A_36, %swap3A_37] : memref<100x1xf32, #tpu.memory_space<vmem>>, vector<100x1xf32>
      tpu.vector_store %arg3[%swap3A_36, %swap3A_37], %add3A_35 {strides = array<i32>} : memref<100x1xf32, #tpu.memory_space<vmem>>, vector<100x1xf32>,
    } else {
    }
    return
  }
  func.func @transform_0(%arg0: i32) -> (i32, i32) {
    %add3A = arith.constant 0 : i32
    %add3A_0 = arith.addi %add3A, %arg0 : i32
    %c0_i32 = arith.constant 0 : i32
    %c0_i32_1 = arith.constant 0 : i32
    return %c0_i32, %add3A_0 : i32, i32
  }
  func.func @transform_1(%arg0: i32) -> (i32, i32, i32) {
    %c0_i32 = arith.constant 0 : i32
    %c0_i32_0 = arith.constant 0 : i32
    %c0_i32_1 = arith.constant 0 : i32
    return %arg0, %c0_i32, %c0_i32_0 : i32, i32, i32
  }
  func.func @transform_2(%arg0: i32) -> (i32, i32) {
    %c0_i32 = arith.constant 0 : i32
    %c0_i32_0 = arith.constant 0 : i32
    %c0_i32_1 = arith.constant 0 : i32
    return %c0_i32, %c0_i32_0 : i32, i32
  }
}

module attributes {stable_mosaic.version = 14 : i64} {
  func.func @_argmax_body(%arg0: i32, %arg1: memref<100x4096xf32, #tpu.memory_space<vmem>>, %arg2: memref<1x1x4096xi32, #tpu.memory_space<vmem>>, %arg3: memref<100x1xf32, #tpu.memory_space<vmem>>) attributes {dimension_semantics = [#tpu.dimension_semantics<arbitrary>], iteration_bounds = array<i64: 13>, scalar_prefetch = 0 : i64, scratch_operands = 0 : i64, tpu.core_type = #tpu.core_type<tc>, window_params = [{transform_indices = @transform_0, window_bounds = array<i64: 100, 4096>}, {transform_indices = @transform_1, window_bounds = array<i64: 1, 1, 4096>}, {pipeline_mode = #tpu.pipeline_mode<synchronous>, transform_indices = @transform_2, window_bounds = array<i64: 100, 1>}]} {
    %get3A = arith.constant 0 : index
    %get3A_0 = arith.constant 0 : index
    %get3A_1 = vector.load %arg1[%get3A, %get3A_0] : memref<100x4096xf32, #tpu.memory_space<vmem>>, vector<100x4096xf32>
    %argmax3A = tpu.reduce_index %get3A_1 {axis = 0 : i32, kind = #tpu.reduction_kind<arg_max>} : vector<100x4096xf32> -> vector<4096xi32>
    %broadcast_in_dim3A = vector.shape_cast %argmax3A : vector<4096xi32> to vector<1x4096xi32>
    %mul3A = arith.constant 4096 : i32
    %mul3A_2 = arith.muli %arg0, %mul3A : i32
    %add3A = arith.constant 49152 : i32
    %add3A_3 = arith.addi %add3A, %mul3A_2 : i32
    %iota3A = tpu.iota {dimensions = array<i32: 1>} : vector<1x4096xi32>
    %add3A_4 = vector.broadcast %add3A_3 : i32 to vector<1x4096xi32>
    %add3A_5 = arith.addi %add3A_4, %iota3A : vector<1x4096xi32>
    %lt3A = arith.constant 100000 : i32
    %lt3A_6 = vector.broadcast %lt3A : i32 to vector<1x4096xi32>
    %lt3A_7 = arith.cmpi slt, %add3A_5, %lt3A_6 : vector<1x4096xi32>
    %jit3A = arith.constant 0 : i32
    %broadcast_in_dim3A_8 = vector.broadcast %jit3A : i32 to vector<1x4096xi32>
    %select_n3A = arith.select %lt3A_7, %broadcast_in_dim3A, %broadcast_in_dim3A_8 : vector<1x4096xi1>, vector<1x4096xi32>
    %broadcast_in_dim3A_9 = vector.shape_cast %select_n3A : vector<1x4096xi32> to vector<1x1x4096xi32>
    %swap3A = arith.constant 0 : index
    %swap3A_10 = arith.constant 0 : index
    %swap3A_11 = arith.constant 0 : index
    %swap3A_12 = vector.load %arg2[%swap3A, %swap3A_10, %swap3A_11] : memref<1x1x4096xi32, #tpu.memory_space<vmem>>, vector<1x1x4096xi32>
    tpu.vector_store %arg2[%swap3A, %swap3A_10, %swap3A_11], %broadcast_in_dim3A_9 {strides = array<i32>} : memref<1x1x4096xi32, #tpu.memory_space<vmem>>, vector<1x1x4096xi32>,
    %iota3A_13 = tpu.iota {dimensions = array<i32: 0>} : vector<100x1xi32>
    %eq3A = vector.broadcast %select_n3A : vector<1x4096xi32> to vector<100x4096xi32>
    %eq3A_14 = vector.broadcast %iota3A_13 : vector<100x1xi32> to vector<100x4096xi32>
    %eq3A_15 = arith.cmpi eq, %eq3A, %eq3A_14 : vector<100x4096xi32>
    %convert_element_type3A = arith.extui %eq3A_15 : vector<100x4096xi1> to vector<100x4096xi32>
    %convert_element_type3A_16 = arith.sitofp %convert_element_type3A : vector<100x4096xi32> to vector<100x4096xf32>
    %jit3A_17 = arith.constant 0.000000e+00 : f32
    %broadcast_in_dim3A_18 = vector.shape_cast %lt3A_7 : vector<1x4096xi1> to vector<1x4096xi1>
    %broadcast_in_dim3A_19 = vector.broadcast %broadcast_in_dim3A_18 : vector<1x4096xi1> to vector<100x4096xi1>
    %broadcast_in_dim3A_20 = vector.broadcast %jit3A_17 : f32 to vector<100x4096xf32>
    %select_n3A_21 = arith.select %broadcast_in_dim3A_19, %convert_element_type3A_16, %broadcast_in_dim3A_20 : vector<100x4096xi1>, vector<100x4096xf32>
    %reduce_sum3A = arith.constant dense<0.000000e+00> : vector<100xf32>
    %reduce_sum3A_22 = vector.multi_reduction <add>, %select_n3A_21, %reduce_sum3A [1] : vector<100x4096xf32> to vector<100xf32>
    %broadcast_in_dim3A_23 = vector.shape_cast %reduce_sum3A_22 : vector<100xf32> to vector<100x1xf32>
    %eq3A_24 = arith.constant 0 : i32
    %eq3A_25 = arith.cmpi eq, %arg0, %eq3A_24 : i32
    %convert_element_type3A_26 = arith.extui %eq3A_25 : i1 to i32
    %cond3A = arith.constant 0 : i32
    %cond3A_27 = arith.cmpi ne, %convert_element_type3A_26, %cond3A : i32
    scf.if %cond3A_27 {
      %swap3A_32 = arith.constant 0 : index
      %swap3A_33 = arith.constant 0 : index
      %swap3A_34 = vector.load %arg3[%swap3A_32, %swap3A_33] : memref<100x1xf32, #tpu.memory_space<vmem>>, vector<100x1xf32>
      tpu.vector_store %arg3[%swap3A_32, %swap3A_33], %broadcast_in_dim3A_23 {strides = array<i32>} : memref<100x1xf32, #tpu.memory_space<vmem>>, vector<100x1xf32>,
    } else {
    }
    %gt3A = arith.constant 0 : i32
    %gt3A_28 = arith.cmpi sgt, %arg0, %gt3A : i32
    %convert_element_type3A_29 = arith.extui %gt3A_28 : i1 to i32
    %cond3A_30 = arith.constant 0 : i32
    %cond3A_31 = arith.cmpi ne, %convert_element_type3A_29, %cond3A_30 : i32
    scf.if %cond3A_31 {
      %get3A_32 = arith.constant 0 : index
      %get3A_33 = arith.constant 0 : index
      %get3A_34 = vector.load %arg3[%get3A_32, %get3A_33] : memref<100x1xf32, #tpu.memory_space<vmem>>, vector<100x1xf32>
      %add3A_35 = arith.addf %get3A_34, %broadcast_in_dim3A_23 : vector<100x1xf32>
      %swap3A_36 = arith.constant 0 : index
      %swap3A_37 = arith.constant 0 : index
      %swap3A_38 = vector.load %arg3[%swap3A_36, %swap3A_37] : memref<100x1xf32, #tpu.memory_space<vmem>>, vector<100x1xf32>
      tpu.vector_store %arg3[%swap3A_36, %swap3A_37], %add3A_35 {strides = array<i32>} : memref<100x1xf32, #tpu.memory_space<vmem>>, vector<100x1xf32>,
    } else {
    }
    return
  }
  func.func @transform_0(%arg0: i32) -> (i32, i32) {
    %add3A = arith.constant 12 : i32
    %add3A_0 = arith.addi %add3A, %arg0 : i32
    %c0_i32 = arith.constant 0 : i32
    %c0_i32_1 = arith.constant 0 : i32
    return %c0_i32, %add3A_0 : i32, i32
  }
  func.func @transform_1(%arg0: i32) -> (i32, i32, i32) {
    %c0_i32 = arith.constant 0 : i32
    %c0_i32_0 = arith.constant 0 : i32
    %c0_i32_1 = arith.constant 0 : i32
    return %arg0, %c0_i32, %c0_i32_0 : i32, i32, i32
  }
  func.func @transform_2(%arg0: i32) -> (i32, i32) {
    %c0_i32 = arith.constant 0 : i32
    %c0_i32_0 = arith.constant 0 : i32
    %c0_i32_1 = arith.constant 0 : i32
    return %c0_i32, %c0_i32_0 : i32, i32
  }
}

module attributes {stable_mosaic.version = 14 : i64} {
  func.func @_loss_body(%arg0: memref<2x128x128xf32, #tpu.memory_space<vmem>>, %arg1: memref<2x128x128xf32, #tpu.memory_space<vmem>>, %arg2: memref<100x1xf32, #tpu.memory_space<vmem>>, %arg3: memref<100x1xf32, #tpu.memory_space<vmem>>, %arg4: memref<1x1xf32, #tpu.memory_space<vmem>>) attributes {dimension_semantics = [], scalar_prefetch = 0 : i64, scratch_operands = 0 : i64, tpu.core_type = #tpu.core_type<tc>} {
    %get3A = arith.constant 0 : index
    %get3A_0 = arith.constant 0 : index
    %get3A_1 = vector.load %arg2[%get3A, %get3A_0] : memref<100x1xf32, #tpu.memory_space<vmem>>, vector<100x1xf32>
    %get3A_2 = arith.constant 0 : index
    %get3A_3 = arith.constant 0 : index
    %get3A_4 = vector.load %arg3[%get3A_2, %get3A_3] : memref<100x1xf32, #tpu.memory_space<vmem>>, vector<100x1xf32>
    %add3A = arith.addf %get3A_1, %get3A_4 : vector<100x1xf32>
    %get3A_5 = arith.constant 0 : index
    %get3A_6 = arith.constant 0 : index
    %get3A_7 = arith.constant 0 : index
    %get3A_8 = vector.load %arg0[%get3A_5, %get3A_6, %get3A_7] : memref<2x128x128xf32, #tpu.memory_space<vmem>>, vector<1x128x128xf32>
    %get3A_9 = vector.shape_cast %get3A_8 : vector<1x128x128xf32> to vector<128x128xf32>
    %get3A_10 = arith.constant 1 : index
    %get3A_11 = arith.constant 0 : index
    %get3A_12 = arith.constant 0 : index
    %get3A_13 = vector.load %arg0[%get3A_10, %get3A_11, %get3A_12] : memref<2x128x128xf32, #tpu.memory_space<vmem>>, vector<1x128x128xf32>
    %get3A_14 = vector.shape_cast %get3A_13 : vector<1x128x128xf32> to vector<128x128xf32>
    %add3A_15 = arith.addf %get3A_9, %get3A_14 : vector<128x128xf32>
    %get3A_16 = arith.constant 0 : index
    %get3A_17 = arith.constant 0 : index
    %get3A_18 = arith.constant 0 : index
    %get3A_19 = vector.load %arg1[%get3A_16, %get3A_17, %get3A_18] : memref<2x128x128xf32, #tpu.memory_space<vmem>>, vector<1x128x128xf32>
    %get3A_20 = vector.shape_cast %get3A_19 : vector<1x128x128xf32> to vector<128x128xf32>
    %add3A_21 = arith.addf %add3A_15, %get3A_20 : vector<128x128xf32>
    %get3A_22 = arith.constant 1 : index
    %get3A_23 = arith.constant 0 : index
    %get3A_24 = arith.constant 0 : index
    %get3A_25 = vector.load %arg1[%get3A_22, %get3A_23, %get3A_24] : memref<2x128x128xf32, #tpu.memory_space<vmem>>, vector<1x128x128xf32>
    %get3A_26 = vector.shape_cast %get3A_25 : vector<1x128x128xf32> to vector<128x128xf32>
    %add3A_27 = arith.addf %add3A_21, %get3A_26 : vector<128x128xf32>
    %slice3A = vector.extract_strided_slice %add3A_27 {offsets = [0, 0], sizes = [100, 128], strides = [1, 1]} : vector<128x128xf32> to vector<100x128xf32>
    %max3A = arith.constant 1.000000e+00 : f32
    %max3A_28 = vector.broadcast %max3A : f32 to vector<100x1xf32>
    %max3A_29 = arith.maximumf %add3A, %max3A_28 : vector<100x1xf32>
    %div3A = arith.constant 1.000000e+00 : f32
    %div3A_30 = vector.broadcast %div3A : f32 to vector<100x1xf32>
    %div3A_31 = arith.divf %div3A_30, %max3A_29 : vector<100x1xf32>
    %mul3A = vector.broadcast %div3A_31 : vector<100x1xf32> to vector<100x128xf32>
    %mul3A_32 = arith.mulf %slice3A, %mul3A : vector<100x128xf32>
    %mul3A_33 = arith.mulf %mul3A_32, %mul3A_32 : vector<100x128xf32>
    %reduce_sum3A = arith.constant dense<0.000000e+00> : vector<100xf32>
    %reduce_sum3A_34 = vector.multi_reduction <add>, %mul3A_33, %reduce_sum3A [1] : vector<100x128xf32> to vector<100xf32>
    %broadcast_in_dim3A = vector.shape_cast %reduce_sum3A_34 : vector<100xf32> to vector<100x1xf32>
    %sqrt3A = math.sqrt %broadcast_in_dim3A : vector<100x1xf32>
    %max3A_35 = arith.constant 9.99999996E-13 : f32
    %max3A_36 = vector.broadcast %max3A_35 : f32 to vector<100x1xf32>
    %max3A_37 = arith.maximumf %sqrt3A, %max3A_36 : vector<100x1xf32>
    %div3A_38 = vector.broadcast %max3A_37 : vector<100x1xf32> to vector<100x128xf32>
    %div3A_39 = arith.divf %mul3A_32, %div3A_38 : vector<100x128xf32>
    %dot_general3A = arith.constant dense<0.000000e+00> : vector<100x100xf32>
    %dot_general3A_40 = tpu.matmul %div3A_39, %div3A_39, %dot_general3A {dimension_numbers = #tpu.dot_dimension_numbers<[1], [1], [0], [0], [0, 0, 1, 0], [], []>, transpose_lhs_hint = false} : vector<100x128xf32>, vector<100x128xf32>, vector<100x100xf32> -> vector<100x100xf32>
    %gt3A = arith.constant 0.000000e+00 : f32
    %gt3A_41 = vector.broadcast %gt3A : f32 to vector<100x1xf32>
    %gt3A_42 = arith.cmpf ogt, %add3A, %gt3A_41 : vector<100x1xf32>
    %convert_element_type3A = arith.extui %gt3A_42 : vector<100x1xi1> to vector<100x1xi32>
    %convert_element_type3A_43 = arith.sitofp %convert_element_type3A : vector<100x1xi32> to vector<100x1xf32>
    %dot_general3A_44 = arith.constant dense<0.000000e+00> : vector<100x100xf32>
    %dot_general3A_45 = tpu.matmul %convert_element_type3A_43, %convert_element_type3A_43, %dot_general3A_44 {dimension_numbers = #tpu.dot_dimension_numbers<[1], [1], [0], [0], [0, 0, 1, 0], [], []>, transpose_lhs_hint = false} : vector<100x1xf32>, vector<100x1xf32>, vector<100x100xf32> -> vector<100x100xf32>
    %iota3A = tpu.iota {dimensions = array<i32: 0>} : vector<100x100xi32>
    %iota3A_46 = tpu.iota {dimensions = array<i32: 1>} : vector<100x100xi32>
    %ne3A = arith.cmpi ne, %iota3A, %iota3A_46 : vector<100x100xi32>
    %convert_element_type3A_47 = arith.extui %ne3A : vector<100x100xi1> to vector<100x100xi32>
    %convert_element_type3A_48 = arith.sitofp %convert_element_type3A_47 : vector<100x100xi32> to vector<100x100xf32>
    %sub3A = arith.constant 1.000000e+00 : f32
    %sub3A_49 = vector.broadcast %sub3A : f32 to vector<100x100xf32>
    %sub3A_50 = arith.subf %sub3A_49, %dot_general3A_40 : vector<100x100xf32>
    %mul3A_51 = arith.mulf %sub3A_50, %dot_general3A_45 : vector<100x100xf32>
    %mul3A_52 = arith.mulf %mul3A_51, %convert_element_type3A_48 : vector<100x100xf32>
    %reduce_sum3A_53 = vector.shape_cast %mul3A_52 : vector<100x100xf32> to vector<1x100x100xf32>
    %reduce_sum3A_54 = arith.constant dense<0.000000e+00> : vector<1xf32>
    %reduce_sum3A_55 = vector.multi_reduction <add>, %reduce_sum3A_53, %reduce_sum3A_54 [1, 2] : vector<1x100x100xf32> to vector<1xf32>
    %reduce_sum3A_56 = vector.shape_cast %reduce_sum3A_55 : vector<1xf32> to vector<1x1x1xf32>
    %reduce_sum3A_57 = vector.extract %reduce_sum3A_56[0, 0, 0] : f32 from vector<1x1x1xf32>
    %reshape3A = vector.broadcast %reduce_sum3A_57 : f32 to vector<1x1xf32>
    %swap3A = arith.constant 0 : index
    %swap3A_58 = arith.constant 0 : index
    %swap3A_59 = vector.load %arg4[%swap3A, %swap3A_58] : memref<1x1xf32, #tpu.memory_space<vmem>>, vector<1x1xf32>
    tpu.vector_store %arg4[%swap3A, %swap3A_58], %reshape3A {strides = array<i32>} : memref<1x1xf32, #tpu.memory_space<vmem>>, vector<1x1xf32>,
    return
  }
}

</mosaic_0001>

<sc_bundles>
// kernel: kernel.10.cloned.1.call-start
scs
__scs_entry_jumppad:
0x0: {  	(pc) =	sbr.rel $0x88, $3  }
0x1: {  	(tag) =	ssettag $0x0;
	lr =	simm.s32 $0x1  }
0x2: {  	[smem:$0x3F9F] =	sst lr;
	_ =	strace $0xD0000000  }
0x3: {  	_ = 	snop  }
0x4: {  	_ = 	snop  }
0x5: {  	_ = 	snop  }
0x6: {  	_ = 	snop  }
0x7: {  	_ = 	snop  }
__scs_overlays_trampoline_lowered:
0x8: {  	[smem:$0x3FAE] =	sst s0  }
0x9: {  	[smem:$0x3FAF] =	sst s1  }
0xa: {  	[smem:$0x3FB0] =	sst s2  }
0xb: {  	[smem:$0x3FB1] =	sst s3  }
0xc: {  	[smem:$0x3FB2] =	sst s4  }
0xd: {  	[smem:$0x3FB3] =	sst s5  }
0xe: {  	[smem:$0x3FB4] =	sst s6  }
0xf: {  	[smem:$0x3FB5] =	sst s7  }
0x10: {  	[smem:$0x3FB6] =	sst s8  }
0x11: {  	[smem:$0x3FB7] =	sst s9;
	s0 =	simm.s32 @!p0 $0x0  }
0x12: {  	s1 =	sld [smem:$0x3F9D];
	s0 =	simm.s32 @p0 $0x1  }
0x13: {  	[smem:$0x3FB8] =	sst s0;
	s0 =	simm.s32 @!p1 $0x0  }
0x14: {  	s2 =	sld [smem:$0x3F9C];
	s0 =	simm.s32 @p1 $0x1  }
0x15: {  	[smem:$0x3FB9] =	sst s0;
	s0 =	simm.s32 @!p2 $0x0  }
0x16: {  	s3 =	sld [smem:$0x3FDB];
	s0 =	simm.s32 @p2 $0x1  }
0x17: {  	s4 =	simm.s32 $0x1BF5;
	[smem:$0x3FBB] =	sst s0  }
0x18: {  	s0 =	sld [smem:$0x3F9E];
	_ =	swait.ge [sflag:s4], $0x0  }
0x19: {  	s7 =	sld [smem:$0x3F9F]  }
0x1a: {  	s8 =	sadd.s32 $0xFFFFE003, lr  }
0x1b: {  	s9 =	sadd.s32 $0xFFFFFEF7, lr;
	s5 =	simm.s32 $0xFFFFFFFF;
	p2 =	slt.u32 s8, $0xFFFFF086  }
0x1c: {  	p1 =	slt.u32 s9, $0xF7A;
	s5 =	simm.s32 @!p2 $0x0  }
0x1d: {  	s5 =	simm.s32 @p1 $0x1;
	p0 =	seq.s32 s7, s2  }
0x1e: {  	s7 =	smul.u32 @!p0 $0xF7A, s2;
	p2 =	seq.s32 @!p0 s5, $0x0  }
0x1f: {  	s9 =	smul.u32 $0xF7A, s1;
	s8 =	simm.s32 @!p0 $0x1BF5;
	p2 =	por !p2, p0  }
0x20: {  	[sflag:s8] =	ssyncset.s32 @!p0 $0xFFFFF086;
	s6 =	sadd.s32 @!p0 s3, s7;
	s7 =	simm.s32 @!p0 $0x108  }
0x21: {  	s3 =	sadd.s32 s3, s9;
	s6 =	sadd.s32 @!p0 $0x88, s6;
	s7 =	simm.s32 @p2 $0x1082  }
0x22: {  	[simem:s7], [sflag:s8] =	dma.local @!p0 [hbm:s6], $0xF7A  }
0x23: {  	s9 =	sor.u32 $0xD0000000, s2;
	s6 =	simm.s32 $0x108;
	_ =	swait.ge @!p0 [sflag:s8], $0x0  }
0x24: {  	s3 =	sadd.s32 $0x88, s3;
	s6 =	simm.s32 @!p1 $0x1082;
	[sflag:s4] =	ssyncset.s32 $0xFFFFF086  }
0x25: {  	[simem:s6], [sflag:s4] =	dma.local [hbm:s3], $0xF7A  }
0x26: {  	[smem:$0x3F9F] =	sst s1;
	(tag) =	ssettag s2;
	_ =	strace s9  }
0x27: {  	s1 =	sld [smem:$0x3FAF]  }
0x28: {  	s2 =	sld [smem:$0x3FB0]  }
0x29: {  	s4 =	sld [smem:$0x3FB2]  }
0x2a: {  	p0 =	seq.s32 s5, $0x0;
	s5 =	sld [smem:$0x3FB3]  }
0x2b: {  	s6 =	sld [smem:$0x3FB4]  }
0x2c: {  	s7 =	sld [smem:$0x3FB5]  }
0x2d: {  	s3 =	simm.s32 $0x108;
	s8 =	sld [smem:$0x3FB6]  }
0x2e: {  	s3 =	simm.s32 @!p0 $0x1082;
	s9 =	sld [smem:$0x3FB7]  }
0x2f: {  	lr =	sadd.s32 s0, s3;
	s0 =	sld [smem:$0x3FAE]  }
0x30: {  	s3 =	sld [smem:$0x3FB1]  }
0x31: {  	[smem:$0x3FBA] =	sst s10  }
0x32: {  	s10 =	sld [smem:$0x3FB8];
	_ =	sdelay $0x3  }
0x33: {  	p0 =	seq.s32 s10, $0x1;
	s10 =	sld [smem:$0x3FBA];
	_ =	sdelay $0x3  }
0x34: {  	[smem:$0x3FBA] =	sst s10  }
0x35: {  	s10 =	sld [smem:$0x3FB9];
	_ =	sdelay $0x3  }
0x36: {  	p1 =	seq.s32 s10, $0x1;
	s10 =	sld [smem:$0x3FBA];
	_ =	sdelay $0x3  }
0x37: {  	[smem:$0x3FBA] =	sst s10  }
0x38: {  	s10 =	sld [smem:$0x3FBB]  }
0x39: {  	_ = 	snop;
	(pc) =	sbr.ind lr, $3  }
0x3a: {  	_ = 	snop  }
0x3b: {  	_ = 	snop  }
0x3c: {  	p2 =	seq.s32 s10, $0x1;
	s10 =	sld [smem:$0x3FBA]  }
0x3d: {  	_ =	shalt  }
0x3e: {  	_ =	shalt  }
0x3f: {  	_ =	shalt  }
0x40: {  	_ =	shalt  }
0x41: {  	_ =	shalt  }
0x42: {  	_ =	shalt  }
0x43: {  	_ =	shalt  }
0x44: {  	_ =	shalt  }
0x45: {  	_ =	shalt  }
0x46: {  	_ =	shalt  }
0x47: {  	_ =	shalt  }
0x48: {  	_ =	shalt  }
0x49: {  	_ =	shalt  }
0x4a: {  	_ =	shalt  }
0x4b: {  	_ =	shalt  }
0x4c: {  	_ =	shalt  }
0x4d: {  	_ =	shalt  }
0x4e: {  	_ =	shalt  }
0x4f: {  	_ =	shalt  }
0x50: {  	_ =	shalt  }
0x51: {  	_ =	shalt  }
0x52: {  	_ =	shalt  }
0x53: {  	_ =	shalt  }
0x54: {  	_ =	shalt  }
0x55: {  	_ =	shalt  }
0x56: {  	_ =	shalt  }
0x57: {  	_ =	shalt  }
0x58: {  	_ =	shalt  }
0x59: {  	_ =	shalt  }
0x5a: {  	_ =	shalt  }
0x5b: {  	_ =	shalt  }
0x5c: {  	_ =	shalt  }
0x5d: {  	_ =	shalt  }
0x5e: {  	_ =	shalt  }
0x5f: {  	_ =	shalt  }
0x60: {  	_ =	shalt  }
0x61: {  	_ =	shalt  }
0x62: {  	_ =	shalt  }
0x63: {  	_ =	shalt  }
0x64: {  	_ =	shalt  }
0x65: {  	_ =	shalt  }
0x66: {  	_ =	shalt  }
0x67: {  	_ =	shalt  }
0x68: {  	_ =	shalt  }
0x69: {  	_ =	shalt  }
0x6a: {  	_ =	shalt  }
0x6b: {  	_ =	shalt  }
0x6c: {  	_ =	shalt  }
0x6d: {  	_ =	shalt  }
0x6e: {  	_ =	shalt  }
0x6f: {  	_ =	shalt  }
0x70: {  	_ =	shalt  }
0x71: {  	_ =	shalt  }
0x72: {  	_ =	shalt  }
0x73: {  	_ =	shalt  }
0x74: {  	_ =	shalt  }
0x75: {  	_ =	shalt  }
0x76: {  	_ =	shalt  }
0x77: {  	_ =	shalt  }
0x78: {  	_ =	shalt  }
0x79: {  	_ =	shalt  }
0x7a: {  	_ =	shalt  }
0x7b: {  	_ =	shalt  }
0x7c: {  	_ =	shalt  }
0x7d: {  	_ =	shalt  }
0x7e: {  	_ =	shalt  }
0x7f: {  	_ =	shalt  }
0x80: {  	_ =	shalt  }
0x81: {  	_ =	shalt  }
0x82: {  	_ =	shalt  }
0x83: {  	_ =	shalt  }
0x84: {  	_ =	shalt  }
0x85: {  	_ =	shalt  }
0x86: {  	_ =	shalt  }
0x87: {  	_ =	shalt  }
.Lfunc_end0:
.L_simem_size_0:
called_computation.1_lowered:
.L_overlay_start_0:
0x88: {  	s2 =	sld [smem:$0x3FD9]  }
0x89: {  	s3 =	sld [smem:$0x3FFE];
	_ =	sdelay $0x1  }
0x8a: {  	s1 =	srdreg.scid  }
0x8b: {  	s0 =	sand.u32 $0x1, s1  }
0x8c: {  	s17 =	sshll.u32 s0, $0xA;
	s2 =	sadd.s32 s3, s2  }
0x8d: {  	s2 =	sadd.s32 s2, s17  }
0x8e: {  	[smem:$0x3FC6] =	sst s2  }
0x8f: {  	_ = 	snop  }
0x90: {  	s2 =	sld [smem:$0x3FC8];
	(tm) =	ssettm $0x1  }
0x91: {  	s18 =	sld [smem:$0x3FFB];
	_ =	sdelay $0x3  }
0x92: {  	_ =	strace s18  }
0x93: {  	s3 =	sld [smem:$0x3FFC];
	_ =	sdelay $0x3  }
0x94: {  	_ =	strace s3  }
0x95: {  	s3 =	sld [smem:$0x3FFD];
	_ =	sdelay $0x3  }
0x96: {  	_ =	strace s3  }
0x97: {  	_ =	strace $0x8FFFFFFF  }
0x98: {  	s19 =	sld [smem:$0x3FDB];
	_ =	sdelay $0x1  }
0x99: {  	s4 =	simm.s32 $_scs_section_size  }
0x9a: {  	s5 =	simm.s32 $_size__tile_overlayer_lowered;
	s6 =	simm.s32 $_tile_overlayer_lowered  }
0x9b: {  	s22 =	simm.s32 $0x1BFF;
	s21 =	sshll.u32 s6, $0x1;
	s3 =	sadd.s32 s4, s19  }
0x9c: {  	s7 =	simm.s32 $0x0;
	s20 =	sshll.u32 s5, $0x1;
	s5 =	sadd.s32 s21, s3  }
0x9d: {  	[timem:s7], [sflag:s22] =	dma.local [hbm:s5], s20  }
0x9e: {  	_ =	swait.ge [sflag:s22], s20  }
0x9f: {  	s4 =	ssub.s32 $0x0, s20;
	[sflag:s22] =	ssyncset.done $0x0  }
0xa0: {  	[sflag:s22] =	ssyncadd.s32 s4;
	_ =	sdelay $0x1  }
0xa1: {  	s23 =	simm.s32 $0x1B8B  }
0xa2: {  	_ =	swait.ge [sflag:s23], $0x1  }
0xa3: {  	[sflag:s23] =	ssyncset.done $0x0  }
0xa4: {  	s25 =	simm.s32 $0x1B8E;
	s24 =	sld [smem:$0x3FFE];
	[sflag:s23] =	ssyncadd.s32 $0xFFFFFFFF  }
0xa5: {  	s26 =	simm.s32 $execute0_lowered;
	[smem:$0x3FD2] =	sst s25  }
0xa6: {  	s5 =	sshll.u32 s26, $0x1;
	_ =	strace $0x80000046;
	[dreg:$0x1] =	wrdreg $0xFFFFFFFF  }
0xa7: {  	s28 =	simm.s32 $_size_execute0_lowered;
	s3 =	sadd.s32 s3, s5;
	[dreg:$0x0] =	wrdreg $0x0  }
0xa8: {  	s5 =	sshll.u32 s28, $0x1;
	[dreg:$0x2] =	wrdreg s3  }
0xa9: {  	[dreg:$0x3] =	wrdreg s5  }
0xaa: {  	[dreg:$0x4] =	wrdreg $0xC0  }
0xab: {  	_ =	task [dreg:s7], $0x5FFFF  }
0xac: {  	[dreg:$0x1] =	wrdreg $0xFFFFFFFF  }
0xad: {  	[dreg:$0x0] =	wrdreg $0x60  }
0xae: {  	[dreg:$0x2] =	wrdreg s2  }
0xaf: {  	[dreg:$0x3] =	wrdreg s24  }
0xb0: {  	[dreg:$0x4] =	wrdreg $0x142800  }
0xb1: {  	[dreg:$0x5] =	wrdreg $0xA  }
0xb2: {  	_ =	task.clear_ibuf [dreg:s7], $0x6FFFF;
	_ =	strace $0x90000046  }
0xb3: {  	s29 =	simm.s32 $0xA;
	_ =	strace $0x80000048  }
0xb4: {  	_ =	swait.ge [sflag:s29], $0x1  }
0xb5: {  	[sflag:s29] =	ssyncadd.s32 $0xFFFFFFFF  }
0xb6: {  	_ =	strace $0x90000048  }
0xb7: {  	_ =	sfence  }
0xb8: {  	s30 =	sld [smem:$0x0];
	_ =	sdelay $0x2  }
0xb9: {  	s31 =	sshll.u32 s1, $0xD;
	s1 =	sshrl.u32 s1, $0x2  }
0xba: {  	s3 =	sand.u32 $0x4000, s31;
	s1 =	sadd.s32 s1, s30  }
0xbb: {  	s0 =	sor.u32 s3, s0;
	s1 =	sshll.u32 s1, $0x11  }
0xbc: {  	s0 =	sor.u32 s1, s0  }
0xbd: {  	s0 =	sadd.s32 $0x8F2B, s0  }
0xbe: {  	[sflag:s0] =	ssyncadd.remote.s32 $0x1  }
0xbf: {  	_ =	sfence.sel $0xFFFF  }
0xc0: {  	[dreg:$0x0] =	wrdreg $0xFFFFFFFF;
	(pc) =	sbr.abs _section_cstart, $3  }
0xc1: {  	[dreg:$0x1] =	wrdreg $0xFFFFFFFF  }
0xc2: {  	_ =	task.clear_ibuf [dreg:s7], $0x2FFFF;
	_ =	strace $0x9FFFFFFF  }
0xc3: {  	(tm) =	ssettm $0x7FFFFFFF  }
tec
execute0_lowered:
.L_overlay_start_1:
0x0: {  	(tag) =	ssettag $0x1  }
0x1: {  	s0 =	rddreg [dreg:$0x0]  }
0x2: {  	s2 =	srdreg.scid;
	s5 =	stileid.u32  }
0x3: {  	s4 =	rddreg [dreg:$0x1];
	s6 =	sand.u32 $0x1, s2;
	s3 =	sshll.u32 s5, $0x1  }
0x4: {  	s1 =	rddreg [dreg:$0x2];
	s2 =	simm.s32 $0x0;
	s7 =	sor.u32 s6, s3  }
0x5: {  	[smem:$0x7FF] =	sst s2;
	s3 =	sshll.u32 s7, $0x4;
	s10 =	sshll.u32 s7, $0xB  }
0x6: {  	_ =	strace $0x80000047;
	s10 =	sadd.s32 s10, s0;
	s0 =	sadd.s32 $0x186800, s0  }
0x7: {  	s8 =	sadd.s32 s3, s4;
	s20 =	sadd.s32 $0xC0000, s10;
	[dreg:$0x14] =	wrdreg s0  }
0x8: {  	s21 =	sadd.s32 $0x1400, s8;
	[dreg:$0x4] =	wrdreg s20  }
0x9: {  	p0 =	sne.s32 s5, $0x0;
	s22 =	sadd.s32 $0xD0000, s10;
	[dreg:$0x5] =	wrdreg s21  }
0xa: {  	s5 =	simm.s32 $0x8000;
	s23 =	sadd.s32 $0x1600, s8;
	[dreg:$0x6] =	wrdreg s22  }
0xb: {  	s9 =	sshll.u32 s6, $0xB;
	s24 =	sadd.s32 $0xE0000, s10;
	[dreg:$0x7] =	wrdreg s23  }
0xc: {  	s6 =	ssub.s32 $0x2, s6;
	s25 =	sadd.s32 $0x1800, s8;
	[dreg:$0x8] =	wrdreg s24  }
0xd: {  	s9 =	sadd.s32 s9, s4;
	s26 =	sadd.s32 $0xF0000, s10;
	[dreg:$0x9] =	wrdreg s25  }
0xe: {  	s11 =	sshrl.u32 s6, $0x1;
	s28 =	sadd.s32 $0x1A00, s8;
	[dreg:$0xa] =	wrdreg s26  }
0xf: {  	p1 =	sgt.u32 s7, $0xC;
	s12 =	sadd.s32 $0x100000, s10;
	[dreg:$0xb] =	wrdreg s28  }
0x10: {  	p2 =	sne.s32 s7, $0x1F;
	s13 =	sadd.s32 $0x110000, s10;
	[dreg:$0xc] =	wrdreg s12  }
0x11: {  	s7 =	simm.s32 $0x1;
	s14 =	sadd.s32 $0x120000, s10;
	[dreg:$0xd] =	wrdreg s13  }
0x12: {  	s3 =	sadd.s32 $0x2E00, s4;
	s15 =	sadd.s32 $0x130000, s10;
	[dreg:$0xe] =	wrdreg s14  }
0x13: {  	s6 =	ssub.s32 s6, s11;
	s16 =	sadd.s32 $0x140000, s10;
	[dreg:$0xf] =	wrdreg s15  }
0x14: {  	s11 =	simm.s32 $0x10180;
	s17 =	sadd.s32 $0x150000, s10;
	[dreg:$0x10] =	wrdreg s16  }
0x15: {  	s18 =	sadd.s32 $0x160000, s10;
	s19 =	sadd.s32 $0x170000, s10;
	[dreg:$0x11] =	wrdreg s17  }
0x16: {  	s29 =	sadd.s32 $0x2600, s8;
	s30 =	sadd.s32 $0x2800, s8;
	[dreg:$0x12] =	wrdreg s18  }
0x17: {  	s31 =	sadd.s32 $0x2A00, s8;
	s0 =	simm.s32 $0x4000;
	[dreg:$0x13] =	wrdreg s19  }
0x18: {  	s20 =	sadd.s32 $0x2CD0, s4;
	s21 =	sadd.s32 $0x180000, s10;
	s22 =	sadd.s32 $0x1C00, s8  }
0x19: {  	s23 =	sadd.s32 $0x1E00, s8;
	s24 =	sadd.s32 $0x2000, s8;
	s25 =	sadd.s32 $0x2200, s8  }
0x1a: {  	s26 =	sadd.s32 $0x2400, s8;
	s28 =	sadd.s32 $0x2C00, s8;
	[dreg:$0x15] =	wrdreg s20  }
0x1b: {  	s4 =	simm.s32 $0x10080;
	s8 =	simm.s32 $0x5;
	[dreg:$0x16] =	wrdreg s21  }
0x1c: {  	s10 =	simm.s32 $0xC000;
	s12 =	simm.s32 $0x2;
	[dreg:$0x17] =	wrdreg s22  }
0x1d: {  	s13 =	simm.s32 $0x6;
	s14 =	simm.s32 $0x9;
	[dreg:$0x18] =	wrdreg s23  }
0x1e: {  	s15 =	simm.s32 $0x3;
	s16 =	simm.s32 $0x7;
	[dreg:$0x19] =	wrdreg s24  }
.Ltmp0:
0x1f: {  	s17 =	simm.s32 $0xA;
	[dreg:$0x1a] =	wrdreg s25;
	(pc) =	sbr.rel .LBB2_1-.Ltmp0, $4  }
0x20: {  	s18 =	simm.s32 $0x4;
	s19 =	simm.s32 $0x8;
	[dreg:$0x1b] =	wrdreg s26  }
0x21: {  	[dreg:$0x1c] =	wrdreg s28;
	s20 =	sadd.s32 $0x3600, s9;
	s21 =	smax.u32 s6, $0x1  }
0x22: {  	s22 =	simm.s32 $0x10000;
	s6 =	simm.s32 $0x10100;
	s9 =	simm.s32 $0x80  }
0x23: {  	s23 =	simm.s32 $0xB;
	s24 =	simm.s32 $0xC;
	s25 =	simm.s32 $0xD  }
.LBB2_2:
0x24: {  	s28 =	rddreg [dreg:$0x16]  }
0x25: {  	[tilespmem:s2], [sflag:$0xD] =	stream.linear.gather [hbm4b:s28+s2], $0x4000, $0x38;
	[tilespmem:$0x14680] =	vst v63  }
0x26: {  	_ =	swait.ge [sflag:s25], $0x4000  }
0x27: {  	[sflag:s25] =	ssyncset.done $0x0  }
0x28: {  	s28 =	rddreg [dreg:$0x1c];
	[sflag:s25] =	ssyncadd.s32 $0xFFFFC000  }
0x29: {  	[tilespmem:s22], [sflag:$0xD] =	stream.linear.gather [hbm4b:s28+s2], $0x80, $0x38;
	[tilespmem:$0x14680] =	vst v63  }
0x2a: {  	_ =	swait.ge [sflag:s25], $0x80  }
0x2b: {  	[sflag:s25] =	ssyncset.done $0x0  }
0x2c: {  	[sflag:s25] =	ssyncadd.s32 $0xFFFFFF80  }
0x2d: {  	[spmem:s1] =	stream.indirect.scatter.add.f32 [tilespmem:s2], [sflag:$0xD], $0x80, s22, s9, $0xb8;
	[tilespmem:$0x14680] =	vst v63  }
.LBB2_5:
0x2e: {  	_ =	swait.ge [sflag:s25], $0x4000  }
0x2f: {  	[sflag:s25] =	ssyncset.done $0x0  }
0x30: {  	[sflag:s25] =	ssyncadd.s32 $0xFFFFC000  }
.LBB2_6:
0x31: {  	[bflag:$0x0] =	sbarrier.arrive $0xFFFF;
	s28 =	simm.s32 @!p0 $0x1C0D;
	s21 =	sadd.s32 $0xFFFFFFFF, s21  }
0x32: {  	[hbm:s20], [sflag:s28] =	dma.local @!p0 [spmem:s26], $0x800  }
0x33: {  	p3 =	sne.s32 s21, $0x0  }
.Ltmp1:
0x34: {  	_ = 	snop;
	(pc) =	sbr.rel @!p3 .LBB2_7-.Ltmp1, $4  }
0x35: {  	s26 =	simm.s32 @!p0 $0xD  }
0x36: {  	_ =	swait.ge @!p0 [sflag:s26], $0x800  }
0x37: {  	[sflag:s26] =	ssyncset.done @!p0 $0x0  }
0x38: {  	[sflag:s26] =	ssyncadd.s32 @!p0 $0xFFFFF800  }
.LBB2_1:
0x39: {  	s26 =	sshrl.u32 @!p0 s1, $0x3;
	s28 =	simm.s32 @!p0 $0x1C0D  }
0x3a: {  	[spmem:s26], [sflag:s28] =	dma.local @!p0 [hbm:s3], $0x800  }
0x3b: {  	s28 =	simm.s32 @!p0 $0xD  }
0x3c: {  	_ =	swait.ge @!p0 [sflag:s28], $0x800  }
0x3d: {  	[sflag:s28] =	ssyncset.done @!p0 $0x0  }
0x3e: {  	[sflag:s28] =	ssyncadd.s32 @!p0 $0xFFFFF800  }
0x3f: {  	[bflag:$0x0] =	sbarrier.arrive $0xFFFF  }
0x40: {  	s28 =	rddreg [dreg:$0x4]  }
0x41: {  	[tilespmem:s2], [sflag:$0x1] =	stream.linear.gather [hbm4b:s28+s2], $0x4000, $0x38;
	[tilespmem:$0x14680] =	vst v63  }
0x42: {  	s28 =	rddreg [dreg:$0x5]  }
0x43: {  	[tilespmem:s22], [sflag:$0x5] =	stream.linear.gather [hbm4b:s28+s2], $0x80, $0x38;
	[tilespmem:$0x14680] =	vst v63  }
0x44: {  	s28 =	rddreg [dreg:$0x6]  }
0x45: {  	[tilespmem:s0], [sflag:$0x2] =	stream.linear.gather [hbm4b:s28+s2], $0x4000, $0x38;
	[tilespmem:$0x14680] =	vst v63  }
0x46: {  	s28 =	rddreg [dreg:$0x7]  }
0x47: {  	[tilespmem:s4], [sflag:$0x6] =	stream.linear.gather [hbm4b:s28+s2], $0x80, $0x38;
	[tilespmem:$0x14680] =	vst v63  }
0x48: {  	s28 =	rddreg [dreg:$0x8]  }
0x49: {  	[tilespmem:s5], [sflag:$0x3] =	stream.linear.gather [hbm4b:s28+s2], $0x4000, $0x38;
	[tilespmem:$0x14680] =	vst v63  }
0x4a: {  	s28 =	rddreg [dreg:$0x9]  }
0x4b: {  	[tilespmem:s6], [sflag:$0x7] =	stream.linear.gather [hbm4b:s28+s2], $0x80, $0x38;
	[tilespmem:$0x14680] =	vst v63  }
0x4c: {  	_ =	swait.ge [sflag:s7], $0x4000  }
0x4d: {  	[sflag:s7] =	ssyncset.done $0x0  }
0x4e: {  	[sflag:s7] =	ssyncadd.s32 $0xFFFFC000  }
0x4f: {  	_ =	swait.ge [sflag:s8], $0x80  }
0x50: {  	[sflag:s8] =	ssyncset.done $0x0  }
0x51: {  	[sflag:s8] =	ssyncadd.s32 $0xFFFFFF80  }
0x52: {  	[spmem:s1] =	stream.indirect.scatter.add.f32 [tilespmem:s2], [sflag:$0x9], $0x80, s22, s9, $0xb8;
	[tilespmem:$0x14680] =	vst v63  }
0x53: {  	s28 =	rddreg [dreg:$0xa]  }
0x54: {  	[tilespmem:s10], [sflag:$0x4] =	stream.linear.gather [hbm4b:s28+s2], $0x4000, $0x38;
	[tilespmem:$0x14680] =	vst v63  }
0x55: {  	s28 =	rddreg [dreg:$0xb]  }
0x56: {  	[tilespmem:s11], [sflag:$0x8] =	stream.linear.gather [hbm4b:s28+s2], $0x80, $0x38;
	[tilespmem:$0x14680] =	vst v63  }
0x57: {  	_ =	swait.ge [sflag:s12], $0x4000  }
0x58: {  	[sflag:s12] =	ssyncset.done $0x0  }
0x59: {  	[sflag:s12] =	ssyncadd.s32 $0xFFFFC000  }
0x5a: {  	_ =	swait.ge [sflag:s13], $0x80  }
0x5b: {  	[sflag:s13] =	ssyncset.done $0x0  }
0x5c: {  	[sflag:s13] =	ssyncadd.s32 $0xFFFFFF80  }
0x5d: {  	[spmem:s1] =	stream.indirect.scatter.add.f32 [tilespmem:s0], [sflag:$0xA], $0x80, s4, s9, $0xb8;
	[tilespmem:$0x14680] =	vst v63  }
0x5e: {  	_ =	swait.ge [sflag:s14], $0x4000  }
0x5f: {  	[sflag:s14] =	ssyncset.done $0x0  }
0x60: {  	s28 =	rddreg [dreg:$0xc];
	[sflag:s14] =	ssyncadd.s32 $0xFFFFC000  }
0x61: {  	[tilespmem:s2], [sflag:$0x1] =	stream.linear.gather [hbm4b:s28+s2], $0x4000, $0x38;
	[tilespmem:$0x14680] =	vst v63  }
0x62: {  	s28 =	rddreg [dreg:$0x17]  }
0x63: {  	[tilespmem:s22], [sflag:$0x5] =	stream.linear.gather [hbm4b:s28+s2], $0x80, $0x38;
	[tilespmem:$0x14680] =	vst v63  }
0x64: {  	_ =	swait.ge [sflag:s15], $0x4000  }
0x65: {  	[sflag:s15] =	ssyncset.done $0x0  }
0x66: {  	[sflag:s15] =	ssyncadd.s32 $0xFFFFC000  }
0x67: {  	_ =	swait.ge [sflag:s16], $0x80  }
0x68: {  	[sflag:s16] =	ssyncset.done $0x0  }
0x69: {  	[sflag:s16] =	ssyncadd.s32 $0xFFFFFF80  }
0x6a: {  	[spmem:s1] =	stream.indirect.scatter.add.f32 [tilespmem:s5], [sflag:$0xB], $0x80, s6, s9, $0xb8;
	[tilespmem:$0x14680] =	vst v63  }
0x6b: {  	_ =	swait.ge [sflag:s17], $0x4000  }
0x6c: {  	[sflag:s17] =	ssyncset.done $0x0  }
0x6d: {  	s28 =	rddreg [dreg:$0xd];
	[sflag:s17] =	ssyncadd.s32 $0xFFFFC000  }
0x6e: {  	[tilespmem:s0], [sflag:$0x2] =	stream.linear.gather [hbm4b:s28+s2], $0x4000, $0x38;
	[tilespmem:$0x14680] =	vst v63  }
0x6f: {  	s28 =	rddreg [dreg:$0x18]  }
0x70: {  	[tilespmem:s4], [sflag:$0x6] =	stream.linear.gather [hbm4b:s28+s2], $0x80, $0x38;
	[tilespmem:$0x14680] =	vst v63  }
0x71: {  	_ =	swait.ge [sflag:s18], $0x4000  }
0x72: {  	[sflag:s18] =	ssyncset.done $0x0  }
0x73: {  	[sflag:s18] =	ssyncadd.s32 $0xFFFFC000  }
0x74: {  	_ =	swait.ge [sflag:s19], $0x80  }
0x75: {  	[sflag:s19] =	ssyncset.done $0x0  }
0x76: {  	[sflag:s19] =	ssyncadd.s32 $0xFFFFFF80  }
0x77: {  	[spmem:s1] =	stream.indirect.scatter.add.f32 [tilespmem:s10], [sflag:$0xC], $0x80, s11, s9, $0xb8;
	[tilespmem:$0x14680] =	vst v63  }
0x78: {  	_ =	swait.ge [sflag:s23], $0x4000  }
0x79: {  	[sflag:s23] =	ssyncset.done $0x0  }
0x7a: {  	s28 =	rddreg [dreg:$0xe];
	[sflag:s23] =	ssyncadd.s32 $0xFFFFC000  }
0x7b: {  	[tilespmem:s5], [sflag:$0x3] =	stream.linear.gather [hbm4b:s28+s2], $0x4000, $0x38;
	[tilespmem:$0x14680] =	vst v63  }
0x7c: {  	s28 =	rddreg [dreg:$0x19]  }
0x7d: {  	[tilespmem:s6], [sflag:$0x7] =	stream.linear.gather [hbm4b:s28+s2], $0x80, $0x38;
	[tilespmem:$0x14680] =	vst v63  }
0x7e: {  	_ =	swait.ge [sflag:s7], $0x4000  }
0x7f: {  	[sflag:s7] =	ssyncset.done $0x0  }
0x80: {  	[sflag:s7] =	ssyncadd.s32 $0xFFFFC000  }
0x81: {  	_ =	swait.ge [sflag:s8], $0x80  }
0x82: {  	[sflag:s8] =	ssyncset.done $0x0  }
0x83: {  	[sflag:s8] =	ssyncadd.s32 $0xFFFFFF80  }
0x84: {  	[spmem:s1] =	stream.indirect.scatter.add.f32 [tilespmem:s2], [sflag:$0x9], $0x80, s22, s9, $0xb8;
	[tilespmem:$0x14680] =	vst v63  }
0x85: {  	_ =	swait.ge [sflag:s24], $0x4000  }
0x86: {  	[sflag:s24] =	ssyncset.done $0x0  }
0x87: {  	s28 =	rddreg [dreg:$0xf];
	[sflag:s24] =	ssyncadd.s32 $0xFFFFC000  }
0x88: {  	[tilespmem:s10], [sflag:$0x4] =	stream.linear.gather [hbm4b:s28+s2], $0x4000, $0x38;
	[tilespmem:$0x14680] =	vst v63  }
0x89: {  	s28 =	rddreg [dreg:$0x1a]  }
0x8a: {  	[tilespmem:s11], [sflag:$0x8] =	stream.linear.gather [hbm4b:s28+s2], $0x80, $0x38;
	[tilespmem:$0x14680] =	vst v63  }
0x8b: {  	_ =	swait.ge [sflag:s12], $0x4000  }
0x8c: {  	[sflag:s12] =	ssyncset.done $0x0  }
0x8d: {  	[sflag:s12] =	ssyncadd.s32 $0xFFFFC000  }
0x8e: {  	_ =	swait.ge [sflag:s13], $0x80  }
0x8f: {  	[sflag:s13] =	ssyncset.done $0x0  }
0x90: {  	[sflag:s13] =	ssyncadd.s32 $0xFFFFFF80  }
0x91: {  	[spmem:s1] =	stream.indirect.scatter.add.f32 [tilespmem:s0], [sflag:$0xA], $0x80, s4, s9, $0xb8;
	[tilespmem:$0x14680] =	vst v63  }
0x92: {  	_ =	swait.ge [sflag:s14], $0x4000  }
0x93: {  	[sflag:s14] =	ssyncset.done $0x0  }
0x94: {  	s28 =	rddreg [dreg:$0x10];
	[sflag:s14] =	ssyncadd.s32 $0xFFFFC000  }
0x95: {  	[tilespmem:s2], [sflag:$0x1] =	stream.linear.gather [hbm4b:s28+s2], $0x4000, $0x38;
	[tilespmem:$0x14680] =	vst v63  }
0x96: {  	s28 =	rddreg [dreg:$0x1b]  }
0x97: {  	[tilespmem:s22], [sflag:$0x5] =	stream.linear.gather [hbm4b:s28+s2], $0x80, $0x38;
	[tilespmem:$0x14680] =	vst v63  }
0x98: {  	_ =	swait.ge [sflag:s15], $0x4000  }
0x99: {  	[sflag:s15] =	ssyncset.done $0x0  }
0x9a: {  	[sflag:s15] =	ssyncadd.s32 $0xFFFFC000  }
0x9b: {  	_ =	swait.ge [sflag:s16], $0x80  }
0x9c: {  	[sflag:s16] =	ssyncset.done $0x0  }
0x9d: {  	[sflag:s16] =	ssyncadd.s32 $0xFFFFFF80  }
0x9e: {  	[spmem:s1] =	stream.indirect.scatter.add.f32 [tilespmem:s5], [sflag:$0xB], $0x80, s6, s9, $0xb8;
	[tilespmem:$0x14680] =	vst v63  }
0x9f: {  	_ =	swait.ge [sflag:s17], $0x4000  }
0xa0: {  	[sflag:s17] =	ssyncset.done $0x0  }
0xa1: {  	s28 =	rddreg [dreg:$0x11];
	[sflag:s17] =	ssyncadd.s32 $0xFFFFC000  }
0xa2: {  	[tilespmem:s0], [sflag:$0x2] =	stream.linear.gather [hbm4b:s28+s2], $0x4000, $0x38;
	[tilespmem:$0x14680] =	vst v63  }
0xa3: {  	_ = 	snop  }
0xa4: {  	[tilespmem:s4], [sflag:$0x6] =	stream.linear.gather [hbm4b:s29+s2], $0x80, $0x38;
	[tilespmem:$0x14680] =	vst v63  }
0xa5: {  	_ =	swait.ge [sflag:s18], $0x4000  }
0xa6: {  	[sflag:s18] =	ssyncset.done $0x0  }
0xa7: {  	[sflag:s18] =	ssyncadd.s32 $0xFFFFC000  }
0xa8: {  	_ =	swait.ge [sflag:s19], $0x80  }
0xa9: {  	[sflag:s19] =	ssyncset.done $0x0  }
0xaa: {  	[sflag:s19] =	ssyncadd.s32 $0xFFFFFF80  }
0xab: {  	[spmem:s1] =	stream.indirect.scatter.add.f32 [tilespmem:s10], [sflag:$0xC], $0x80, s11, s9, $0xb8;
	[tilespmem:$0x14680] =	vst v63  }
0xac: {  	_ =	swait.ge [sflag:s23], $0x4000  }
0xad: {  	[sflag:s23] =	ssyncset.done $0x0  }
0xae: {  	s28 =	rddreg [dreg:$0x12];
	[sflag:s23] =	ssyncadd.s32 $0xFFFFC000  }
0xaf: {  	[tilespmem:s5], [sflag:$0x3] =	stream.linear.gather [hbm4b:s28+s2], $0x4000, $0x38;
	[tilespmem:$0x14680] =	vst v63  }
0xb0: {  	_ = 	snop  }
0xb1: {  	[tilespmem:s6], [sflag:$0x7] =	stream.linear.gather [hbm4b:s30+s2], $0x80, $0x38;
	[tilespmem:$0x14680] =	vst v63  }
0xb2: {  	_ =	swait.ge [sflag:s7], $0x4000  }
0xb3: {  	[sflag:s7] =	ssyncset.done $0x0  }
0xb4: {  	[sflag:s7] =	ssyncadd.s32 $0xFFFFC000  }
0xb5: {  	_ =	swait.ge [sflag:s8], $0x80  }
0xb6: {  	[sflag:s8] =	ssyncset.done $0x0  }
0xb7: {  	[sflag:s8] =	ssyncadd.s32 $0xFFFFFF80  }
0xb8: {  	[spmem:s1] =	stream.indirect.scatter.add.f32 [tilespmem:s2], [sflag:$0x9], $0x80, s22, s9, $0xb8;
	[tilespmem:$0x14680] =	vst v63  }
0xb9: {  	_ =	swait.ge [sflag:s24], $0x4000  }
0xba: {  	[sflag:s24] =	ssyncset.done $0x0  }
0xbb: {  	s28 =	rddreg [dreg:$0x13];
	[sflag:s24] =	ssyncadd.s32 $0xFFFFC000  }
0xbc: {  	[tilespmem:s10], [sflag:$0x4] =	stream.linear.gather [hbm4b:s28+s2], $0x4000, $0x38;
	[tilespmem:$0x14680] =	vst v63  }
0xbd: {  	_ = 	snop  }
0xbe: {  	[tilespmem:s11], [sflag:$0x8] =	stream.linear.gather [hbm4b:s31+s2], $0x80, $0x38;
	[tilespmem:$0x14680] =	vst v63  }
0xbf: {  	_ =	swait.ge [sflag:s12], $0x4000  }
0xc0: {  	[sflag:s12] =	ssyncset.done $0x0  }
0xc1: {  	[sflag:s12] =	ssyncadd.s32 $0xFFFFC000  }
0xc2: {  	_ =	swait.ge [sflag:s13], $0x80  }
0xc3: {  	[sflag:s13] =	ssyncset.done $0x0  }
0xc4: {  	[sflag:s13] =	ssyncadd.s32 $0xFFFFFF80  }
0xc5: {  	[spmem:s1] =	stream.indirect.scatter.add.f32 [tilespmem:s0], [sflag:$0xA], $0x80, s4, s9, $0xb8;
	[tilespmem:$0x14680] =	vst v63  }
0xc6: {  	_ =	swait.ge [sflag:s15], $0x4000  }
0xc7: {  	[sflag:s15] =	ssyncset.done $0x0  }
0xc8: {  	[sflag:s15] =	ssyncadd.s32 $0xFFFFC000  }
0xc9: {  	_ =	swait.ge [sflag:s16], $0x80  }
0xca: {  	[sflag:s16] =	ssyncset.done $0x0  }
0xcb: {  	[sflag:s16] =	ssyncadd.s32 $0xFFFFFF80  }
0xcc: {  	[spmem:s1] =	stream.indirect.scatter.add.f32 [tilespmem:s5], [sflag:$0xB], $0x80, s6, s9, $0xb8;
	[tilespmem:$0x14680] =	vst v63  }
0xcd: {  	_ =	swait.ge [sflag:s18], $0x4000  }
0xce: {  	[sflag:s18] =	ssyncset.done $0x0  }
0xcf: {  	[sflag:s18] =	ssyncadd.s32 $0xFFFFC000  }
0xd0: {  	_ =	swait.ge [sflag:s19], $0x80  }
0xd1: {  	[sflag:s19] =	ssyncset.done $0x0  }
0xd2: {  	[sflag:s19] =	ssyncadd.s32 $0xFFFFFF80  }
0xd3: {  	[spmem:s1] =	stream.indirect.scatter.add.f32 [tilespmem:s10], [sflag:$0xC], $0x80, s11, s9, $0xb8;
	[tilespmem:$0x14680] =	vst v63  }
0xd4: {  	_ =	swait.ge [sflag:s14], $0x4000  }
0xd5: {  	[sflag:s14] =	ssyncset.done $0x0  }
0xd6: {  	[sflag:s14] =	ssyncadd.s32 $0xFFFFC000  }
0xd7: {  	_ =	swait.ge [sflag:s17], $0x4000  }
0xd8: {  	[sflag:s17] =	ssyncset.done $0x0  }
0xd9: {  	[sflag:s17] =	ssyncadd.s32 $0xFFFFC000  }
0xda: {  	_ =	swait.ge [sflag:s23], $0x4000  }
.Ltmp2:
0xdb: {  	[sflag:s23] =	ssyncset.done $0x0;
	(pc) =	sbr.rel @!p1 .LBB2_2-.Ltmp2, $4  }
0xdc: {  	[sflag:s23] =	ssyncadd.s32 $0xFFFFC000  }
0xdd: {  	_ =	swait.ge [sflag:s24], $0x4000  }
0xde: {  	[sflag:s24] =	ssyncset.done $0x0  }
0xdf: {  	[sflag:s24] =	ssyncadd.s32 $0xFFFFC000  }
.Ltmp3:
0xe0: {  	(pc) =	sbr.rel @p2 .LBB2_6-.Ltmp3, $1  }
0xe1: {  	_ =	sdelay $0x3  }
0xe2: {  	s0 =	smov.u32 s20;
	s20 =	smov.u32 s31  }
0xe3: {  	s31 =	smov.u32 s30;
	s30 =	smov.u32 s29;
	s29 =	simm.s32 $0x10200  }
0xe4: {  	[tilespmem:s29], [sflag:$0xD] =	stream.linear.gather [hbm4b:s3+s2], $0x4000, $0x38;
	[tilespmem:$0x14680] =	vst v63  }
0xe5: {  	_ =	swait.ge [sflag:s25], $0x4000  }
0xe6: {  	[sflag:s25] =	ssyncset.done $0x0  }
0xe7: {  	s28 =	rddreg [dreg:$0x14];
	[sflag:s25] =	ssyncadd.s32 $0xFFFFC000  }
0xe8: {  	[tilespmem:s29], [sflag:$0xD] =	stream.linear.gather [hbm4b:s28+s2], $0x1000, $0x38;
	[tilespmem:$0x14680] =	vst v63  }
0xe9: {  	_ =	swait.ge [sflag:s25], $0x1000  }
0xea: {  	[sflag:s25] =	ssyncset.done $0x0  }
0xeb: {  	s4 =	simm.s32 $0x14200;
	s28 =	rddreg [dreg:$0x15];
	[sflag:s25] =	ssyncadd.s32 $0xFFFFF000  }
0xec: {  	[tilespmem:s4], [sflag:$0xD] =	stream.linear.gather [hbm4b:s28+s2], $0x80, $0x38;
	[tilespmem:$0x14680] =	vst v63  }
0xed: {  	_ =	swait.ge [sflag:s25], $0x80  }
.Ltmp4:
0xee: {  	[sflag:s25] =	ssyncset.done $0x0;
	(pc) =	sbr.rel .LBB2_5-.Ltmp4, $4  }
0xef: {  	[sflag:s25] =	ssyncadd.s32 $0xFFFFFF80  }
0xf0: {  	[spmem:s1] =	stream.indirect.scatter.add.f32 [tilespmem:s29], [sflag:$0xD], $0x80, s4, s9, $0xb8;
	[tilespmem:$0x14680] =	vst v63  }
0xf1: {  	s4 =	simm.s32 $0x10080;
	s29 =	smov.u32 s30;
	s30 =	smov.u32 s31  }
0xf2: {  	s31 =	smov.u32 s20;
	s20 =	smov.u32 s0;
	s0 =	simm.s32 $0x4000  }
.LBB2_7:
0xf3: {  	_ =	sfence.sel $0x180000  }
0xf4: {  	[bflag:$0x0] =	sbarrier.arrive $0xFFFF  }
0xf5: {  	_ =	strace $0x90000047  }
0xf6: {  	[bflag:$0x2] =	sbarrier.arrive $0xFFFF  }
0xf7: {  	s0 =	rddreg [dreg:$0x3]  }
0xf8: {  	s0 =	sadd.s32 @!p0 $0x100000, s0  }
0xf9: {  	[sflag:s0] =	ssyncadd.tile.s32 @!p0 $0x1;
	_ =	shalt  }
.Lfunc_end2:
_tile_overlayer_lowered:
.L_overlay_start_2:
0xfa: {  	(tag) =	ssettag $0x2  }
0xfb: {  	s0 =	rddreg [dreg:$0x0];
	s2 =	stileid.u32  }
0xfc: {  	s1 =	rddreg [dreg:$0x1];
	p0 =	sne.s32 s2, $0x0  }
0xfd: {  	s3 =	rddreg [dreg:$0x2];
	[bflag:$0x3] =	sbarrier.arrive $0xFFFF;
	s2 =	simm.s32 @!p0 $0x1C0D  }
0xfe: {  	[timem:s3], [sflag:s2] =	dma.local @!p0 [hbm:s0], s1  }
0xff: {  	s0 =	simm.s32 @!p0 $0xD  }
0x100: {  	_ =	swait.ge @!p0 [sflag:s0], s1  }
0x101: {  	s1 =	ssub.s32 @!p0 $0x0, s1;
	[sflag:s0] =	ssyncset.done @!p0 $0x0  }
0x102: {  	[sflag:s0] =	ssyncadd.s32 @!p0 s1  }
0x103: {  	[bflag:$0x3] =	sbarrier.arrive $0xFFFF  }
0x104: {  	_ =	shalt  }

// kernel: kernel.7.cloned.1.call-start
scs
__scs_entry_jumppad:
0x0: {  	(pc) =	sbr.rel $0x88, $3  }
0x1: {  	(tag) =	ssettag $0x0;
	lr =	simm.s32 $0x1  }
0x2: {  	[smem:$0x3F9F] =	sst lr;
	_ =	strace $0xD0000000  }
0x3: {  	_ = 	snop  }
0x4: {  	_ = 	snop  }
0x5: {  	_ = 	snop  }
0x6: {  	_ = 	snop  }
0x7: {  	_ = 	snop  }
__scs_overlays_trampoline_lowered:
0x8: {  	[smem:$0x3FAE] =	sst s0  }
0x9: {  	[smem:$0x3FAF] =	sst s1  }
0xa: {  	[smem:$0x3FB0] =	sst s2  }
0xb: {  	[smem:$0x3FB1] =	sst s3  }
0xc: {  	[smem:$0x3FB2] =	sst s4  }
0xd: {  	[smem:$0x3FB3] =	sst s5  }
0xe: {  	[smem:$0x3FB4] =	sst s6  }
0xf: {  	[smem:$0x3FB5] =	sst s7  }
0x10: {  	[smem:$0x3FB6] =	sst s8  }
0x11: {  	[smem:$0x3FB7] =	sst s9;
	s0 =	simm.s32 @!p0 $0x0  }
0x12: {  	s1 =	sld [smem:$0x3F9D];
	s0 =	simm.s32 @p0 $0x1  }
0x13: {  	[smem:$0x3FB8] =	sst s0;
	s0 =	simm.s32 @!p1 $0x0  }
0x14: {  	s2 =	sld [smem:$0x3F9C];
	s0 =	simm.s32 @p1 $0x1  }
0x15: {  	[smem:$0x3FB9] =	sst s0;
	s0 =	simm.s32 @!p2 $0x0  }
0x16: {  	s3 =	sld [smem:$0x3FDB];
	s0 =	simm.s32 @p2 $0x1  }
0x17: {  	s4 =	simm.s32 $0x1BF5;
	[smem:$0x3FBB] =	sst s0  }
0x18: {  	s0 =	sld [smem:$0x3F9E];
	_ =	swait.ge [sflag:s4], $0x0  }
0x19: {  	s7 =	sld [smem:$0x3F9F]  }
0x1a: {  	s8 =	sadd.s32 $0xFFFFE003, lr  }
0x1b: {  	s9 =	sadd.s32 $0xFFFFFEF7, lr;
	s5 =	simm.s32 $0xFFFFFFFF;
	p2 =	slt.u32 s8, $0xFFFFF086  }
0x1c: {  	p1 =	slt.u32 s9, $0xF7A;
	s5 =	simm.s32 @!p2 $0x0  }
0x1d: {  	s5 =	simm.s32 @p1 $0x1;
	p0 =	seq.s32 s7, s2  }
0x1e: {  	s7 =	smul.u32 @!p0 $0xF7A, s2;
	p2 =	seq.s32 @!p0 s5, $0x0  }
0x1f: {  	s9 =	smul.u32 $0xF7A, s1;
	s8 =	simm.s32 @!p0 $0x1BF5;
	p2 =	por !p2, p0  }
0x20: {  	[sflag:s8] =	ssyncset.s32 @!p0 $0xFFFFF086;
	s6 =	sadd.s32 @!p0 s3, s7;
	s7 =	simm.s32 @!p0 $0x108  }
0x21: {  	s3 =	sadd.s32 s3, s9;
	s6 =	sadd.s32 @!p0 $0x88, s6;
	s7 =	simm.s32 @p2 $0x1082  }
0x22: {  	[simem:s7], [sflag:s8] =	dma.local @!p0 [hbm:s6], $0xF7A  }
0x23: {  	s9 =	sor.u32 $0xD0000000, s2;
	s6 =	simm.s32 $0x108;
	_ =	swait.ge @!p0 [sflag:s8], $0x0  }
0x24: {  	s3 =	sadd.s32 $0x88, s3;
	s6 =	simm.s32 @!p1 $0x1082;
	[sflag:s4] =	ssyncset.s32 $0xFFFFF086  }
0x25: {  	[simem:s6], [sflag:s4] =	dma.local [hbm:s3], $0xF7A  }
0x26: {  	[smem:$0x3F9F] =	sst s1;
	(tag) =	ssettag s2;
	_ =	strace s9  }
0x27: {  	s1 =	sld [smem:$0x3FAF]  }
0x28: {  	s2 =	sld [smem:$0x3FB0]  }
0x29: {  	s4 =	sld [smem:$0x3FB2]  }
0x2a: {  	p0 =	seq.s32 s5, $0x0;
	s5 =	sld [smem:$0x3FB3]  }
0x2b: {  	s6 =	sld [smem:$0x3FB4]  }
0x2c: {  	s7 =	sld [smem:$0x3FB5]  }
0x2d: {  	s3 =	simm.s32 $0x108;
	s8 =	sld [smem:$0x3FB6]  }
0x2e: {  	s3 =	simm.s32 @!p0 $0x1082;
	s9 =	sld [smem:$0x3FB7]  }
0x2f: {  	lr =	sadd.s32 s0, s3;
	s0 =	sld [smem:$0x3FAE]  }
0x30: {  	s3 =	sld [smem:$0x3FB1]  }
0x31: {  	[smem:$0x3FBA] =	sst s10  }
0x32: {  	s10 =	sld [smem:$0x3FB8];
	_ =	sdelay $0x3  }
0x33: {  	p0 =	seq.s32 s10, $0x1;
	s10 =	sld [smem:$0x3FBA];
	_ =	sdelay $0x3  }
0x34: {  	[smem:$0x3FBA] =	sst s10  }
0x35: {  	s10 =	sld [smem:$0x3FB9];
	_ =	sdelay $0x3  }
0x36: {  	p1 =	seq.s32 s10, $0x1;
	s10 =	sld [smem:$0x3FBA];
	_ =	sdelay $0x3  }
0x37: {  	[smem:$0x3FBA] =	sst s10  }
0x38: {  	s10 =	sld [smem:$0x3FBB]  }
0x39: {  	_ = 	snop;
	(pc) =	sbr.ind lr, $3  }
0x3a: {  	_ = 	snop  }
0x3b: {  	_ = 	snop  }
0x3c: {  	p2 =	seq.s32 s10, $0x1;
	s10 =	sld [smem:$0x3FBA]  }
0x3d: {  	_ =	shalt  }
0x3e: {  	_ =	shalt  }
0x3f: {  	_ =	shalt  }
0x40: {  	_ =	shalt  }
0x41: {  	_ =	shalt  }
0x42: {  	_ =	shalt  }
0x43: {  	_ =	shalt  }
0x44: {  	_ =	shalt  }
0x45: {  	_ =	shalt  }
0x46: {  	_ =	shalt  }
0x47: {  	_ =	shalt  }
0x48: {  	_ =	shalt  }
0x49: {  	_ =	shalt  }
0x4a: {  	_ =	shalt  }
0x4b: {  	_ =	shalt  }
0x4c: {  	_ =	shalt  }
0x4d: {  	_ =	shalt  }
0x4e: {  	_ =	shalt  }
0x4f: {  	_ =	shalt  }
0x50: {  	_ =	shalt  }
0x51: {  	_ =	shalt  }
0x52: {  	_ =	shalt  }
0x53: {  	_ =	shalt  }
0x54: {  	_ =	shalt  }
0x55: {  	_ =	shalt  }
0x56: {  	_ =	shalt  }
0x57: {  	_ =	shalt  }
0x58: {  	_ =	shalt  }
0x59: {  	_ =	shalt  }
0x5a: {  	_ =	shalt  }
0x5b: {  	_ =	shalt  }
0x5c: {  	_ =	shalt  }
0x5d: {  	_ =	shalt  }
0x5e: {  	_ =	shalt  }
0x5f: {  	_ =	shalt  }
0x60: {  	_ =	shalt  }
0x61: {  	_ =	shalt  }
0x62: {  	_ =	shalt  }
0x63: {  	_ =	shalt  }
0x64: {  	_ =	shalt  }
0x65: {  	_ =	shalt  }
0x66: {  	_ =	shalt  }
0x67: {  	_ =	shalt  }
0x68: {  	_ =	shalt  }
0x69: {  	_ =	shalt  }
0x6a: {  	_ =	shalt  }
0x6b: {  	_ =	shalt  }
0x6c: {  	_ =	shalt  }
0x6d: {  	_ =	shalt  }
0x6e: {  	_ =	shalt  }
0x6f: {  	_ =	shalt  }
0x70: {  	_ =	shalt  }
0x71: {  	_ =	shalt  }
0x72: {  	_ =	shalt  }
0x73: {  	_ =	shalt  }
0x74: {  	_ =	shalt  }
0x75: {  	_ =	shalt  }
0x76: {  	_ =	shalt  }
0x77: {  	_ =	shalt  }
0x78: {  	_ =	shalt  }
0x79: {  	_ =	shalt  }
0x7a: {  	_ =	shalt  }
0x7b: {  	_ =	shalt  }
0x7c: {  	_ =	shalt  }
0x7d: {  	_ =	shalt  }
0x7e: {  	_ =	shalt  }
0x7f: {  	_ =	shalt  }
0x80: {  	_ =	shalt  }
0x81: {  	_ =	shalt  }
0x82: {  	_ =	shalt  }
0x83: {  	_ =	shalt  }
0x84: {  	_ =	shalt  }
0x85: {  	_ =	shalt  }
0x86: {  	_ =	shalt  }
0x87: {  	_ =	shalt  }
.Lfunc_end0:
.L_simem_size_0:
called_computation_lowered:
.L_overlay_start_0:
0x88: {  	s2 =	sld [smem:$0x3FD9]  }
0x89: {  	s3 =	sld [smem:$0x3FFE];
	_ =	sdelay $0x1  }
0x8a: {  	s1 =	srdreg.scid  }
0x8b: {  	s0 =	sand.u32 $0x1, s1  }
0x8c: {  	s17 =	sshll.u32 s0, $0xA;
	s2 =	sadd.s32 s3, s2  }
0x8d: {  	s2 =	sadd.s32 s2, s17  }
0x8e: {  	[smem:$0x3FC6] =	sst s2  }
0x8f: {  	_ = 	snop  }
0x90: {  	s18 =	sld [smem:$0x3FC8];
	(tm) =	ssettm $0x1  }
0x91: {  	s19 =	sld [smem:$0x3FFB];
	_ =	sdelay $0x3  }
0x92: {  	_ =	strace s19  }
0x93: {  	s2 =	sld [smem:$0x3FFC];
	_ =	sdelay $0x3  }
0x94: {  	_ =	strace s2  }
0x95: {  	s2 =	sld [smem:$0x3FFD];
	_ =	sdelay $0x3  }
0x96: {  	_ =	strace s2  }
0x97: {  	_ =	strace $0x8FFFFFFF  }
0x98: {  	s20 =	sld [smem:$0x3FDB];
	_ =	sdelay $0x1  }
0x99: {  	s4 =	simm.s32 $_scs_section_size  }
0x9a: {  	s5 =	simm.s32 $_size__tile_overlayer_lowered;
	s6 =	simm.s32 $_tile_overlayer_lowered  }
0x9b: {  	s7 =	simm.s32 $0x1BFF;
	s21 =	sshll.u32 s6, $0x1;
	s4 =	sadd.s32 s4, s20  }
0x9c: {  	s22 =	simm.s32 $0x0;
	s5 =	sshll.u32 s5, $0x1;
	s6 =	sadd.s32 s21, s4  }
0x9d: {  	[timem:s22], [sflag:s7] =	dma.local [hbm:s6], s5  }
0x9e: {  	_ =	swait.ge [sflag:s7], s5  }
0x9f: {  	s5 =	ssub.s32 $0x0, s5;
	[sflag:s7] =	ssyncset.done $0x0  }
0xa0: {  	[sflag:s7] =	ssyncadd.s32 s5;
	_ =	sdelay $0x1  }
0xa1: {  	s23 =	simm.s32 $0x1B8B  }
0xa2: {  	_ =	swait.ge [sflag:s23], $0x1  }
0xa3: {  	[sflag:s23] =	ssyncset.done $0x0  }
0xa4: {  	[sflag:s23] =	ssyncadd.s32 $0xFFFFFFFF  }
0xa5: {  	s5 =	sld [smem:$0x0]  }
0xa6: {  	s6 =	sand.u32 $0xFFFFFFFE, s1  }
0xa7: {  	p0 =	sne.s32 s1, s6  }
0xa8: {  	s6 =	sshll.u32 @p0 s6, $0xE  }
0xa9: {  	s6 =	sadd.s32 @p0 $0x11B8D, s6;
	s7 =	sshll.u32 @p0 s5, $0x11  }
0xaa: {  	s6 =	sor.u32 @p0 s7, s6  }
0xab: {  	[sflag:s6] =	ssyncadd.remote.s32 @p0 $0x1;
	_ =	sdelay $0x1  }
0xac: {  	s6 =	simm.s32 @p0 $0x1B8D  }
0xad: {  	_ =	swait.eq @p0 [sflag:s6], $0x1  }
0xae: {  	[sflag:s6] =	ssyncadd.s32 @p0 $0xFFFFFFFF  }
0xaf: {  	s7 =	sshll.u32 @!p0 s1, $0xE  }
0xb0: {  	s7 =	sor.u32 @!p0 $0x4000, s7;
	s6 =	simm.s32 @!p0 $0x1B8D  }
0xb1: {  	s5 =	sshll.u32 @!p0 s5, $0x11;
	s7 =	sadd.s32 @!p0 $0x11B8D, s7;
	_ =	swait.eq @!p0 [sflag:s6], $0x1  }
0xb2: {  	s5 =	sor.u32 @!p0 s5, s7;
	[sflag:s6] =	ssyncadd.s32 @!p0 $0xFFFFFFFF  }
0xb3: {  	s25 =	simm.s32 $0x1B8E;
	s24 =	sld [smem:$0x3FFE];
	[sflag:s5] =	ssyncadd.remote.s32 @!p0 $0x1  }
0xb4: {  	s26 =	simm.s32 $execute0_lowered;
	[smem:$0x3FD2] =	sst s25  }
0xb5: {  	s6 =	sshll.u32 s26, $0x1;
	_ =	strace $0x80000049;
	[dreg:$0x1] =	wrdreg $0xFFFFFFFF  }
0xb6: {  	s28 =	simm.s32 $_size_execute0_lowered;
	s4 =	sadd.s32 s4, s6;
	[dreg:$0x0] =	wrdreg $0x0  }
0xb7: {  	s6 =	sshll.u32 s28, $0x1;
	[dreg:$0x2] =	wrdreg s4  }
0xb8: {  	[dreg:$0x3] =	wrdreg s6  }
0xb9: {  	[dreg:$0x4] =	wrdreg $0xC0  }
0xba: {  	_ =	task [dreg:s22], $0x5FFFF  }
0xbb: {  	[dreg:$0x1] =	wrdreg $0xFFFFFFFF  }
0xbc: {  	[dreg:$0x0] =	wrdreg $0x60  }
0xbd: {  	[dreg:$0x2] =	wrdreg s18  }
0xbe: {  	[dreg:$0x3] =	wrdreg s24  }
0xbf: {  	[dreg:$0x4] =	wrdreg $0x102000  }
0xc0: {  	[dreg:$0x5] =	wrdreg $0x9  }
0xc1: {  	_ =	task.clear_ibuf [dreg:s22], $0x6FFFF;
	_ =	strace $0x90000049  }
0xc2: {  	s29 =	simm.s32 $0x9;
	_ =	strace $0x8000004B  }
0xc3: {  	_ =	swait.ge [sflag:s29], $0x1  }
0xc4: {  	[sflag:s29] =	ssyncadd.s32 $0xFFFFFFFF  }
0xc5: {  	_ =	strace $0x9000004B  }
0xc6: {  	_ =	sfence  }
0xc7: {  	s30 =	sld [smem:$0x0];
	_ =	sdelay $0x2  }
0xc8: {  	s31 =	sshll.u32 s1, $0xD;
	s1 =	sshrl.u32 s1, $0x2  }
0xc9: {  	s4 =	sand.u32 $0x4000, s31;
	s1 =	sadd.s32 s1, s30  }
0xca: {  	s0 =	sor.u32 s4, s0;
	s1 =	sshll.u32 s1, $0x11  }
0xcb: {  	s0 =	sor.u32 s1, s0  }
0xcc: {  	s0 =	sadd.s32 $0x8F2B, s0  }
0xcd: {  	[sflag:s0] =	ssyncadd.remote.s32 $0x1  }
0xce: {  	_ =	sfence.sel $0xFFFF  }
0xcf: {  	[dreg:$0x0] =	wrdreg $0xFFFFFFFF;
	(pc) =	sbr.abs _section_cstart, $3  }
0xd0: {  	[dreg:$0x1] =	wrdreg $0xFFFFFFFF  }
0xd1: {  	_ =	task.clear_ibuf [dreg:s22], $0x2FFFF;
	_ =	strace $0x9FFFFFFF  }
0xd2: {  	(tm) =	ssettm $0x7FFFFFFF  }
0xd3: {  	_ =	shalt  }
tec
execute0_lowered:
.L_overlay_start_1:
0x0: {  	(tag) =	ssettag $0x1  }
0x1: {  	s3 =	rddreg [dreg:$0x0]  }
0x2: {  	s0 =	rddreg [dreg:$0x1]  }
0x3: {  	s1 =	rddreg [dreg:$0x2]  }
0x4: {  	s31 =	rddreg [dreg:$0x3]  }
0x5: {  	s2 =	simm.s32 $0x0;
	s5 =	srdreg.scid;
	s4 =	stileid.u32  }
0x6: {  	s28 =	simm.s32 $0x1;
	p1 =	por $0x0, $0x0;
	[smem:$0x7FF] =	sst s2  }
0x7: {  	s7 =	sand.u32 $0x1, s5;
	s20 =	sshll.u32 s4, $0x1;
	s6 =	sadd.s32 $0x2E00, s0  }
0x8: {  	s5 =	sadd.s32 $0x4600, s0;
	p0 =	sne.s32 s4, $0x0;
	s4 =	simm.s32 $0x80  }
0x9: {  	_ =	strace $0x8000004A;
	s8 =	sor.u32 s7, s20;
	[dreg:$0x4] =	wrdreg s6  }
0xa: {  	s14 =	sshll.u32 s7, $0xB;
	s7 =	ssub.s32 $0x2, s7;
	s21 =	sshll.u32 s8, $0xB  }
0xb: {  	s10 =	sshll.u32 s8, $0x4;
	s6 =	sshll.u32 s8, $0x7;
	s0 =	sadd.s32 s14, s0  }
0xc: {  	s9 =	sadd.s32 s3, s21;
	s22 =	sadd.s32 s5, s10;
	s23 =	sor.u32 $0x1000, s6  }
0xd: {  	s25 =	sor.u32 $0x2000, s6;
	s13 =	sor.u32 $0x3000, s6;
	[dreg:$0x5] =	wrdreg s9  }
0xe: {  	s21 =	sor.u32 $0x5000, s6;
	s10 =	sor.u32 $0x7000, s6;
	[dreg:$0x6] =	wrdreg s22  }
0xf: {  	s24 =	sshll.u32 s23, $0x4;
	s9 =	sshrl.u32 s23, $0x3;
	s29 =	sshll.u32 s25, $0x4  }
0x10: {  	s11 =	sshrl.u32 s25, $0x3;
	s15 =	sshll.u32 s13, $0x4;
	s8 =	sadd.s32 s3, s24  }
0x11: {  	s22 =	sshll.u32 s21, $0x4;
	s26 =	sadd.s32 s5, s9;
	[dreg:$0x7] =	wrdreg s8  }
0x12: {  	s23 =	sor.u32 $0x6000, s6;
	s9 =	sadd.s32 s3, s29;
	[dreg:$0x8] =	wrdreg s26  }
0x13: {  	s12 =	sadd.s32 s5, s11;
	s11 =	sor.u32 $0x4000, s6;
	[dreg:$0x9] =	wrdreg s9  }
0x14: {  	s25 =	sshll.u32 s23, $0x4;
	s29 =	sshrl.u32 s23, $0x3;
	[dreg:$0xa] =	wrdreg s12  }
0x15: {  	s8 =	sadd.s32 s3, s15;
	s9 =	sshrl.u32 s13, $0x3;
	s17 =	sshll.u32 s11, $0x4  }
0x16: {  	s19 =	sshrl.u32 s11, $0x3;
	s26 =	sadd.s32 s3, s25;
	[dreg:$0xb] =	wrdreg s8  }
0x17: {  	s11 =	sshll.u32 s10, $0x4;
	s16 =	sadd.s32 s5, s9;
	[dreg:$0x11] =	wrdreg s26  }
0x18: {  	s12 =	sor.u32 $0x8000, s6;
	s18 =	sadd.s32 s3, s17;
	[dreg:$0xc] =	wrdreg s16  }
0x19: {  	s20 =	sadd.s32 s5, s19;
	s8 =	sadd.s32 s3, s22;
	[dreg:$0xd] =	wrdreg s18  }
0x1a: {  	s9 =	sshrl.u32 s21, $0x3;
	s14 =	sshll.u32 s12, $0x4;
	[dreg:$0xe] =	wrdreg s20  }
0x1b: {  	s19 =	sshrl.u32 s7, $0x1;
	s21 =	sor.u32 $0xA000, s6;
	[dreg:$0xf] =	wrdreg s8  }
0x1c: {  	s24 =	sadd.s32 s5, s9;
	s9 =	sadd.s32 s5, s29;
	s8 =	sadd.s32 s3, s11  }
0x1d: {  	s15 =	sadd.s32 s3, s14;
	s16 =	sshrl.u32 s12, $0x3;
	s18 =	sor.u32 $0x9000, s6  }
0x1e: {  	s23 =	sshll.u32 s21, $0x4;
	s7 =	ssub.s32 s7, s19;
	s25 =	sshrl.u32 s21, $0x3  }
0x1f: {  	s6 =	sor.u32 $0xB000, s6;
	s14 =	simm.s32 $0x4000;
	[dreg:$0x10] =	wrdreg s24  }
0x20: {  	s12 =	simm.s32 $0x10100;
	s21 =	simm.s32 $0x3;
	[dreg:$0x12] =	wrdreg s9  }
0x21: {  	s19 =	simm.s32 $0x4;
	s9 =	sshrl.u32 s10, $0x3;
	[dreg:$0x13] =	wrdreg s8  }
0x22: {  	[dreg:$0x15] =	wrdreg s15;
	s17 =	sadd.s32 s5, s16;
	s20 =	sshll.u32 s18, $0x4  }
0x23: {  	s24 =	sadd.s32 s3, s23;
	s30 =	sadd.s32 s5, s25;
	s26 =	sshll.u32 s6, $0x4  }
0x24: {  	s6 =	sshrl.u32 s6, $0x3;
	s29 =	smax.u32 s7, $0x1;
	s23 =	simm.s32 $0x10000  }
0x25: {  	s15 =	simm.s32 $0x10080;
	s25 =	simm.s32 $0x2;
	s7 =	simm.s32 $0x9  }
0x26: {  	s10 =	simm.s32 $0xC;
	s13 =	sadd.s32 s5, s9;
	[dreg:$0x16] =	wrdreg s17  }
0x27: {  	s8 =	sadd.s32 s3, s20;
	s9 =	sshrl.u32 s18, $0x3;
	[dreg:$0x19] =	wrdreg s24  }
0x28: {  	s11 =	sadd.s32 s3, s26;
	s3 =	sadd.s32 $0x5E00, s0;
	s16 =	sadd.s32 $0xFFFFFFFF, s29  }
0x29: {  	s26 =	simm.s32 $0x5;
	s24 =	simm.s32 $0x6;
	p2 =	sne.s32 s16, $0x0  }
.Ltmp0:
0x2a: {  	s20 =	simm.s32 $0x7;
	s0 =	rddreg [dreg:$0x4];
	(pc) =	sbr.rel @!p2 .LBB2_1-.Ltmp0, $4  }
0x2b: {  	s18 =	simm.s32 $0x8;
	s17 =	sshrl.u32 @!p0 s1, $0x3;
	[dreg:$0x14] =	wrdreg s13  }
0x2c: {  	[dreg:$0x17] =	wrdreg s8;
	s22 =	sadd.s32 s5, s9;
	s9 =	simm.s32 $0x8000  }
0x2d: {  	s8 =	simm.s32 $0xA;
	s13 =	simm.s32 $0xB;
	[dreg:$0x18] =	wrdreg s22  }
0x2e: {  	s22 =	sadd.s32 s5, s6;
	s5 =	simm.s32 $0xC000;
	s6 =	simm.s32 $0x10180  }
0x2f: {  	s31 =	simm.s32 @!p0 $0x1C0D;
	s29 =	simm.s32 @!p0 $0xD  }
0x30: {  	[spmem:s17], [sflag:s31] =	dma.local @!p0 [hbm:s0], $0x800  }
0x31: {  	_ =	swait.ge @!p0 [sflag:s29], $0x800  }
0x32: {  	[sflag:s29] =	ssyncset.done @!p0 $0x0  }
0x33: {  	[sflag:s29] =	ssyncadd.s32 @!p0 $0xFFFFF800  }
0x34: {  	[bflag:$0x0] =	sbarrier.arrive $0xFFFF  }
0x35: {  	s0 =	rddreg [dreg:$0x5]  }
0x36: {  	[tilespmem:s2], [sflag:$0x1] =	stream.linear.gather [hbm4b:s0+s2], $0x4000, $0x38;
	[tilespmem:$0x10600] =	vst v63  }
0x37: {  	s31 =	rddreg [dreg:$0x6]  }
0x38: {  	[tilespmem:s23], [sflag:$0x5] =	stream.linear.gather [hbm4b:s31+s2], $0x80, $0x38;
	[tilespmem:$0x10600] =	vst v63  }
0x39: {  	s0 =	rddreg [dreg:$0x7]  }
0x3a: {  	[tilespmem:s14], [sflag:$0x2] =	stream.linear.gather [hbm4b:s0+s2], $0x4000, $0x38;
	[tilespmem:$0x10600] =	vst v63  }
0x3b: {  	s31 =	rddreg [dreg:$0x8]  }
0x3c: {  	[tilespmem:s15], [sflag:$0x6] =	stream.linear.gather [hbm4b:s31+s2], $0x80, $0x38;
	[tilespmem:$0x10600] =	vst v63  }
0x3d: {  	s0 =	rddreg [dreg:$0x9]  }
0x3e: {  	[tilespmem:s9], [sflag:$0x3] =	stream.linear.gather [hbm4b:s0+s2], $0x4000, $0x38;
	[tilespmem:$0x10600] =	vst v63  }
0x3f: {  	s31 =	rddreg [dreg:$0xa]  }
0x40: {  	[tilespmem:s12], [sflag:$0x7] =	stream.linear.gather [hbm4b:s31+s2], $0x80, $0x38;
	[tilespmem:$0x10600] =	vst v63  }
0x41: {  	_ =	swait.ge [sflag:s28], $0x4000  }
0x42: {  	[sflag:s28] =	ssyncset.done $0x0  }
0x43: {  	[sflag:s28] =	ssyncadd.s32 $0xFFFFC000  }
0x44: {  	_ =	swait.ge [sflag:s26], $0x80  }
0x45: {  	[sflag:s26] =	ssyncset.done $0x0  }
0x46: {  	[sflag:s26] =	ssyncadd.s32 $0xFFFFFF80  }
0x47: {  	[spmem:s1] =	stream.indirect.scatter.add.f32 [tilespmem:s2], [sflag:$0x9], $0x80, s23, s4, $0xb8;
	[tilespmem:$0x10600] =	vst v63  }
0x48: {  	s0 =	rddreg [dreg:$0xb]  }
0x49: {  	[tilespmem:s5], [sflag:$0x4] =	stream.linear.gather [hbm4b:s0+s2], $0x4000, $0x38;
	[tilespmem:$0x10600] =	vst v63  }
0x4a: {  	s31 =	rddreg [dreg:$0xc]  }
0x4b: {  	[tilespmem:s6], [sflag:$0x8] =	stream.linear.gather [hbm4b:s31+s2], $0x80, $0x38;
	[tilespmem:$0x10600] =	vst v63  }
0x4c: {  	_ =	swait.ge [sflag:s25], $0x4000  }
0x4d: {  	[sflag:s25] =	ssyncset.done $0x0  }
0x4e: {  	[sflag:s25] =	ssyncadd.s32 $0xFFFFC000  }
0x4f: {  	_ =	swait.ge [sflag:s24], $0x80  }
0x50: {  	[sflag:s24] =	ssyncset.done $0x0  }
0x51: {  	[sflag:s24] =	ssyncadd.s32 $0xFFFFFF80  }
0x52: {  	[spmem:s1] =	stream.indirect.scatter.add.f32 [tilespmem:s14], [sflag:$0xA], $0x80, s15, s4, $0xb8;
	[tilespmem:$0x10600] =	vst v63  }
0x53: {  	_ =	swait.ge [sflag:s7], $0x4000  }
0x54: {  	[sflag:s7] =	ssyncset.done $0x0  }
0x55: {  	s0 =	rddreg [dreg:$0xd];
	[sflag:s7] =	ssyncadd.s32 $0xFFFFC000  }
0x56: {  	[tilespmem:s2], [sflag:$0x1] =	stream.linear.gather [hbm4b:s0+s2], $0x4000, $0x38;
	[tilespmem:$0x10600] =	vst v63  }
0x57: {  	s31 =	rddreg [dreg:$0xe]  }
0x58: {  	[tilespmem:s23], [sflag:$0x5] =	stream.linear.gather [hbm4b:s31+s2], $0x80, $0x38;
	[tilespmem:$0x10600] =	vst v63  }
0x59: {  	_ =	swait.ge [sflag:s21], $0x4000  }
0x5a: {  	[sflag:s21] =	ssyncset.done $0x0  }
0x5b: {  	[sflag:s21] =	ssyncadd.s32 $0xFFFFC000  }
0x5c: {  	_ =	swait.ge [sflag:s20], $0x80  }
0x5d: {  	[sflag:s20] =	ssyncset.done $0x0  }
0x5e: {  	[sflag:s20] =	ssyncadd.s32 $0xFFFFFF80  }
0x5f: {  	[spmem:s1] =	stream.indirect.scatter.add.f32 [tilespmem:s9], [sflag:$0xB], $0x80, s12, s4, $0xb8;
	[tilespmem:$0x10600] =	vst v63  }
0x60: {  	_ =	swait.ge [sflag:s8], $0x4000  }
0x61: {  	[sflag:s8] =	ssyncset.done $0x0  }
0x62: {  	s0 =	rddreg [dreg:$0xf];
	[sflag:s8] =	ssyncadd.s32 $0xFFFFC000  }
0x63: {  	[tilespmem:s14], [sflag:$0x2] =	stream.linear.gather [hbm4b:s0+s2], $0x4000, $0x38;
	[tilespmem:$0x10600] =	vst v63  }
0x64: {  	s31 =	rddreg [dreg:$0x10]  }
0x65: {  	[tilespmem:s15], [sflag:$0x6] =	stream.linear.gather [hbm4b:s31+s2], $0x80, $0x38;
	[tilespmem:$0x10600] =	vst v63  }
0x66: {  	_ =	swait.ge [sflag:s19], $0x4000  }
0x67: {  	[sflag:s19] =	ssyncset.done $0x0  }
0x68: {  	[sflag:s19] =	ssyncadd.s32 $0xFFFFC000  }
0x69: {  	_ =	swait.ge [sflag:s18], $0x80  }
0x6a: {  	[sflag:s18] =	ssyncset.done $0x0  }
0x6b: {  	[sflag:s18] =	ssyncadd.s32 $0xFFFFFF80  }
0x6c: {  	[spmem:s1] =	stream.indirect.scatter.add.f32 [tilespmem:s5], [sflag:$0xC], $0x80, s6, s4, $0xb8;
	[tilespmem:$0x10600] =	vst v63  }
0x6d: {  	_ =	swait.ge [sflag:s13], $0x4000  }
0x6e: {  	[sflag:s13] =	ssyncset.done $0x0  }
0x6f: {  	s0 =	rddreg [dreg:$0x11];
	[sflag:s13] =	ssyncadd.s32 $0xFFFFC000  }
0x70: {  	[tilespmem:s9], [sflag:$0x3] =	stream.linear.gather [hbm4b:s0+s2], $0x4000, $0x38;
	[tilespmem:$0x10600] =	vst v63  }
0x71: {  	s31 =	rddreg [dreg:$0x12]  }
0x72: {  	[tilespmem:s12], [sflag:$0x7] =	stream.linear.gather [hbm4b:s31+s2], $0x80, $0x38;
	[tilespmem:$0x10600] =	vst v63  }
0x73: {  	_ =	swait.ge [sflag:s28], $0x4000  }
0x74: {  	[sflag:s28] =	ssyncset.done $0x0  }
0x75: {  	[sflag:s28] =	ssyncadd.s32 $0xFFFFC000  }
0x76: {  	_ =	swait.ge [sflag:s26], $0x80  }
0x77: {  	[sflag:s26] =	ssyncset.done $0x0  }
0x78: {  	[sflag:s26] =	ssyncadd.s32 $0xFFFFFF80  }
0x79: {  	[spmem:s1] =	stream.indirect.scatter.add.f32 [tilespmem:s2], [sflag:$0x9], $0x80, s23, s4, $0xb8;
	[tilespmem:$0x10600] =	vst v63  }
0x7a: {  	_ =	swait.ge [sflag:s10], $0x4000  }
0x7b: {  	[sflag:s10] =	ssyncset.done $0x0  }
0x7c: {  	s0 =	rddreg [dreg:$0x13];
	[sflag:s10] =	ssyncadd.s32 $0xFFFFC000  }
0x7d: {  	[tilespmem:s5], [sflag:$0x4] =	stream.linear.gather [hbm4b:s0+s2], $0x4000, $0x38;
	[tilespmem:$0x10600] =	vst v63  }
0x7e: {  	s31 =	rddreg [dreg:$0x14]  }
0x7f: {  	[tilespmem:s6], [sflag:$0x8] =	stream.linear.gather [hbm4b:s31+s2], $0x80, $0x38;
	[tilespmem:$0x10600] =	vst v63  }
0x80: {  	_ =	swait.ge [sflag:s25], $0x4000  }
0x81: {  	[sflag:s25] =	ssyncset.done $0x0  }
0x82: {  	[sflag:s25] =	ssyncadd.s32 $0xFFFFC000  }
0x83: {  	_ =	swait.ge [sflag:s24], $0x80  }
0x84: {  	[sflag:s24] =	ssyncset.done $0x0  }
0x85: {  	[sflag:s24] =	ssyncadd.s32 $0xFFFFFF80  }
0x86: {  	[spmem:s1] =	stream.indirect.scatter.add.f32 [tilespmem:s14], [sflag:$0xA], $0x80, s15, s4, $0xb8;
	[tilespmem:$0x10600] =	vst v63  }
0x87: {  	_ =	swait.ge [sflag:s7], $0x4000  }
0x88: {  	[sflag:s7] =	ssyncset.done $0x0  }
0x89: {  	s0 =	rddreg [dreg:$0x15];
	[sflag:s7] =	ssyncadd.s32 $0xFFFFC000  }
0x8a: {  	[tilespmem:s2], [sflag:$0x1] =	stream.linear.gather [hbm4b:s0+s2], $0x4000, $0x38;
	[tilespmem:$0x10600] =	vst v63  }
0x8b: {  	s31 =	rddreg [dreg:$0x16]  }
0x8c: {  	[tilespmem:s23], [sflag:$0x5] =	stream.linear.gather [hbm4b:s31+s2], $0x80, $0x38;
	[tilespmem:$0x10600] =	vst v63  }
0x8d: {  	_ =	swait.ge [sflag:s21], $0x4000  }
0x8e: {  	[sflag:s21] =	ssyncset.done $0x0  }
0x8f: {  	[sflag:s21] =	ssyncadd.s32 $0xFFFFC000  }
0x90: {  	_ =	swait.ge [sflag:s20], $0x80  }
0x91: {  	[sflag:s20] =	ssyncset.done $0x0  }
0x92: {  	[sflag:s20] =	ssyncadd.s32 $0xFFFFFF80  }
0x93: {  	[spmem:s1] =	stream.indirect.scatter.add.f32 [tilespmem:s9], [sflag:$0xB], $0x80, s12, s4, $0xb8;
	[tilespmem:$0x10600] =	vst v63  }
0x94: {  	_ =	swait.ge [sflag:s8], $0x4000  }
0x95: {  	[sflag:s8] =	ssyncset.done $0x0  }
0x96: {  	s0 =	rddreg [dreg:$0x17];
	[sflag:s8] =	ssyncadd.s32 $0xFFFFC000  }
0x97: {  	[tilespmem:s14], [sflag:$0x2] =	stream.linear.gather [hbm4b:s0+s2], $0x4000, $0x38;
	[tilespmem:$0x10600] =	vst v63  }
0x98: {  	s31 =	rddreg [dreg:$0x18]  }
0x99: {  	[tilespmem:s15], [sflag:$0x6] =	stream.linear.gather [hbm4b:s31+s2], $0x80, $0x38;
	[tilespmem:$0x10600] =	vst v63  }
0x9a: {  	_ =	swait.ge [sflag:s19], $0x4000  }
0x9b: {  	[sflag:s19] =	ssyncset.done $0x0  }
0x9c: {  	[sflag:s19] =	ssyncadd.s32 $0xFFFFC000  }
0x9d: {  	_ =	swait.ge [sflag:s18], $0x80  }
0x9e: {  	[sflag:s18] =	ssyncset.done $0x0  }
0x9f: {  	[sflag:s18] =	ssyncadd.s32 $0xFFFFFF80  }
0xa0: {  	[spmem:s1] =	stream.indirect.scatter.add.f32 [tilespmem:s5], [sflag:$0xC], $0x80, s6, s4, $0xb8;
	[tilespmem:$0x10600] =	vst v63  }
0xa1: {  	_ =	swait.ge [sflag:s13], $0x4000  }
0xa2: {  	[sflag:s13] =	ssyncset.done $0x0  }
0xa3: {  	s0 =	rddreg [dreg:$0x19];
	[sflag:s13] =	ssyncadd.s32 $0xFFFFC000  }
0xa4: {  	[tilespmem:s9], [sflag:$0x3] =	stream.linear.gather [hbm4b:s0+s2], $0x4000, $0x38;
	[tilespmem:$0x10600] =	vst v63  }
0xa5: {  	_ = 	snop  }
0xa6: {  	[tilespmem:s12], [sflag:$0x7] =	stream.linear.gather [hbm4b:s30+s2], $0x80, $0x38;
	[tilespmem:$0x10600] =	vst v63  }
0xa7: {  	_ =	swait.ge [sflag:s28], $0x4000  }
0xa8: {  	[sflag:s28] =	ssyncset.done $0x0  }
0xa9: {  	[sflag:s28] =	ssyncadd.s32 $0xFFFFC000  }
0xaa: {  	_ =	swait.ge [sflag:s26], $0x80  }
0xab: {  	[sflag:s26] =	ssyncset.done $0x0  }
0xac: {  	[sflag:s26] =	ssyncadd.s32 $0xFFFFFF80  }
0xad: {  	[spmem:s1] =	stream.indirect.scatter.add.f32 [tilespmem:s2], [sflag:$0x9], $0x80, s23, s4, $0xb8;
	[tilespmem:$0x10600] =	vst v63  }
0xae: {  	_ =	swait.ge [sflag:s10], $0x4000  }
0xaf: {  	[sflag:s10] =	ssyncset.done $0x0  }
0xb0: {  	[sflag:s10] =	ssyncadd.s32 $0xFFFFC000  }
0xb1: {  	[tilespmem:s5], [sflag:$0x4] =	stream.linear.gather [hbm4b:s11+s2], $0x4000, $0x38;
	[tilespmem:$0x10600] =	vst v63  }
0xb2: {  	_ = 	snop  }
0xb3: {  	[tilespmem:s6], [sflag:$0x8] =	stream.linear.gather [hbm4b:s22+s2], $0x80, $0x38;
	[tilespmem:$0x10600] =	vst v63  }
0xb4: {  	_ =	swait.ge [sflag:s25], $0x4000  }
0xb5: {  	[sflag:s25] =	ssyncset.done $0x0  }
0xb6: {  	[sflag:s25] =	ssyncadd.s32 $0xFFFFC000  }
0xb7: {  	_ =	swait.ge [sflag:s24], $0x80  }
0xb8: {  	[sflag:s24] =	ssyncset.done $0x0  }
0xb9: {  	[sflag:s24] =	ssyncadd.s32 $0xFFFFFF80  }
0xba: {  	[spmem:s1] =	stream.indirect.scatter.add.f32 [tilespmem:s14], [sflag:$0xA], $0x80, s15, s4, $0xb8;
	[tilespmem:$0x10600] =	vst v63  }
0xbb: {  	_ =	swait.ge [sflag:s21], $0x4000  }
0xbc: {  	[sflag:s21] =	ssyncset.done $0x0  }
0xbd: {  	[sflag:s21] =	ssyncadd.s32 $0xFFFFC000  }
0xbe: {  	_ =	swait.ge [sflag:s20], $0x80  }
0xbf: {  	[sflag:s20] =	ssyncset.done $0x0  }
0xc0: {  	[sflag:s20] =	ssyncadd.s32 $0xFFFFFF80  }
0xc1: {  	[spmem:s1] =	stream.indirect.scatter.add.f32 [tilespmem:s9], [sflag:$0xB], $0x80, s12, s4, $0xb8;
	[tilespmem:$0x10600] =	vst v63  }
0xc2: {  	_ =	swait.ge [sflag:s19], $0x4000  }
0xc3: {  	[sflag:s19] =	ssyncset.done $0x0  }
0xc4: {  	[sflag:s19] =	ssyncadd.s32 $0xFFFFC000  }
0xc5: {  	_ =	swait.ge [sflag:s18], $0x80  }
0xc6: {  	[sflag:s18] =	ssyncset.done $0x0  }
0xc7: {  	[sflag:s18] =	ssyncadd.s32 $0xFFFFFF80  }
0xc8: {  	[spmem:s1] =	stream.indirect.scatter.add.f32 [tilespmem:s5], [sflag:$0xC], $0x80, s6, s4, $0xb8;
	[tilespmem:$0x10600] =	vst v63  }
0xc9: {  	_ =	swait.ge [sflag:s7], $0x4000  }
0xca: {  	[sflag:s7] =	ssyncset.done $0x0  }
0xcb: {  	[sflag:s7] =	ssyncadd.s32 $0xFFFFC000  }
0xcc: {  	_ =	swait.ge [sflag:s8], $0x4000  }
0xcd: {  	[sflag:s8] =	ssyncset.done $0x0  }
0xce: {  	[sflag:s8] =	ssyncadd.s32 $0xFFFFC000  }
0xcf: {  	_ =	swait.ge [sflag:s13], $0x4000  }
0xd0: {  	[sflag:s13] =	ssyncset.done $0x0  }
0xd1: {  	[sflag:s13] =	ssyncadd.s32 $0xFFFFC000  }
0xd2: {  	s31 =	sadd.s32 $0xFFFFFFFF, s16;
	_ =	swait.ge [sflag:s10], $0x4000  }
0xd3: {  	p2 =	sne.s32 s31, $0x0;
	[sflag:s10] =	ssyncset.done $0x0  }
.Ltmp1:
0xd4: {  	[sflag:s10] =	ssyncadd.s32 $0xFFFFC000;
	(pc) =	sbr.rel @!p2 .LBB2_3-.Ltmp1, $4  }
0xd5: {  	s0 =	simm.s32 @!p0 $0x1C0D;
	[bflag:$0x0] =	sbarrier.arrive $0xFFFF  }
0xd6: {  	[hbm:s3], [sflag:s0] =	dma.local @!p0 [spmem:s17], $0x800  }
0xd7: {  	_ =	swait.ge @!p0 [sflag:s29], $0x800;
	[dreg:$0x1a] =	wrdreg s11  }
0xd8: {  	p1 =	por $0x1, $0x1;
	s0 =	rddreg [dreg:$0x4];
	[sflag:s29] =	ssyncset.done @!p0 $0x0  }
.LBB2_4:
0xd9: {  	[sflag:s29] =	ssyncadd.s32 @!p0 $0xFFFFF800;
	s11 =	simm.s32 @!p0 $0x1C0D  }
0xda: {  	[spmem:s17], [sflag:s11] =	dma.local @!p0 [hbm:s0], $0x800  }
0xdb: {  	_ =	swait.ge @!p0 [sflag:s29], $0x800  }
0xdc: {  	[sflag:s29] =	ssyncset.done @!p0 $0x0  }
0xdd: {  	[sflag:s29] =	ssyncadd.s32 @!p0 $0xFFFFF800  }
0xde: {  	[bflag:$0x0] =	sbarrier.arrive $0xFFFF  }
0xdf: {  	s0 =	rddreg [dreg:$0x5]  }
0xe0: {  	[tilespmem:s2], [sflag:$0x1] =	stream.linear.gather [hbm4b:s0+s2], $0x4000, $0x38;
	[tilespmem:$0x10600] =	vst v63  }
0xe1: {  	s16 =	smov.u32 s3;
	s3 =	rddreg [dreg:$0x6]  }
0xe2: {  	[tilespmem:s23], [sflag:$0x5] =	stream.linear.gather [hbm4b:s3+s2], $0x80, $0x38;
	[tilespmem:$0x10600] =	vst v63  }
0xe3: {  	s0 =	rddreg [dreg:$0x7]  }
0xe4: {  	[tilespmem:s14], [sflag:$0x2] =	stream.linear.gather [hbm4b:s0+s2], $0x4000, $0x38;
	[tilespmem:$0x10600] =	vst v63  }
0xe5: {  	s3 =	rddreg [dreg:$0x8]  }
0xe6: {  	[tilespmem:s15], [sflag:$0x6] =	stream.linear.gather [hbm4b:s3+s2], $0x80, $0x38;
	[tilespmem:$0x10600] =	vst v63  }
0xe7: {  	s0 =	rddreg [dreg:$0x9]  }
0xe8: {  	[tilespmem:s9], [sflag:$0x3] =	stream.linear.gather [hbm4b:s0+s2], $0x4000, $0x38;
	[tilespmem:$0x10600] =	vst v63  }
0xe9: {  	s3 =	rddreg [dreg:$0xa]  }
0xea: {  	[tilespmem:s12], [sflag:$0x7] =	stream.linear.gather [hbm4b:s3+s2], $0x80, $0x38;
	[tilespmem:$0x10600] =	vst v63  }
0xeb: {  	_ =	swait.ge [sflag:s28], $0x4000  }
0xec: {  	[sflag:s28] =	ssyncset.done $0x0  }
0xed: {  	[sflag:s28] =	ssyncadd.s32 $0xFFFFC000  }
0xee: {  	_ =	swait.ge [sflag:s26], $0x80  }
0xef: {  	[sflag:s26] =	ssyncset.done $0x0  }
0xf0: {  	[sflag:s26] =	ssyncadd.s32 $0xFFFFFF80  }
0xf1: {  	[spmem:s1] =	stream.indirect.scatter.add.f32 [tilespmem:s2], [sflag:$0x9], $0x80, s23, s4, $0xb8;
	[tilespmem:$0x10600] =	vst v63  }
0xf2: {  	s0 =	rddreg [dreg:$0xb]  }
0xf3: {  	[tilespmem:s5], [sflag:$0x4] =	stream.linear.gather [hbm4b:s0+s2], $0x4000, $0x38;
	[tilespmem:$0x10600] =	vst v63  }
0xf4: {  	s3 =	rddreg [dreg:$0xc]  }
0xf5: {  	[tilespmem:s6], [sflag:$0x8] =	stream.linear.gather [hbm4b:s3+s2], $0x80, $0x38;
	[tilespmem:$0x10600] =	vst v63  }
0xf6: {  	_ =	swait.ge [sflag:s25], $0x4000  }
0xf7: {  	[sflag:s25] =	ssyncset.done $0x0  }
0xf8: {  	[sflag:s25] =	ssyncadd.s32 $0xFFFFC000  }
0xf9: {  	_ =	swait.ge [sflag:s24], $0x80  }
0xfa: {  	[sflag:s24] =	ssyncset.done $0x0  }
0xfb: {  	[sflag:s24] =	ssyncadd.s32 $0xFFFFFF80  }
0xfc: {  	[spmem:s1] =	stream.indirect.scatter.add.f32 [tilespmem:s14], [sflag:$0xA], $0x80, s15, s4, $0xb8;
	[tilespmem:$0x10600] =	vst v63  }
0xfd: {  	_ =	swait.ge [sflag:s7], $0x4000  }
0xfe: {  	[sflag:s7] =	ssyncset.done $0x0  }
0xff: {  	s0 =	rddreg [dreg:$0xd];
	[sflag:s7] =	ssyncadd.s32 $0xFFFFC000  }
0x100: {  	[tilespmem:s2], [sflag:$0x1] =	stream.linear.gather [hbm4b:s0+s2], $0x4000, $0x38;
	[tilespmem:$0x10600] =	vst v63  }
0x101: {  	s3 =	rddreg [dreg:$0xe]  }
0x102: {  	[tilespmem:s23], [sflag:$0x5] =	stream.linear.gather [hbm4b:s3+s2], $0x80, $0x38;
	[tilespmem:$0x10600] =	vst v63  }
0x103: {  	_ =	swait.ge [sflag:s21], $0x4000  }
0x104: {  	[sflag:s21] =	ssyncset.done $0x0  }
0x105: {  	[sflag:s21] =	ssyncadd.s32 $0xFFFFC000  }
0x106: {  	_ =	swait.ge [sflag:s20], $0x80  }
0x107: {  	[sflag:s20] =	ssyncset.done $0x0  }
0x108: {  	[sflag:s20] =	ssyncadd.s32 $0xFFFFFF80  }
0x109: {  	[spmem:s1] =	stream.indirect.scatter.add.f32 [tilespmem:s9], [sflag:$0xB], $0x80, s12, s4, $0xb8;
	[tilespmem:$0x10600] =	vst v63  }
0x10a: {  	_ =	swait.ge [sflag:s8], $0x4000  }
0x10b: {  	[sflag:s8] =	ssyncset.done $0x0  }
0x10c: {  	s0 =	rddreg [dreg:$0xf];
	[sflag:s8] =	ssyncadd.s32 $0xFFFFC000  }
0x10d: {  	[tilespmem:s14], [sflag:$0x2] =	stream.linear.gather [hbm4b:s0+s2], $0x4000, $0x38;
	[tilespmem:$0x10600] =	vst v63  }
0x10e: {  	s3 =	rddreg [dreg:$0x10]  }
0x10f: {  	[tilespmem:s15], [sflag:$0x6] =	stream.linear.gather [hbm4b:s3+s2], $0x80, $0x38;
	[tilespmem:$0x10600] =	vst v63  }
0x110: {  	_ =	swait.ge [sflag:s19], $0x4000  }
0x111: {  	[sflag:s19] =	ssyncset.done $0x0  }
0x112: {  	[sflag:s19] =	ssyncadd.s32 $0xFFFFC000  }
0x113: {  	_ =	swait.ge [sflag:s18], $0x80  }
0x114: {  	[sflag:s18] =	ssyncset.done $0x0  }
0x115: {  	[sflag:s18] =	ssyncadd.s32 $0xFFFFFF80  }
0x116: {  	[spmem:s1] =	stream.indirect.scatter.add.f32 [tilespmem:s5], [sflag:$0xC], $0x80, s6, s4, $0xb8;
	[tilespmem:$0x10600] =	vst v63  }
0x117: {  	_ =	swait.ge [sflag:s13], $0x4000  }
0x118: {  	[sflag:s13] =	ssyncset.done $0x0  }
0x119: {  	s0 =	rddreg [dreg:$0x11];
	[sflag:s13] =	ssyncadd.s32 $0xFFFFC000  }
0x11a: {  	[tilespmem:s9], [sflag:$0x3] =	stream.linear.gather [hbm4b:s0+s2], $0x4000, $0x38;
	[tilespmem:$0x10600] =	vst v63  }
0x11b: {  	s3 =	rddreg [dreg:$0x12]  }
0x11c: {  	[tilespmem:s12], [sflag:$0x7] =	stream.linear.gather [hbm4b:s3+s2], $0x80, $0x38;
	[tilespmem:$0x10600] =	vst v63  }
0x11d: {  	_ =	swait.ge [sflag:s28], $0x4000  }
0x11e: {  	[sflag:s28] =	ssyncset.done $0x0  }
0x11f: {  	[sflag:s28] =	ssyncadd.s32 $0xFFFFC000  }
0x120: {  	_ =	swait.ge [sflag:s26], $0x80  }
0x121: {  	[sflag:s26] =	ssyncset.done $0x0  }
0x122: {  	[sflag:s26] =	ssyncadd.s32 $0xFFFFFF80  }
0x123: {  	[spmem:s1] =	stream.indirect.scatter.add.f32 [tilespmem:s2], [sflag:$0x9], $0x80, s23, s4, $0xb8;
	[tilespmem:$0x10600] =	vst v63  }
0x124: {  	_ =	swait.ge [sflag:s10], $0x4000  }
0x125: {  	[sflag:s10] =	ssyncset.done $0x0  }
0x126: {  	s0 =	rddreg [dreg:$0x13];
	[sflag:s10] =	ssyncadd.s32 $0xFFFFC000  }
0x127: {  	[tilespmem:s5], [sflag:$0x4] =	stream.linear.gather [hbm4b:s0+s2], $0x4000, $0x38;
	[tilespmem:$0x10600] =	vst v63  }
0x128: {  	s3 =	rddreg [dreg:$0x14]  }
0x129: {  	[tilespmem:s6], [sflag:$0x8] =	stream.linear.gather [hbm4b:s3+s2], $0x80, $0x38;
	[tilespmem:$0x10600] =	vst v63  }
0x12a: {  	_ =	swait.ge [sflag:s25], $0x4000  }
0x12b: {  	[sflag:s25] =	ssyncset.done $0x0  }
0x12c: {  	[sflag:s25] =	ssyncadd.s32 $0xFFFFC000  }
0x12d: {  	_ =	swait.ge [sflag:s24], $0x80  }
0x12e: {  	[sflag:s24] =	ssyncset.done $0x0  }
0x12f: {  	[sflag:s24] =	ssyncadd.s32 $0xFFFFFF80  }
0x130: {  	[spmem:s1] =	stream.indirect.scatter.add.f32 [tilespmem:s14], [sflag:$0xA], $0x80, s15, s4, $0xb8;
	[tilespmem:$0x10600] =	vst v63  }
0x131: {  	_ =	swait.ge [sflag:s7], $0x4000  }
0x132: {  	[sflag:s7] =	ssyncset.done $0x0  }
0x133: {  	s0 =	rddreg [dreg:$0x15];
	[sflag:s7] =	ssyncadd.s32 $0xFFFFC000  }
0x134: {  	[tilespmem:s2], [sflag:$0x1] =	stream.linear.gather [hbm4b:s0+s2], $0x4000, $0x38;
	[tilespmem:$0x10600] =	vst v63  }
0x135: {  	s3 =	rddreg [dreg:$0x16]  }
0x136: {  	[tilespmem:s23], [sflag:$0x5] =	stream.linear.gather [hbm4b:s3+s2], $0x80, $0x38;
	[tilespmem:$0x10600] =	vst v63  }
0x137: {  	_ =	swait.ge [sflag:s21], $0x4000  }
0x138: {  	[sflag:s21] =	ssyncset.done $0x0  }
0x139: {  	[sflag:s21] =	ssyncadd.s32 $0xFFFFC000  }
0x13a: {  	_ =	swait.ge [sflag:s20], $0x80  }
0x13b: {  	[sflag:s20] =	ssyncset.done $0x0  }
0x13c: {  	[sflag:s20] =	ssyncadd.s32 $0xFFFFFF80  }
0x13d: {  	[spmem:s1] =	stream.indirect.scatter.add.f32 [tilespmem:s9], [sflag:$0xB], $0x80, s12, s4, $0xb8;
	[tilespmem:$0x10600] =	vst v63  }
0x13e: {  	_ =	swait.ge [sflag:s8], $0x4000  }
0x13f: {  	[sflag:s8] =	ssyncset.done $0x0  }
0x140: {  	s0 =	rddreg [dreg:$0x17];
	[sflag:s8] =	ssyncadd.s32 $0xFFFFC000  }
0x141: {  	[tilespmem:s14], [sflag:$0x2] =	stream.linear.gather [hbm4b:s0+s2], $0x4000, $0x38;
	[tilespmem:$0x10600] =	vst v63  }
0x142: {  	s3 =	rddreg [dreg:$0x18]  }
0x143: {  	[tilespmem:s15], [sflag:$0x6] =	stream.linear.gather [hbm4b:s3+s2], $0x80, $0x38;
	[tilespmem:$0x10600] =	vst v63  }
0x144: {  	_ =	swait.ge [sflag:s19], $0x4000  }
0x145: {  	[sflag:s19] =	ssyncset.done $0x0  }
0x146: {  	[sflag:s19] =	ssyncadd.s32 $0xFFFFC000  }
0x147: {  	_ =	swait.ge [sflag:s18], $0x80  }
0x148: {  	[sflag:s18] =	ssyncset.done $0x0  }
0x149: {  	[sflag:s18] =	ssyncadd.s32 $0xFFFFFF80  }
0x14a: {  	[spmem:s1] =	stream.indirect.scatter.add.f32 [tilespmem:s5], [sflag:$0xC], $0x80, s6, s4, $0xb8;
	[tilespmem:$0x10600] =	vst v63  }
0x14b: {  	_ =	swait.ge [sflag:s13], $0x4000  }
0x14c: {  	[sflag:s13] =	ssyncset.done $0x0  }
0x14d: {  	s0 =	rddreg [dreg:$0x19];
	[sflag:s13] =	ssyncadd.s32 $0xFFFFC000  }
0x14e: {  	[tilespmem:s9], [sflag:$0x3] =	stream.linear.gather [hbm4b:s0+s2], $0x4000, $0x38;
	[tilespmem:$0x10600] =	vst v63  }
0x14f: {  	_ = 	snop  }
0x150: {  	[tilespmem:s12], [sflag:$0x7] =	stream.linear.gather [hbm4b:s30+s2], $0x80, $0x38;
	[tilespmem:$0x10600] =	vst v63  }
0x151: {  	_ =	swait.ge [sflag:s28], $0x4000  }
0x152: {  	[sflag:s28] =	ssyncset.done $0x0  }
0x153: {  	[sflag:s28] =	ssyncadd.s32 $0xFFFFC000  }
0x154: {  	_ =	swait.ge [sflag:s26], $0x80  }
0x155: {  	[sflag:s26] =	ssyncset.done $0x0  }
0x156: {  	[sflag:s26] =	ssyncadd.s32 $0xFFFFFF80  }
0x157: {  	[spmem:s1] =	stream.indirect.scatter.add.f32 [tilespmem:s2], [sflag:$0x9], $0x80, s23, s4, $0xb8;
	[tilespmem:$0x10600] =	vst v63  }
0x158: {  	_ =	swait.ge [sflag:s10], $0x4000  }
0x159: {  	[sflag:s10] =	ssyncset.done $0x0  }
0x15a: {  	s0 =	rddreg [dreg:$0x1a];
	[sflag:s10] =	ssyncadd.s32 $0xFFFFC000  }
0x15b: {  	[tilespmem:s5], [sflag:$0x4] =	stream.linear.gather [hbm4b:s0+s2], $0x4000, $0x38;
	[tilespmem:$0x10600] =	vst v63  }
0x15c: {  	_ = 	snop  }
0x15d: {  	[tilespmem:s6], [sflag:$0x8] =	stream.linear.gather [hbm4b:s22+s2], $0x80, $0x38;
	[tilespmem:$0x10600] =	vst v63  }
0x15e: {  	_ =	swait.ge [sflag:s25], $0x4000  }
0x15f: {  	[sflag:s25] =	ssyncset.done $0x0  }
0x160: {  	[sflag:s25] =	ssyncadd.s32 $0xFFFFC000  }
0x161: {  	_ =	swait.ge [sflag:s24], $0x80  }
0x162: {  	[sflag:s24] =	ssyncset.done $0x0  }
0x163: {  	[sflag:s24] =	ssyncadd.s32 $0xFFFFFF80  }
0x164: {  	[spmem:s1] =	stream.indirect.scatter.add.f32 [tilespmem:s14], [sflag:$0xA], $0x80, s15, s4, $0xb8;
	[tilespmem:$0x10600] =	vst v63  }
0x165: {  	_ =	swait.ge [sflag:s21], $0x4000  }
0x166: {  	[sflag:s21] =	ssyncset.done $0x0  }
0x167: {  	[sflag:s21] =	ssyncadd.s32 $0xFFFFC000  }
0x168: {  	_ =	swait.ge [sflag:s20], $0x80  }
0x169: {  	[sflag:s20] =	ssyncset.done $0x0  }
0x16a: {  	[sflag:s20] =	ssyncadd.s32 $0xFFFFFF80  }
0x16b: {  	[spmem:s1] =	stream.indirect.scatter.add.f32 [tilespmem:s9], [sflag:$0xB], $0x80, s12, s4, $0xb8;
	[tilespmem:$0x10600] =	vst v63  }
0x16c: {  	_ =	swait.ge [sflag:s19], $0x4000  }
0x16d: {  	[sflag:s19] =	ssyncset.done $0x0  }
0x16e: {  	[sflag:s19] =	ssyncadd.s32 $0xFFFFC000  }
0x16f: {  	_ =	swait.ge [sflag:s18], $0x80  }
0x170: {  	[sflag:s18] =	ssyncset.done $0x0  }
0x171: {  	[sflag:s18] =	ssyncadd.s32 $0xFFFFFF80  }
0x172: {  	[spmem:s1] =	stream.indirect.scatter.add.f32 [tilespmem:s5], [sflag:$0xC], $0x80, s6, s4, $0xb8;
	[tilespmem:$0x10600] =	vst v63  }
0x173: {  	_ =	swait.ge [sflag:s7], $0x4000  }
0x174: {  	[sflag:s7] =	ssyncset.done $0x0  }
0x175: {  	[sflag:s7] =	ssyncadd.s32 $0xFFFFC000  }
0x176: {  	_ =	swait.ge [sflag:s8], $0x4000  }
0x177: {  	[sflag:s8] =	ssyncset.done $0x0  }
0x178: {  	[sflag:s8] =	ssyncadd.s32 $0xFFFFC000  }
0x179: {  	_ =	swait.ge [sflag:s13], $0x4000  }
0x17a: {  	[sflag:s13] =	ssyncset.done $0x0  }
0x17b: {  	[sflag:s13] =	ssyncadd.s32 $0xFFFFC000  }
0x17c: {  	s31 =	sadd.s32 $0xFFFFFFFF, s31;
	_ =	swait.ge [sflag:s10], $0x4000  }
0x17d: {  	p2 =	sne.s32 s31, $0x0;
	[sflag:s10] =	ssyncset.done $0x0  }
.Ltmp2:
0x17e: {  	[sflag:s10] =	ssyncadd.s32 $0xFFFFC000;
	(pc) =	sbr.rel @p2 .LBB2_4-.Ltmp2, $4  }
0x17f: {  	[bflag:$0x0] =	sbarrier.arrive $0xFFFF  }
0x180: {  	[hbm:s16], [sflag:s11] =	dma.local @!p0 [spmem:s17], $0x800  }
0x181: {  	_ =	swait.ge @!p0 [sflag:s29], $0x800  }
0x182: {  	s3 =	smov.u32 s16;
	s0 =	rddreg [dreg:$0x4];
	[sflag:s29] =	ssyncset.done @!p0 $0x0  }
0x183: {  	s11 =	rddreg [dreg:$0x1a]  }
0x184: {  	s31 =	rddreg [dreg:$0x3]  }
.LBB2_6:
0x185: {  	p1 =	por p0, !p1  }
0x186: {  	s3 =	simm.s32 @!p0 $0x1C0D;
	[sflag:s29] =	ssyncadd.s32 @!p1 $0xFFFFF800;
	s29 =	simm.s32 @!p0 $0xD  }
0x187: {  	[spmem:s17], [sflag:s3] =	dma.local @!p0 [hbm:s0], $0x800  }
0x188: {  	_ =	swait.ge @!p0 [sflag:s29], $0x800  }
0x189: {  	[sflag:s29] =	ssyncset.done @!p0 $0x0  }
0x18a: {  	[sflag:s29] =	ssyncadd.s32 @!p0 $0xFFFFF800  }
0x18b: {  	[bflag:$0x0] =	sbarrier.arrive $0xFFFF  }
0x18c: {  	s0 =	rddreg [dreg:$0x5]  }
0x18d: {  	[tilespmem:s2], [sflag:$0x1] =	stream.linear.gather [hbm4b:s0+s2], $0x4000, $0x38;
	[tilespmem:$0x10600] =	vst v63  }
0x18e: {  	s3 =	rddreg [dreg:$0x6]  }
0x18f: {  	[tilespmem:s23], [sflag:$0x5] =	stream.linear.gather [hbm4b:s3+s2], $0x80, $0x38;
	[tilespmem:$0x10600] =	vst v63  }
0x190: {  	s0 =	rddreg [dreg:$0x7]  }
0x191: {  	[tilespmem:s14], [sflag:$0x2] =	stream.linear.gather [hbm4b:s0+s2], $0x4000, $0x38;
	[tilespmem:$0x10600] =	vst v63  }
0x192: {  	s3 =	rddreg [dreg:$0x8]  }
0x193: {  	[tilespmem:s15], [sflag:$0x6] =	stream.linear.gather [hbm4b:s3+s2], $0x80, $0x38;
	[tilespmem:$0x10600] =	vst v63  }
0x194: {  	s0 =	rddreg [dreg:$0x9]  }
0x195: {  	[tilespmem:s9], [sflag:$0x3] =	stream.linear.gather [hbm4b:s0+s2], $0x4000, $0x38;
	[tilespmem:$0x10600] =	vst v63  }
0x196: {  	s3 =	rddreg [dreg:$0xa]  }
0x197: {  	[tilespmem:s12], [sflag:$0x7] =	stream.linear.gather [hbm4b:s3+s2], $0x80, $0x38;
	[tilespmem:$0x10600] =	vst v63  }
0x198: {  	_ =	swait.ge [sflag:s28], $0x4000  }
0x199: {  	[sflag:s28] =	ssyncset.done $0x0  }
0x19a: {  	[sflag:s28] =	ssyncadd.s32 $0xFFFFC000  }
0x19b: {  	_ =	swait.ge [sflag:s26], $0x80  }
0x19c: {  	[sflag:s26] =	ssyncset.done $0x0  }
0x19d: {  	[sflag:s26] =	ssyncadd.s32 $0xFFFFFF80  }
0x19e: {  	[spmem:s1] =	stream.indirect.scatter.add.f32 [tilespmem:s2], [sflag:$0x9], $0x80, s23, s4, $0xb8;
	[tilespmem:$0x10600] =	vst v63  }
0x19f: {  	s0 =	rddreg [dreg:$0xb]  }
0x1a0: {  	[tilespmem:s5], [sflag:$0x4] =	stream.linear.gather [hbm4b:s0+s2], $0x4000, $0x38;
	[tilespmem:$0x10600] =	vst v63  }
0x1a1: {  	s3 =	rddreg [dreg:$0xc]  }
0x1a2: {  	[tilespmem:s6], [sflag:$0x8] =	stream.linear.gather [hbm4b:s3+s2], $0x80, $0x38;
	[tilespmem:$0x10600] =	vst v63  }
0x1a3: {  	_ =	swait.ge [sflag:s25], $0x4000  }
0x1a4: {  	[sflag:s25] =	ssyncset.done $0x0  }
0x1a5: {  	[sflag:s25] =	ssyncadd.s32 $0xFFFFC000  }
0x1a6: {  	_ =	swait.ge [sflag:s24], $0x80  }
0x1a7: {  	[sflag:s24] =	ssyncset.done $0x0  }
0x1a8: {  	[sflag:s24] =	ssyncadd.s32 $0xFFFFFF80  }
0x1a9: {  	[spmem:s1] =	stream.indirect.scatter.add.f32 [tilespmem:s14], [sflag:$0xA], $0x80, s15, s4, $0xb8;
	[tilespmem:$0x10600] =	vst v63  }
0x1aa: {  	_ =	swait.ge [sflag:s7], $0x4000  }
0x1ab: {  	[sflag:s7] =	ssyncset.done $0x0  }
0x1ac: {  	s0 =	rddreg [dreg:$0xd];
	[sflag:s7] =	ssyncadd.s32 $0xFFFFC000  }
0x1ad: {  	[tilespmem:s2], [sflag:$0x1] =	stream.linear.gather [hbm4b:s0+s2], $0x4000, $0x38;
	[tilespmem:$0x10600] =	vst v63  }
0x1ae: {  	s3 =	rddreg [dreg:$0xe]  }
0x1af: {  	[tilespmem:s23], [sflag:$0x5] =	stream.linear.gather [hbm4b:s3+s2], $0x80, $0x38;
	[tilespmem:$0x10600] =	vst v63  }
0x1b0: {  	_ =	swait.ge [sflag:s21], $0x4000  }
0x1b1: {  	[sflag:s21] =	ssyncset.done $0x0  }
0x1b2: {  	[sflag:s21] =	ssyncadd.s32 $0xFFFFC000  }
0x1b3: {  	_ =	swait.ge [sflag:s20], $0x80  }
0x1b4: {  	[sflag:s20] =	ssyncset.done $0x0  }
0x1b5: {  	[sflag:s20] =	ssyncadd.s32 $0xFFFFFF80  }
0x1b6: {  	[spmem:s1] =	stream.indirect.scatter.add.f32 [tilespmem:s9], [sflag:$0xB], $0x80, s12, s4, $0xb8;
	[tilespmem:$0x10600] =	vst v63  }
0x1b7: {  	_ =	swait.ge [sflag:s8], $0x4000  }
0x1b8: {  	[sflag:s8] =	ssyncset.done $0x0  }
0x1b9: {  	s0 =	rddreg [dreg:$0xf];
	[sflag:s8] =	ssyncadd.s32 $0xFFFFC000  }
0x1ba: {  	[tilespmem:s14], [sflag:$0x2] =	stream.linear.gather [hbm4b:s0+s2], $0x4000, $0x38;
	[tilespmem:$0x10600] =	vst v63  }
0x1bb: {  	s3 =	rddreg [dreg:$0x10]  }
0x1bc: {  	[tilespmem:s15], [sflag:$0x6] =	stream.linear.gather [hbm4b:s3+s2], $0x80, $0x38;
	[tilespmem:$0x10600] =	vst v63  }
0x1bd: {  	_ =	swait.ge [sflag:s19], $0x4000  }
0x1be: {  	[sflag:s19] =	ssyncset.done $0x0  }
0x1bf: {  	[sflag:s19] =	ssyncadd.s32 $0xFFFFC000  }
0x1c0: {  	_ =	swait.ge [sflag:s18], $0x80  }
0x1c1: {  	[sflag:s18] =	ssyncset.done $0x0  }
0x1c2: {  	[sflag:s18] =	ssyncadd.s32 $0xFFFFFF80  }
0x1c3: {  	[spmem:s1] =	stream.indirect.scatter.add.f32 [tilespmem:s5], [sflag:$0xC], $0x80, s6, s4, $0xb8;
	[tilespmem:$0x10600] =	vst v63  }
0x1c4: {  	_ =	swait.ge [sflag:s13], $0x4000  }
0x1c5: {  	[sflag:s13] =	ssyncset.done $0x0  }
0x1c6: {  	s0 =	rddreg [dreg:$0x11];
	[sflag:s13] =	ssyncadd.s32 $0xFFFFC000  }
0x1c7: {  	[tilespmem:s9], [sflag:$0x3] =	stream.linear.gather [hbm4b:s0+s2], $0x4000, $0x38;
	[tilespmem:$0x10600] =	vst v63  }
0x1c8: {  	s3 =	rddreg [dreg:$0x12]  }
0x1c9: {  	[tilespmem:s12], [sflag:$0x7] =	stream.linear.gather [hbm4b:s3+s2], $0x80, $0x38;
	[tilespmem:$0x10600] =	vst v63  }
0x1ca: {  	_ =	swait.ge [sflag:s28], $0x4000  }
0x1cb: {  	[sflag:s28] =	ssyncset.done $0x0  }
0x1cc: {  	[sflag:s28] =	ssyncadd.s32 $0xFFFFC000  }
0x1cd: {  	_ =	swait.ge [sflag:s26], $0x80  }
0x1ce: {  	[sflag:s26] =	ssyncset.done $0x0  }
0x1cf: {  	[sflag:s26] =	ssyncadd.s32 $0xFFFFFF80  }
0x1d0: {  	[spmem:s1] =	stream.indirect.scatter.add.f32 [tilespmem:s2], [sflag:$0x9], $0x80, s23, s4, $0xb8;
	[tilespmem:$0x10600] =	vst v63  }
0x1d1: {  	_ =	swait.ge [sflag:s10], $0x4000  }
0x1d2: {  	[sflag:s10] =	ssyncset.done $0x0  }
0x1d3: {  	s0 =	rddreg [dreg:$0x13];
	[sflag:s10] =	ssyncadd.s32 $0xFFFFC000  }
0x1d4: {  	[tilespmem:s5], [sflag:$0x4] =	stream.linear.gather [hbm4b:s0+s2], $0x4000, $0x38;
	[tilespmem:$0x10600] =	vst v63  }
0x1d5: {  	s3 =	rddreg [dreg:$0x14]  }
0x1d6: {  	[tilespmem:s6], [sflag:$0x8] =	stream.linear.gather [hbm4b:s3+s2], $0x80, $0x38;
	[tilespmem:$0x10600] =	vst v63  }
0x1d7: {  	_ =	swait.ge [sflag:s25], $0x4000  }
0x1d8: {  	[sflag:s25] =	ssyncset.done $0x0  }
0x1d9: {  	[sflag:s25] =	ssyncadd.s32 $0xFFFFC000  }
0x1da: {  	_ =	swait.ge [sflag:s24], $0x80  }
0x1db: {  	[sflag:s24] =	ssyncset.done $0x0  }
0x1dc: {  	[sflag:s24] =	ssyncadd.s32 $0xFFFFFF80  }
0x1dd: {  	[spmem:s1] =	stream.indirect.scatter.add.f32 [tilespmem:s14], [sflag:$0xA], $0x80, s15, s4, $0xb8;
	[tilespmem:$0x10600] =	vst v63  }
0x1de: {  	_ =	swait.ge [sflag:s7], $0x4000  }
0x1df: {  	[sflag:s7] =	ssyncset.done $0x0  }
0x1e0: {  	s0 =	rddreg [dreg:$0x15];
	[sflag:s7] =	ssyncadd.s32 $0xFFFFC000  }
0x1e1: {  	[tilespmem:s2], [sflag:$0x1] =	stream.linear.gather [hbm4b:s0+s2], $0x4000, $0x38;
	[tilespmem:$0x10600] =	vst v63  }
0x1e2: {  	s3 =	rddreg [dreg:$0x16]  }
0x1e3: {  	[tilespmem:s23], [sflag:$0x5] =	stream.linear.gather [hbm4b:s3+s2], $0x80, $0x38;
	[tilespmem:$0x10600] =	vst v63  }
0x1e4: {  	_ =	swait.ge [sflag:s21], $0x4000  }
0x1e5: {  	[sflag:s21] =	ssyncset.done $0x0  }
0x1e6: {  	[sflag:s21] =	ssyncadd.s32 $0xFFFFC000  }
0x1e7: {  	_ =	swait.ge [sflag:s20], $0x80  }
0x1e8: {  	[sflag:s20] =	ssyncset.done $0x0  }
0x1e9: {  	[sflag:s20] =	ssyncadd.s32 $0xFFFFFF80  }
0x1ea: {  	[spmem:s1] =	stream.indirect.scatter.add.f32 [tilespmem:s9], [sflag:$0xB], $0x80, s12, s4, $0xb8;
	[tilespmem:$0x10600] =	vst v63  }
0x1eb: {  	_ =	swait.ge [sflag:s8], $0x4000  }
0x1ec: {  	[sflag:s8] =	ssyncset.done $0x0  }
0x1ed: {  	s0 =	rddreg [dreg:$0x17];
	[sflag:s8] =	ssyncadd.s32 $0xFFFFC000  }
0x1ee: {  	[tilespmem:s14], [sflag:$0x2] =	stream.linear.gather [hbm4b:s0+s2], $0x4000, $0x38;
	[tilespmem:$0x10600] =	vst v63  }
0x1ef: {  	s3 =	rddreg [dreg:$0x18]  }
0x1f0: {  	[tilespmem:s15], [sflag:$0x6] =	stream.linear.gather [hbm4b:s3+s2], $0x80, $0x38;
	[tilespmem:$0x10600] =	vst v63  }
0x1f1: {  	_ =	swait.ge [sflag:s19], $0x4000  }
0x1f2: {  	[sflag:s19] =	ssyncset.done $0x0  }
0x1f3: {  	[sflag:s19] =	ssyncadd.s32 $0xFFFFC000  }
0x1f4: {  	_ =	swait.ge [sflag:s18], $0x80  }
0x1f5: {  	[sflag:s18] =	ssyncset.done $0x0  }
0x1f6: {  	[sflag:s18] =	ssyncadd.s32 $0xFFFFFF80  }
0x1f7: {  	[spmem:s1] =	stream.indirect.scatter.add.f32 [tilespmem:s5], [sflag:$0xC], $0x80, s6, s4, $0xb8;
	[tilespmem:$0x10600] =	vst v63  }
0x1f8: {  	_ =	swait.ge [sflag:s13], $0x4000  }
0x1f9: {  	[sflag:s13] =	ssyncset.done $0x0  }
0x1fa: {  	s3 =	rddreg [dreg:$0x19];
	[sflag:s13] =	ssyncadd.s32 $0xFFFFC000  }
0x1fb: {  	[tilespmem:s9], [sflag:$0x3] =	stream.linear.gather [hbm4b:s3+s2], $0x4000, $0x38;
	[tilespmem:$0x10600] =	vst v63  }
0x1fc: {  	_ = 	snop  }
0x1fd: {  	[tilespmem:s12], [sflag:$0x7] =	stream.linear.gather [hbm4b:s30+s2], $0x80, $0x38;
	[tilespmem:$0x10600] =	vst v63  }
0x1fe: {  	_ =	swait.ge [sflag:s28], $0x4000  }
0x1ff: {  	[sflag:s28] =	ssyncset.done $0x0  }
0x200: {  	[sflag:s28] =	ssyncadd.s32 $0xFFFFC000  }
0x201: {  	_ =	swait.ge [sflag:s26], $0x80  }
0x202: {  	[sflag:s26] =	ssyncset.done $0x0  }
0x203: {  	[sflag:s26] =	ssyncadd.s32 $0xFFFFFF80  }
0x204: {  	[spmem:s1] =	stream.indirect.scatter.add.f32 [tilespmem:s2], [sflag:$0x9], $0x80, s23, s4, $0xb8;
	[tilespmem:$0x10600] =	vst v63  }
0x205: {  	_ =	swait.ge [sflag:s10], $0x4000  }
0x206: {  	[sflag:s10] =	ssyncset.done $0x0  }
0x207: {  	[sflag:s10] =	ssyncadd.s32 $0xFFFFC000  }
0x208: {  	[tilespmem:s5], [sflag:$0x4] =	stream.linear.gather [hbm4b:s11+s2], $0x4000, $0x38;
	[tilespmem:$0x10600] =	vst v63  }
0x209: {  	_ = 	snop  }
0x20a: {  	[tilespmem:s6], [sflag:$0x8] =	stream.linear.gather [hbm4b:s22+s2], $0x80, $0x38;
	[tilespmem:$0x10600] =	vst v63  }
0x20b: {  	_ =	swait.ge [sflag:s25], $0x4000  }
0x20c: {  	[sflag:s25] =	ssyncset.done $0x0  }
0x20d: {  	[sflag:s25] =	ssyncadd.s32 $0xFFFFC000  }
0x20e: {  	_ =	swait.ge [sflag:s24], $0x80  }
0x20f: {  	[sflag:s24] =	ssyncset.done $0x0  }
0x210: {  	[sflag:s24] =	ssyncadd.s32 $0xFFFFFF80  }
0x211: {  	[spmem:s1] =	stream.indirect.scatter.add.f32 [tilespmem:s14], [sflag:$0xA], $0x80, s15, s4, $0xb8;
	[tilespmem:$0x10600] =	vst v63  }
0x212: {  	_ =	swait.ge [sflag:s21], $0x4000  }
0x213: {  	[sflag:s21] =	ssyncset.done $0x0  }
0x214: {  	[sflag:s21] =	ssyncadd.s32 $0xFFFFC000  }
0x215: {  	_ =	swait.ge [sflag:s20], $0x80  }
0x216: {  	[sflag:s20] =	ssyncset.done $0x0  }
0x217: {  	[sflag:s20] =	ssyncadd.s32 $0xFFFFFF80  }
0x218: {  	[spmem:s1] =	stream.indirect.scatter.add.f32 [tilespmem:s9], [sflag:$0xB], $0x80, s12, s4, $0xb8;
	[tilespmem:$0x10600] =	vst v63  }
0x219: {  	_ =	swait.ge [sflag:s19], $0x4000  }
0x21a: {  	[sflag:s19] =	ssyncset.done $0x0  }
0x21b: {  	[sflag:s19] =	ssyncadd.s32 $0xFFFFC000  }
0x21c: {  	_ =	swait.ge [sflag:s18], $0x80  }
0x21d: {  	[sflag:s18] =	ssyncset.done $0x0  }
0x21e: {  	[sflag:s18] =	ssyncadd.s32 $0xFFFFFF80  }
0x21f: {  	[spmem:s1] =	stream.indirect.scatter.add.f32 [tilespmem:s5], [sflag:$0xC], $0x80, s6, s4, $0xb8;
	[tilespmem:$0x10600] =	vst v63  }
0x220: {  	_ =	swait.ge [sflag:s7], $0x4000  }
0x221: {  	[sflag:s7] =	ssyncset.done $0x0  }
0x222: {  	[sflag:s7] =	ssyncadd.s32 $0xFFFFC000  }
0x223: {  	_ =	swait.ge [sflag:s8], $0x4000  }
0x224: {  	[sflag:s8] =	ssyncset.done $0x0  }
0x225: {  	[sflag:s8] =	ssyncadd.s32 $0xFFFFC000  }
0x226: {  	_ =	swait.ge [sflag:s13], $0x4000  }
0x227: {  	[sflag:s13] =	ssyncset.done $0x0  }
0x228: {  	[sflag:s13] =	ssyncadd.s32 $0xFFFFC000  }
0x229: {  	_ =	swait.ge [sflag:s10], $0x4000  }
0x22a: {  	[sflag:s10] =	ssyncset.done $0x0  }
0x22b: {  	[sflag:s10] =	ssyncadd.s32 $0xFFFFC000  }
0x22c: {  	s0 =	simm.s32 @!p0 $0x1C0D;
	[bflag:$0x0] =	sbarrier.arrive $0xFFFF  }
0x22d: {  	[hbm:s16], [sflag:s0] =	dma.local @!p0 [spmem:s17], $0x800  }
0x22e: {  	_ =	swait.ge @!p0 [sflag:s29], $0x800  }
0x22f: {  	[sflag:s29] =	ssyncset.done @!p0 $0x0  }
0x230: {  	[sflag:s29] =	ssyncadd.s32 @!p0 $0xFFFFF800  }
0x231: {  	_ =	sfence.sel $0x180000  }
0x232: {  	[bflag:$0x0] =	sbarrier.arrive $0xFFFF  }
0x233: {  	_ =	strace $0x9000004A  }
0x234: {  	s0 =	sadd.s32 @!p0 $0x100000, s31;
	[bflag:$0x2] =	sbarrier.arrive $0xFFFF  }
0x235: {  	[sflag:s0] =	ssyncadd.tile.s32 @!p0 $0x1;
	_ =	shalt  }
.LBB2_1:
.Ltmp3:
0x236: {  	(pc) =	sbr.rel .LBB2_6-.Ltmp3, $2  }
0x237: {  	_ =	sdelay $0x2  }
0x238: {  	s16 =	smov.u32 s3  }
.LBB2_3:
.Ltmp4:
0x239: {  	(pc) =	sbr.rel .LBB2_6-.Ltmp4, $3  }
0x23a: {  	_ =	sdelay $0x1  }
0x23b: {  	s11 =	rddreg [dreg:$0x1a]  }
0x23c: {  	s16 =	smov.u32 s3;
	s31 =	rddreg [dreg:$0x3]  }
.Lfunc_end2:
_tile_overlayer_lowered:
.L_overlay_start_2:
0x23d: {  	(tag) =	ssettag $0x2  }
0x23e: {  	s0 =	rddreg [dreg:$0x0];
	s2 =	stileid.u32  }
0x23f: {  	s1 =	rddreg [dreg:$0x1];
	p0 =	sne.s32 s2, $0x0  }
0x240: {  	s3 =	rddreg [dreg:$0x2];
	[bflag:$0x3] =	sbarrier.arrive $0xFFFF;
	s2 =	simm.s32 @!p0 $0x1C0D  }
0x241: {  	[timem:s3], [sflag:s2] =	dma.local @!p0 [hbm:s0], s1  }
0x242: {  	s0 =	simm.s32 @!p0 $0xD  }
0x243: {  	_ =	swait.ge @!p0 [sflag:s0], s1  }
0x244: {  	s1 =	ssub.s32 @!p0 $0x0, s1;
	[sflag:s0] =	ssyncset.done @!p0 $0x0  }
0x245: {  	[sflag:s0] =	ssyncadd.s32 @!p0 s1  }
0x246: {  	[bflag:$0x3] =	sbarrier.arrive $0xFFFF  }
0x247: {  	_ =	shalt  }

</sc_bundles>
